<compile_context>
chip_gen: v7x
topology: tpu7x:2x2x1
jax: 0.10.2.dev20260603
libtpu: 0.0.44.dev20260713+nightly
codegen_flags: <defaults>
</compile_context>

<pallas_src>
import jax
import jax.numpy as jnp
from jax import lax
from jax.experimental import pallas as pl
from jax.experimental.pallas import tpu as pltpu
from jax.experimental.pallas import tpu_sc as plsc

N_NODES = 10000
N_EDGES = 160000
D_IN = 128
H = 16
D_EDGE = 16
E_HID = 64

NC = 2
NS = 16
NW = NC * NS
EPW = N_EDGES // NW
CW = 125
NCH = EPW // CW
QC = 8
QN = NCH // QC
QROWS = QC * CW
NPAD = 10240
NPS = NPAD // NS
PK = 8
EP8 = N_EDGES // PK
QP8 = QROWS // PK
WP8 = EPW // PK

_DP = jax.lax.Precision.DEFAULT


def _mesh():
    return plsc.VectorSubcoreMesh(core_axis_name="c", subcore_axis_name="s",
                                  num_cores=NC, num_subcores=NS)


_SC_PARAMS = pltpu.CompilerParams(use_tc_tiling_on_sc=False)



def _gather1_body(idx_hbm, ta_hbm, oa_pk, idx_v, ra_v, sem):
    c = lax.axis_index("c")
    s = lax.axis_index("s")
    wid = c * NS + s
    pltpu.sync_copy(idx_hbm.at[wid], idx_v)

    def q_body(q, carry):
        cps = []
        for j in range(QC):
            jj = q * QC + j
            cps.append(pltpu.async_copy(ta_hbm.at[idx_v.at[jj]],
                                        ra_v.at[pl.ds(j * CW, CW)], sem))
        for cp in cps:
            cp.wait()
        pltpu.sync_copy(ra_v, oa_pk.at[pl.ds(wid * EPW + q * QROWS, QROWS)])
        return carry

    lax.fori_loop(0, QN, q_body, 0)


def _sc_gather1(idx2d, table):
    k = pl.kernel(
        _gather1_body,
        out_type=jax.ShapeDtypeStruct((N_EDGES, H), jnp.float32),
        mesh=_mesh(),
        compiler_params=_SC_PARAMS,
        scratch_types=[
            pltpu.VMEM((NCH, CW), jnp.int32),
            pltpu.VMEM((QROWS, H), jnp.float32),
            pltpu.SemaphoreType.DMA,
        ],
    )
    return k(idx2d, table)


def _gather2_body(idx_hbm, ta_hbm, tb_hbm, oa_pk, ob_pk, idx_v, ra_v, rb_v, sem):
    c = lax.axis_index("c")
    s = lax.axis_index("s")
    wid = c * NS + s
    pltpu.sync_copy(idx_hbm.at[wid], idx_v)

    def q_body(q, carry):
        cps = []
        for j in range(QC):
            jj = q * QC + j
            cps.append(pltpu.async_copy(ta_hbm.at[idx_v.at[jj]],
                                        ra_v.at[pl.ds(j * CW, CW)], sem))
            cps.append(pltpu.async_copy(tb_hbm.at[idx_v.at[jj]],
                                        rb_v.at[pl.ds(j * CW, CW)], sem))
        for cp in cps:
            cp.wait()
        base = wid * EPW + q * QROWS
        pltpu.sync_copy(ra_v, oa_pk.at[pl.ds(base, QROWS)])
        pltpu.sync_copy(rb_v, ob_pk.at[pl.ds(base, QROWS)])
        return carry

    lax.fori_loop(0, QN, q_body, 0)


def _sc_gather2(idx2d, table_a, table_b):
    k = pl.kernel(
        _gather2_body,
        out_type=(jax.ShapeDtypeStruct((N_EDGES, H), jnp.float32),
                  jax.ShapeDtypeStruct((N_EDGES, H), jnp.float32)),
        mesh=_mesh(),
        compiler_params=_SC_PARAMS,
        scratch_types=[
            pltpu.VMEM((NCH, CW), jnp.int32),
            pltpu.VMEM((QROWS, H), jnp.float32),
            pltpu.VMEM((QROWS, H), jnp.float32),
            pltpu.SemaphoreType.DMA,
        ],
    )
    return k(idx2d, table_a, table_b)



def _scatter_body(idx_hbm, msg_pk, oa_hbm, ob_hbm, idx_v, rows_v, sl_v, agg_sh, sem):
    c = lax.axis_index("c")
    s = lax.axis_index("s")
    wid = c * NS + s


    def z_body(i, carry):
        sl_v[i, :] = jnp.zeros((H,), jnp.float32)
        return carry

    lax.fori_loop(0, NPS, z_body, 0)
    pltpu.sync_copy(sl_v, agg_sh.at[pl.ds(s * NPS, NPS)])
    plsc.subcore_barrier()

    pltpu.sync_copy(idx_hbm.at[wid], idx_v)
    pltpu.sync_copy(msg_pk.at[pl.ds(wid * EPW, EPW)], rows_v)

    def q_body(q, carry):
        for j in range(QC):
            jj = q * QC + j
            pltpu.sync_copy(rows_v.at[pl.ds(jj * CW, CW)],
                            agg_sh.at[idx_v.at[jj]], add=True)
        return carry

    lax.fori_loop(0, QN, q_body, 0)
    plsc.subcore_barrier()

    pltpu.sync_copy(agg_sh.at[pl.ds(s * NPS, NPS)], sl_v)

    @pl.when(c == 0)
    def _():
        pltpu.sync_copy(sl_v, oa_hbm.at[pl.ds(s * NPS, NPS)])

    @pl.when(c == 1)
    def _():
        pltpu.sync_copy(sl_v, ob_hbm.at[pl.ds(s * NPS, NPS)])


def _sc_scatter(idx2d, msg):
    k = pl.kernel(
        _scatter_body,
        out_type=(jax.ShapeDtypeStruct((NPAD, H), jnp.float32),
                  jax.ShapeDtypeStruct((NPAD, H), jnp.float32)),
        mesh=_mesh(),
        compiler_params=_SC_PARAMS,
        scratch_types=[
            pltpu.VMEM((NCH, CW), jnp.int32),
            pltpu.VMEM((EPW, H), jnp.float32),
            pltpu.VMEM((NPS, H), jnp.float32),
            pltpu.VMEM_SHARED((NPAD, H), jnp.float32),
            pltpu.SemaphoreType.DMA,
        ],
    )
    return k(idx2d, msg)



BN0 = 2000


def _lin0_body(nf_ref, wt_ref, b_ref, out_ref):
    out_ref[:] = jnp.maximum(
        jnp.dot(nf_ref[:], wt_ref[:], precision=_DP,
                preferred_element_type=jnp.float32) + b_ref[:], 0.0)


def _tc_lin0(n_feat, lin0T, b):
    return pl.pallas_call(
        _lin0_body,
        grid=(N_NODES // BN0,),
        in_specs=[
            pl.BlockSpec((BN0, D_IN), lambda i: (i, 0)),
            pl.BlockSpec((D_IN, H), lambda i: (0, 0)),
            pl.BlockSpec((1, H), lambda i: (0, 0)),
        ],
        out_specs=pl.BlockSpec((BN0, H), lambda i: (i, 0)),
        out_shape=jax.ShapeDtypeStruct((N_NODES, H), jnp.float32),
    )(n_feat, lin0T, b)



B8 = 2000


def _dot2(x, m):
    x1 = x.astype(jnp.bfloat16).astype(jnp.float32)
    x2 = x - x1
    return (jnp.dot(x1, m, precision=_DP, preferred_element_type=jnp.float32)
            + jnp.dot(x2, m, precision=_DP, preferred_element_type=jnp.float32))


def _msg_from(h_pk, ef_pk, w1q, b1q, w2T, b2, R2, S):
    parts = []
    for g in range(2):
        ef_g = ef_pk[:, g * 4 * D_EDGE:(g + 1) * 4 * D_EDGE]
        eh_g = jnp.maximum(
            jnp.dot(ef_g, w1q, precision=_DP,
                    preferred_element_type=jnp.float32) + b1q, 0.0)
        for k4 in range(4):
            k = g * 4 + k4
            eh_k = eh_g[:, k4 * E_HID:(k4 + 1) * E_HID]
            h_k = h_pk[:, k * H:(k + 1) * H]
            w_k = jnp.dot(eh_k, w2T, precision=_DP,
                          preferred_element_type=jnp.float32) + b2
            h1 = h_k.astype(jnp.bfloat16).astype(jnp.float32)
            h2 = h_k - h1
            hrep_k = jnp.dot(jnp.concatenate([h1, h2], axis=1), R2,
                             precision=_DP, preferred_element_type=jnp.float32)
            parts.append(_dot2(hrep_k * w_k, S))
    return jnp.concatenate(parts, axis=1)


def _edge1_body(ef_ref, ha_ref, w1b_ref, b1_ref, w2b_ref, b2_ref, Rb_ref,
                Sb_ref, msg_ref):
    msg_ref[:] = _msg_from(ha_ref[:], ef_ref[:], w1b_ref[:], b1_ref[:],
                           w2b_ref[:], b2_ref[:], Rb_ref[:], Sb_ref[:])


def _edge2_body(ef_ref, ha_ref, hb_ref, cb_ref, w1b_ref, b1_ref, w2b_ref,
                b2_ref, Rb_ref, Sb_ref, msg_ref):
    h = jnp.maximum(ha_ref[:] + hb_ref[:] + cb_ref[:], 0.0)
    msg_ref[:] = _msg_from(h, ef_ref[:], w1b_ref[:], b1_ref[:], w2b_ref[:],
                           b2_ref[:], Rb_ref[:], Sb_ref[:])


def _w_specs():
    return [
        pl.BlockSpec((4 * D_EDGE, 4 * E_HID), lambda i: (0, 0)),
        pl.BlockSpec((1, 4 * E_HID), lambda i: (0, 0)),
        pl.BlockSpec((E_HID, H * H), lambda i: (0, 0)),
        pl.BlockSpec((1, H * H), lambda i: (0, 0)),
        pl.BlockSpec((2 * H, H * H), lambda i: (0, 0)),
        pl.BlockSpec((H * H, H), lambda i: (0, 0)),
    ]


def _tc_edge1(ef_pk, ha, w1b, b1, w2b, b2, Rb, Sb):
    return pl.pallas_call(
        _edge1_body,
        grid=(EP8 // B8,),
        in_specs=[
            pl.BlockSpec((B8, PK * H), lambda i: (i, 0)),
            pl.BlockSpec((B8, PK * H), lambda i: (i, 0)),
        ] + _w_specs(),
        out_specs=pl.BlockSpec((B8, PK * H), lambda i: (i, 0)),
        out_shape=jax.ShapeDtypeStruct((EP8, PK * H), jnp.float32),
    )(ef_pk, ha, w1b, b1, w2b, b2, Rb, Sb)


def _tc_edge2(ef_pk, ha, hb, cbt, w1b, b1, w2b, b2, Rb, Sb):
    return pl.pallas_call(
        _edge2_body,
        grid=(EP8 // B8,),
        in_specs=[
            pl.BlockSpec((B8, PK * H), lambda i: (i, 0)),
            pl.BlockSpec((B8, PK * H), lambda i: (i, 0)),
            pl.BlockSpec((B8, PK * H), lambda i: (i, 0)),
            pl.BlockSpec((1, PK * H), lambda i: (0, 0)),
        ] + _w_specs(),
        out_specs=pl.BlockSpec((B8, PK * H), lambda i: (i, 0)),
        out_shape=jax.ShapeDtypeStruct((EP8, PK * H), jnp.float32),
    )(ef_pk, ha, hb, cbt, w1b, b1, w2b, b2, Rb, Sb)



def _bn_body(a_ref, b_ref, cb_ref, g_ref, bb_ref, y_ref):
    valid = lax.broadcasted_iota(jnp.int32, (NPAD, H), 0) < N_NODES
    x = jnp.where(valid, jnp.maximum(a_ref[:] + b_ref[:] + cb_ref[:], 0.0), 0.0)
    inv_n = jnp.float32(1.0 / N_NODES)
    mean = jnp.sum(x, axis=0, keepdims=True) * inv_n
    xc = x - mean
    var = jnp.sum(jnp.where(valid, xc * xc, 0.0), axis=0, keepdims=True) * inv_n
    y = xc * lax.rsqrt(var + 1e-5) * g_ref[:] + bb_ref[:]
    y_ref[:] = y[:N_NODES, :]


def _tc_bn(agg_a, agg_b, cb, g2, b2):
    return pl.pallas_call(
        _bn_body,
        out_shape=jax.ShapeDtypeStruct((N_NODES, H), jnp.float32),
    )(agg_a, agg_b, cb, g2, b2)



def kernel(g, n_feat, e_feat, lin0_W, lin0_b, en_W1, en_b1, en_W2, en_b2,
           conv_b, bn_g, bn_b):
    src2d = g[0].astype(jnp.int32).reshape(NW, NCH, CW)
    dst2d = g[1].astype(jnp.int32).reshape(NW, NCH, CW)
    lin0T = lin0_W.T
    lb = lin0_b.reshape(1, H)
    eyeH = jnp.eye(H, dtype=jnp.float32)
    R = jnp.repeat(eyeH, H, axis=1)
    S = jnp.tile(eyeH, (H, 1))
    w1b = jnp.kron(jnp.eye(4, dtype=jnp.float32), en_W1.T)
    w2b = en_W2.T
    Rb = jnp.concatenate([R, R], axis=0)
    Sb = S
    b1t = jnp.tile(en_b1, 4).reshape(1, 4 * E_HID)
    b2t = en_b2.reshape(1, H * H)
    cbt = jnp.tile(conv_b, PK).reshape(1, PK * H)
    ef_pk = e_feat.reshape(EP8, PK * D_EDGE)

    out0 = _tc_lin0(n_feat, lin0T, lb)
    ha = _sc_gather1(src2d, out0).reshape(EP8, PK * H)
    msg = _tc_edge1(ef_pk, ha, w1b, b1t, w2b, b2t, Rb, Sb)
    agg_a, agg_b = _sc_scatter(dst2d, msg.reshape(N_EDGES, H))
    for _ in range(2):
        ha, hb = _sc_gather2(src2d, agg_a, agg_b)
        ha = ha.reshape(EP8, PK * H)
        hb = hb.reshape(EP8, PK * H)
        msg = _tc_edge2(ef_pk, ha, hb, cbt, w1b, b1t, w2b, b2t, Rb, Sb)
        agg_a, agg_b = _sc_scatter(dst2d, msg.reshape(N_EDGES, H))
    cb = conv_b.reshape(1, H)
    return _tc_bn(agg_a, agg_b, cb, bn_g.reshape(1, H), bn_b.reshape(1, H))

# --- scband reference (transcript-rebuilt; emitter-appended) ---
"""Pipeline reference for scband-mpnn-15874199126078 (READ-ONLY COPY).

The authoritative reference and input builder live on the scoring server;
editing this copy changes nothing except your own understanding.
"""

import jax, jax.numpy as jnp
import numpy as np

N_NODES = 10000
N_EDGES = 160000
D_IN = 128
H = 16
D_EDGE = 16
E_HID = 64
N_STEPS = 3


def setup_inputs(seed: int = 0) -> dict:
    key = jax.random.key(seed)
    ks = jax.random.split(key, 12)
    g = jax.random.randint(ks[0], (2, N_EDGES), 0, N_NODES, dtype=jnp.int64) if jax.config.jax_enable_x64 else jax.random.randint(ks[0], (2, N_EDGES), 0, N_NODES, dtype=jnp.int32)
    n_feat = jax.random.normal(ks[1], (N_NODES, D_IN), dtype=jnp.float32)
    e_feat = jax.random.normal(ks[2], (N_EDGES, D_EDGE), dtype=jnp.float32)
    # learned params (PyTorch-style linear: y = x @ W.T + b)
    lin0_W = jax.random.normal(ks[3], (H, D_IN), dtype=jnp.float32) * (1.0 / np.sqrt(D_IN))
    lin0_b = jnp.zeros((H,), dtype=jnp.float32)
    en_W1 = jax.random.normal(ks[4], (E_HID, D_EDGE), dtype=jnp.float32) * (1.0 / np.sqrt(D_EDGE))
    en_b1 = jnp.zeros((E_HID,), dtype=jnp.float32)
    en_W2 = jax.random.normal(ks[5], (H * H, E_HID), dtype=jnp.float32) * (1.0 / np.sqrt(E_HID))
    en_b2 = jnp.zeros((H * H,), dtype=jnp.float32)
    conv_b = jnp.zeros((H,), dtype=jnp.float32)
    bn_g = jnp.ones((H,), dtype=jnp.float32)
    bn_b = jnp.zeros((H,), dtype=jnp.float32)
    return {
        'g': g, 'n_feat': n_feat, 'e_feat': e_feat,
        'lin0_W': lin0_W, 'lin0_b': lin0_b,
        'en_W1': en_W1, 'en_b1': en_b1, 'en_W2': en_W2, 'en_b2': en_b2,
        'conv_b': conv_b, 'bn_g': bn_g, 'bn_b': bn_b,
    }


def reference(g, n_feat, e_feat, lin0_W, lin0_b, en_W1, en_b1, en_W2, en_b2, conv_b, bn_g, bn_b):
    src = g[0]
    dst = g[1]
    # lin0 + relu
    out = jax.nn.relu(n_feat @ lin0_W.T + lin0_b)
    # edge network (dropout p=0 -> identity); e_feat is constant across steps so compute once
    eh = jax.nn.relu(e_feat @ en_W1.T + en_b1)
    w = (eh @ en_W2.T + en_b2).reshape(N_EDGES, H, H)  # [E, in, out]
    for _ in range(N_STEPS):
        # DGL NNConv with aggregator 'sum': m = h_src[:, :, None] * w, sum-reduce to dst,
        # then sum over the 'in' dim, add bias.
        h_src = out[src]                       # gather: [E, H]
        m = h_src[:, :, None] * w              # [E, H, H]
        agg = jax.ops.segment_sum(m, dst, num_segments=N_NODES)  # scatter-add: [N, H, H]
        out = jax.nn.relu(agg.sum(axis=1) + conv_b)
        # gnn_dropout p=0 -> identity
    # BatchNorm1d in training mode (batch statistics, biased variance)
    mean = out.mean(axis=0)
    var = out.var(axis=0)
    y_bn = (out - mean) / jnp.sqrt(var + 1e-5) * bn_g + bn_b
    return y_bn

if __name__ == "__main__":
    import jax
    _d = setup_inputs()
    print(jax.jit(kernel)(*tuple(_d.values())))

</pallas_src>

<mosaic_0001>
#map = affine_map<(d0, d1) -> (0, 0, 0)>
#map1 = affine_map<(d0, d1) -> (0, 0)>
module attributes {stable_mosaic.version = 14 : i64} {
  func.func @_gather1_body(%arg0: i32, %arg1: i32, %arg2: memref<32x40x125xi32, #tpu.memory_space<hbm>>, %arg3: memref<10000x16xf32, #tpu.memory_space<hbm>>, %arg4: memref<160000x16xf32, #tpu.memory_space<hbm>>, %arg5: memref<40x125xi32, #tpu.memory_space<vmem>>, %arg6: memref<1000x16xf32, #tpu.memory_space<vmem>>, %arg7: memref<!tpu.dma_semaphore, #tpu.memory_space<semaphore_mem>>) attributes {dimension_semantics = [#tpu.dimension_semantics<core_parallel>, #tpu.dimension_semantics<subcore_parallel>], iteration_bounds = array<i64: 2, 16>, scalar_prefetch = 0 : i64, scratch_operands = 3 : i64, tpu.core_type = #tpu.core_type<sc_vector_subcore>, window_params = [{transform_indices = #map}, {transform_indices = #map1}, {transform_indices = #map1}]} {
    %mul3A = arith.constant 16 : i32
    %mul3A_0 = arith.muli %arg0, %mul3A : i32
    %add3A = arith.addi %mul3A_0, %arg1 : i32
    "tpu.region"() ({
      %run_scoped3A = tpu.sem_alloc : memref<!tpu.dma_semaphore, #tpu.memory_space<semaphore_mem>>
      %dma_start3A = arith.constant 0 : i32
      %dma_start3A_6 = arith.constant 0 : i32
      %dma_start3A_7 = tpu.memref_slice %arg2[%add3A, %dma_start3A, %dma_start3A_6] : memref<32x40x125xi32, #tpu.memory_space<hbm>> -> memref<1x40x125xi32, #tpu.memory_space<hbm>>
      %dma_start3A_8 = tpu.memref_squeeze %dma_start3A_7 : memref<1x40x125xi32, #tpu.memory_space<hbm>> -> memref<40x125xi32, #tpu.memory_space<hbm>>
      %dma_start3A_9 = arith.constant 0 : i32
      %dma_start3A_10 = arith.constant 0 : i32
      %dma_start3A_11 = tpu.memref_slice %arg2[%add3A, %dma_start3A_9, %dma_start3A_10] : memref<32x40x125xi32, #tpu.memory_space<hbm>> -> memref<1x40x125xi32, #tpu.memory_space<hbm>>
      %dma_start3A_12 = tpu.memref_squeeze %dma_start3A_11 : memref<1x40x125xi32, #tpu.memory_space<hbm>> -> memref<40x125xi32, #tpu.memory_space<hbm>>
      tpu.enqueue_dma source(%dma_start3A_12 : memref<40x125xi32, #tpu.memory_space<hbm>>) target(%arg5 : memref<40x125xi32, #tpu.memory_space<vmem>>) target_semaphore(%run_scoped3A : memref<!tpu.dma_semaphore, #tpu.memory_space<semaphore_mem>>)
      %dma_wait3A = arith.constant 0 : i32
      %dma_wait3A_13 = arith.constant 0 : i32
      %dma_wait3A_14 = tpu.memref_slice %arg2[%add3A, %dma_wait3A, %dma_wait3A_13] : memref<32x40x125xi32, #tpu.memory_space<hbm>> -> memref<1x40x125xi32, #tpu.memory_space<hbm>>
      %dma_wait3A_15 = tpu.memref_squeeze %dma_wait3A_14 : memref<1x40x125xi32, #tpu.memory_space<hbm>> -> memref<40x125xi32, #tpu.memory_space<hbm>>
      %dma_wait3A_16 = arith.constant 0 : i32
      %dma_wait3A_17 = arith.constant 0 : i32
      %dma_wait3A_18 = tpu.memref_slice %arg2[%add3A, %dma_wait3A_16, %dma_wait3A_17] : memref<32x40x125xi32, #tpu.memory_space<hbm>> -> memref<1x40x125xi32, #tpu.memory_space<hbm>>
      %dma_wait3A_19 = tpu.memref_squeeze %dma_wait3A_18 : memref<1x40x125xi32, #tpu.memory_space<hbm>> -> memref<40x125xi32, #tpu.memory_space<hbm>>
      tpu.wait_dma2 semaphore(%run_scoped3A : memref<!tpu.dma_semaphore, #tpu.memory_space<semaphore_mem>>) src(%dma_wait3A_19 : memref<40x125xi32, #tpu.memory_space<hbm>>) dst(%arg5 : memref<40x125xi32, #tpu.memory_space<vmem>>)
      tpu.yield
    }) : () -> ()
    %scan3A = arith.constant 0 : i32
    %scan3A_1 = arith.constant 0 : i32
    %scan3A_2 = arith.constant 5 : i32
    %scan3A_3 = arith.addi %scan3A_1, %scan3A_2 : i32
    %scan3A_4 = arith.constant 1 : i32
    scf.for %scan3A_6 = %scan3A_1 to %scan3A_3 step %scan3A_4  : i32 {
      %mul3A_7 = arith.constant 8 : i32
      %mul3A_8 = arith.muli %scan3A_6, %mul3A_7 : i32
      %add3A_9 = arith.constant 0 : i32
      %add3A_10 = arith.addi %mul3A_8, %add3A_9 : i32
      %dma_start3A = arith.constant 0 : i32
      %dma_start3A_11 = arith.constant 0 : i32
      %dma_start3A_12 = tpu.memref_slice %arg6[%dma_start3A, %dma_start3A_11] : memref<1000x16xf32, #tpu.memory_space<vmem>> -> memref<125x16xf32, #tpu.memory_space<vmem>>
      %dma_start3A_13 = arith.constant 0 : i32
      %dma_start3A_14 = tpu.memref_slice %arg5[%add3A_10, %dma_start3A_13] : memref<40x125xi32, #tpu.memory_space<vmem>> -> memref<1x125xi32, #tpu.memory_space<vmem>>
      %dma_start3A_15 = tpu.memref_squeeze %dma_start3A_14 : memref<1x125xi32, #tpu.memory_space<vmem>> -> memref<125xi32, #tpu.memory_space<vmem>>
      %dma_start3A_16 = arith.constant 0 : i32
      %dma_start3A_17 = arith.constant 0 : i32
      %dma_start3A_18 = tpu.memref_slice %arg3[%dma_start3A_16, %dma_start3A_17] : memref<10000x16xf32, #tpu.memory_space<hbm>> -> memref<10000x16xf32, #tpu.memory_space<hbm>>
      tpu.enqueue_indirect_dma source(%dma_start3A_18 : memref<10000x16xf32, #tpu.memory_space<hbm>>) target(%dma_start3A_12 : memref<125x16xf32, #tpu.memory_space<vmem>>) offsets(%dma_start3A_15 : memref<125xi32, #tpu.memory_space<vmem>>) semaphore(%arg7 : memref<!tpu.dma_semaphore, #tpu.memory_space<semaphore_mem>>)
      %mul3A_19 = arith.constant 8 : i32
      %mul3A_20 = arith.muli %scan3A_6, %mul3A_19 : i32
      %add3A_21 = arith.constant 1 : i32
      %add3A_22 = arith.addi %mul3A_20, %add3A_21 : i32
      %dma_start3A_23 = arith.constant 125 : i32
      %dma_start3A_24 = arith.constant 0 : i32
      %dma_start3A_25 = tpu.memref_slice %arg6[%dma_start3A_23, %dma_start3A_24] : memref<1000x16xf32, #tpu.memory_space<vmem>> -> memref<125x16xf32, #tpu.memory_space<vmem>>
      %dma_start3A_26 = arith.constant 0 : i32
      %dma_start3A_27 = tpu.memref_slice %arg5[%add3A_22, %dma_start3A_26] : memref<40x125xi32, #tpu.memory_space<vmem>> -> memref<1x125xi32, #tpu.memory_space<vmem>>
      %dma_start3A_28 = tpu.memref_squeeze %dma_start3A_27 : memref<1x125xi32, #tpu.memory_space<vmem>> -> memref<125xi32, #tpu.memory_space<vmem>>
      %dma_start3A_29 = arith.constant 0 : i32
      %dma_start3A_30 = arith.constant 0 : i32
      %dma_start3A_31 = tpu.memref_slice %arg3[%dma_start3A_29, %dma_start3A_30] : memref<10000x16xf32, #tpu.memory_space<hbm>> -> memref<10000x16xf32, #tpu.memory_space<hbm>>
      tpu.enqueue_indirect_dma source(%dma_start3A_31 : memref<10000x16xf32, #tpu.memory_space<hbm>>) target(%dma_start3A_25 : memref<125x16xf32, #tpu.memory_space<vmem>>) offsets(%dma_start3A_28 : memref<125xi32, #tpu.memory_space<vmem>>) semaphore(%arg7 : memref<!tpu.dma_semaphore, #tpu.memory_space<semaphore_mem>>)
      %mul3A_32 = arith.constant 8 : i32
      %mul3A_33 = arith.muli %scan3A_6, %mul3A_32 : i32
      %add3A_34 = arith.constant 2 : i32
      %add3A_35 = arith.addi %mul3A_33, %add3A_34 : i32
      %dma_start3A_36 = arith.constant 250 : i32
      %dma_start3A_37 = arith.constant 0 : i32
      %dma_start3A_38 = tpu.memref_slice %arg6[%dma_start3A_36, %dma_start3A_37] : memref<1000x16xf32, #tpu.memory_space<vmem>> -> memref<125x16xf32, #tpu.memory_space<vmem>>
      %dma_start3A_39 = arith.constant 0 : i32
      %dma_start3A_40 = tpu.memref_slice %arg5[%add3A_35, %dma_start3A_39] : memref<40x125xi32, #tpu.memory_space<vmem>> -> memref<1x125xi32, #tpu.memory_space<vmem>>
      %dma_start3A_41 = tpu.memref_squeeze %dma_start3A_40 : memref<1x125xi32, #tpu.memory_space<vmem>> -> memref<125xi32, #tpu.memory_space<vmem>>
      %dma_start3A_42 = arith.constant 0 : i32
      %dma_start3A_43 = arith.constant 0 : i32
      %dma_start3A_44 = tpu.memref_slice %arg3[%dma_start3A_42, %dma_start3A_43] : memref<10000x16xf32, #tpu.memory_space<hbm>> -> memref<10000x16xf32, #tpu.memory_space<hbm>>
      tpu.enqueue_indirect_dma source(%dma_start3A_44 : memref<10000x16xf32, #tpu.memory_space<hbm>>) target(%dma_start3A_38 : memref<125x16xf32, #tpu.memory_space<vmem>>) offsets(%dma_start3A_41 : memref<125xi32, #tpu.memory_space<vmem>>) semaphore(%arg7 : memref<!tpu.dma_semaphore, #tpu.memory_space<semaphore_mem>>)
      %mul3A_45 = arith.constant 8 : i32
      %mul3A_46 = arith.muli %scan3A_6, %mul3A_45 : i32
      %add3A_47 = arith.constant 3 : i32
      %add3A_48 = arith.addi %mul3A_46, %add3A_47 : i32
      %dma_start3A_49 = arith.constant 375 : i32
      %dma_start3A_50 = arith.constant 0 : i32
      %dma_start3A_51 = tpu.memref_slice %arg6[%dma_start3A_49, %dma_start3A_50] : memref<1000x16xf32, #tpu.memory_space<vmem>> -> memref<125x16xf32, #tpu.memory_space<vmem>>
      %dma_start3A_52 = arith.constant 0 : i32
      %dma_start3A_53 = tpu.memref_slice %arg5[%add3A_48, %dma_start3A_52] : memref<40x125xi32, #tpu.memory_space<vmem>> -> memref<1x125xi32, #tpu.memory_space<vmem>>
      %dma_start3A_54 = tpu.memref_squeeze %dma_start3A_53 : memref<1x125xi32, #tpu.memory_space<vmem>> -> memref<125xi32, #tpu.memory_space<vmem>>
      %dma_start3A_55 = arith.constant 0 : i32
      %dma_start3A_56 = arith.constant 0 : i32
      %dma_start3A_57 = tpu.memref_slice %arg3[%dma_start3A_55, %dma_start3A_56] : memref<10000x16xf32, #tpu.memory_space<hbm>> -> memref<10000x16xf32, #tpu.memory_space<hbm>>
      tpu.enqueue_indirect_dma source(%dma_start3A_57 : memref<10000x16xf32, #tpu.memory_space<hbm>>) target(%dma_start3A_51 : memref<125x16xf32, #tpu.memory_space<vmem>>) offsets(%dma_start3A_54 : memref<125xi32, #tpu.memory_space<vmem>>) semaphore(%arg7 : memref<!tpu.dma_semaphore, #tpu.memory_space<semaphore_mem>>)
      %mul3A_58 = arith.constant 8 : i32
      %mul3A_59 = arith.muli %scan3A_6, %mul3A_58 : i32
      %add3A_60 = arith.constant 4 : i32
      %add3A_61 = arith.addi %mul3A_59, %add3A_60 : i32
      %dma_start3A_62 = arith.constant 500 : i32
      %dma_start3A_63 = arith.constant 0 : i32
      %dma_start3A_64 = tpu.memref_slice %arg6[%dma_start3A_62, %dma_start3A_63] : memref<1000x16xf32, #tpu.memory_space<vmem>> -> memref<125x16xf32, #tpu.memory_space<vmem>>
      %dma_start3A_65 = arith.constant 0 : i32
      %dma_start3A_66 = tpu.memref_slice %arg5[%add3A_61, %dma_start3A_65] : memref<40x125xi32, #tpu.memory_space<vmem>> -> memref<1x125xi32, #tpu.memory_space<vmem>>
      %dma_start3A_67 = tpu.memref_squeeze %dma_start3A_66 : memref<1x125xi32, #tpu.memory_space<vmem>> -> memref<125xi32, #tpu.memory_space<vmem>>
      %dma_start3A_68 = arith.constant 0 : i32
      %dma_start3A_69 = arith.constant 0 : i32
      %dma_start3A_70 = tpu.memref_slice %arg3[%dma_start3A_68, %dma_start3A_69] : memref<10000x16xf32, #tpu.memory_space<hbm>> -> memref<10000x16xf32, #tpu.memory_space<hbm>>
      tpu.enqueue_indirect_dma source(%dma_start3A_70 : memref<10000x16xf32, #tpu.memory_space<hbm>>) target(%dma_start3A_64 : memref<125x16xf32, #tpu.memory_space<vmem>>) offsets(%dma_start3A_67 : memref<125xi32, #tpu.memory_space<vmem>>) semaphore(%arg7 : memref<!tpu.dma_semaphore, #tpu.memory_space<semaphore_mem>>)
      %mul3A_71 = arith.constant 8 : i32
      %mul3A_72 = arith.muli %scan3A_6, %mul3A_71 : i32
      %add3A_73 = arith.constant 5 : i32
      %add3A_74 = arith.addi %mul3A_72, %add3A_73 : i32
      %dma_start3A_75 = arith.constant 625 : i32
      %dma_start3A_76 = arith.constant 0 : i32
      %dma_start3A_77 = tpu.memref_slice %arg6[%dma_start3A_75, %dma_start3A_76] : memref<1000x16xf32, #tpu.memory_space<vmem>> -> memref<125x16xf32, #tpu.memory_space<vmem>>
      %dma_start3A_78 = arith.constant 0 : i32
      %dma_start3A_79 = tpu.memref_slice %arg5[%add3A_74, %dma_start3A_78] : memref<40x125xi32, #tpu.memory_space<vmem>> -> memref<1x125xi32, #tpu.memory_space<vmem>>
      %dma_start3A_80 = tpu.memref_squeeze %dma_start3A_79 : memref<1x125xi32, #tpu.memory_space<vmem>> -> memref<125xi32, #tpu.memory_space<vmem>>
      %dma_start3A_81 = arith.constant 0 : i32
      %dma_start3A_82 = arith.constant 0 : i32
      %dma_start3A_83 = tpu.memref_slice %arg3[%dma_start3A_81, %dma_start3A_82] : memref<10000x16xf32, #tpu.memory_space<hbm>> -> memref<10000x16xf32, #tpu.memory_space<hbm>>
      tpu.enqueue_indirect_dma source(%dma_start3A_83 : memref<10000x16xf32, #tpu.memory_space<hbm>>) target(%dma_start3A_77 : memref<125x16xf32, #tpu.memory_space<vmem>>) offsets(%dma_start3A_80 : memref<125xi32, #tpu.memory_space<vmem>>) semaphore(%arg7 : memref<!tpu.dma_semaphore, #tpu.memory_space<semaphore_mem>>)
      %mul3A_84 = arith.constant 8 : i32
      %mul3A_85 = arith.muli %scan3A_6, %mul3A_84 : i32
      %add3A_86 = arith.constant 6 : i32
      %add3A_87 = arith.addi %mul3A_85, %add3A_86 : i32
      %dma_start3A_88 = arith.constant 750 : i32
      %dma_start3A_89 = arith.constant 0 : i32
      %dma_start3A_90 = tpu.memref_slice %arg6[%dma_start3A_88, %dma_start3A_89] : memref<1000x16xf32, #tpu.memory_space<vmem>> -> memref<125x16xf32, #tpu.memory_space<vmem>>
      %dma_start3A_91 = arith.constant 0 : i32
      %dma_start3A_92 = tpu.memref_slice %arg5[%add3A_87, %dma_start3A_91] : memref<40x125xi32, #tpu.memory_space<vmem>> -> memref<1x125xi32, #tpu.memory_space<vmem>>
      %dma_start3A_93 = tpu.memref_squeeze %dma_start3A_92 : memref<1x125xi32, #tpu.memory_space<vmem>> -> memref<125xi32, #tpu.memory_space<vmem>>
      %dma_start3A_94 = arith.constant 0 : i32
      %dma_start3A_95 = arith.constant 0 : i32
      %dma_start3A_96 = tpu.memref_slice %arg3[%dma_start3A_94, %dma_start3A_95] : memref<10000x16xf32, #tpu.memory_space<hbm>> -> memref<10000x16xf32, #tpu.memory_space<hbm>>
      tpu.enqueue_indirect_dma source(%dma_start3A_96 : memref<10000x16xf32, #tpu.memory_space<hbm>>) target(%dma_start3A_90 : memref<125x16xf32, #tpu.memory_space<vmem>>) offsets(%dma_start3A_93 : memref<125xi32, #tpu.memory_space<vmem>>) semaphore(%arg7 : memref<!tpu.dma_semaphore, #tpu.memory_space<semaphore_mem>>)
      %mul3A_97 = arith.constant 8 : i32
      %mul3A_98 = arith.muli %scan3A_6, %mul3A_97 : i32
      %add3A_99 = arith.constant 7 : i32
      %add3A_100 = arith.addi %mul3A_98, %add3A_99 : i32
      %dma_start3A_101 = arith.constant 875 : i32
      %dma_start3A_102 = arith.constant 0 : i32
      %dma_start3A_103 = tpu.memref_slice %arg6[%dma_start3A_101, %dma_start3A_102] : memref<1000x16xf32, #tpu.memory_space<vmem>> -> memref<125x16xf32, #tpu.memory_space<vmem>>
      %dma_start3A_104 = arith.constant 0 : i32
      %dma_start3A_105 = tpu.memref_slice %arg5[%add3A_100, %dma_start3A_104] : memref<40x125xi32, #tpu.memory_space<vmem>> -> memref<1x125xi32, #tpu.memory_space<vmem>>
      %dma_start3A_106 = tpu.memref_squeeze %dma_start3A_105 : memref<1x125xi32, #tpu.memory_space<vmem>> -> memref<125xi32, #tpu.memory_space<vmem>>
      %dma_start3A_107 = arith.constant 0 : i32
      %dma_start3A_108 = arith.constant 0 : i32
      %dma_start3A_109 = tpu.memref_slice %arg3[%dma_start3A_107, %dma_start3A_108] : memref<10000x16xf32, #tpu.memory_space<hbm>> -> memref<10000x16xf32, #tpu.memory_space<hbm>>
      tpu.enqueue_indirect_dma source(%dma_start3A_109 : memref<10000x16xf32, #tpu.memory_space<hbm>>) target(%dma_start3A_103 : memref<125x16xf32, #tpu.memory_space<vmem>>) offsets(%dma_start3A_106 : memref<125xi32, #tpu.memory_space<vmem>>) semaphore(%arg7 : memref<!tpu.dma_semaphore, #tpu.memory_space<semaphore_mem>>)
      %dma_wait3A = arith.constant 0 : i32
      %dma_wait3A_110 = arith.constant 0 : i32
      %dma_wait3A_111 = tpu.memref_slice %arg6[%dma_wait3A, %dma_wait3A_110] : memref<1000x16xf32, #tpu.memory_space<vmem>> -> memref<125x16xf32, #tpu.memory_space<vmem>>
      %dma_wait3A_112 = arith.constant 0 : i32
      %dma_wait3A_113 = tpu.memref_slice %arg5[%add3A_10, %dma_wait3A_112] : memref<40x125xi32, #tpu.memory_space<vmem>> -> memref<1x125xi32, #tpu.memory_space<vmem>>
      %dma_wait3A_114 = tpu.memref_squeeze %dma_wait3A_113 : memref<1x125xi32, #tpu.memory_space<vmem>> -> memref<125xi32, #tpu.memory_space<vmem>>
      %dma_wait3A_115 = arith.constant 0 : i32
      %dma_wait3A_116 = arith.constant 0 : i32
      %dma_wait3A_117 = tpu.memref_slice %arg3[%dma_wait3A_115, %dma_wait3A_116] : memref<10000x16xf32, #tpu.memory_space<hbm>> -> memref<10000x16xf32, #tpu.memory_space<hbm>>
      tpu.wait_indirect_dma semaphore(%arg7 : memref<!tpu.dma_semaphore, #tpu.memory_space<semaphore_mem>>) src(%dma_wait3A_117 : memref<10000x16xf32, #tpu.memory_space<hbm>>) dst(%dma_wait3A_111 : memref<125x16xf32, #tpu.memory_space<vmem>>)
      %dma_wait3A_118 = arith.constant 125 : i32
      %dma_wait3A_119 = arith.constant 0 : i32
      %dma_wait3A_120 = tpu.memref_slice %arg6[%dma_wait3A_118, %dma_wait3A_119] : memref<1000x16xf32, #tpu.memory_space<vmem>> -> memref<125x16xf32, #tpu.memory_space<vmem>>
      %dma_wait3A_121 = arith.constant 0 : i32
      %dma_wait3A_122 = tpu.memref_slice %arg5[%add3A_22, %dma_wait3A_121] : memref<40x125xi32, #tpu.memory_space<vmem>> -> memref<1x125xi32, #tpu.memory_space<vmem>>
      %dma_wait3A_123 = tpu.memref_squeeze %dma_wait3A_122 : memref<1x125xi32, #tpu.memory_space<vmem>> -> memref<125xi32, #tpu.memory_space<vmem>>
      %dma_wait3A_124 = arith.constant 0 : i32
      %dma_wait3A_125 = arith.constant 0 : i32
      %dma_wait3A_126 = tpu.memref_slice %arg3[%dma_wait3A_124, %dma_wait3A_125] : memref<10000x16xf32, #tpu.memory_space<hbm>> -> memref<10000x16xf32, #tpu.memory_space<hbm>>
      tpu.wait_indirect_dma semaphore(%arg7 : memref<!tpu.dma_semaphore, #tpu.memory_space<semaphore_mem>>) src(%dma_wait3A_126 : memref<10000x16xf32, #tpu.memory_space<hbm>>) dst(%dma_wait3A_120 : memref<125x16xf32, #tpu.memory_space<vmem>>)
      %dma_wait3A_127 = arith.constant 250 : i32
      %dma_wait3A_128 = arith.constant 0 : i32
      %dma_wait3A_129 = tpu.memref_slice %arg6[%dma_wait3A_127, %dma_wait3A_128] : memref<1000x16xf32, #tpu.memory_space<vmem>> -> memref<125x16xf32, #tpu.memory_space<vmem>>
      %dma_wait3A_130 = arith.constant 0 : i32
      %dma_wait3A_131 = tpu.memref_slice %arg5[%add3A_35, %dma_wait3A_130] : memref<40x125xi32, #tpu.memory_space<vmem>> -> memref<1x125xi32, #tpu.memory_space<vmem>>
      %dma_wait3A_132 = tpu.memref_squeeze %dma_wait3A_131 : memref<1x125xi32, #tpu.memory_space<vmem>> -> memref<125xi32, #tpu.memory_space<vmem>>
      %dma_wait3A_133 = arith.constant 0 : i32
      %dma_wait3A_134 = arith.constant 0 : i32
      %dma_wait3A_135 = tpu.memref_slice %arg3[%dma_wait3A_133, %dma_wait3A_134] : memref<10000x16xf32, #tpu.memory_space<hbm>> -> memref<10000x16xf32, #tpu.memory_space<hbm>>
      tpu.wait_indirect_dma semaphore(%arg7 : memref<!tpu.dma_semaphore, #tpu.memory_space<semaphore_mem>>) src(%dma_wait3A_135 : memref<10000x16xf32, #tpu.memory_space<hbm>>) dst(%dma_wait3A_129 : memref<125x16xf32, #tpu.memory_space<vmem>>)
      %dma_wait3A_136 = arith.constant 375 : i32
      %dma_wait3A_137 = arith.constant 0 : i32
      %dma_wait3A_138 = tpu.memref_slice %arg6[%dma_wait3A_136, %dma_wait3A_137] : memref<1000x16xf32, #tpu.memory_space<vmem>> -> memref<125x16xf32, #tpu.memory_space<vmem>>
      %dma_wait3A_139 = arith.constant 0 : i32
      %dma_wait3A_140 = tpu.memref_slice %arg5[%add3A_48, %dma_wait3A_139] : memref<40x125xi32, #tpu.memory_space<vmem>> -> memref<1x125xi32, #tpu.memory_space<vmem>>
      %dma_wait3A_141 = tpu.memref_squeeze %dma_wait3A_140 : memref<1x125xi32, #tpu.memory_space<vmem>> -> memref<125xi32, #tpu.memory_space<vmem>>
      %dma_wait3A_142 = arith.constant 0 : i32
      %dma_wait3A_143 = arith.constant 0 : i32
      %dma_wait3A_144 = tpu.memref_slice %arg3[%dma_wait3A_142, %dma_wait3A_143] : memref<10000x16xf32, #tpu.memory_space<hbm>> -> memref<10000x16xf32, #tpu.memory_space<hbm>>
      tpu.wait_indirect_dma semaphore(%arg7 : memref<!tpu.dma_semaphore, #tpu.memory_space<semaphore_mem>>) src(%dma_wait3A_144 : memref<10000x16xf32, #tpu.memory_space<hbm>>) dst(%dma_wait3A_138 : memref<125x16xf32, #tpu.memory_space<vmem>>)
      %dma_wait3A_145 = arith.constant 500 : i32
      %dma_wait3A_146 = arith.constant 0 : i32
      %dma_wait3A_147 = tpu.memref_slice %arg6[%dma_wait3A_145, %dma_wait3A_146] : memref<1000x16xf32, #tpu.memory_space<vmem>> -> memref<125x16xf32, #tpu.memory_space<vmem>>
      %dma_wait3A_148 = arith.constant 0 : i32
      %dma_wait3A_149 = tpu.memref_slice %arg5[%add3A_61, %dma_wait3A_148] : memref<40x125xi32, #tpu.memory_space<vmem>> -> memref<1x125xi32, #tpu.memory_space<vmem>>
      %dma_wait3A_150 = tpu.memref_squeeze %dma_wait3A_149 : memref<1x125xi32, #tpu.memory_space<vmem>> -> memref<125xi32, #tpu.memory_space<vmem>>
      %dma_wait3A_151 = arith.constant 0 : i32
      %dma_wait3A_152 = arith.constant 0 : i32
      %dma_wait3A_153 = tpu.memref_slice %arg3[%dma_wait3A_151, %dma_wait3A_152] : memref<10000x16xf32, #tpu.memory_space<hbm>> -> memref<10000x16xf32, #tpu.memory_space<hbm>>
      tpu.wait_indirect_dma semaphore(%arg7 : memref<!tpu.dma_semaphore, #tpu.memory_space<semaphore_mem>>) src(%dma_wait3A_153 : memref<10000x16xf32, #tpu.memory_space<hbm>>) dst(%dma_wait3A_147 : memref<125x16xf32, #tpu.memory_space<vmem>>)
      %dma_wait3A_154 = arith.constant 625 : i32
      %dma_wait3A_155 = arith.constant 0 : i32
      %dma_wait3A_156 = tpu.memref_slice %arg6[%dma_wait3A_154, %dma_wait3A_155] : memref<1000x16xf32, #tpu.memory_space<vmem>> -> memref<125x16xf32, #tpu.memory_space<vmem>>
      %dma_wait3A_157 = arith.constant 0 : i32
      %dma_wait3A_158 = tpu.memref_slice %arg5[%add3A_74, %dma_wait3A_157] : memref<40x125xi32, #tpu.memory_space<vmem>> -> memref<1x125xi32, #tpu.memory_space<vmem>>
      %dma_wait3A_159 = tpu.memref_squeeze %dma_wait3A_158 : memref<1x125xi32, #tpu.memory_space<vmem>> -> memref<125xi32, #tpu.memory_space<vmem>>
      %dma_wait3A_160 = arith.constant 0 : i32
      %dma_wait3A_161 = arith.constant 0 : i32
      %dma_wait3A_162 = tpu.memref_slice %arg3[%dma_wait3A_160, %dma_wait3A_161] : memref<10000x16xf32, #tpu.memory_space<hbm>> -> memref<10000x16xf32, #tpu.memory_space<hbm>>
      tpu.wait_indirect_dma semaphore(%arg7 : memref<!tpu.dma_semaphore, #tpu.memory_space<semaphore_mem>>) src(%dma_wait3A_162 : memref<10000x16xf32, #tpu.memory_space<hbm>>) dst(%dma_wait3A_156 : memref<125x16xf32, #tpu.memory_space<vmem>>)
      %dma_wait3A_163 = arith.constant 750 : i32
      %dma_wait3A_164 = arith.constant 0 : i32
      %dma_wait3A_165 = tpu.memref_slice %arg6[%dma_wait3A_163, %dma_wait3A_164] : memref<1000x16xf32, #tpu.memory_space<vmem>> -> memref<125x16xf32, #tpu.memory_space<vmem>>
      %dma_wait3A_166 = arith.constant 0 : i32
      %dma_wait3A_167 = tpu.memref_slice %arg5[%add3A_87, %dma_wait3A_166] : memref<40x125xi32, #tpu.memory_space<vmem>> -> memref<1x125xi32, #tpu.memory_space<vmem>>
      %dma_wait3A_168 = tpu.memref_squeeze %dma_wait3A_167 : memref<1x125xi32, #tpu.memory_space<vmem>> -> memref<125xi32, #tpu.memory_space<vmem>>
      %dma_wait3A_169 = arith.constant 0 : i32
      %dma_wait3A_170 = arith.constant 0 : i32
      %dma_wait3A_171 = tpu.memref_slice %arg3[%dma_wait3A_169, %dma_wait3A_170] : memref<10000x16xf32, #tpu.memory_space<hbm>> -> memref<10000x16xf32, #tpu.memory_space<hbm>>
      tpu.wait_indirect_dma semaphore(%arg7 : memref<!tpu.dma_semaphore, #tpu.memory_space<semaphore_mem>>) src(%dma_wait3A_171 : memref<10000x16xf32, #tpu.memory_space<hbm>>) dst(%dma_wait3A_165 : memref<125x16xf32, #tpu.memory_space<vmem>>)
      %dma_wait3A_172 = arith.constant 875 : i32
      %dma_wait3A_173 = arith.constant 0 : i32
      %dma_wait3A_174 = tpu.memref_slice %arg6[%dma_wait3A_172, %dma_wait3A_173] : memref<1000x16xf32, #tpu.memory_space<vmem>> -> memref<125x16xf32, #tpu.memory_space<vmem>>
      %dma_wait3A_175 = arith.constant 0 : i32
      %dma_wait3A_176 = tpu.memref_slice %arg5[%add3A_100, %dma_wait3A_175] : memref<40x125xi32, #tpu.memory_space<vmem>> -> memref<1x125xi32, #tpu.memory_space<vmem>>
      %dma_wait3A_177 = tpu.memref_squeeze %dma_wait3A_176 : memref<1x125xi32, #tpu.memory_space<vmem>> -> memref<125xi32, #tpu.memory_space<vmem>>
      %dma_wait3A_178 = arith.constant 0 : i32
      %dma_wait3A_179 = arith.constant 0 : i32
      %dma_wait3A_180 = tpu.memref_slice %arg3[%dma_wait3A_178, %dma_wait3A_179] : memref<10000x16xf32, #tpu.memory_space<hbm>> -> memref<10000x16xf32, #tpu.memory_space<hbm>>
      tpu.wait_indirect_dma semaphore(%arg7 : memref<!tpu.dma_semaphore, #tpu.memory_space<semaphore_mem>>) src(%dma_wait3A_180 : memref<10000x16xf32, #tpu.memory_space<hbm>>) dst(%dma_wait3A_174 : memref<125x16xf32, #tpu.memory_space<vmem>>)
      %mul3A_181 = arith.constant 5000 : i32
      %mul3A_182 = arith.muli %add3A, %mul3A_181 : i32
      %mul3A_183 = arith.constant 1000 : i32
      %mul3A_184 = arith.muli %scan3A_6, %mul3A_183 : i32
      %add3A_185 = arith.addi %mul3A_182, %mul3A_184 : i32
      "tpu.region"() ({
        %run_scoped3A = tpu.sem_alloc : memref<!tpu.dma_semaphore, #tpu.memory_space<semaphore_mem>>
        %dma_start3A_186 = arith.constant 0 : i32
        %dma_start3A_187 = tpu.memref_slice %arg4[%add3A_185, %dma_start3A_186] : memref<160000x16xf32, #tpu.memory_space<hbm>> -> memref<1000x16xf32, #tpu.memory_space<hbm>>
        %dma_start3A_188 = arith.constant 0 : i32
        %dma_start3A_189 = tpu.memref_slice %arg4[%add3A_185, %dma_start3A_188] : memref<160000x16xf32, #tpu.memory_space<hbm>> -> memref<1000x16xf32, #tpu.memory_space<hbm>>
        tpu.enqueue_dma source(%arg6 : memref<1000x16xf32, #tpu.memory_space<vmem>>) target(%dma_start3A_189 : memref<1000x16xf32, #tpu.memory_space<hbm>>) target_semaphore(%run_scoped3A : memref<!tpu.dma_semaphore, #tpu.memory_space<semaphore_mem>>)
        %dma_wait3A_190 = arith.constant 0 : i32
        %dma_wait3A_191 = tpu.memref_slice %arg4[%add3A_185, %dma_wait3A_190] : memref<160000x16xf32, #tpu.memory_space<hbm>> -> memref<1000x16xf32, #tpu.memory_space<hbm>>
        %dma_wait3A_192 = arith.constant 0 : i32
        %dma_wait3A_193 = tpu.memref_slice %arg4[%add3A_185, %dma_wait3A_192] : memref<160000x16xf32, #tpu.memory_space<hbm>> -> memref<1000x16xf32, #tpu.memory_space<hbm>>
        tpu.wait_dma2 semaphore(%run_scoped3A : memref<!tpu.dma_semaphore, #tpu.memory_space<semaphore_mem>>) src(%arg6 : memref<1000x16xf32, #tpu.memory_space<vmem>>) dst(%dma_wait3A_193 : memref<1000x16xf32, #tpu.memory_space<hbm>>)
        tpu.yield
      }) : () -> ()
    }
    %scan3A_5 = arith.constant 5 : i32
    return
  }
}

#map = affine_map<(d0, d1) -> (0, 0, 0)>
#map1 = affine_map<(d0, d1) -> (0, 0)>
module attributes {stable_mosaic.version = 14 : i64} {
  func.func @_scatter_body(%arg0: i32, %arg1: i32, %arg2: memref<32x40x125xi32, #tpu.memory_space<hbm>>, %arg3: memref<160000x16xf32, #tpu.memory_space<hbm>>, %arg4: memref<10240x16xf32, #tpu.memory_space<hbm>>, %arg5: memref<10240x16xf32, #tpu.memory_space<hbm>>, %arg6: memref<40x125xi32, #tpu.memory_space<vmem>>, %arg7: memref<5000x16xf32, #tpu.memory_space<vmem>>, %arg8: memref<640x16xf32, #tpu.memory_space<vmem>>, %arg9: memref<10240x16xf32, #tpu.memory_space<vmem_shared>>, %arg10: memref<!tpu.dma_semaphore, #tpu.memory_space<semaphore_mem>>) attributes {dimension_semantics = [#tpu.dimension_semantics<core_parallel>, #tpu.dimension_semantics<subcore_parallel>], iteration_bounds = array<i64: 2, 16>, scalar_prefetch = 0 : i64, scratch_operands = 5 : i64, tpu.core_type = #tpu.core_type<sc_vector_subcore>, window_params = [{transform_indices = #map}, {transform_indices = #map1}, {transform_indices = #map1}, {transform_indices = #map1}]} {
    %mul3A = arith.constant 16 : i32
    %mul3A_0 = arith.muli %arg0, %mul3A : i32
    %add3A = arith.addi %mul3A_0, %arg1 : i32
    %scan3A = arith.constant 0 : i32
    %scan3A_1 = arith.constant 0 : i32
    %scan3A_2 = arith.constant 640 : i32
    %scan3A_3 = arith.addi %scan3A_1, %scan3A_2 : i32
    %scan3A_4 = arith.constant 1 : i32
    scf.for %scan3A_26 = %scan3A_1 to %scan3A_3 step %scan3A_4  : i32 {
      %broadcast_in_dim3A = arith.constant 0.000000e+00 : f32
      %broadcast_in_dim3A_27 = vector.broadcast %broadcast_in_dim3A : f32 to vector<16xf32>
      %swap3A = arith.index_cast %scan3A_26 : i32 to index
      %swap3A_28 = arith.constant 0 : index
      %swap3A_29 = tpu.vector_load %arg8[%swap3A, %swap3A_28] {strides = array<i32>} : memref<640x16xf32, #tpu.memory_space<vmem>>, vector<1x16xf32>,
      %swap3A_30 = vector.shape_cast %swap3A_29 : vector<1x16xf32> to vector<16xf32>
      %swap3A_31 = vector.shape_cast %broadcast_in_dim3A_27 : vector<16xf32> to vector<1x16xf32>
      tpu.vector_store %arg8[%swap3A, %swap3A_28], %swap3A_31 {strides = array<i32>} : memref<640x16xf32, #tpu.memory_space<vmem>>, vector<1x16xf32>,
    }
    %scan3A_5 = arith.constant 640 : i32
    %mul3A_6 = arith.constant 640 : i32
    %mul3A_7 = arith.muli %arg1, %mul3A_6 : i32
    "tpu.region"() ({
      %run_scoped3A = tpu.sem_alloc : memref<!tpu.dma_semaphore, #tpu.memory_space<semaphore_mem>>
      %dma_start3A = arith.constant 0 : i32
      %dma_start3A_26 = tpu.memref_slice %arg9[%mul3A_7, %dma_start3A] : memref<10240x16xf32, #tpu.memory_space<vmem_shared>> -> memref<640x16xf32, #tpu.memory_space<vmem_shared>>
      %dma_start3A_27 = arith.constant 0 : i32
      %dma_start3A_28 = tpu.memref_slice %arg9[%mul3A_7, %dma_start3A_27] : memref<10240x16xf32, #tpu.memory_space<vmem_shared>> -> memref<640x16xf32, #tpu.memory_space<vmem_shared>>
      tpu.enqueue_dma source(%arg8 : memref<640x16xf32, #tpu.memory_space<vmem>>) target(%dma_start3A_28 : memref<640x16xf32, #tpu.memory_space<vmem_shared>>) target_semaphore(%run_scoped3A : memref<!tpu.dma_semaphore, #tpu.memory_space<semaphore_mem>>)
      %dma_wait3A = arith.constant 0 : i32
      %dma_wait3A_29 = tpu.memref_slice %arg9[%mul3A_7, %dma_wait3A] : memref<10240x16xf32, #tpu.memory_space<vmem_shared>> -> memref<640x16xf32, #tpu.memory_space<vmem_shared>>
      %dma_wait3A_30 = arith.constant 0 : i32
      %dma_wait3A_31 = tpu.memref_slice %arg9[%mul3A_7, %dma_wait3A_30] : memref<10240x16xf32, #tpu.memory_space<vmem_shared>> -> memref<640x16xf32, #tpu.memory_space<vmem_shared>>
      tpu.wait_dma2 semaphore(%run_scoped3A : memref<!tpu.dma_semaphore, #tpu.memory_space<semaphore_mem>>) src(%arg8 : memref<640x16xf32, #tpu.memory_space<vmem>>) dst(%dma_wait3A_31 : memref<640x16xf32, #tpu.memory_space<vmem_shared>>)
      tpu.yield
    }) : () -> ()
    %barrier3A = arith.constant 0 : index
    tpu.barrier barrier_id(%barrier3A)
    "tpu.region"() ({
      %run_scoped3A = tpu.sem_alloc : memref<!tpu.dma_semaphore, #tpu.memory_space<semaphore_mem>>
      %dma_start3A = arith.constant 0 : i32
      %dma_start3A_26 = arith.constant 0 : i32
      %dma_start3A_27 = tpu.memref_slice %arg2[%add3A, %dma_start3A, %dma_start3A_26] : memref<32x40x125xi32, #tpu.memory_space<hbm>> -> memref<1x40x125xi32, #tpu.memory_space<hbm>>
      %dma_start3A_28 = tpu.memref_squeeze %dma_start3A_27 : memref<1x40x125xi32, #tpu.memory_space<hbm>> -> memref<40x125xi32, #tpu.memory_space<hbm>>
      %dma_start3A_29 = arith.constant 0 : i32
      %dma_start3A_30 = arith.constant 0 : i32
      %dma_start3A_31 = tpu.memref_slice %arg2[%add3A, %dma_start3A_29, %dma_start3A_30] : memref<32x40x125xi32, #tpu.memory_space<hbm>> -> memref<1x40x125xi32, #tpu.memory_space<hbm>>
      %dma_start3A_32 = tpu.memref_squeeze %dma_start3A_31 : memref<1x40x125xi32, #tpu.memory_space<hbm>> -> memref<40x125xi32, #tpu.memory_space<hbm>>
      tpu.enqueue_dma source(%dma_start3A_32 : memref<40x125xi32, #tpu.memory_space<hbm>>) target(%arg6 : memref<40x125xi32, #tpu.memory_space<vmem>>) target_semaphore(%run_scoped3A : memref<!tpu.dma_semaphore, #tpu.memory_space<semaphore_mem>>)
      %dma_wait3A = arith.constant 0 : i32
      %dma_wait3A_33 = arith.constant 0 : i32
      %dma_wait3A_34 = tpu.memref_slice %arg2[%add3A, %dma_wait3A, %dma_wait3A_33] : memref<32x40x125xi32, #tpu.memory_space<hbm>> -> memref<1x40x125xi32, #tpu.memory_space<hbm>>
      %dma_wait3A_35 = tpu.memref_squeeze %dma_wait3A_34 : memref<1x40x125xi32, #tpu.memory_space<hbm>> -> memref<40x125xi32, #tpu.memory_space<hbm>>
      %dma_wait3A_36 = arith.constant 0 : i32
      %dma_wait3A_37 = arith.constant 0 : i32
      %dma_wait3A_38 = tpu.memref_slice %arg2[%add3A, %dma_wait3A_36, %dma_wait3A_37] : memref<32x40x125xi32, #tpu.memory_space<hbm>> -> memref<1x40x125xi32, #tpu.memory_space<hbm>>
      %dma_wait3A_39 = tpu.memref_squeeze %dma_wait3A_38 : memref<1x40x125xi32, #tpu.memory_space<hbm>> -> memref<40x125xi32, #tpu.memory_space<hbm>>
      tpu.wait_dma2 semaphore(%run_scoped3A : memref<!tpu.dma_semaphore, #tpu.memory_space<semaphore_mem>>) src(%dma_wait3A_39 : memref<40x125xi32, #tpu.memory_space<hbm>>) dst(%arg6 : memref<40x125xi32, #tpu.memory_space<vmem>>)
      tpu.yield
    }) : () -> ()
    %mul3A_8 = arith.constant 5000 : i32
    %mul3A_9 = arith.muli %add3A, %mul3A_8 : i32
    "tpu.region"() ({
      %run_scoped3A = tpu.sem_alloc : memref<!tpu.dma_semaphore, #tpu.memory_space<semaphore_mem>>
      %dma_start3A = arith.constant 0 : i32
      %dma_start3A_26 = tpu.memref_slice %arg3[%mul3A_9, %dma_start3A] : memref<160000x16xf32, #tpu.memory_space<hbm>> -> memref<5000x16xf32, #tpu.memory_space<hbm>>
      %dma_start3A_27 = arith.constant 0 : i32
      %dma_start3A_28 = tpu.memref_slice %arg3[%mul3A_9, %dma_start3A_27] : memref<160000x16xf32, #tpu.memory_space<hbm>> -> memref<5000x16xf32, #tpu.memory_space<hbm>>
      tpu.enqueue_dma source(%dma_start3A_28 : memref<5000x16xf32, #tpu.memory_space<hbm>>) target(%arg7 : memref<5000x16xf32, #tpu.memory_space<vmem>>) target_semaphore(%run_scoped3A : memref<!tpu.dma_semaphore, #tpu.memory_space<semaphore_mem>>)
      %dma_wait3A = arith.constant 0 : i32
      %dma_wait3A_29 = tpu.memref_slice %arg3[%mul3A_9, %dma_wait3A] : memref<160000x16xf32, #tpu.memory_space<hbm>> -> memref<5000x16xf32, #tpu.memory_space<hbm>>
      %dma_wait3A_30 = arith.constant 0 : i32
      %dma_wait3A_31 = tpu.memref_slice %arg3[%mul3A_9, %dma_wait3A_30] : memref<160000x16xf32, #tpu.memory_space<hbm>> -> memref<5000x16xf32, #tpu.memory_space<hbm>>
      tpu.wait_dma2 semaphore(%run_scoped3A : memref<!tpu.dma_semaphore, #tpu.memory_space<semaphore_mem>>) src(%dma_wait3A_31 : memref<5000x16xf32, #tpu.memory_space<hbm>>) dst(%arg7 : memref<5000x16xf32, #tpu.memory_space<vmem>>)
      tpu.yield
    }) : () -> ()
    %scan3A_10 = arith.constant 0 : i32
    %scan3A_11 = arith.constant 0 : i32
    %scan3A_12 = arith.constant 5 : i32
    %scan3A_13 = arith.addi %scan3A_11, %scan3A_12 : i32
    %scan3A_14 = arith.constant 1 : i32
    scf.for %scan3A_26 = %scan3A_11 to %scan3A_13 step %scan3A_14  : i32 {
      %mul3A_27 = arith.constant 8 : i32
      %mul3A_28 = arith.muli %scan3A_26, %mul3A_27 : i32
      %add3A_29 = arith.constant 0 : i32
      %add3A_30 = arith.addi %mul3A_28, %add3A_29 : i32
      %mul3A_31 = arith.constant 125 : i32
      %mul3A_32 = arith.muli %add3A_30, %mul3A_31 : i32
      "tpu.region"() ({
        %run_scoped3A = tpu.sem_alloc : memref<!tpu.dma_semaphore, #tpu.memory_space<semaphore_mem>>
        %dma_start3A = arith.constant 0 : i32
        %dma_start3A_75 = tpu.memref_slice %arg7[%mul3A_32, %dma_start3A] : memref<5000x16xf32, #tpu.memory_space<vmem>> -> memref<125x16xf32, #tpu.memory_space<vmem>>
        %dma_start3A_76 = arith.constant 0 : i32
        %dma_start3A_77 = tpu.memref_slice %arg6[%add3A_30, %dma_start3A_76] : memref<40x125xi32, #tpu.memory_space<vmem>> -> memref<1x125xi32, #tpu.memory_space<vmem>>
        %dma_start3A_78 = tpu.memref_squeeze %dma_start3A_77 : memref<1x125xi32, #tpu.memory_space<vmem>> -> memref<125xi32, #tpu.memory_space<vmem>>
        %dma_start3A_79 = arith.constant 0 : i32
        %dma_start3A_80 = arith.constant 0 : i32
        %dma_start3A_81 = tpu.memref_slice %arg9[%dma_start3A_79, %dma_start3A_80] : memref<10240x16xf32, #tpu.memory_space<vmem_shared>> -> memref<10240x16xf32, #tpu.memory_space<vmem_shared>>
        tpu.enqueue_indirect_dma source(%dma_start3A_75 : memref<125x16xf32, #tpu.memory_space<vmem>>) target(%dma_start3A_81 : memref<10240x16xf32, #tpu.memory_space<vmem_shared>>) offsets(%dma_start3A_78 : memref<125xi32, #tpu.memory_space<vmem>>) semaphore(%run_scoped3A : memref<!tpu.dma_semaphore, #tpu.memory_space<semaphore_mem>>) {add = true}
        %dma_wait3A = arith.constant 0 : i32
        %dma_wait3A_82 = tpu.memref_slice %arg7[%mul3A_32, %dma_wait3A] : memref<5000x16xf32, #tpu.memory_space<vmem>> -> memref<125x16xf32, #tpu.memory_space<vmem>>
        %dma_wait3A_83 = arith.constant 0 : i32
        %dma_wait3A_84 = tpu.memref_slice %arg6[%add3A_30, %dma_wait3A_83] : memref<40x125xi32, #tpu.memory_space<vmem>> -> memref<1x125xi32, #tpu.memory_space<vmem>>
        %dma_wait3A_85 = tpu.memref_squeeze %dma_wait3A_84 : memref<1x125xi32, #tpu.memory_space<vmem>> -> memref<125xi32, #tpu.memory_space<vmem>>
        %dma_wait3A_86 = arith.constant 0 : i32
        %dma_wait3A_87 = arith.constant 0 : i32
        %dma_wait3A_88 = tpu.memref_slice %arg9[%dma_wait3A_86, %dma_wait3A_87] : memref<10240x16xf32, #tpu.memory_space<vmem_shared>> -> memref<10240x16xf32, #tpu.memory_space<vmem_shared>>
        tpu.wait_indirect_dma semaphore(%run_scoped3A : memref<!tpu.dma_semaphore, #tpu.memory_space<semaphore_mem>>) src(%dma_wait3A_82 : memref<125x16xf32, #tpu.memory_space<vmem>>) dst(%dma_wait3A_88 : memref<10240x16xf32, #tpu.memory_space<vmem_shared>>)
        tpu.yield
      }) : () -> ()
      %mul3A_33 = arith.constant 8 : i32
      %mul3A_34 = arith.muli %scan3A_26, %mul3A_33 : i32
      %add3A_35 = arith.constant 1 : i32
      %add3A_36 = arith.addi %mul3A_34, %add3A_35 : i32
      %mul3A_37 = arith.constant 125 : i32
      %mul3A_38 = arith.muli %add3A_36, %mul3A_37 : i32
      "tpu.region"() ({
        %run_scoped3A = tpu.sem_alloc : memref<!tpu.dma_semaphore, #tpu.memory_space<semaphore_mem>>
        %dma_start3A = arith.constant 0 : i32
        %dma_start3A_75 = tpu.memref_slice %arg7[%mul3A_38, %dma_start3A] : memref<5000x16xf32, #tpu.memory_space<vmem>> -> memref<125x16xf32, #tpu.memory_space<vmem>>
        %dma_start3A_76 = arith.constant 0 : i32
        %dma_start3A_77 = tpu.memref_slice %arg6[%add3A_36, %dma_start3A_76] : memref<40x125xi32, #tpu.memory_space<vmem>> -> memref<1x125xi32, #tpu.memory_space<vmem>>
        %dma_start3A_78 = tpu.memref_squeeze %dma_start3A_77 : memref<1x125xi32, #tpu.memory_space<vmem>> -> memref<125xi32, #tpu.memory_space<vmem>>
        %dma_start3A_79 = arith.constant 0 : i32
        %dma_start3A_80 = arith.constant 0 : i32
        %dma_start3A_81 = tpu.memref_slice %arg9[%dma_start3A_79, %dma_start3A_80] : memref<10240x16xf32, #tpu.memory_space<vmem_shared>> -> memref<10240x16xf32, #tpu.memory_space<vmem_shared>>
        tpu.enqueue_indirect_dma source(%dma_start3A_75 : memref<125x16xf32, #tpu.memory_space<vmem>>) target(%dma_start3A_81 : memref<10240x16xf32, #tpu.memory_space<vmem_shared>>) offsets(%dma_start3A_78 : memref<125xi32, #tpu.memory_space<vmem>>) semaphore(%run_scoped3A : memref<!tpu.dma_semaphore, #tpu.memory_space<semaphore_mem>>) {add = true}
        %dma_wait3A = arith.constant 0 : i32
        %dma_wait3A_82 = tpu.memref_slice %arg7[%mul3A_38, %dma_wait3A] : memref<5000x16xf32, #tpu.memory_space<vmem>> -> memref<125x16xf32, #tpu.memory_space<vmem>>
        %dma_wait3A_83 = arith.constant 0 : i32
        %dma_wait3A_84 = tpu.memref_slice %arg6[%add3A_36, %dma_wait3A_83] : memref<40x125xi32, #tpu.memory_space<vmem>> -> memref<1x125xi32, #tpu.memory_space<vmem>>
        %dma_wait3A_85 = tpu.memref_squeeze %dma_wait3A_84 : memref<1x125xi32, #tpu.memory_space<vmem>> -> memref<125xi32, #tpu.memory_space<vmem>>
        %dma_wait3A_86 = arith.constant 0 : i32
        %dma_wait3A_87 = arith.constant 0 : i32
        %dma_wait3A_88 = tpu.memref_slice %arg9[%dma_wait3A_86, %dma_wait3A_87] : memref<10240x16xf32, #tpu.memory_space<vmem_shared>> -> memref<10240x16xf32, #tpu.memory_space<vmem_shared>>
        tpu.wait_indirect_dma semaphore(%run_scoped3A : memref<!tpu.dma_semaphore, #tpu.memory_space<semaphore_mem>>) src(%dma_wait3A_82 : memref<125x16xf32, #tpu.memory_space<vmem>>) dst(%dma_wait3A_88 : memref<10240x16xf32, #tpu.memory_space<vmem_shared>>)
        tpu.yield
      }) : () -> ()
      %mul3A_39 = arith.constant 8 : i32
      %mul3A_40 = arith.muli %scan3A_26, %mul3A_39 : i32
      %add3A_41 = arith.constant 2 : i32
      %add3A_42 = arith.addi %mul3A_40, %add3A_41 : i32
      %mul3A_43 = arith.constant 125 : i32
      %mul3A_44 = arith.muli %add3A_42, %mul3A_43 : i32
      "tpu.region"() ({
        %run_scoped3A = tpu.sem_alloc : memref<!tpu.dma_semaphore, #tpu.memory_space<semaphore_mem>>
        %dma_start3A = arith.constant 0 : i32
        %dma_start3A_75 = tpu.memref_slice %arg7[%mul3A_44, %dma_start3A] : memref<5000x16xf32, #tpu.memory_space<vmem>> -> memref<125x16xf32, #tpu.memory_space<vmem>>
        %dma_start3A_76 = arith.constant 0 : i32
        %dma_start3A_77 = tpu.memref_slice %arg6[%add3A_42, %dma_start3A_76] : memref<40x125xi32, #tpu.memory_space<vmem>> -> memref<1x125xi32, #tpu.memory_space<vmem>>
        %dma_start3A_78 = tpu.memref_squeeze %dma_start3A_77 : memref<1x125xi32, #tpu.memory_space<vmem>> -> memref<125xi32, #tpu.memory_space<vmem>>
        %dma_start3A_79 = arith.constant 0 : i32
        %dma_start3A_80 = arith.constant 0 : i32
        %dma_start3A_81 = tpu.memref_slice %arg9[%dma_start3A_79, %dma_start3A_80] : memref<10240x16xf32, #tpu.memory_space<vmem_shared>> -> memref<10240x16xf32, #tpu.memory_space<vmem_shared>>
        tpu.enqueue_indirect_dma source(%dma_start3A_75 : memref<125x16xf32, #tpu.memory_space<vmem>>) target(%dma_start3A_81 : memref<10240x16xf32, #tpu.memory_space<vmem_shared>>) offsets(%dma_start3A_78 : memref<125xi32, #tpu.memory_space<vmem>>) semaphore(%run_scoped3A : memref<!tpu.dma_semaphore, #tpu.memory_space<semaphore_mem>>) {add = true}
        %dma_wait3A = arith.constant 0 : i32
        %dma_wait3A_82 = tpu.memref_slice %arg7[%mul3A_44, %dma_wait3A] : memref<5000x16xf32, #tpu.memory_space<vmem>> -> memref<125x16xf32, #tpu.memory_space<vmem>>
        %dma_wait3A_83 = arith.constant 0 : i32
        %dma_wait3A_84 = tpu.memref_slice %arg6[%add3A_42, %dma_wait3A_83] : memref<40x125xi32, #tpu.memory_space<vmem>> -> memref<1x125xi32, #tpu.memory_space<vmem>>
        %dma_wait3A_85 = tpu.memref_squeeze %dma_wait3A_84 : memref<1x125xi32, #tpu.memory_space<vmem>> -> memref<125xi32, #tpu.memory_space<vmem>>
        %dma_wait3A_86 = arith.constant 0 : i32
        %dma_wait3A_87 = arith.constant 0 : i32
        %dma_wait3A_88 = tpu.memref_slice %arg9[%dma_wait3A_86, %dma_wait3A_87] : memref<10240x16xf32, #tpu.memory_space<vmem_shared>> -> memref<10240x16xf32, #tpu.memory_space<vmem_shared>>
        tpu.wait_indirect_dma semaphore(%run_scoped3A : memref<!tpu.dma_semaphore, #tpu.memory_space<semaphore_mem>>) src(%dma_wait3A_82 : memref<125x16xf32, #tpu.memory_space<vmem>>) dst(%dma_wait3A_88 : memref<10240x16xf32, #tpu.memory_space<vmem_shared>>)
        tpu.yield
      }) : () -> ()
      %mul3A_45 = arith.constant 8 : i32
      %mul3A_46 = arith.muli %scan3A_26, %mul3A_45 : i32
      %add3A_47 = arith.constant 3 : i32
      %add3A_48 = arith.addi %mul3A_46, %add3A_47 : i32
      %mul3A_49 = arith.constant 125 : i32
      %mul3A_50 = arith.muli %add3A_48, %mul3A_49 : i32
      "tpu.region"() ({
        %run_scoped3A = tpu.sem_alloc : memref<!tpu.dma_semaphore, #tpu.memory_space<semaphore_mem>>
        %dma_start3A = arith.constant 0 : i32
        %dma_start3A_75 = tpu.memref_slice %arg7[%mul3A_50, %dma_start3A] : memref<5000x16xf32, #tpu.memory_space<vmem>> -> memref<125x16xf32, #tpu.memory_space<vmem>>
        %dma_start3A_76 = arith.constant 0 : i32
        %dma_start3A_77 = tpu.memref_slice %arg6[%add3A_48, %dma_start3A_76] : memref<40x125xi32, #tpu.memory_space<vmem>> -> memref<1x125xi32, #tpu.memory_space<vmem>>
        %dma_start3A_78 = tpu.memref_squeeze %dma_start3A_77 : memref<1x125xi32, #tpu.memory_space<vmem>> -> memref<125xi32, #tpu.memory_space<vmem>>
        %dma_start3A_79 = arith.constant 0 : i32
        %dma_start3A_80 = arith.constant 0 : i32
        %dma_start3A_81 = tpu.memref_slice %arg9[%dma_start3A_79, %dma_start3A_80] : memref<10240x16xf32, #tpu.memory_space<vmem_shared>> -> memref<10240x16xf32, #tpu.memory_space<vmem_shared>>
        tpu.enqueue_indirect_dma source(%dma_start3A_75 : memref<125x16xf32, #tpu.memory_space<vmem>>) target(%dma_start3A_81 : memref<10240x16xf32, #tpu.memory_space<vmem_shared>>) offsets(%dma_start3A_78 : memref<125xi32, #tpu.memory_space<vmem>>) semaphore(%run_scoped3A : memref<!tpu.dma_semaphore, #tpu.memory_space<semaphore_mem>>) {add = true}
        %dma_wait3A = arith.constant 0 : i32
        %dma_wait3A_82 = tpu.memref_slice %arg7[%mul3A_50, %dma_wait3A] : memref<5000x16xf32, #tpu.memory_space<vmem>> -> memref<125x16xf32, #tpu.memory_space<vmem>>
        %dma_wait3A_83 = arith.constant 0 : i32
        %dma_wait3A_84 = tpu.memref_slice %arg6[%add3A_48, %dma_wait3A_83] : memref<40x125xi32, #tpu.memory_space<vmem>> -> memref<1x125xi32, #tpu.memory_space<vmem>>
        %dma_wait3A_85 = tpu.memref_squeeze %dma_wait3A_84 : memref<1x125xi32, #tpu.memory_space<vmem>> -> memref<125xi32, #tpu.memory_space<vmem>>
        %dma_wait3A_86 = arith.constant 0 : i32
        %dma_wait3A_87 = arith.constant 0 : i32
        %dma_wait3A_88 = tpu.memref_slice %arg9[%dma_wait3A_86, %dma_wait3A_87] : memref<10240x16xf32, #tpu.memory_space<vmem_shared>> -> memref<10240x16xf32, #tpu.memory_space<vmem_shared>>
        tpu.wait_indirect_dma semaphore(%run_scoped3A : memref<!tpu.dma_semaphore, #tpu.memory_space<semaphore_mem>>) src(%dma_wait3A_82 : memref<125x16xf32, #tpu.memory_space<vmem>>) dst(%dma_wait3A_88 : memref<10240x16xf32, #tpu.memory_space<vmem_shared>>)
        tpu.yield
      }) : () -> ()
      %mul3A_51 = arith.constant 8 : i32
      %mul3A_52 = arith.muli %scan3A_26, %mul3A_51 : i32
      %add3A_53 = arith.constant 4 : i32
      %add3A_54 = arith.addi %mul3A_52, %add3A_53 : i32
      %mul3A_55 = arith.constant 125 : i32
      %mul3A_56 = arith.muli %add3A_54, %mul3A_55 : i32
      "tpu.region"() ({
        %run_scoped3A = tpu.sem_alloc : memref<!tpu.dma_semaphore, #tpu.memory_space<semaphore_mem>>
        %dma_start3A = arith.constant 0 : i32
        %dma_start3A_75 = tpu.memref_slice %arg7[%mul3A_56, %dma_start3A] : memref<5000x16xf32, #tpu.memory_space<vmem>> -> memref<125x16xf32, #tpu.memory_space<vmem>>
        %dma_start3A_76 = arith.constant 0 : i32
        %dma_start3A_77 = tpu.memref_slice %arg6[%add3A_54, %dma_start3A_76] : memref<40x125xi32, #tpu.memory_space<vmem>> -> memref<1x125xi32, #tpu.memory_space<vmem>>
        %dma_start3A_78 = tpu.memref_squeeze %dma_start3A_77 : memref<1x125xi32, #tpu.memory_space<vmem>> -> memref<125xi32, #tpu.memory_space<vmem>>
        %dma_start3A_79 = arith.constant 0 : i32
        %dma_start3A_80 = arith.constant 0 : i32
        %dma_start3A_81 = tpu.memref_slice %arg9[%dma_start3A_79, %dma_start3A_80] : memref<10240x16xf32, #tpu.memory_space<vmem_shared>> -> memref<10240x16xf32, #tpu.memory_space<vmem_shared>>
        tpu.enqueue_indirect_dma source(%dma_start3A_75 : memref<125x16xf32, #tpu.memory_space<vmem>>) target(%dma_start3A_81 : memref<10240x16xf32, #tpu.memory_space<vmem_shared>>) offsets(%dma_start3A_78 : memref<125xi32, #tpu.memory_space<vmem>>) semaphore(%run_scoped3A : memref<!tpu.dma_semaphore, #tpu.memory_space<semaphore_mem>>) {add = true}
        %dma_wait3A = arith.constant 0 : i32
        %dma_wait3A_82 = tpu.memref_slice %arg7[%mul3A_56, %dma_wait3A] : memref<5000x16xf32, #tpu.memory_space<vmem>> -> memref<125x16xf32, #tpu.memory_space<vmem>>
        %dma_wait3A_83 = arith.constant 0 : i32
        %dma_wait3A_84 = tpu.memref_slice %arg6[%add3A_54, %dma_wait3A_83] : memref<40x125xi32, #tpu.memory_space<vmem>> -> memref<1x125xi32, #tpu.memory_space<vmem>>
        %dma_wait3A_85 = tpu.memref_squeeze %dma_wait3A_84 : memref<1x125xi32, #tpu.memory_space<vmem>> -> memref<125xi32, #tpu.memory_space<vmem>>
        %dma_wait3A_86 = arith.constant 0 : i32
        %dma_wait3A_87 = arith.constant 0 : i32
        %dma_wait3A_88 = tpu.memref_slice %arg9[%dma_wait3A_86, %dma_wait3A_87] : memref<10240x16xf32, #tpu.memory_space<vmem_shared>> -> memref<10240x16xf32, #tpu.memory_space<vmem_shared>>
        tpu.wait_indirect_dma semaphore(%run_scoped3A : memref<!tpu.dma_semaphore, #tpu.memory_space<semaphore_mem>>) src(%dma_wait3A_82 : memref<125x16xf32, #tpu.memory_space<vmem>>) dst(%dma_wait3A_88 : memref<10240x16xf32, #tpu.memory_space<vmem_shared>>)
        tpu.yield
      }) : () -> ()
      %mul3A_57 = arith.constant 8 : i32
      %mul3A_58 = arith.muli %scan3A_26, %mul3A_57 : i32
      %add3A_59 = arith.constant 5 : i32
      %add3A_60 = arith.addi %mul3A_58, %add3A_59 : i32
      %mul3A_61 = arith.constant 125 : i32
      %mul3A_62 = arith.muli %add3A_60, %mul3A_61 : i32
      "tpu.region"() ({
        %run_scoped3A = tpu.sem_alloc : memref<!tpu.dma_semaphore, #tpu.memory_space<semaphore_mem>>
        %dma_start3A = arith.constant 0 : i32
        %dma_start3A_75 = tpu.memref_slice %arg7[%mul3A_62, %dma_start3A] : memref<5000x16xf32, #tpu.memory_space<vmem>> -> memref<125x16xf32, #tpu.memory_space<vmem>>
        %dma_start3A_76 = arith.constant 0 : i32
        %dma_start3A_77 = tpu.memref_slice %arg6[%add3A_60, %dma_start3A_76] : memref<40x125xi32, #tpu.memory_space<vmem>> -> memref<1x125xi32, #tpu.memory_space<vmem>>
        %dma_start3A_78 = tpu.memref_squeeze %dma_start3A_77 : memref<1x125xi32, #tpu.memory_space<vmem>> -> memref<125xi32, #tpu.memory_space<vmem>>
        %dma_start3A_79 = arith.constant 0 : i32
        %dma_start3A_80 = arith.constant 0 : i32
        %dma_start3A_81 = tpu.memref_slice %arg9[%dma_start3A_79, %dma_start3A_80] : memref<10240x16xf32, #tpu.memory_space<vmem_shared>> -> memref<10240x16xf32, #tpu.memory_space<vmem_shared>>
        tpu.enqueue_indirect_dma source(%dma_start3A_75 : memref<125x16xf32, #tpu.memory_space<vmem>>) target(%dma_start3A_81 : memref<10240x16xf32, #tpu.memory_space<vmem_shared>>) offsets(%dma_start3A_78 : memref<125xi32, #tpu.memory_space<vmem>>) semaphore(%run_scoped3A : memref<!tpu.dma_semaphore, #tpu.memory_space<semaphore_mem>>) {add = true}
        %dma_wait3A = arith.constant 0 : i32
        %dma_wait3A_82 = tpu.memref_slice %arg7[%mul3A_62, %dma_wait3A] : memref<5000x16xf32, #tpu.memory_space<vmem>> -> memref<125x16xf32, #tpu.memory_space<vmem>>
        %dma_wait3A_83 = arith.constant 0 : i32
        %dma_wait3A_84 = tpu.memref_slice %arg6[%add3A_60, %dma_wait3A_83] : memref<40x125xi32, #tpu.memory_space<vmem>> -> memref<1x125xi32, #tpu.memory_space<vmem>>
        %dma_wait3A_85 = tpu.memref_squeeze %dma_wait3A_84 : memref<1x125xi32, #tpu.memory_space<vmem>> -> memref<125xi32, #tpu.memory_space<vmem>>
        %dma_wait3A_86 = arith.constant 0 : i32
        %dma_wait3A_87 = arith.constant 0 : i32
        %dma_wait3A_88 = tpu.memref_slice %arg9[%dma_wait3A_86, %dma_wait3A_87] : memref<10240x16xf32, #tpu.memory_space<vmem_shared>> -> memref<10240x16xf32, #tpu.memory_space<vmem_shared>>
        tpu.wait_indirect_dma semaphore(%run_scoped3A : memref<!tpu.dma_semaphore, #tpu.memory_space<semaphore_mem>>) src(%dma_wait3A_82 : memref<125x16xf32, #tpu.memory_space<vmem>>) dst(%dma_wait3A_88 : memref<10240x16xf32, #tpu.memory_space<vmem_shared>>)
        tpu.yield
      }) : () -> ()
      %mul3A_63 = arith.constant 8 : i32
      %mul3A_64 = arith.muli %scan3A_26, %mul3A_63 : i32
      %add3A_65 = arith.constant 6 : i32
      %add3A_66 = arith.addi %mul3A_64, %add3A_65 : i32
      %mul3A_67 = arith.constant 125 : i32
      %mul3A_68 = arith.muli %add3A_66, %mul3A_67 : i32
      "tpu.region"() ({
        %run_scoped3A = tpu.sem_alloc : memref<!tpu.dma_semaphore, #tpu.memory_space<semaphore_mem>>
        %dma_start3A = arith.constant 0 : i32
        %dma_start3A_75 = tpu.memref_slice %arg7[%mul3A_68, %dma_start3A] : memref<5000x16xf32, #tpu.memory_space<vmem>> -> memref<125x16xf32, #tpu.memory_space<vmem>>
        %dma_start3A_76 = arith.constant 0 : i32
        %dma_start3A_77 = tpu.memref_slice %arg6[%add3A_66, %dma_start3A_76] : memref<40x125xi32, #tpu.memory_space<vmem>> -> memref<1x125xi32, #tpu.memory_space<vmem>>
        %dma_start3A_78 = tpu.memref_squeeze %dma_start3A_77 : memref<1x125xi32, #tpu.memory_space<vmem>> -> memref<125xi32, #tpu.memory_space<vmem>>
        %dma_start3A_79 = arith.constant 0 : i32
        %dma_start3A_80 = arith.constant 0 : i32
        %dma_start3A_81 = tpu.memref_slice %arg9[%dma_start3A_79, %dma_start3A_80] : memref<10240x16xf32, #tpu.memory_space<vmem_shared>> -> memref<10240x16xf32, #tpu.memory_space<vmem_shared>>
        tpu.enqueue_indirect_dma source(%dma_start3A_75 : memref<125x16xf32, #tpu.memory_space<vmem>>) target(%dma_start3A_81 : memref<10240x16xf32, #tpu.memory_space<vmem_shared>>) offsets(%dma_start3A_78 : memref<125xi32, #tpu.memory_space<vmem>>) semaphore(%run_scoped3A : memref<!tpu.dma_semaphore, #tpu.memory_space<semaphore_mem>>) {add = true}
        %dma_wait3A = arith.constant 0 : i32
        %dma_wait3A_82 = tpu.memref_slice %arg7[%mul3A_68, %dma_wait3A] : memref<5000x16xf32, #tpu.memory_space<vmem>> -> memref<125x16xf32, #tpu.memory_space<vmem>>
        %dma_wait3A_83 = arith.constant 0 : i32
        %dma_wait3A_84 = tpu.memref_slice %arg6[%add3A_66, %dma_wait3A_83] : memref<40x125xi32, #tpu.memory_space<vmem>> -> memref<1x125xi32, #tpu.memory_space<vmem>>
        %dma_wait3A_85 = tpu.memref_squeeze %dma_wait3A_84 : memref<1x125xi32, #tpu.memory_space<vmem>> -> memref<125xi32, #tpu.memory_space<vmem>>
        %dma_wait3A_86 = arith.constant 0 : i32
        %dma_wait3A_87 = arith.constant 0 : i32
        %dma_wait3A_88 = tpu.memref_slice %arg9[%dma_wait3A_86, %dma_wait3A_87] : memref<10240x16xf32, #tpu.memory_space<vmem_shared>> -> memref<10240x16xf32, #tpu.memory_space<vmem_shared>>
        tpu.wait_indirect_dma semaphore(%run_scoped3A : memref<!tpu.dma_semaphore, #tpu.memory_space<semaphore_mem>>) src(%dma_wait3A_82 : memref<125x16xf32, #tpu.memory_space<vmem>>) dst(%dma_wait3A_88 : memref<10240x16xf32, #tpu.memory_space<vmem_shared>>)
        tpu.yield
      }) : () -> ()
      %mul3A_69 = arith.constant 8 : i32
      %mul3A_70 = arith.muli %scan3A_26, %mul3A_69 : i32
      %add3A_71 = arith.constant 7 : i32
      %add3A_72 = arith.addi %mul3A_70, %add3A_71 : i32
      %mul3A_73 = arith.constant 125 : i32
      %mul3A_74 = arith.muli %add3A_72, %mul3A_73 : i32
      "tpu.region"() ({
        %run_scoped3A = tpu.sem_alloc : memref<!tpu.dma_semaphore, #tpu.memory_space<semaphore_mem>>
        %dma_start3A = arith.constant 0 : i32
        %dma_start3A_75 = tpu.memref_slice %arg7[%mul3A_74, %dma_start3A] : memref<5000x16xf32, #tpu.memory_space<vmem>> -> memref<125x16xf32, #tpu.memory_space<vmem>>
        %dma_start3A_76 = arith.constant 0 : i32
        %dma_start3A_77 = tpu.memref_slice %arg6[%add3A_72, %dma_start3A_76] : memref<40x125xi32, #tpu.memory_space<vmem>> -> memref<1x125xi32, #tpu.memory_space<vmem>>
        %dma_start3A_78 = tpu.memref_squeeze %dma_start3A_77 : memref<1x125xi32, #tpu.memory_space<vmem>> -> memref<125xi32, #tpu.memory_space<vmem>>
        %dma_start3A_79 = arith.constant 0 : i32
        %dma_start3A_80 = arith.constant 0 : i32
        %dma_start3A_81 = tpu.memref_slice %arg9[%dma_start3A_79, %dma_start3A_80] : memref<10240x16xf32, #tpu.memory_space<vmem_shared>> -> memref<10240x16xf32, #tpu.memory_space<vmem_shared>>
        tpu.enqueue_indirect_dma source(%dma_start3A_75 : memref<125x16xf32, #tpu.memory_space<vmem>>) target(%dma_start3A_81 : memref<10240x16xf32, #tpu.memory_space<vmem_shared>>) offsets(%dma_start3A_78 : memref<125xi32, #tpu.memory_space<vmem>>) semaphore(%run_scoped3A : memref<!tpu.dma_semaphore, #tpu.memory_space<semaphore_mem>>) {add = true}
        %dma_wait3A = arith.constant 0 : i32
        %dma_wait3A_82 = tpu.memref_slice %arg7[%mul3A_74, %dma_wait3A] : memref<5000x16xf32, #tpu.memory_space<vmem>> -> memref<125x16xf32, #tpu.memory_space<vmem>>
        %dma_wait3A_83 = arith.constant 0 : i32
        %dma_wait3A_84 = tpu.memref_slice %arg6[%add3A_72, %dma_wait3A_83] : memref<40x125xi32, #tpu.memory_space<vmem>> -> memref<1x125xi32, #tpu.memory_space<vmem>>
        %dma_wait3A_85 = tpu.memref_squeeze %dma_wait3A_84 : memref<1x125xi32, #tpu.memory_space<vmem>> -> memref<125xi32, #tpu.memory_space<vmem>>
        %dma_wait3A_86 = arith.constant 0 : i32
        %dma_wait3A_87 = arith.constant 0 : i32
        %dma_wait3A_88 = tpu.memref_slice %arg9[%dma_wait3A_86, %dma_wait3A_87] : memref<10240x16xf32, #tpu.memory_space<vmem_shared>> -> memref<10240x16xf32, #tpu.memory_space<vmem_shared>>
        tpu.wait_indirect_dma semaphore(%run_scoped3A : memref<!tpu.dma_semaphore, #tpu.memory_space<semaphore_mem>>) src(%dma_wait3A_82 : memref<125x16xf32, #tpu.memory_space<vmem>>) dst(%dma_wait3A_88 : memref<10240x16xf32, #tpu.memory_space<vmem_shared>>)
        tpu.yield
      }) : () -> ()
    }
    %scan3A_15 = arith.constant 5 : i32
    %barrier3A_16 = arith.constant 0 : index
    tpu.barrier barrier_id(%barrier3A_16)
    %mul3A_17 = arith.constant 640 : i32
    %mul3A_18 = arith.muli %arg1, %mul3A_17 : i32
    "tpu.region"() ({
      %run_scoped3A = tpu.sem_alloc : memref<!tpu.dma_semaphore, #tpu.memory_space<semaphore_mem>>
      %dma_start3A = arith.constant 0 : i32
      %dma_start3A_26 = tpu.memref_slice %arg9[%mul3A_18, %dma_start3A] : memref<10240x16xf32, #tpu.memory_space<vmem_shared>> -> memref<640x16xf32, #tpu.memory_space<vmem_shared>>
      %dma_start3A_27 = arith.constant 0 : i32
      %dma_start3A_28 = tpu.memref_slice %arg9[%mul3A_18, %dma_start3A_27] : memref<10240x16xf32, #tpu.memory_space<vmem_shared>> -> memref<640x16xf32, #tpu.memory_space<vmem_shared>>
      tpu.enqueue_dma source(%dma_start3A_28 : memref<640x16xf32, #tpu.memory_space<vmem_shared>>) target(%arg8 : memref<640x16xf32, #tpu.memory_space<vmem>>) target_semaphore(%run_scoped3A : memref<!tpu.dma_semaphore, #tpu.memory_space<semaphore_mem>>)
      %dma_wait3A = arith.constant 0 : i32
      %dma_wait3A_29 = tpu.memref_slice %arg9[%mul3A_18, %dma_wait3A] : memref<10240x16xf32, #tpu.memory_space<vmem_shared>> -> memref<640x16xf32, #tpu.memory_space<vmem_shared>>
      %dma_wait3A_30 = arith.constant 0 : i32
      %dma_wait3A_31 = tpu.memref_slice %arg9[%mul3A_18, %dma_wait3A_30] : memref<10240x16xf32, #tpu.memory_space<vmem_shared>> -> memref<640x16xf32, #tpu.memory_space<vmem_shared>>
      tpu.wait_dma2 semaphore(%run_scoped3A : memref<!tpu.dma_semaphore, #tpu.memory_space<semaphore_mem>>) src(%dma_wait3A_31 : memref<640x16xf32, #tpu.memory_space<vmem_shared>>) dst(%arg8 : memref<640x16xf32, #tpu.memory_space<vmem>>)
      tpu.yield
    }) : () -> ()
    %eq3A = arith.constant 0 : i32
    %eq3A_19 = arith.cmpi eq, %arg0, %eq3A : i32
    %convert_element_type3A = arith.extui %eq3A_19 : i1 to i32
    %cond3A = arith.constant 0 : i32
    %cond3A_20 = arith.cmpi ne, %convert_element_type3A, %cond3A : i32
    scf.if %cond3A_20 {
      %mul3A_26 = arith.constant 640 : i32
      %mul3A_27 = arith.muli %arg1, %mul3A_26 : i32
      "tpu.region"() ({
        %run_scoped3A = tpu.sem_alloc : memref<!tpu.dma_semaphore, #tpu.memory_space<semaphore_mem>>
        %dma_start3A = arith.constant 0 : i32
        %dma_start3A_28 = tpu.memref_slice %arg4[%mul3A_27, %dma_start3A] : memref<10240x16xf32, #tpu.memory_space<hbm>> -> memref<640x16xf32, #tpu.memory_space<hbm>>
        %dma_start3A_29 = arith.constant 0 : i32
        %dma_start3A_30 = tpu.memref_slice %arg4[%mul3A_27, %dma_start3A_29] : memref<10240x16xf32, #tpu.memory_space<hbm>> -> memref<640x16xf32, #tpu.memory_space<hbm>>
        tpu.enqueue_dma source(%arg8 : memref<640x16xf32, #tpu.memory_space<vmem>>) target(%dma_start3A_30 : memref<640x16xf32, #tpu.memory_space<hbm>>) target_semaphore(%run_scoped3A : memref<!tpu.dma_semaphore, #tpu.memory_space<semaphore_mem>>)
        %dma_wait3A = arith.constant 0 : i32
        %dma_wait3A_31 = tpu.memref_slice %arg4[%mul3A_27, %dma_wait3A] : memref<10240x16xf32, #tpu.memory_space<hbm>> -> memref<640x16xf32, #tpu.memory_space<hbm>>
        %dma_wait3A_32 = arith.constant 0 : i32
        %dma_wait3A_33 = tpu.memref_slice %arg4[%mul3A_27, %dma_wait3A_32] : memref<10240x16xf32, #tpu.memory_space<hbm>> -> memref<640x16xf32, #tpu.memory_space<hbm>>
        tpu.wait_dma2 semaphore(%run_scoped3A : memref<!tpu.dma_semaphore, #tpu.memory_space<semaphore_mem>>) src(%arg8 : memref<640x16xf32, #tpu.memory_space<vmem>>) dst(%dma_wait3A_33 : memref<640x16xf32, #tpu.memory_space<hbm>>)
        tpu.yield
      }) : () -> ()
    } else {
    }
    %eq3A_21 = arith.constant 1 : i32
    %eq3A_22 = arith.cmpi eq, %arg0, %eq3A_21 : i32
    %convert_element_type3A_23 = arith.extui %eq3A_22 : i1 to i32
    %cond3A_24 = arith.constant 0 : i32
    %cond3A_25 = arith.cmpi ne, %convert_element_type3A_23, %cond3A_24 : i32
    scf.if %cond3A_25 {
      %mul3A_26 = arith.constant 640 : i32
      %mul3A_27 = arith.muli %arg1, %mul3A_26 : i32
      "tpu.region"() ({
        %run_scoped3A = tpu.sem_alloc : memref<!tpu.dma_semaphore, #tpu.memory_space<semaphore_mem>>
        %dma_start3A = arith.constant 0 : i32
        %dma_start3A_28 = tpu.memref_slice %arg5[%mul3A_27, %dma_start3A] : memref<10240x16xf32, #tpu.memory_space<hbm>> -> memref<640x16xf32, #tpu.memory_space<hbm>>
        %dma_start3A_29 = arith.constant 0 : i32
        %dma_start3A_30 = tpu.memref_slice %arg5[%mul3A_27, %dma_start3A_29] : memref<10240x16xf32, #tpu.memory_space<hbm>> -> memref<640x16xf32, #tpu.memory_space<hbm>>
        tpu.enqueue_dma source(%arg8 : memref<640x16xf32, #tpu.memory_space<vmem>>) target(%dma_start3A_30 : memref<640x16xf32, #tpu.memory_space<hbm>>) target_semaphore(%run_scoped3A : memref<!tpu.dma_semaphore, #tpu.memory_space<semaphore_mem>>)
        %dma_wait3A = arith.constant 0 : i32
        %dma_wait3A_31 = tpu.memref_slice %arg5[%mul3A_27, %dma_wait3A] : memref<10240x16xf32, #tpu.memory_space<hbm>> -> memref<640x16xf32, #tpu.memory_space<hbm>>
        %dma_wait3A_32 = arith.constant 0 : i32
        %dma_wait3A_33 = tpu.memref_slice %arg5[%mul3A_27, %dma_wait3A_32] : memref<10240x16xf32, #tpu.memory_space<hbm>> -> memref<640x16xf32, #tpu.memory_space<hbm>>
        tpu.wait_dma2 semaphore(%run_scoped3A : memref<!tpu.dma_semaphore, #tpu.memory_space<semaphore_mem>>) src(%arg8 : memref<640x16xf32, #tpu.memory_space<vmem>>) dst(%dma_wait3A_33 : memref<640x16xf32, #tpu.memory_space<hbm>>)
        tpu.yield
      }) : () -> ()
    } else {
    }
    return
  }
}

#map = affine_map<(d0, d1) -> (0, 0, 0)>
#map1 = affine_map<(d0, d1) -> (0, 0)>
module attributes {stable_mosaic.version = 14 : i64} {
  func.func @_gather2_body(%arg0: i32, %arg1: i32, %arg2: memref<32x40x125xi32, #tpu.memory_space<hbm>>, %arg3: memref<10240x16xf32, #tpu.memory_space<hbm>>, %arg4: memref<10240x16xf32, #tpu.memory_space<hbm>>, %arg5: memref<160000x16xf32, #tpu.memory_space<hbm>>, %arg6: memref<160000x16xf32, #tpu.memory_space<hbm>>, %arg7: memref<40x125xi32, #tpu.memory_space<vmem>>, %arg8: memref<1000x16xf32, #tpu.memory_space<vmem>>, %arg9: memref<1000x16xf32, #tpu.memory_space<vmem>>, %arg10: memref<!tpu.dma_semaphore, #tpu.memory_space<semaphore_mem>>) attributes {dimension_semantics = [#tpu.dimension_semantics<core_parallel>, #tpu.dimension_semantics<subcore_parallel>], iteration_bounds = array<i64: 2, 16>, scalar_prefetch = 0 : i64, scratch_operands = 4 : i64, tpu.core_type = #tpu.core_type<sc_vector_subcore>, window_params = [{transform_indices = #map}, {transform_indices = #map1}, {transform_indices = #map1}, {transform_indices = #map1}, {transform_indices = #map1}]} {
    %mul3A = arith.constant 16 : i32
    %mul3A_0 = arith.muli %arg0, %mul3A : i32
    %add3A = arith.addi %mul3A_0, %arg1 : i32
    "tpu.region"() ({
      %run_scoped3A = tpu.sem_alloc : memref<!tpu.dma_semaphore, #tpu.memory_space<semaphore_mem>>
      %dma_start3A = arith.constant 0 : i32
      %dma_start3A_6 = arith.constant 0 : i32
      %dma_start3A_7 = tpu.memref_slice %arg2[%add3A, %dma_start3A, %dma_start3A_6] : memref<32x40x125xi32, #tpu.memory_space<hbm>> -> memref<1x40x125xi32, #tpu.memory_space<hbm>>
      %dma_start3A_8 = tpu.memref_squeeze %dma_start3A_7 : memref<1x40x125xi32, #tpu.memory_space<hbm>> -> memref<40x125xi32, #tpu.memory_space<hbm>>
      %dma_start3A_9 = arith.constant 0 : i32
      %dma_start3A_10 = arith.constant 0 : i32
      %dma_start3A_11 = tpu.memref_slice %arg2[%add3A, %dma_start3A_9, %dma_start3A_10] : memref<32x40x125xi32, #tpu.memory_space<hbm>> -> memref<1x40x125xi32, #tpu.memory_space<hbm>>
      %dma_start3A_12 = tpu.memref_squeeze %dma_start3A_11 : memref<1x40x125xi32, #tpu.memory_space<hbm>> -> memref<40x125xi32, #tpu.memory_space<hbm>>
      tpu.enqueue_dma source(%dma_start3A_12 : memref<40x125xi32, #tpu.memory_space<hbm>>) target(%arg7 : memref<40x125xi32, #tpu.memory_space<vmem>>) target_semaphore(%run_scoped3A : memref<!tpu.dma_semaphore, #tpu.memory_space<semaphore_mem>>)
      %dma_wait3A = arith.constant 0 : i32
      %dma_wait3A_13 = arith.constant 0 : i32
      %dma_wait3A_14 = tpu.memref_slice %arg2[%add3A, %dma_wait3A, %dma_wait3A_13] : memref<32x40x125xi32, #tpu.memory_space<hbm>> -> memref<1x40x125xi32, #tpu.memory_space<hbm>>
      %dma_wait3A_15 = tpu.memref_squeeze %dma_wait3A_14 : memref<1x40x125xi32, #tpu.memory_space<hbm>> -> memref<40x125xi32, #tpu.memory_space<hbm>>
      %dma_wait3A_16 = arith.constant 0 : i32
      %dma_wait3A_17 = arith.constant 0 : i32
      %dma_wait3A_18 = tpu.memref_slice %arg2[%add3A, %dma_wait3A_16, %dma_wait3A_17] : memref<32x40x125xi32, #tpu.memory_space<hbm>> -> memref<1x40x125xi32, #tpu.memory_space<hbm>>
      %dma_wait3A_19 = tpu.memref_squeeze %dma_wait3A_18 : memref<1x40x125xi32, #tpu.memory_space<hbm>> -> memref<40x125xi32, #tpu.memory_space<hbm>>
      tpu.wait_dma2 semaphore(%run_scoped3A : memref<!tpu.dma_semaphore, #tpu.memory_space<semaphore_mem>>) src(%dma_wait3A_19 : memref<40x125xi32, #tpu.memory_space<hbm>>) dst(%arg7 : memref<40x125xi32, #tpu.memory_space<vmem>>)
      tpu.yield
    }) : () -> ()
    %scan3A = arith.constant 0 : i32
    %scan3A_1 = arith.constant 0 : i32
    %scan3A_2 = arith.constant 5 : i32
    %scan3A_3 = arith.addi %scan3A_1, %scan3A_2 : i32
    %scan3A_4 = arith.constant 1 : i32
    scf.for %scan3A_6 = %scan3A_1 to %scan3A_3 step %scan3A_4  : i32 {
      %mul3A_7 = arith.constant 8 : i32
      %mul3A_8 = arith.muli %scan3A_6, %mul3A_7 : i32
      %add3A_9 = arith.constant 0 : i32
      %add3A_10 = arith.addi %mul3A_8, %add3A_9 : i32
      %dma_start3A = arith.constant 0 : i32
      %dma_start3A_11 = arith.constant 0 : i32
      %dma_start3A_12 = tpu.memref_slice %arg8[%dma_start3A, %dma_start3A_11] : memref<1000x16xf32, #tpu.memory_space<vmem>> -> memref<125x16xf32, #tpu.memory_space<vmem>>
      %dma_start3A_13 = arith.constant 0 : i32
      %dma_start3A_14 = tpu.memref_slice %arg7[%add3A_10, %dma_start3A_13] : memref<40x125xi32, #tpu.memory_space<vmem>> -> memref<1x125xi32, #tpu.memory_space<vmem>>
      %dma_start3A_15 = tpu.memref_squeeze %dma_start3A_14 : memref<1x125xi32, #tpu.memory_space<vmem>> -> memref<125xi32, #tpu.memory_space<vmem>>
      %dma_start3A_16 = arith.constant 0 : i32
      %dma_start3A_17 = arith.constant 0 : i32
      %dma_start3A_18 = tpu.memref_slice %arg3[%dma_start3A_16, %dma_start3A_17] : memref<10240x16xf32, #tpu.memory_space<hbm>> -> memref<10240x16xf32, #tpu.memory_space<hbm>>
      tpu.enqueue_indirect_dma source(%dma_start3A_18 : memref<10240x16xf32, #tpu.memory_space<hbm>>) target(%dma_start3A_12 : memref<125x16xf32, #tpu.memory_space<vmem>>) offsets(%dma_start3A_15 : memref<125xi32, #tpu.memory_space<vmem>>) semaphore(%arg10 : memref<!tpu.dma_semaphore, #tpu.memory_space<semaphore_mem>>)
      %dma_start3A_19 = arith.constant 0 : i32
      %dma_start3A_20 = arith.constant 0 : i32
      %dma_start3A_21 = tpu.memref_slice %arg9[%dma_start3A_19, %dma_start3A_20] : memref<1000x16xf32, #tpu.memory_space<vmem>> -> memref<125x16xf32, #tpu.memory_space<vmem>>
      %dma_start3A_22 = arith.constant 0 : i32
      %dma_start3A_23 = tpu.memref_slice %arg7[%add3A_10, %dma_start3A_22] : memref<40x125xi32, #tpu.memory_space<vmem>> -> memref<1x125xi32, #tpu.memory_space<vmem>>
      %dma_start3A_24 = tpu.memref_squeeze %dma_start3A_23 : memref<1x125xi32, #tpu.memory_space<vmem>> -> memref<125xi32, #tpu.memory_space<vmem>>
      %dma_start3A_25 = arith.constant 0 : i32
      %dma_start3A_26 = arith.constant 0 : i32
      %dma_start3A_27 = tpu.memref_slice %arg4[%dma_start3A_25, %dma_start3A_26] : memref<10240x16xf32, #tpu.memory_space<hbm>> -> memref<10240x16xf32, #tpu.memory_space<hbm>>
      tpu.enqueue_indirect_dma source(%dma_start3A_27 : memref<10240x16xf32, #tpu.memory_space<hbm>>) target(%dma_start3A_21 : memref<125x16xf32, #tpu.memory_space<vmem>>) offsets(%dma_start3A_24 : memref<125xi32, #tpu.memory_space<vmem>>) semaphore(%arg10 : memref<!tpu.dma_semaphore, #tpu.memory_space<semaphore_mem>>)
      %mul3A_28 = arith.constant 8 : i32
      %mul3A_29 = arith.muli %scan3A_6, %mul3A_28 : i32
      %add3A_30 = arith.constant 1 : i32
      %add3A_31 = arith.addi %mul3A_29, %add3A_30 : i32
      %dma_start3A_32 = arith.constant 125 : i32
      %dma_start3A_33 = arith.constant 0 : i32
      %dma_start3A_34 = tpu.memref_slice %arg8[%dma_start3A_32, %dma_start3A_33] : memref<1000x16xf32, #tpu.memory_space<vmem>> -> memref<125x16xf32, #tpu.memory_space<vmem>>
      %dma_start3A_35 = arith.constant 0 : i32
      %dma_start3A_36 = tpu.memref_slice %arg7[%add3A_31, %dma_start3A_35] : memref<40x125xi32, #tpu.memory_space<vmem>> -> memref<1x125xi32, #tpu.memory_space<vmem>>
      %dma_start3A_37 = tpu.memref_squeeze %dma_start3A_36 : memref<1x125xi32, #tpu.memory_space<vmem>> -> memref<125xi32, #tpu.memory_space<vmem>>
      %dma_start3A_38 = arith.constant 0 : i32
      %dma_start3A_39 = arith.constant 0 : i32
      %dma_start3A_40 = tpu.memref_slice %arg3[%dma_start3A_38, %dma_start3A_39] : memref<10240x16xf32, #tpu.memory_space<hbm>> -> memref<10240x16xf32, #tpu.memory_space<hbm>>
      tpu.enqueue_indirect_dma source(%dma_start3A_40 : memref<10240x16xf32, #tpu.memory_space<hbm>>) target(%dma_start3A_34 : memref<125x16xf32, #tpu.memory_space<vmem>>) offsets(%dma_start3A_37 : memref<125xi32, #tpu.memory_space<vmem>>) semaphore(%arg10 : memref<!tpu.dma_semaphore, #tpu.memory_space<semaphore_mem>>)
      %dma_start3A_41 = arith.constant 125 : i32
      %dma_start3A_42 = arith.constant 0 : i32
      %dma_start3A_43 = tpu.memref_slice %arg9[%dma_start3A_41, %dma_start3A_42] : memref<1000x16xf32, #tpu.memory_space<vmem>> -> memref<125x16xf32, #tpu.memory_space<vmem>>
      %dma_start3A_44 = arith.constant 0 : i32
      %dma_start3A_45 = tpu.memref_slice %arg7[%add3A_31, %dma_start3A_44] : memref<40x125xi32, #tpu.memory_space<vmem>> -> memref<1x125xi32, #tpu.memory_space<vmem>>
      %dma_start3A_46 = tpu.memref_squeeze %dma_start3A_45 : memref<1x125xi32, #tpu.memory_space<vmem>> -> memref<125xi32, #tpu.memory_space<vmem>>
      %dma_start3A_47 = arith.constant 0 : i32
      %dma_start3A_48 = arith.constant 0 : i32
      %dma_start3A_49 = tpu.memref_slice %arg4[%dma_start3A_47, %dma_start3A_48] : memref<10240x16xf32, #tpu.memory_space<hbm>> -> memref<10240x16xf32, #tpu.memory_space<hbm>>
      tpu.enqueue_indirect_dma source(%dma_start3A_49 : memref<10240x16xf32, #tpu.memory_space<hbm>>) target(%dma_start3A_43 : memref<125x16xf32, #tpu.memory_space<vmem>>) offsets(%dma_start3A_46 : memref<125xi32, #tpu.memory_space<vmem>>) semaphore(%arg10 : memref<!tpu.dma_semaphore, #tpu.memory_space<semaphore_mem>>)
      %mul3A_50 = arith.constant 8 : i32
      %mul3A_51 = arith.muli %scan3A_6, %mul3A_50 : i32
      %add3A_52 = arith.constant 2 : i32
      %add3A_53 = arith.addi %mul3A_51, %add3A_52 : i32
      %dma_start3A_54 = arith.constant 250 : i32
      %dma_start3A_55 = arith.constant 0 : i32
      %dma_start3A_56 = tpu.memref_slice %arg8[%dma_start3A_54, %dma_start3A_55] : memref<1000x16xf32, #tpu.memory_space<vmem>> -> memref<125x16xf32, #tpu.memory_space<vmem>>
      %dma_start3A_57 = arith.constant 0 : i32
      %dma_start3A_58 = tpu.memref_slice %arg7[%add3A_53, %dma_start3A_57] : memref<40x125xi32, #tpu.memory_space<vmem>> -> memref<1x125xi32, #tpu.memory_space<vmem>>
      %dma_start3A_59 = tpu.memref_squeeze %dma_start3A_58 : memref<1x125xi32, #tpu.memory_space<vmem>> -> memref<125xi32, #tpu.memory_space<vmem>>
      %dma_start3A_60 = arith.constant 0 : i32
      %dma_start3A_61 = arith.constant 0 : i32
      %dma_start3A_62 = tpu.memref_slice %arg3[%dma_start3A_60, %dma_start3A_61] : memref<10240x16xf32, #tpu.memory_space<hbm>> -> memref<10240x16xf32, #tpu.memory_space<hbm>>
      tpu.enqueue_indirect_dma source(%dma_start3A_62 : memref<10240x16xf32, #tpu.memory_space<hbm>>) target(%dma_start3A_56 : memref<125x16xf32, #tpu.memory_space<vmem>>) offsets(%dma_start3A_59 : memref<125xi32, #tpu.memory_space<vmem>>) semaphore(%arg10 : memref<!tpu.dma_semaphore, #tpu.memory_space<semaphore_mem>>)
      %dma_start3A_63 = arith.constant 250 : i32
      %dma_start3A_64 = arith.constant 0 : i32
      %dma_start3A_65 = tpu.memref_slice %arg9[%dma_start3A_63, %dma_start3A_64] : memref<1000x16xf32, #tpu.memory_space<vmem>> -> memref<125x16xf32, #tpu.memory_space<vmem>>
      %dma_start3A_66 = arith.constant 0 : i32
      %dma_start3A_67 = tpu.memref_slice %arg7[%add3A_53, %dma_start3A_66] : memref<40x125xi32, #tpu.memory_space<vmem>> -> memref<1x125xi32, #tpu.memory_space<vmem>>
      %dma_start3A_68 = tpu.memref_squeeze %dma_start3A_67 : memref<1x125xi32, #tpu.memory_space<vmem>> -> memref<125xi32, #tpu.memory_space<vmem>>
      %dma_start3A_69 = arith.constant 0 : i32
      %dma_start3A_70 = arith.constant 0 : i32
      %dma_start3A_71 = tpu.memref_slice %arg4[%dma_start3A_69, %dma_start3A_70] : memref<10240x16xf32, #tpu.memory_space<hbm>> -> memref<10240x16xf32, #tpu.memory_space<hbm>>
      tpu.enqueue_indirect_dma source(%dma_start3A_71 : memref<10240x16xf32, #tpu.memory_space<hbm>>) target(%dma_start3A_65 : memref<125x16xf32, #tpu.memory_space<vmem>>) offsets(%dma_start3A_68 : memref<125xi32, #tpu.memory_space<vmem>>) semaphore(%arg10 : memref<!tpu.dma_semaphore, #tpu.memory_space<semaphore_mem>>)
      %mul3A_72 = arith.constant 8 : i32
      %mul3A_73 = arith.muli %scan3A_6, %mul3A_72 : i32
      %add3A_74 = arith.constant 3 : i32
      %add3A_75 = arith.addi %mul3A_73, %add3A_74 : i32
      %dma_start3A_76 = arith.constant 375 : i32
      %dma_start3A_77 = arith.constant 0 : i32
      %dma_start3A_78 = tpu.memref_slice %arg8[%dma_start3A_76, %dma_start3A_77] : memref<1000x16xf32, #tpu.memory_space<vmem>> -> memref<125x16xf32, #tpu.memory_space<vmem>>
      %dma_start3A_79 = arith.constant 0 : i32
      %dma_start3A_80 = tpu.memref_slice %arg7[%add3A_75, %dma_start3A_79] : memref<40x125xi32, #tpu.memory_space<vmem>> -> memref<1x125xi32, #tpu.memory_space<vmem>>
      %dma_start3A_81 = tpu.memref_squeeze %dma_start3A_80 : memref<1x125xi32, #tpu.memory_space<vmem>> -> memref<125xi32, #tpu.memory_space<vmem>>
      %dma_start3A_82 = arith.constant 0 : i32
      %dma_start3A_83 = arith.constant 0 : i32
      %dma_start3A_84 = tpu.memref_slice %arg3[%dma_start3A_82, %dma_start3A_83] : memref<10240x16xf32, #tpu.memory_space<hbm>> -> memref<10240x16xf32, #tpu.memory_space<hbm>>
      tpu.enqueue_indirect_dma source(%dma_start3A_84 : memref<10240x16xf32, #tpu.memory_space<hbm>>) target(%dma_start3A_78 : memref<125x16xf32, #tpu.memory_space<vmem>>) offsets(%dma_start3A_81 : memref<125xi32, #tpu.memory_space<vmem>>) semaphore(%arg10 : memref<!tpu.dma_semaphore, #tpu.memory_space<semaphore_mem>>)
      %dma_start3A_85 = arith.constant 375 : i32
      %dma_start3A_86 = arith.constant 0 : i32
      %dma_start3A_87 = tpu.memref_slice %arg9[%dma_start3A_85, %dma_start3A_86] : memref<1000x16xf32, #tpu.memory_space<vmem>> -> memref<125x16xf32, #tpu.memory_space<vmem>>
      %dma_start3A_88 = arith.constant 0 : i32
      %dma_start3A_89 = tpu.memref_slice %arg7[%add3A_75, %dma_start3A_88] : memref<40x125xi32, #tpu.memory_space<vmem>> -> memref<1x125xi32, #tpu.memory_space<vmem>>
      %dma_start3A_90 = tpu.memref_squeeze %dma_start3A_89 : memref<1x125xi32, #tpu.memory_space<vmem>> -> memref<125xi32, #tpu.memory_space<vmem>>
      %dma_start3A_91 = arith.constant 0 : i32
      %dma_start3A_92 = arith.constant 0 : i32
      %dma_start3A_93 = tpu.memref_slice %arg4[%dma_start3A_91, %dma_start3A_92] : memref<10240x16xf32, #tpu.memory_space<hbm>> -> memref<10240x16xf32, #tpu.memory_space<hbm>>
      tpu.enqueue_indirect_dma source(%dma_start3A_93 : memref<10240x16xf32, #tpu.memory_space<hbm>>) target(%dma_start3A_87 : memref<125x16xf32, #tpu.memory_space<vmem>>) offsets(%dma_start3A_90 : memref<125xi32, #tpu.memory_space<vmem>>) semaphore(%arg10 : memref<!tpu.dma_semaphore, #tpu.memory_space<semaphore_mem>>)
      %mul3A_94 = arith.constant 8 : i32
      %mul3A_95 = arith.muli %scan3A_6, %mul3A_94 : i32
      %add3A_96 = arith.constant 4 : i32
      %add3A_97 = arith.addi %mul3A_95, %add3A_96 : i32
      %dma_start3A_98 = arith.constant 500 : i32
      %dma_start3A_99 = arith.constant 0 : i32
      %dma_start3A_100 = tpu.memref_slice %arg8[%dma_start3A_98, %dma_start3A_99] : memref<1000x16xf32, #tpu.memory_space<vmem>> -> memref<125x16xf32, #tpu.memory_space<vmem>>
      %dma_start3A_101 = arith.constant 0 : i32
      %dma_start3A_102 = tpu.memref_slice %arg7[%add3A_97, %dma_start3A_101] : memref<40x125xi32, #tpu.memory_space<vmem>> -> memref<1x125xi32, #tpu.memory_space<vmem>>
      %dma_start3A_103 = tpu.memref_squeeze %dma_start3A_102 : memref<1x125xi32, #tpu.memory_space<vmem>> -> memref<125xi32, #tpu.memory_space<vmem>>
      %dma_start3A_104 = arith.constant 0 : i32
      %dma_start3A_105 = arith.constant 0 : i32
      %dma_start3A_106 = tpu.memref_slice %arg3[%dma_start3A_104, %dma_start3A_105] : memref<10240x16xf32, #tpu.memory_space<hbm>> -> memref<10240x16xf32, #tpu.memory_space<hbm>>
      tpu.enqueue_indirect_dma source(%dma_start3A_106 : memref<10240x16xf32, #tpu.memory_space<hbm>>) target(%dma_start3A_100 : memref<125x16xf32, #tpu.memory_space<vmem>>) offsets(%dma_start3A_103 : memref<125xi32, #tpu.memory_space<vmem>>) semaphore(%arg10 : memref<!tpu.dma_semaphore, #tpu.memory_space<semaphore_mem>>)
      %dma_start3A_107 = arith.constant 500 : i32
      %dma_start3A_108 = arith.constant 0 : i32
      %dma_start3A_109 = tpu.memref_slice %arg9[%dma_start3A_107, %dma_start3A_108] : memref<1000x16xf32, #tpu.memory_space<vmem>> -> memref<125x16xf32, #tpu.memory_space<vmem>>
      %dma_start3A_110 = arith.constant 0 : i32
      %dma_start3A_111 = tpu.memref_slice %arg7[%add3A_97, %dma_start3A_110] : memref<40x125xi32, #tpu.memory_space<vmem>> -> memref<1x125xi32, #tpu.memory_space<vmem>>
      %dma_start3A_112 = tpu.memref_squeeze %dma_start3A_111 : memref<1x125xi32, #tpu.memory_space<vmem>> -> memref<125xi32, #tpu.memory_space<vmem>>
      %dma_start3A_113 = arith.constant 0 : i32
      %dma_start3A_114 = arith.constant 0 : i32
      %dma_start3A_115 = tpu.memref_slice %arg4[%dma_start3A_113, %dma_start3A_114] : memref<10240x16xf32, #tpu.memory_space<hbm>> -> memref<10240x16xf32, #tpu.memory_space<hbm>>
      tpu.enqueue_indirect_dma source(%dma_start3A_115 : memref<10240x16xf32, #tpu.memory_space<hbm>>) target(%dma_start3A_109 : memref<125x16xf32, #tpu.memory_space<vmem>>) offsets(%dma_start3A_112 : memref<125xi32, #tpu.memory_space<vmem>>) semaphore(%arg10 : memref<!tpu.dma_semaphore, #tpu.memory_space<semaphore_mem>>)
      %mul3A_116 = arith.constant 8 : i32
      %mul3A_117 = arith.muli %scan3A_6, %mul3A_116 : i32
      %add3A_118 = arith.constant 5 : i32
      %add3A_119 = arith.addi %mul3A_117, %add3A_118 : i32
      %dma_start3A_120 = arith.constant 625 : i32
      %dma_start3A_121 = arith.constant 0 : i32
      %dma_start3A_122 = tpu.memref_slice %arg8[%dma_start3A_120, %dma_start3A_121] : memref<1000x16xf32, #tpu.memory_space<vmem>> -> memref<125x16xf32, #tpu.memory_space<vmem>>
      %dma_start3A_123 = arith.constant 0 : i32
      %dma_start3A_124 = tpu.memref_slice %arg7[%add3A_119, %dma_start3A_123] : memref<40x125xi32, #tpu.memory_space<vmem>> -> memref<1x125xi32, #tpu.memory_space<vmem>>
      %dma_start3A_125 = tpu.memref_squeeze %dma_start3A_124 : memref<1x125xi32, #tpu.memory_space<vmem>> -> memref<125xi32, #tpu.memory_space<vmem>>
      %dma_start3A_126 = arith.constant 0 : i32
      %dma_start3A_127 = arith.constant 0 : i32
      %dma_start3A_128 = tpu.memref_slice %arg3[%dma_start3A_126, %dma_start3A_127] : memref<10240x16xf32, #tpu.memory_space<hbm>> -> memref<10240x16xf32, #tpu.memory_space<hbm>>
      tpu.enqueue_indirect_dma source(%dma_start3A_128 : memref<10240x16xf32, #tpu.memory_space<hbm>>) target(%dma_start3A_122 : memref<125x16xf32, #tpu.memory_space<vmem>>) offsets(%dma_start3A_125 : memref<125xi32, #tpu.memory_space<vmem>>) semaphore(%arg10 : memref<!tpu.dma_semaphore, #tpu.memory_space<semaphore_mem>>)
      %dma_start3A_129 = arith.constant 625 : i32
      %dma_start3A_130 = arith.constant 0 : i32
      %dma_start3A_131 = tpu.memref_slice %arg9[%dma_start3A_129, %dma_start3A_130] : memref<1000x16xf32, #tpu.memory_space<vmem>> -> memref<125x16xf32, #tpu.memory_space<vmem>>
      %dma_start3A_132 = arith.constant 0 : i32
      %dma_start3A_133 = tpu.memref_slice %arg7[%add3A_119, %dma_start3A_132] : memref<40x125xi32, #tpu.memory_space<vmem>> -> memref<1x125xi32, #tpu.memory_space<vmem>>
      %dma_start3A_134 = tpu.memref_squeeze %dma_start3A_133 : memref<1x125xi32, #tpu.memory_space<vmem>> -> memref<125xi32, #tpu.memory_space<vmem>>
      %dma_start3A_135 = arith.constant 0 : i32
      %dma_start3A_136 = arith.constant 0 : i32
      %dma_start3A_137 = tpu.memref_slice %arg4[%dma_start3A_135, %dma_start3A_136] : memref<10240x16xf32, #tpu.memory_space<hbm>> -> memref<10240x16xf32, #tpu.memory_space<hbm>>
      tpu.enqueue_indirect_dma source(%dma_start3A_137 : memref<10240x16xf32, #tpu.memory_space<hbm>>) target(%dma_start3A_131 : memref<125x16xf32, #tpu.memory_space<vmem>>) offsets(%dma_start3A_134 : memref<125xi32, #tpu.memory_space<vmem>>) semaphore(%arg10 : memref<!tpu.dma_semaphore, #tpu.memory_space<semaphore_mem>>)
      %mul3A_138 = arith.constant 8 : i32
      %mul3A_139 = arith.muli %scan3A_6, %mul3A_138 : i32
      %add3A_140 = arith.constant 6 : i32
      %add3A_141 = arith.addi %mul3A_139, %add3A_140 : i32
      %dma_start3A_142 = arith.constant 750 : i32
      %dma_start3A_143 = arith.constant 0 : i32
      %dma_start3A_144 = tpu.memref_slice %arg8[%dma_start3A_142, %dma_start3A_143] : memref<1000x16xf32, #tpu.memory_space<vmem>> -> memref<125x16xf32, #tpu.memory_space<vmem>>
      %dma_start3A_145 = arith.constant 0 : i32
      %dma_start3A_146 = tpu.memref_slice %arg7[%add3A_141, %dma_start3A_145] : memref<40x125xi32, #tpu.memory_space<vmem>> -> memref<1x125xi32, #tpu.memory_space<vmem>>
      %dma_start3A_147 = tpu.memref_squeeze %dma_start3A_146 : memref<1x125xi32, #tpu.memory_space<vmem>> -> memref<125xi32, #tpu.memory_space<vmem>>
      %dma_start3A_148 = arith.constant 0 : i32
      %dma_start3A_149 = arith.constant 0 : i32
      %dma_start3A_150 = tpu.memref_slice %arg3[%dma_start3A_148, %dma_start3A_149] : memref<10240x16xf32, #tpu.memory_space<hbm>> -> memref<10240x16xf32, #tpu.memory_space<hbm>>
      tpu.enqueue_indirect_dma source(%dma_start3A_150 : memref<10240x16xf32, #tpu.memory_space<hbm>>) target(%dma_start3A_144 : memref<125x16xf32, #tpu.memory_space<vmem>>) offsets(%dma_start3A_147 : memref<125xi32, #tpu.memory_space<vmem>>) semaphore(%arg10 : memref<!tpu.dma_semaphore, #tpu.memory_space<semaphore_mem>>)
      %dma_start3A_151 = arith.constant 750 : i32
      %dma_start3A_152 = arith.constant 0 : i32
      %dma_start3A_153 = tpu.memref_slice %arg9[%dma_start3A_151, %dma_start3A_152] : memref<1000x16xf32, #tpu.memory_space<vmem>> -> memref<125x16xf32, #tpu.memory_space<vmem>>
      %dma_start3A_154 = arith.constant 0 : i32
      %dma_start3A_155 = tpu.memref_slice %arg7[%add3A_141, %dma_start3A_154] : memref<40x125xi32, #tpu.memory_space<vmem>> -> memref<1x125xi32, #tpu.memory_space<vmem>>
      %dma_start3A_156 = tpu.memref_squeeze %dma_start3A_155 : memref<1x125xi32, #tpu.memory_space<vmem>> -> memref<125xi32, #tpu.memory_space<vmem>>
      %dma_start3A_157 = arith.constant 0 : i32
      %dma_start3A_158 = arith.constant 0 : i32
      %dma_start3A_159 = tpu.memref_slice %arg4[%dma_start3A_157, %dma_start3A_158] : memref<10240x16xf32, #tpu.memory_space<hbm>> -> memref<10240x16xf32, #tpu.memory_space<hbm>>
      tpu.enqueue_indirect_dma source(%dma_start3A_159 : memref<10240x16xf32, #tpu.memory_space<hbm>>) target(%dma_start3A_153 : memref<125x16xf32, #tpu.memory_space<vmem>>) offsets(%dma_start3A_156 : memref<125xi32, #tpu.memory_space<vmem>>) semaphore(%arg10 : memref<!tpu.dma_semaphore, #tpu.memory_space<semaphore_mem>>)
      %mul3A_160 = arith.constant 8 : i32
      %mul3A_161 = arith.muli %scan3A_6, %mul3A_160 : i32
      %add3A_162 = arith.constant 7 : i32
      %add3A_163 = arith.addi %mul3A_161, %add3A_162 : i32
      %dma_start3A_164 = arith.constant 875 : i32
      %dma_start3A_165 = arith.constant 0 : i32
      %dma_start3A_166 = tpu.memref_slice %arg8[%dma_start3A_164, %dma_start3A_165] : memref<1000x16xf32, #tpu.memory_space<vmem>> -> memref<125x16xf32, #tpu.memory_space<vmem>>
      %dma_start3A_167 = arith.constant 0 : i32
      %dma_start3A_168 = tpu.memref_slice %arg7[%add3A_163, %dma_start3A_167] : memref<40x125xi32, #tpu.memory_space<vmem>> -> memref<1x125xi32, #tpu.memory_space<vmem>>
      %dma_start3A_169 = tpu.memref_squeeze %dma_start3A_168 : memref<1x125xi32, #tpu.memory_space<vmem>> -> memref<125xi32, #tpu.memory_space<vmem>>
      %dma_start3A_170 = arith.constant 0 : i32
      %dma_start3A_171 = arith.constant 0 : i32
      %dma_start3A_172 = tpu.memref_slice %arg3[%dma_start3A_170, %dma_start3A_171] : memref<10240x16xf32, #tpu.memory_space<hbm>> -> memref<10240x16xf32, #tpu.memory_space<hbm>>
      tpu.enqueue_indirect_dma source(%dma_start3A_172 : memref<10240x16xf32, #tpu.memory_space<hbm>>) target(%dma_start3A_166 : memref<125x16xf32, #tpu.memory_space<vmem>>) offsets(%dma_start3A_169 : memref<125xi32, #tpu.memory_space<vmem>>) semaphore(%arg10 : memref<!tpu.dma_semaphore, #tpu.memory_space<semaphore_mem>>)
      %dma_start3A_173 = arith.constant 875 : i32
      %dma_start3A_174 = arith.constant 0 : i32
      %dma_start3A_175 = tpu.memref_slice %arg9[%dma_start3A_173, %dma_start3A_174] : memref<1000x16xf32, #tpu.memory_space<vmem>> -> memref<125x16xf32, #tpu.memory_space<vmem>>
      %dma_start3A_176 = arith.constant 0 : i32
      %dma_start3A_177 = tpu.memref_slice %arg7[%add3A_163, %dma_start3A_176] : memref<40x125xi32, #tpu.memory_space<vmem>> -> memref<1x125xi32, #tpu.memory_space<vmem>>
      %dma_start3A_178 = tpu.memref_squeeze %dma_start3A_177 : memref<1x125xi32, #tpu.memory_space<vmem>> -> memref<125xi32, #tpu.memory_space<vmem>>
      %dma_start3A_179 = arith.constant 0 : i32
      %dma_start3A_180 = arith.constant 0 : i32
      %dma_start3A_181 = tpu.memref_slice %arg4[%dma_start3A_179, %dma_start3A_180] : memref<10240x16xf32, #tpu.memory_space<hbm>> -> memref<10240x16xf32, #tpu.memory_space<hbm>>
      tpu.enqueue_indirect_dma source(%dma_start3A_181 : memref<10240x16xf32, #tpu.memory_space<hbm>>) target(%dma_start3A_175 : memref<125x16xf32, #tpu.memory_space<vmem>>) offsets(%dma_start3A_178 : memref<125xi32, #tpu.memory_space<vmem>>) semaphore(%arg10 : memref<!tpu.dma_semaphore, #tpu.memory_space<semaphore_mem>>)
      %dma_wait3A = arith.constant 0 : i32
      %dma_wait3A_182 = arith.constant 0 : i32
      %dma_wait3A_183 = tpu.memref_slice %arg8[%dma_wait3A, %dma_wait3A_182] : memref<1000x16xf32, #tpu.memory_space<vmem>> -> memref<125x16xf32, #tpu.memory_space<vmem>>
      %dma_wait3A_184 = arith.constant 0 : i32
      %dma_wait3A_185 = tpu.memref_slice %arg7[%add3A_10, %dma_wait3A_184] : memref<40x125xi32, #tpu.memory_space<vmem>> -> memref<1x125xi32, #tpu.memory_space<vmem>>
      %dma_wait3A_186 = tpu.memref_squeeze %dma_wait3A_185 : memref<1x125xi32, #tpu.memory_space<vmem>> -> memref<125xi32, #tpu.memory_space<vmem>>
      %dma_wait3A_187 = arith.constant 0 : i32
      %dma_wait3A_188 = arith.constant 0 : i32
      %dma_wait3A_189 = tpu.memref_slice %arg3[%dma_wait3A_187, %dma_wait3A_188] : memref<10240x16xf32, #tpu.memory_space<hbm>> -> memref<10240x16xf32, #tpu.memory_space<hbm>>
      tpu.wait_indirect_dma semaphore(%arg10 : memref<!tpu.dma_semaphore, #tpu.memory_space<semaphore_mem>>) src(%dma_wait3A_189 : memref<10240x16xf32, #tpu.memory_space<hbm>>) dst(%dma_wait3A_183 : memref<125x16xf32, #tpu.memory_space<vmem>>)
      %dma_wait3A_190 = arith.constant 0 : i32
      %dma_wait3A_191 = arith.constant 0 : i32
      %dma_wait3A_192 = tpu.memref_slice %arg9[%dma_wait3A_190, %dma_wait3A_191] : memref<1000x16xf32, #tpu.memory_space<vmem>> -> memref<125x16xf32, #tpu.memory_space<vmem>>
      %dma_wait3A_193 = arith.constant 0 : i32
      %dma_wait3A_194 = tpu.memref_slice %arg7[%add3A_10, %dma_wait3A_193] : memref<40x125xi32, #tpu.memory_space<vmem>> -> memref<1x125xi32, #tpu.memory_space<vmem>>
      %dma_wait3A_195 = tpu.memref_squeeze %dma_wait3A_194 : memref<1x125xi32, #tpu.memory_space<vmem>> -> memref<125xi32, #tpu.memory_space<vmem>>
      %dma_wait3A_196 = arith.constant 0 : i32
      %dma_wait3A_197 = arith.constant 0 : i32
      %dma_wait3A_198 = tpu.memref_slice %arg4[%dma_wait3A_196, %dma_wait3A_197] : memref<10240x16xf32, #tpu.memory_space<hbm>> -> memref<10240x16xf32, #tpu.memory_space<hbm>>
      tpu.wait_indirect_dma semaphore(%arg10 : memref<!tpu.dma_semaphore, #tpu.memory_space<semaphore_mem>>) src(%dma_wait3A_198 : memref<10240x16xf32, #tpu.memory_space<hbm>>) dst(%dma_wait3A_192 : memref<125x16xf32, #tpu.memory_space<vmem>>)
      %dma_wait3A_199 = arith.constant 125 : i32
      %dma_wait3A_200 = arith.constant 0 : i32
      %dma_wait3A_201 = tpu.memref_slice %arg8[%dma_wait3A_199, %dma_wait3A_200] : memref<1000x16xf32, #tpu.memory_space<vmem>> -> memref<125x16xf32, #tpu.memory_space<vmem>>
      %dma_wait3A_202 = arith.constant 0 : i32
      %dma_wait3A_203 = tpu.memref_slice %arg7[%add3A_31, %dma_wait3A_202] : memref<40x125xi32, #tpu.memory_space<vmem>> -> memref<1x125xi32, #tpu.memory_space<vmem>>
      %dma_wait3A_204 = tpu.memref_squeeze %dma_wait3A_203 : memref<1x125xi32, #tpu.memory_space<vmem>> -> memref<125xi32, #tpu.memory_space<vmem>>
      %dma_wait3A_205 = arith.constant 0 : i32
      %dma_wait3A_206 = arith.constant 0 : i32
      %dma_wait3A_207 = tpu.memref_slice %arg3[%dma_wait3A_205, %dma_wait3A_206] : memref<10240x16xf32, #tpu.memory_space<hbm>> -> memref<10240x16xf32, #tpu.memory_space<hbm>>
      tpu.wait_indirect_dma semaphore(%arg10 : memref<!tpu.dma_semaphore, #tpu.memory_space<semaphore_mem>>) src(%dma_wait3A_207 : memref<10240x16xf32, #tpu.memory_space<hbm>>) dst(%dma_wait3A_201 : memref<125x16xf32, #tpu.memory_space<vmem>>)
      %dma_wait3A_208 = arith.constant 125 : i32
      %dma_wait3A_209 = arith.constant 0 : i32
      %dma_wait3A_210 = tpu.memref_slice %arg9[%dma_wait3A_208, %dma_wait3A_209] : memref<1000x16xf32, #tpu.memory_space<vmem>> -> memref<125x16xf32, #tpu.memory_space<vmem>>
      %dma_wait3A_211 = arith.constant 0 : i32
      %dma_wait3A_212 = tpu.memref_slice %arg7[%add3A_31, %dma_wait3A_211] : memref<40x125xi32, #tpu.memory_space<vmem>> -> memref<1x125xi32, #tpu.memory_space<vmem>>
      %dma_wait3A_213 = tpu.memref_squeeze %dma_wait3A_212 : memref<1x125xi32, #tpu.memory_space<vmem>> -> memref<125xi32, #tpu.memory_space<vmem>>
      %dma_wait3A_214 = arith.constant 0 : i32
      %dma_wait3A_215 = arith.constant 0 : i32
      %dma_wait3A_216 = tpu.memref_slice %arg4[%dma_wait3A_214, %dma_wait3A_215] : memref<10240x16xf32, #tpu.memory_space<hbm>> -> memref<10240x16xf32, #tpu.memory_space<hbm>>
      tpu.wait_indirect_dma semaphore(%arg10 : memref<!tpu.dma_semaphore, #tpu.memory_space<semaphore_mem>>) src(%dma_wait3A_216 : memref<10240x16xf32, #tpu.memory_space<hbm>>) dst(%dma_wait3A_210 : memref<125x16xf32, #tpu.memory_space<vmem>>)
      %dma_wait3A_217 = arith.constant 250 : i32
      %dma_wait3A_218 = arith.constant 0 : i32
      %dma_wait3A_219 = tpu.memref_slice %arg8[%dma_wait3A_217, %dma_wait3A_218] : memref<1000x16xf32, #tpu.memory_space<vmem>> -> memref<125x16xf32, #tpu.memory_space<vmem>>
      %dma_wait3A_220 = arith.constant 0 : i32
      %dma_wait3A_221 = tpu.memref_slice %arg7[%add3A_53, %dma_wait3A_220] : memref<40x125xi32, #tpu.memory_space<vmem>> -> memref<1x125xi32, #tpu.memory_space<vmem>>
      %dma_wait3A_222 = tpu.memref_squeeze %dma_wait3A_221 : memref<1x125xi32, #tpu.memory_space<vmem>> -> memref<125xi32, #tpu.memory_space<vmem>>
      %dma_wait3A_223 = arith.constant 0 : i32
      %dma_wait3A_224 = arith.constant 0 : i32
      %dma_wait3A_225 = tpu.memref_slice %arg3[%dma_wait3A_223, %dma_wait3A_224] : memref<10240x16xf32, #tpu.memory_space<hbm>> -> memref<10240x16xf32, #tpu.memory_space<hbm>>
      tpu.wait_indirect_dma semaphore(%arg10 : memref<!tpu.dma_semaphore, #tpu.memory_space<semaphore_mem>>) src(%dma_wait3A_225 : memref<10240x16xf32, #tpu.memory_space<hbm>>) dst(%dma_wait3A_219 : memref<125x16xf32, #tpu.memory_space<vmem>>)
      %dma_wait3A_226 = arith.constant 250 : i32
      %dma_wait3A_227 = arith.constant 0 : i32
      %dma_wait3A_228 = tpu.memref_slice %arg9[%dma_wait3A_226, %dma_wait3A_227] : memref<1000x16xf32, #tpu.memory_space<vmem>> -> memref<125x16xf32, #tpu.memory_space<vmem>>
      %dma_wait3A_229 = arith.constant 0 : i32
      %dma_wait3A_230 = tpu.memref_slice %arg7[%add3A_53, %dma_wait3A_229] : memref<40x125xi32, #tpu.memory_space<vmem>> -> memref<1x125xi32, #tpu.memory_space<vmem>>
      %dma_wait3A_231 = tpu.memref_squeeze %dma_wait3A_230 : memref<1x125xi32, #tpu.memory_space<vmem>> -> memref<125xi32, #tpu.memory_space<vmem>>
      %dma_wait3A_232 = arith.constant 0 : i32
      %dma_wait3A_233 = arith.constant 0 : i32
      %dma_wait3A_234 = tpu.memref_slice %arg4[%dma_wait3A_232, %dma_wait3A_233] : memref<10240x16xf32, #tpu.memory_space<hbm>> -> memref<10240x16xf32, #tpu.memory_space<hbm>>
      tpu.wait_indirect_dma semaphore(%arg10 : memref<!tpu.dma_semaphore, #tpu.memory_space<semaphore_mem>>) src(%dma_wait3A_234 : memref<10240x16xf32, #tpu.memory_space<hbm>>) dst(%dma_wait3A_228 : memref<125x16xf32, #tpu.memory_space<vmem>>)
      %dma_wait3A_235 = arith.constant 375 : i32
      %dma_wait3A_236 = arith.constant 0 : i32
      %dma_wait3A_237 = tpu.memref_slice %arg8[%dma_wait3A_235, %dma_wait3A_236] : memref<1000x16xf32, #tpu.memory_space<vmem>> -> memref<125x16xf32, #tpu.memory_space<vmem>>
      %dma_wait3A_238 = arith.constant 0 : i32
      %dma_wait3A_239 = tpu.memref_slice %arg7[%add3A_75, %dma_wait3A_238] : memref<40x125xi32, #tpu.memory_space<vmem>> -> memref<1x125xi32, #tpu.memory_space<vmem>>
      %dma_wait3A_240 = tpu.memref_squeeze %dma_wait3A_239 : memref<1x125xi32, #tpu.memory_space<vmem>> -> memref<125xi32, #tpu.memory_space<vmem>>
      %dma_wait3A_241 = arith.constant 0 : i32
      %dma_wait3A_242 = arith.constant 0 : i32
      %dma_wait3A_243 = tpu.memref_slice %arg3[%dma_wait3A_241, %dma_wait3A_242] : memref<10240x16xf32, #tpu.memory_space<hbm>> -> memref<10240x16xf32, #tpu.memory_space<hbm>>
      tpu.wait_indirect_dma semaphore(%arg10 : memref<!tpu.dma_semaphore, #tpu.memory_space<semaphore_mem>>) src(%dma_wait3A_243 : memref<10240x16xf32, #tpu.memory_space<hbm>>) dst(%dma_wait3A_237 : memref<125x16xf32, #tpu.memory_space<vmem>>)
      %dma_wait3A_244 = arith.constant 375 : i32
      %dma_wait3A_245 = arith.constant 0 : i32
      %dma_wait3A_246 = tpu.memref_slice %arg9[%dma_wait3A_244, %dma_wait3A_245] : memref<1000x16xf32, #tpu.memory_space<vmem>> -> memref<125x16xf32, #tpu.memory_space<vmem>>
      %dma_wait3A_247 = arith.constant 0 : i32
      %dma_wait3A_248 = tpu.memref_slice %arg7[%add3A_75, %dma_wait3A_247] : memref<40x125xi32, #tpu.memory_space<vmem>> -> memref<1x125xi32, #tpu.memory_space<vmem>>
      %dma_wait3A_249 = tpu.memref_squeeze %dma_wait3A_248 : memref<1x125xi32, #tpu.memory_space<vmem>> -> memref<125xi32, #tpu.memory_space<vmem>>
      %dma_wait3A_250 = arith.constant 0 : i32
      %dma_wait3A_251 = arith.constant 0 : i32
      %dma_wait3A_252 = tpu.memref_slice %arg4[%dma_wait3A_250, %dma_wait3A_251] : memref<10240x16xf32, #tpu.memory_space<hbm>> -> memref<10240x16xf32, #tpu.memory_space<hbm>>
      tpu.wait_indirect_dma semaphore(%arg10 : memref<!tpu.dma_semaphore, #tpu.memory_space<semaphore_mem>>) src(%dma_wait3A_252 : memref<10240x16xf32, #tpu.memory_space<hbm>>) dst(%dma_wait3A_246 : memref<125x16xf32, #tpu.memory_space<vmem>>)
      %dma_wait3A_253 = arith.constant 500 : i32
      %dma_wait3A_254 = arith.constant 0 : i32
      %dma_wait3A_255 = tpu.memref_slice %arg8[%dma_wait3A_253, %dma_wait3A_254] : memref<1000x16xf32, #tpu.memory_space<vmem>> -> memref<125x16xf32, #tpu.memory_space<vmem>>
      %dma_wait3A_256 = arith.constant 0 : i32
      %dma_wait3A_257 = tpu.memref_slice %arg7[%add3A_97, %dma_wait3A_256] : memref<40x125xi32, #tpu.memory_space<vmem>> -> memref<1x125xi32, #tpu.memory_space<vmem>>
      %dma_wait3A_258 = tpu.memref_squeeze %dma_wait3A_257 : memref<1x125xi32, #tpu.memory_space<vmem>> -> memref<125xi32, #tpu.memory_space<vmem>>
      %dma_wait3A_259 = arith.constant 0 : i32
      %dma_wait3A_260 = arith.constant 0 : i32
      %dma_wait3A_261 = tpu.memref_slice %arg3[%dma_wait3A_259, %dma_wait3A_260] : memref<10240x16xf32, #tpu.memory_space<hbm>> -> memref<10240x16xf32, #tpu.memory_space<hbm>>
      tpu.wait_indirect_dma semaphore(%arg10 : memref<!tpu.dma_semaphore, #tpu.memory_space<semaphore_mem>>) src(%dma_wait3A_261 : memref<10240x16xf32, #tpu.memory_space<hbm>>) dst(%dma_wait3A_255 : memref<125x16xf32, #tpu.memory_space<vmem>>)
      %dma_wait3A_262 = arith.constant 500 : i32
      %dma_wait3A_263 = arith.constant 0 : i32
      %dma_wait3A_264 = tpu.memref_slice %arg9[%dma_wait3A_262, %dma_wait3A_263] : memref<1000x16xf32, #tpu.memory_space<vmem>> -> memref<125x16xf32, #tpu.memory_space<vmem>>
      %dma_wait3A_265 = arith.constant 0 : i32
      %dma_wait3A_266 = tpu.memref_slice %arg7[%add3A_97, %dma_wait3A_265] : memref<40x125xi32, #tpu.memory_space<vmem>> -> memref<1x125xi32, #tpu.memory_space<vmem>>
      %dma_wait3A_267 = tpu.memref_squeeze %dma_wait3A_266 : memref<1x125xi32, #tpu.memory_space<vmem>> -> memref<125xi32, #tpu.memory_space<vmem>>
      %dma_wait3A_268 = arith.constant 0 : i32
      %dma_wait3A_269 = arith.constant 0 : i32
      %dma_wait3A_270 = tpu.memref_slice %arg4[%dma_wait3A_268, %dma_wait3A_269] : memref<10240x16xf32, #tpu.memory_space<hbm>> -> memref<10240x16xf32, #tpu.memory_space<hbm>>
      tpu.wait_indirect_dma semaphore(%arg10 : memref<!tpu.dma_semaphore, #tpu.memory_space<semaphore_mem>>) src(%dma_wait3A_270 : memref<10240x16xf32, #tpu.memory_space<hbm>>) dst(%dma_wait3A_264 : memref<125x16xf32, #tpu.memory_space<vmem>>)
      %dma_wait3A_271 = arith.constant 625 : i32
      %dma_wait3A_272 = arith.constant 0 : i32
      %dma_wait3A_273 = tpu.memref_slice %arg8[%dma_wait3A_271, %dma_wait3A_272] : memref<1000x16xf32, #tpu.memory_space<vmem>> -> memref<125x16xf32, #tpu.memory_space<vmem>>
      %dma_wait3A_274 = arith.constant 0 : i32
      %dma_wait3A_275 = tpu.memref_slice %arg7[%add3A_119, %dma_wait3A_274] : memref<40x125xi32, #tpu.memory_space<vmem>> -> memref<1x125xi32, #tpu.memory_space<vmem>>
      %dma_wait3A_276 = tpu.memref_squeeze %dma_wait3A_275 : memref<1x125xi32, #tpu.memory_space<vmem>> -> memref<125xi32, #tpu.memory_space<vmem>>
      %dma_wait3A_277 = arith.constant 0 : i32
      %dma_wait3A_278 = arith.constant 0 : i32
      %dma_wait3A_279 = tpu.memref_slice %arg3[%dma_wait3A_277, %dma_wait3A_278] : memref<10240x16xf32, #tpu.memory_space<hbm>> -> memref<10240x16xf32, #tpu.memory_space<hbm>>
      tpu.wait_indirect_dma semaphore(%arg10 : memref<!tpu.dma_semaphore, #tpu.memory_space<semaphore_mem>>) src(%dma_wait3A_279 : memref<10240x16xf32, #tpu.memory_space<hbm>>) dst(%dma_wait3A_273 : memref<125x16xf32, #tpu.memory_space<vmem>>)
      %dma_wait3A_280 = arith.constant 625 : i32
      %dma_wait3A_281 = arith.constant 0 : i32
      %dma_wait3A_282 = tpu.memref_slice %arg9[%dma_wait3A_280, %dma_wait3A_281] : memref<1000x16xf32, #tpu.memory_space<vmem>> -> memref<125x16xf32, #tpu.memory_space<vmem>>
      %dma_wait3A_283 = arith.constant 0 : i32
      %dma_wait3A_284 = tpu.memref_slice %arg7[%add3A_119, %dma_wait3A_283] : memref<40x125xi32, #tpu.memory_space<vmem>> -> memref<1x125xi32, #tpu.memory_space<vmem>>
      %dma_wait3A_285 = tpu.memref_squeeze %dma_wait3A_284 : memref<1x125xi32, #tpu.memory_space<vmem>> -> memref<125xi32, #tpu.memory_space<vmem>>
      %dma_wait3A_286 = arith.constant 0 : i32
      %dma_wait3A_287 = arith.constant 0 : i32
      %dma_wait3A_288 = tpu.memref_slice %arg4[%dma_wait3A_286, %dma_wait3A_287] : memref<10240x16xf32, #tpu.memory_space<hbm>> -> memref<10240x16xf32, #tpu.memory_space<hbm>>
      tpu.wait_indirect_dma semaphore(%arg10 : memref<!tpu.dma_semaphore, #tpu.memory_space<semaphore_mem>>) src(%dma_wait3A_288 : memref<10240x16xf32, #tpu.memory_space<hbm>>) dst(%dma_wait3A_282 : memref<125x16xf32, #tpu.memory_space<vmem>>)
      %dma_wait3A_289 = arith.constant 750 : i32
      %dma_wait3A_290 = arith.constant 0 : i32
      %dma_wait3A_291 = tpu.memref_slice %arg8[%dma_wait3A_289, %dma_wait3A_290] : memref<1000x16xf32, #tpu.memory_space<vmem>> -> memref<125x16xf32, #tpu.memory_space<vmem>>
      %dma_wait3A_292 = arith.constant 0 : i32
      %dma_wait3A_293 = tpu.memref_slice %arg7[%add3A_141, %dma_wait3A_292] : memref<40x125xi32, #tpu.memory_space<vmem>> -> memref<1x125xi32, #tpu.memory_space<vmem>>
      %dma_wait3A_294 = tpu.memref_squeeze %dma_wait3A_293 : memref<1x125xi32, #tpu.memory_space<vmem>> -> memref<125xi32, #tpu.memory_space<vmem>>
      %dma_wait3A_295 = arith.constant 0 : i32
      %dma_wait3A_296 = arith.constant 0 : i32
      %dma_wait3A_297 = tpu.memref_slice %arg3[%dma_wait3A_295, %dma_wait3A_296] : memref<10240x16xf32, #tpu.memory_space<hbm>> -> memref<10240x16xf32, #tpu.memory_space<hbm>>
      tpu.wait_indirect_dma semaphore(%arg10 : memref<!tpu.dma_semaphore, #tpu.memory_space<semaphore_mem>>) src(%dma_wait3A_297 : memref<10240x16xf32, #tpu.memory_space<hbm>>) dst(%dma_wait3A_291 : memref<125x16xf32, #tpu.memory_space<vmem>>)
      %dma_wait3A_298 = arith.constant 750 : i32
      %dma_wait3A_299 = arith.constant 0 : i32
      %dma_wait3A_300 = tpu.memref_slice %arg9[%dma_wait3A_298, %dma_wait3A_299] : memref<1000x16xf32, #tpu.memory_space<vmem>> -> memref<125x16xf32, #tpu.memory_space<vmem>>
      %dma_wait3A_301 = arith.constant 0 : i32
      %dma_wait3A_302 = tpu.memref_slice %arg7[%add3A_141, %dma_wait3A_301] : memref<40x125xi32, #tpu.memory_space<vmem>> -> memref<1x125xi32, #tpu.memory_space<vmem>>
      %dma_wait3A_303 = tpu.memref_squeeze %dma_wait3A_302 : memref<1x125xi32, #tpu.memory_space<vmem>> -> memref<125xi32, #tpu.memory_space<vmem>>
      %dma_wait3A_304 = arith.constant 0 : i32
      %dma_wait3A_305 = arith.constant 0 : i32
      %dma_wait3A_306 = tpu.memref_slice %arg4[%dma_wait3A_304, %dma_wait3A_305] : memref<10240x16xf32, #tpu.memory_space<hbm>> -> memref<10240x16xf32, #tpu.memory_space<hbm>>
      tpu.wait_indirect_dma semaphore(%arg10 : memref<!tpu.dma_semaphore, #tpu.memory_space<semaphore_mem>>) src(%dma_wait3A_306 : memref<10240x16xf32, #tpu.memory_space<hbm>>) dst(%dma_wait3A_300 : memref<125x16xf32, #tpu.memory_space<vmem>>)
      %dma_wait3A_307 = arith.constant 875 : i32
      %dma_wait3A_308 = arith.constant 0 : i32
      %dma_wait3A_309 = tpu.memref_slice %arg8[%dma_wait3A_307, %dma_wait3A_308] : memref<1000x16xf32, #tpu.memory_space<vmem>> -> memref<125x16xf32, #tpu.memory_space<vmem>>
      %dma_wait3A_310 = arith.constant 0 : i32
      %dma_wait3A_311 = tpu.memref_slice %arg7[%add3A_163, %dma_wait3A_310] : memref<40x125xi32, #tpu.memory_space<vmem>> -> memref<1x125xi32, #tpu.memory_space<vmem>>
      %dma_wait3A_312 = tpu.memref_squeeze %dma_wait3A_311 : memref<1x125xi32, #tpu.memory_space<vmem>> -> memref<125xi32, #tpu.memory_space<vmem>>
      %dma_wait3A_313 = arith.constant 0 : i32
      %dma_wait3A_314 = arith.constant 0 : i32
      %dma_wait3A_315 = tpu.memref_slice %arg3[%dma_wait3A_313, %dma_wait3A_314] : memref<10240x16xf32, #tpu.memory_space<hbm>> -> memref<10240x16xf32, #tpu.memory_space<hbm>>
      tpu.wait_indirect_dma semaphore(%arg10 : memref<!tpu.dma_semaphore, #tpu.memory_space<semaphore_mem>>) src(%dma_wait3A_315 : memref<10240x16xf32, #tpu.memory_space<hbm>>) dst(%dma_wait3A_309 : memref<125x16xf32, #tpu.memory_space<vmem>>)
      %dma_wait3A_316 = arith.constant 875 : i32
      %dma_wait3A_317 = arith.constant 0 : i32
      %dma_wait3A_318 = tpu.memref_slice %arg9[%dma_wait3A_316, %dma_wait3A_317] : memref<1000x16xf32, #tpu.memory_space<vmem>> -> memref<125x16xf32, #tpu.memory_space<vmem>>
      %dma_wait3A_319 = arith.constant 0 : i32
      %dma_wait3A_320 = tpu.memref_slice %arg7[%add3A_163, %dma_wait3A_319] : memref<40x125xi32, #tpu.memory_space<vmem>> -> memref<1x125xi32, #tpu.memory_space<vmem>>
      %dma_wait3A_321 = tpu.memref_squeeze %dma_wait3A_320 : memref<1x125xi32, #tpu.memory_space<vmem>> -> memref<125xi32, #tpu.memory_space<vmem>>
      %dma_wait3A_322 = arith.constant 0 : i32
      %dma_wait3A_323 = arith.constant 0 : i32
      %dma_wait3A_324 = tpu.memref_slice %arg4[%dma_wait3A_322, %dma_wait3A_323] : memref<10240x16xf32, #tpu.memory_space<hbm>> -> memref<10240x16xf32, #tpu.memory_space<hbm>>
      tpu.wait_indirect_dma semaphore(%arg10 : memref<!tpu.dma_semaphore, #tpu.memory_space<semaphore_mem>>) src(%dma_wait3A_324 : memref<10240x16xf32, #tpu.memory_space<hbm>>) dst(%dma_wait3A_318 : memref<125x16xf32, #tpu.memory_space<vmem>>)
      %mul3A_325 = arith.constant 5000 : i32
      %mul3A_326 = arith.muli %add3A, %mul3A_325 : i32
      %mul3A_327 = arith.constant 1000 : i32
      %mul3A_328 = arith.muli %scan3A_6, %mul3A_327 : i32
      %add3A_329 = arith.addi %mul3A_326, %mul3A_328 : i32
      "tpu.region"() ({
        %run_scoped3A = tpu.sem_alloc : memref<!tpu.dma_semaphore, #tpu.memory_space<semaphore_mem>>
        %dma_start3A_330 = arith.constant 0 : i32
        %dma_start3A_331 = tpu.memref_slice %arg5[%add3A_329, %dma_start3A_330] : memref<160000x16xf32, #tpu.memory_space<hbm>> -> memref<1000x16xf32, #tpu.memory_space<hbm>>
        %dma_start3A_332 = arith.constant 0 : i32
        %dma_start3A_333 = tpu.memref_slice %arg5[%add3A_329, %dma_start3A_332] : memref<160000x16xf32, #tpu.memory_space<hbm>> -> memref<1000x16xf32, #tpu.memory_space<hbm>>
        tpu.enqueue_dma source(%arg8 : memref<1000x16xf32, #tpu.memory_space<vmem>>) target(%dma_start3A_333 : memref<1000x16xf32, #tpu.memory_space<hbm>>) target_semaphore(%run_scoped3A : memref<!tpu.dma_semaphore, #tpu.memory_space<semaphore_mem>>)
        %dma_wait3A_334 = arith.constant 0 : i32
        %dma_wait3A_335 = tpu.memref_slice %arg5[%add3A_329, %dma_wait3A_334] : memref<160000x16xf32, #tpu.memory_space<hbm>> -> memref<1000x16xf32, #tpu.memory_space<hbm>>
        %dma_wait3A_336 = arith.constant 0 : i32
        %dma_wait3A_337 = tpu.memref_slice %arg5[%add3A_329, %dma_wait3A_336] : memref<160000x16xf32, #tpu.memory_space<hbm>> -> memref<1000x16xf32, #tpu.memory_space<hbm>>
        tpu.wait_dma2 semaphore(%run_scoped3A : memref<!tpu.dma_semaphore, #tpu.memory_space<semaphore_mem>>) src(%arg8 : memref<1000x16xf32, #tpu.memory_space<vmem>>) dst(%dma_wait3A_337 : memref<1000x16xf32, #tpu.memory_space<hbm>>)
        tpu.yield
      }) : () -> ()
      "tpu.region"() ({
        %run_scoped3A = tpu.sem_alloc : memref<!tpu.dma_semaphore, #tpu.memory_space<semaphore_mem>>
        %dma_start3A_330 = arith.constant 0 : i32
        %dma_start3A_331 = tpu.memref_slice %arg6[%add3A_329, %dma_start3A_330] : memref<160000x16xf32, #tpu.memory_space<hbm>> -> memref<1000x16xf32, #tpu.memory_space<hbm>>
        %dma_start3A_332 = arith.constant 0 : i32
        %dma_start3A_333 = tpu.memref_slice %arg6[%add3A_329, %dma_start3A_332] : memref<160000x16xf32, #tpu.memory_space<hbm>> -> memref<1000x16xf32, #tpu.memory_space<hbm>>
        tpu.enqueue_dma source(%arg9 : memref<1000x16xf32, #tpu.memory_space<vmem>>) target(%dma_start3A_333 : memref<1000x16xf32, #tpu.memory_space<hbm>>) target_semaphore(%run_scoped3A : memref<!tpu.dma_semaphore, #tpu.memory_space<semaphore_mem>>)
        %dma_wait3A_334 = arith.constant 0 : i32
        %dma_wait3A_335 = tpu.memref_slice %arg6[%add3A_329, %dma_wait3A_334] : memref<160000x16xf32, #tpu.memory_space<hbm>> -> memref<1000x16xf32, #tpu.memory_space<hbm>>
        %dma_wait3A_336 = arith.constant 0 : i32
        %dma_wait3A_337 = tpu.memref_slice %arg6[%add3A_329, %dma_wait3A_336] : memref<160000x16xf32, #tpu.memory_space<hbm>> -> memref<1000x16xf32, #tpu.memory_space<hbm>>
        tpu.wait_dma2 semaphore(%run_scoped3A : memref<!tpu.dma_semaphore, #tpu.memory_space<semaphore_mem>>) src(%arg9 : memref<1000x16xf32, #tpu.memory_space<vmem>>) dst(%dma_wait3A_337 : memref<1000x16xf32, #tpu.memory_space<hbm>>)
        tpu.yield
      }) : () -> ()
    }
    %scan3A_5 = arith.constant 5 : i32
    return
  }
}

#map = affine_map<(d0, d1) -> (0, 0, 0)>
#map1 = affine_map<(d0, d1) -> (0, 0)>
module attributes {stable_mosaic.version = 14 : i64} {
  func.func @_scatter_body(%arg0: i32, %arg1: i32, %arg2: memref<32x40x125xi32, #tpu.memory_space<hbm>>, %arg3: memref<160000x16xf32, #tpu.memory_space<hbm>>, %arg4: memref<10240x16xf32, #tpu.memory_space<hbm>>, %arg5: memref<10240x16xf32, #tpu.memory_space<hbm>>, %arg6: memref<40x125xi32, #tpu.memory_space<vmem>>, %arg7: memref<5000x16xf32, #tpu.memory_space<vmem>>, %arg8: memref<640x16xf32, #tpu.memory_space<vmem>>, %arg9: memref<10240x16xf32, #tpu.memory_space<vmem_shared>>, %arg10: memref<!tpu.dma_semaphore, #tpu.memory_space<semaphore_mem>>) attributes {dimension_semantics = [#tpu.dimension_semantics<core_parallel>, #tpu.dimension_semantics<subcore_parallel>], iteration_bounds = array<i64: 2, 16>, scalar_prefetch = 0 : i64, scratch_operands = 5 : i64, tpu.core_type = #tpu.core_type<sc_vector_subcore>, window_params = [{transform_indices = #map}, {transform_indices = #map1}, {transform_indices = #map1}, {transform_indices = #map1}]} {
    %mul3A = arith.constant 16 : i32
    %mul3A_0 = arith.muli %arg0, %mul3A : i32
    %add3A = arith.addi %mul3A_0, %arg1 : i32
    %scan3A = arith.constant 0 : i32
    %scan3A_1 = arith.constant 0 : i32
    %scan3A_2 = arith.constant 640 : i32
    %scan3A_3 = arith.addi %scan3A_1, %scan3A_2 : i32
    %scan3A_4 = arith.constant 1 : i32
    scf.for %scan3A_26 = %scan3A_1 to %scan3A_3 step %scan3A_4  : i32 {
      %broadcast_in_dim3A = arith.constant 0.000000e+00 : f32
      %broadcast_in_dim3A_27 = vector.broadcast %broadcast_in_dim3A : f32 to vector<16xf32>
      %swap3A = arith.index_cast %scan3A_26 : i32 to index
      %swap3A_28 = arith.constant 0 : index
      %swap3A_29 = tpu.vector_load %arg8[%swap3A, %swap3A_28] {strides = array<i32>} : memref<640x16xf32, #tpu.memory_space<vmem>>, vector<1x16xf32>,
      %swap3A_30 = vector.shape_cast %swap3A_29 : vector<1x16xf32> to vector<16xf32>
      %swap3A_31 = vector.shape_cast %broadcast_in_dim3A_27 : vector<16xf32> to vector<1x16xf32>
      tpu.vector_store %arg8[%swap3A, %swap3A_28], %swap3A_31 {strides = array<i32>} : memref<640x16xf32, #tpu.memory_space<vmem>>, vector<1x16xf32>,
    }
    %scan3A_5 = arith.constant 640 : i32
    %mul3A_6 = arith.constant 640 : i32
    %mul3A_7 = arith.muli %arg1, %mul3A_6 : i32
    "tpu.region"() ({
      %run_scoped3A = tpu.sem_alloc : memref<!tpu.dma_semaphore, #tpu.memory_space<semaphore_mem>>
      %dma_start3A = arith.constant 0 : i32
      %dma_start3A_26 = tpu.memref_slice %arg9[%mul3A_7, %dma_start3A] : memref<10240x16xf32, #tpu.memory_space<vmem_shared>> -> memref<640x16xf32, #tpu.memory_space<vmem_shared>>
      %dma_start3A_27 = arith.constant 0 : i32
      %dma_start3A_28 = tpu.memref_slice %arg9[%mul3A_7, %dma_start3A_27] : memref<10240x16xf32, #tpu.memory_space<vmem_shared>> -> memref<640x16xf32, #tpu.memory_space<vmem_shared>>
      tpu.enqueue_dma source(%arg8 : memref<640x16xf32, #tpu.memory_space<vmem>>) target(%dma_start3A_28 : memref<640x16xf32, #tpu.memory_space<vmem_shared>>) target_semaphore(%run_scoped3A : memref<!tpu.dma_semaphore, #tpu.memory_space<semaphore_mem>>)
      %dma_wait3A = arith.constant 0 : i32
      %dma_wait3A_29 = tpu.memref_slice %arg9[%mul3A_7, %dma_wait3A] : memref<10240x16xf32, #tpu.memory_space<vmem_shared>> -> memref<640x16xf32, #tpu.memory_space<vmem_shared>>
      %dma_wait3A_30 = arith.constant 0 : i32
      %dma_wait3A_31 = tpu.memref_slice %arg9[%mul3A_7, %dma_wait3A_30] : memref<10240x16xf32, #tpu.memory_space<vmem_shared>> -> memref<640x16xf32, #tpu.memory_space<vmem_shared>>
      tpu.wait_dma2 semaphore(%run_scoped3A : memref<!tpu.dma_semaphore, #tpu.memory_space<semaphore_mem>>) src(%arg8 : memref<640x16xf32, #tpu.memory_space<vmem>>) dst(%dma_wait3A_31 : memref<640x16xf32, #tpu.memory_space<vmem_shared>>)
      tpu.yield
    }) : () -> ()
    %barrier3A = arith.constant 0 : index
    tpu.barrier barrier_id(%barrier3A)
    "tpu.region"() ({
      %run_scoped3A = tpu.sem_alloc : memref<!tpu.dma_semaphore, #tpu.memory_space<semaphore_mem>>
      %dma_start3A = arith.constant 0 : i32
      %dma_start3A_26 = arith.constant 0 : i32
      %dma_start3A_27 = tpu.memref_slice %arg2[%add3A, %dma_start3A, %dma_start3A_26] : memref<32x40x125xi32, #tpu.memory_space<hbm>> -> memref<1x40x125xi32, #tpu.memory_space<hbm>>
      %dma_start3A_28 = tpu.memref_squeeze %dma_start3A_27 : memref<1x40x125xi32, #tpu.memory_space<hbm>> -> memref<40x125xi32, #tpu.memory_space<hbm>>
      %dma_start3A_29 = arith.constant 0 : i32
      %dma_start3A_30 = arith.constant 0 : i32
      %dma_start3A_31 = tpu.memref_slice %arg2[%add3A, %dma_start3A_29, %dma_start3A_30] : memref<32x40x125xi32, #tpu.memory_space<hbm>> -> memref<1x40x125xi32, #tpu.memory_space<hbm>>
      %dma_start3A_32 = tpu.memref_squeeze %dma_start3A_31 : memref<1x40x125xi32, #tpu.memory_space<hbm>> -> memref<40x125xi32, #tpu.memory_space<hbm>>
      tpu.enqueue_dma source(%dma_start3A_32 : memref<40x125xi32, #tpu.memory_space<hbm>>) target(%arg6 : memref<40x125xi32, #tpu.memory_space<vmem>>) target_semaphore(%run_scoped3A : memref<!tpu.dma_semaphore, #tpu.memory_space<semaphore_mem>>)
      %dma_wait3A = arith.constant 0 : i32
      %dma_wait3A_33 = arith.constant 0 : i32
      %dma_wait3A_34 = tpu.memref_slice %arg2[%add3A, %dma_wait3A, %dma_wait3A_33] : memref<32x40x125xi32, #tpu.memory_space<hbm>> -> memref<1x40x125xi32, #tpu.memory_space<hbm>>
      %dma_wait3A_35 = tpu.memref_squeeze %dma_wait3A_34 : memref<1x40x125xi32, #tpu.memory_space<hbm>> -> memref<40x125xi32, #tpu.memory_space<hbm>>
      %dma_wait3A_36 = arith.constant 0 : i32
      %dma_wait3A_37 = arith.constant 0 : i32
      %dma_wait3A_38 = tpu.memref_slice %arg2[%add3A, %dma_wait3A_36, %dma_wait3A_37] : memref<32x40x125xi32, #tpu.memory_space<hbm>> -> memref<1x40x125xi32, #tpu.memory_space<hbm>>
      %dma_wait3A_39 = tpu.memref_squeeze %dma_wait3A_38 : memref<1x40x125xi32, #tpu.memory_space<hbm>> -> memref<40x125xi32, #tpu.memory_space<hbm>>
      tpu.wait_dma2 semaphore(%run_scoped3A : memref<!tpu.dma_semaphore, #tpu.memory_space<semaphore_mem>>) src(%dma_wait3A_39 : memref<40x125xi32, #tpu.memory_space<hbm>>) dst(%arg6 : memref<40x125xi32, #tpu.memory_space<vmem>>)
      tpu.yield
    }) : () -> ()
    %mul3A_8 = arith.constant 5000 : i32
    %mul3A_9 = arith.muli %add3A, %mul3A_8 : i32
    "tpu.region"() ({
      %run_scoped3A = tpu.sem_alloc : memref<!tpu.dma_semaphore, #tpu.memory_space<semaphore_mem>>
      %dma_start3A = arith.constant 0 : i32
      %dma_start3A_26 = tpu.memref_slice %arg3[%mul3A_9, %dma_start3A] : memref<160000x16xf32, #tpu.memory_space<hbm>> -> memref<5000x16xf32, #tpu.memory_space<hbm>>
      %dma_start3A_27 = arith.constant 0 : i32
      %dma_start3A_28 = tpu.memref_slice %arg3[%mul3A_9, %dma_start3A_27] : memref<160000x16xf32, #tpu.memory_space<hbm>> -> memref<5000x16xf32, #tpu.memory_space<hbm>>
      tpu.enqueue_dma source(%dma_start3A_28 : memref<5000x16xf32, #tpu.memory_space<hbm>>) target(%arg7 : memref<5000x16xf32, #tpu.memory_space<vmem>>) target_semaphore(%run_scoped3A : memref<!tpu.dma_semaphore, #tpu.memory_space<semaphore_mem>>)
      %dma_wait3A = arith.constant 0 : i32
      %dma_wait3A_29 = tpu.memref_slice %arg3[%mul3A_9, %dma_wait3A] : memref<160000x16xf32, #tpu.memory_space<hbm>> -> memref<5000x16xf32, #tpu.memory_space<hbm>>
      %dma_wait3A_30 = arith.constant 0 : i32
      %dma_wait3A_31 = tpu.memref_slice %arg3[%mul3A_9, %dma_wait3A_30] : memref<160000x16xf32, #tpu.memory_space<hbm>> -> memref<5000x16xf32, #tpu.memory_space<hbm>>
      tpu.wait_dma2 semaphore(%run_scoped3A : memref<!tpu.dma_semaphore, #tpu.memory_space<semaphore_mem>>) src(%dma_wait3A_31 : memref<5000x16xf32, #tpu.memory_space<hbm>>) dst(%arg7 : memref<5000x16xf32, #tpu.memory_space<vmem>>)
      tpu.yield
    }) : () -> ()
    %scan3A_10 = arith.constant 0 : i32
    %scan3A_11 = arith.constant 0 : i32
    %scan3A_12 = arith.constant 5 : i32
    %scan3A_13 = arith.addi %scan3A_11, %scan3A_12 : i32
    %scan3A_14 = arith.constant 1 : i32
    scf.for %scan3A_26 = %scan3A_11 to %scan3A_13 step %scan3A_14  : i32 {
      %mul3A_27 = arith.constant 8 : i32
      %mul3A_28 = arith.muli %scan3A_26, %mul3A_27 : i32
      %add3A_29 = arith.constant 0 : i32
      %add3A_30 = arith.addi %mul3A_28, %add3A_29 : i32
      %mul3A_31 = arith.constant 125 : i32
      %mul3A_32 = arith.muli %add3A_30, %mul3A_31 : i32
      "tpu.region"() ({
        %run_scoped3A = tpu.sem_alloc : memref<!tpu.dma_semaphore, #tpu.memory_space<semaphore_mem>>
        %dma_start3A = arith.constant 0 : i32
        %dma_start3A_75 = tpu.memref_slice %arg7[%mul3A_32, %dma_start3A] : memref<5000x16xf32, #tpu.memory_space<vmem>> -> memref<125x16xf32, #tpu.memory_space<vmem>>
        %dma_start3A_76 = arith.constant 0 : i32
        %dma_start3A_77 = tpu.memref_slice %arg6[%add3A_30, %dma_start3A_76] : memref<40x125xi32, #tpu.memory_space<vmem>> -> memref<1x125xi32, #tpu.memory_space<vmem>>
        %dma_start3A_78 = tpu.memref_squeeze %dma_start3A_77 : memref<1x125xi32, #tpu.memory_space<vmem>> -> memref<125xi32, #tpu.memory_space<vmem>>
        %dma_start3A_79 = arith.constant 0 : i32
        %dma_start3A_80 = arith.constant 0 : i32
        %dma_start3A_81 = tpu.memref_slice %arg9[%dma_start3A_79, %dma_start3A_80] : memref<10240x16xf32, #tpu.memory_space<vmem_shared>> -> memref<10240x16xf32, #tpu.memory_space<vmem_shared>>
        tpu.enqueue_indirect_dma source(%dma_start3A_75 : memref<125x16xf32, #tpu.memory_space<vmem>>) target(%dma_start3A_81 : memref<10240x16xf32, #tpu.memory_space<vmem_shared>>) offsets(%dma_start3A_78 : memref<125xi32, #tpu.memory_space<vmem>>) semaphore(%run_scoped3A : memref<!tpu.dma_semaphore, #tpu.memory_space<semaphore_mem>>) {add = true}
        %dma_wait3A = arith.constant 0 : i32
        %dma_wait3A_82 = tpu.memref_slice %arg7[%mul3A_32, %dma_wait3A] : memref<5000x16xf32, #tpu.memory_space<vmem>> -> memref<125x16xf32, #tpu.memory_space<vmem>>
        %dma_wait3A_83 = arith.constant 0 : i32
        %dma_wait3A_84 = tpu.memref_slice %arg6[%add3A_30, %dma_wait3A_83] : memref<40x125xi32, #tpu.memory_space<vmem>> -> memref<1x125xi32, #tpu.memory_space<vmem>>
        %dma_wait3A_85 = tpu.memref_squeeze %dma_wait3A_84 : memref<1x125xi32, #tpu.memory_space<vmem>> -> memref<125xi32, #tpu.memory_space<vmem>>
        %dma_wait3A_86 = arith.constant 0 : i32
        %dma_wait3A_87 = arith.constant 0 : i32
        %dma_wait3A_88 = tpu.memref_slice %arg9[%dma_wait3A_86, %dma_wait3A_87] : memref<10240x16xf32, #tpu.memory_space<vmem_shared>> -> memref<10240x16xf32, #tpu.memory_space<vmem_shared>>
        tpu.wait_indirect_dma semaphore(%run_scoped3A : memref<!tpu.dma_semaphore, #tpu.memory_space<semaphore_mem>>) src(%dma_wait3A_82 : memref<125x16xf32, #tpu.memory_space<vmem>>) dst(%dma_wait3A_88 : memref<10240x16xf32, #tpu.memory_space<vmem_shared>>)
        tpu.yield
      }) : () -> ()
      %mul3A_33 = arith.constant 8 : i32
      %mul3A_34 = arith.muli %scan3A_26, %mul3A_33 : i32
      %add3A_35 = arith.constant 1 : i32
      %add3A_36 = arith.addi %mul3A_34, %add3A_35 : i32
      %mul3A_37 = arith.constant 125 : i32
      %mul3A_38 = arith.muli %add3A_36, %mul3A_37 : i32
      "tpu.region"() ({
        %run_scoped3A = tpu.sem_alloc : memref<!tpu.dma_semaphore, #tpu.memory_space<semaphore_mem>>
        %dma_start3A = arith.constant 0 : i32
        %dma_start3A_75 = tpu.memref_slice %arg7[%mul3A_38, %dma_start3A] : memref<5000x16xf32, #tpu.memory_space<vmem>> -> memref<125x16xf32, #tpu.memory_space<vmem>>
        %dma_start3A_76 = arith.constant 0 : i32
        %dma_start3A_77 = tpu.memref_slice %arg6[%add3A_36, %dma_start3A_76] : memref<40x125xi32, #tpu.memory_space<vmem>> -> memref<1x125xi32, #tpu.memory_space<vmem>>
        %dma_start3A_78 = tpu.memref_squeeze %dma_start3A_77 : memref<1x125xi32, #tpu.memory_space<vmem>> -> memref<125xi32, #tpu.memory_space<vmem>>
        %dma_start3A_79 = arith.constant 0 : i32
        %dma_start3A_80 = arith.constant 0 : i32
        %dma_start3A_81 = tpu.memref_slice %arg9[%dma_start3A_79, %dma_start3A_80] : memref<10240x16xf32, #tpu.memory_space<vmem_shared>> -> memref<10240x16xf32, #tpu.memory_space<vmem_shared>>
        tpu.enqueue_indirect_dma source(%dma_start3A_75 : memref<125x16xf32, #tpu.memory_space<vmem>>) target(%dma_start3A_81 : memref<10240x16xf32, #tpu.memory_space<vmem_shared>>) offsets(%dma_start3A_78 : memref<125xi32, #tpu.memory_space<vmem>>) semaphore(%run_scoped3A : memref<!tpu.dma_semaphore, #tpu.memory_space<semaphore_mem>>) {add = true}
        %dma_wait3A = arith.constant 0 : i32
        %dma_wait3A_82 = tpu.memref_slice %arg7[%mul3A_38, %dma_wait3A] : memref<5000x16xf32, #tpu.memory_space<vmem>> -> memref<125x16xf32, #tpu.memory_space<vmem>>
        %dma_wait3A_83 = arith.constant 0 : i32
        %dma_wait3A_84 = tpu.memref_slice %arg6[%add3A_36, %dma_wait3A_83] : memref<40x125xi32, #tpu.memory_space<vmem>> -> memref<1x125xi32, #tpu.memory_space<vmem>>
        %dma_wait3A_85 = tpu.memref_squeeze %dma_wait3A_84 : memref<1x125xi32, #tpu.memory_space<vmem>> -> memref<125xi32, #tpu.memory_space<vmem>>
        %dma_wait3A_86 = arith.constant 0 : i32
        %dma_wait3A_87 = arith.constant 0 : i32
        %dma_wait3A_88 = tpu.memref_slice %arg9[%dma_wait3A_86, %dma_wait3A_87] : memref<10240x16xf32, #tpu.memory_space<vmem_shared>> -> memref<10240x16xf32, #tpu.memory_space<vmem_shared>>
        tpu.wait_indirect_dma semaphore(%run_scoped3A : memref<!tpu.dma_semaphore, #tpu.memory_space<semaphore_mem>>) src(%dma_wait3A_82 : memref<125x16xf32, #tpu.memory_space<vmem>>) dst(%dma_wait3A_88 : memref<10240x16xf32, #tpu.memory_space<vmem_shared>>)
        tpu.yield
      }) : () -> ()
      %mul3A_39 = arith.constant 8 : i32
      %mul3A_40 = arith.muli %scan3A_26, %mul3A_39 : i32
      %add3A_41 = arith.constant 2 : i32
      %add3A_42 = arith.addi %mul3A_40, %add3A_41 : i32
      %mul3A_43 = arith.constant 125 : i32
      %mul3A_44 = arith.muli %add3A_42, %mul3A_43 : i32
      "tpu.region"() ({
        %run_scoped3A = tpu.sem_alloc : memref<!tpu.dma_semaphore, #tpu.memory_space<semaphore_mem>>
        %dma_start3A = arith.constant 0 : i32
        %dma_start3A_75 = tpu.memref_slice %arg7[%mul3A_44, %dma_start3A] : memref<5000x16xf32, #tpu.memory_space<vmem>> -> memref<125x16xf32, #tpu.memory_space<vmem>>
        %dma_start3A_76 = arith.constant 0 : i32
        %dma_start3A_77 = tpu.memref_slice %arg6[%add3A_42, %dma_start3A_76] : memref<40x125xi32, #tpu.memory_space<vmem>> -> memref<1x125xi32, #tpu.memory_space<vmem>>
        %dma_start3A_78 = tpu.memref_squeeze %dma_start3A_77 : memref<1x125xi32, #tpu.memory_space<vmem>> -> memref<125xi32, #tpu.memory_space<vmem>>
        %dma_start3A_79 = arith.constant 0 : i32
        %dma_start3A_80 = arith.constant 0 : i32
        %dma_start3A_81 = tpu.memref_slice %arg9[%dma_start3A_79, %dma_start3A_80] : memref<10240x16xf32, #tpu.memory_space<vmem_shared>> -> memref<10240x16xf32, #tpu.memory_space<vmem_shared>>
        tpu.enqueue_indirect_dma source(%dma_start3A_75 : memref<125x16xf32, #tpu.memory_space<vmem>>) target(%dma_start3A_81 : memref<10240x16xf32, #tpu.memory_space<vmem_shared>>) offsets(%dma_start3A_78 : memref<125xi32, #tpu.memory_space<vmem>>) semaphore(%run_scoped3A : memref<!tpu.dma_semaphore, #tpu.memory_space<semaphore_mem>>) {add = true}
        %dma_wait3A = arith.constant 0 : i32
        %dma_wait3A_82 = tpu.memref_slice %arg7[%mul3A_44, %dma_wait3A] : memref<5000x16xf32, #tpu.memory_space<vmem>> -> memref<125x16xf32, #tpu.memory_space<vmem>>
        %dma_wait3A_83 = arith.constant 0 : i32
        %dma_wait3A_84 = tpu.memref_slice %arg6[%add3A_42, %dma_wait3A_83] : memref<40x125xi32, #tpu.memory_space<vmem>> -> memref<1x125xi32, #tpu.memory_space<vmem>>
        %dma_wait3A_85 = tpu.memref_squeeze %dma_wait3A_84 : memref<1x125xi32, #tpu.memory_space<vmem>> -> memref<125xi32, #tpu.memory_space<vmem>>
        %dma_wait3A_86 = arith.constant 0 : i32
        %dma_wait3A_87 = arith.constant 0 : i32
        %dma_wait3A_88 = tpu.memref_slice %arg9[%dma_wait3A_86, %dma_wait3A_87] : memref<10240x16xf32, #tpu.memory_space<vmem_shared>> -> memref<10240x16xf32, #tpu.memory_space<vmem_shared>>
        tpu.wait_indirect_dma semaphore(%run_scoped3A : memref<!tpu.dma_semaphore, #tpu.memory_space<semaphore_mem>>) src(%dma_wait3A_82 : memref<125x16xf32, #tpu.memory_space<vmem>>) dst(%dma_wait3A_88 : memref<10240x16xf32, #tpu.memory_space<vmem_shared>>)
        tpu.yield
      }) : () -> ()
      %mul3A_45 = arith.constant 8 : i32
      %mul3A_46 = arith.muli %scan3A_26, %mul3A_45 : i32
      %add3A_47 = arith.constant 3 : i32
      %add3A_48 = arith.addi %mul3A_46, %add3A_47 : i32
      %mul3A_49 = arith.constant 125 : i32
      %mul3A_50 = arith.muli %add3A_48, %mul3A_49 : i32
      "tpu.region"() ({
        %run_scoped3A = tpu.sem_alloc : memref<!tpu.dma_semaphore, #tpu.memory_space<semaphore_mem>>
        %dma_start3A = arith.constant 0 : i32
        %dma_start3A_75 = tpu.memref_slice %arg7[%mul3A_50, %dma_start3A] : memref<5000x16xf32, #tpu.memory_space<vmem>> -> memref<125x16xf32, #tpu.memory_space<vmem>>
        %dma_start3A_76 = arith.constant 0 : i32
        %dma_start3A_77 = tpu.memref_slice %arg6[%add3A_48, %dma_start3A_76] : memref<40x125xi32, #tpu.memory_space<vmem>> -> memref<1x125xi32, #tpu.memory_space<vmem>>
        %dma_start3A_78 = tpu.memref_squeeze %dma_start3A_77 : memref<1x125xi32, #tpu.memory_space<vmem>> -> memref<125xi32, #tpu.memory_space<vmem>>
        %dma_start3A_79 = arith.constant 0 : i32
        %dma_start3A_80 = arith.constant 0 : i32
        %dma_start3A_81 = tpu.memref_slice %arg9[%dma_start3A_79, %dma_start3A_80] : memref<10240x16xf32, #tpu.memory_space<vmem_shared>> -> memref<10240x16xf32, #tpu.memory_space<vmem_shared>>
        tpu.enqueue_indirect_dma source(%dma_start3A_75 : memref<125x16xf32, #tpu.memory_space<vmem>>) target(%dma_start3A_81 : memref<10240x16xf32, #tpu.memory_space<vmem_shared>>) offsets(%dma_start3A_78 : memref<125xi32, #tpu.memory_space<vmem>>) semaphore(%run_scoped3A : memref<!tpu.dma_semaphore, #tpu.memory_space<semaphore_mem>>) {add = true}
        %dma_wait3A = arith.constant 0 : i32
        %dma_wait3A_82 = tpu.memref_slice %arg7[%mul3A_50, %dma_wait3A] : memref<5000x16xf32, #tpu.memory_space<vmem>> -> memref<125x16xf32, #tpu.memory_space<vmem>>
        %dma_wait3A_83 = arith.constant 0 : i32
        %dma_wait3A_84 = tpu.memref_slice %arg6[%add3A_48, %dma_wait3A_83] : memref<40x125xi32, #tpu.memory_space<vmem>> -> memref<1x125xi32, #tpu.memory_space<vmem>>
        %dma_wait3A_85 = tpu.memref_squeeze %dma_wait3A_84 : memref<1x125xi32, #tpu.memory_space<vmem>> -> memref<125xi32, #tpu.memory_space<vmem>>
        %dma_wait3A_86 = arith.constant 0 : i32
        %dma_wait3A_87 = arith.constant 0 : i32
        %dma_wait3A_88 = tpu.memref_slice %arg9[%dma_wait3A_86, %dma_wait3A_87] : memref<10240x16xf32, #tpu.memory_space<vmem_shared>> -> memref<10240x16xf32, #tpu.memory_space<vmem_shared>>
        tpu.wait_indirect_dma semaphore(%run_scoped3A : memref<!tpu.dma_semaphore, #tpu.memory_space<semaphore_mem>>) src(%dma_wait3A_82 : memref<125x16xf32, #tpu.memory_space<vmem>>) dst(%dma_wait3A_88 : memref<10240x16xf32, #tpu.memory_space<vmem_shared>>)
        tpu.yield
      }) : () -> ()
      %mul3A_51 = arith.constant 8 : i32
      %mul3A_52 = arith.muli %scan3A_26, %mul3A_51 : i32
      %add3A_53 = arith.constant 4 : i32
      %add3A_54 = arith.addi %mul3A_52, %add3A_53 : i32
      %mul3A_55 = arith.constant 125 : i32
      %mul3A_56 = arith.muli %add3A_54, %mul3A_55 : i32
      "tpu.region"() ({
        %run_scoped3A = tpu.sem_alloc : memref<!tpu.dma_semaphore, #tpu.memory_space<semaphore_mem>>
        %dma_start3A = arith.constant 0 : i32
        %dma_start3A_75 = tpu.memref_slice %arg7[%mul3A_56, %dma_start3A] : memref<5000x16xf32, #tpu.memory_space<vmem>> -> memref<125x16xf32, #tpu.memory_space<vmem>>
        %dma_start3A_76 = arith.constant 0 : i32
        %dma_start3A_77 = tpu.memref_slice %arg6[%add3A_54, %dma_start3A_76] : memref<40x125xi32, #tpu.memory_space<vmem>> -> memref<1x125xi32, #tpu.memory_space<vmem>>
        %dma_start3A_78 = tpu.memref_squeeze %dma_start3A_77 : memref<1x125xi32, #tpu.memory_space<vmem>> -> memref<125xi32, #tpu.memory_space<vmem>>
        %dma_start3A_79 = arith.constant 0 : i32
        %dma_start3A_80 = arith.constant 0 : i32
        %dma_start3A_81 = tpu.memref_slice %arg9[%dma_start3A_79, %dma_start3A_80] : memref<10240x16xf32, #tpu.memory_space<vmem_shared>> -> memref<10240x16xf32, #tpu.memory_space<vmem_shared>>
        tpu.enqueue_indirect_dma source(%dma_start3A_75 : memref<125x16xf32, #tpu.memory_space<vmem>>) target(%dma_start3A_81 : memref<10240x16xf32, #tpu.memory_space<vmem_shared>>) offsets(%dma_start3A_78 : memref<125xi32, #tpu.memory_space<vmem>>) semaphore(%run_scoped3A : memref<!tpu.dma_semaphore, #tpu.memory_space<semaphore_mem>>) {add = true}
        %dma_wait3A = arith.constant 0 : i32
        %dma_wait3A_82 = tpu.memref_slice %arg7[%mul3A_56, %dma_wait3A] : memref<5000x16xf32, #tpu.memory_space<vmem>> -> memref<125x16xf32, #tpu.memory_space<vmem>>
        %dma_wait3A_83 = arith.constant 0 : i32
        %dma_wait3A_84 = tpu.memref_slice %arg6[%add3A_54, %dma_wait3A_83] : memref<40x125xi32, #tpu.memory_space<vmem>> -> memref<1x125xi32, #tpu.memory_space<vmem>>
        %dma_wait3A_85 = tpu.memref_squeeze %dma_wait3A_84 : memref<1x125xi32, #tpu.memory_space<vmem>> -> memref<125xi32, #tpu.memory_space<vmem>>
        %dma_wait3A_86 = arith.constant 0 : i32
        %dma_wait3A_87 = arith.constant 0 : i32
        %dma_wait3A_88 = tpu.memref_slice %arg9[%dma_wait3A_86, %dma_wait3A_87] : memref<10240x16xf32, #tpu.memory_space<vmem_shared>> -> memref<10240x16xf32, #tpu.memory_space<vmem_shared>>
        tpu.wait_indirect_dma semaphore(%run_scoped3A : memref<!tpu.dma_semaphore, #tpu.memory_space<semaphore_mem>>) src(%dma_wait3A_82 : memref<125x16xf32, #tpu.memory_space<vmem>>) dst(%dma_wait3A_88 : memref<10240x16xf32, #tpu.memory_space<vmem_shared>>)
        tpu.yield
      }) : () -> ()
      %mul3A_57 = arith.constant 8 : i32
      %mul3A_58 = arith.muli %scan3A_26, %mul3A_57 : i32
      %add3A_59 = arith.constant 5 : i32
      %add3A_60 = arith.addi %mul3A_58, %add3A_59 : i32
      %mul3A_61 = arith.constant 125 : i32
      %mul3A_62 = arith.muli %add3A_60, %mul3A_61 : i32
      "tpu.region"() ({
        %run_scoped3A = tpu.sem_alloc : memref<!tpu.dma_semaphore, #tpu.memory_space<semaphore_mem>>
        %dma_start3A = arith.constant 0 : i32
        %dma_start3A_75 = tpu.memref_slice %arg7[%mul3A_62, %dma_start3A] : memref<5000x16xf32, #tpu.memory_space<vmem>> -> memref<125x16xf32, #tpu.memory_space<vmem>>
        %dma_start3A_76 = arith.constant 0 : i32
        %dma_start3A_77 = tpu.memref_slice %arg6[%add3A_60, %dma_start3A_76] : memref<40x125xi32, #tpu.memory_space<vmem>> -> memref<1x125xi32, #tpu.memory_space<vmem>>
        %dma_start3A_78 = tpu.memref_squeeze %dma_start3A_77 : memref<1x125xi32, #tpu.memory_space<vmem>> -> memref<125xi32, #tpu.memory_space<vmem>>
        %dma_start3A_79 = arith.constant 0 : i32
        %dma_start3A_80 = arith.constant 0 : i32
        %dma_start3A_81 = tpu.memref_slice %arg9[%dma_start3A_79, %dma_start3A_80] : memref<10240x16xf32, #tpu.memory_space<vmem_shared>> -> memref<10240x16xf32, #tpu.memory_space<vmem_shared>>
        tpu.enqueue_indirect_dma source(%dma_start3A_75 : memref<125x16xf32, #tpu.memory_space<vmem>>) target(%dma_start3A_81 : memref<10240x16xf32, #tpu.memory_space<vmem_shared>>) offsets(%dma_start3A_78 : memref<125xi32, #tpu.memory_space<vmem>>) semaphore(%run_scoped3A : memref<!tpu.dma_semaphore, #tpu.memory_space<semaphore_mem>>) {add = true}
        %dma_wait3A = arith.constant 0 : i32
        %dma_wait3A_82 = tpu.memref_slice %arg7[%mul3A_62, %dma_wait3A] : memref<5000x16xf32, #tpu.memory_space<vmem>> -> memref<125x16xf32, #tpu.memory_space<vmem>>
        %dma_wait3A_83 = arith.constant 0 : i32
        %dma_wait3A_84 = tpu.memref_slice %arg6[%add3A_60, %dma_wait3A_83] : memref<40x125xi32, #tpu.memory_space<vmem>> -> memref<1x125xi32, #tpu.memory_space<vmem>>
        %dma_wait3A_85 = tpu.memref_squeeze %dma_wait3A_84 : memref<1x125xi32, #tpu.memory_space<vmem>> -> memref<125xi32, #tpu.memory_space<vmem>>
        %dma_wait3A_86 = arith.constant 0 : i32
        %dma_wait3A_87 = arith.constant 0 : i32
        %dma_wait3A_88 = tpu.memref_slice %arg9[%dma_wait3A_86, %dma_wait3A_87] : memref<10240x16xf32, #tpu.memory_space<vmem_shared>> -> memref<10240x16xf32, #tpu.memory_space<vmem_shared>>
        tpu.wait_indirect_dma semaphore(%run_scoped3A : memref<!tpu.dma_semaphore, #tpu.memory_space<semaphore_mem>>) src(%dma_wait3A_82 : memref<125x16xf32, #tpu.memory_space<vmem>>) dst(%dma_wait3A_88 : memref<10240x16xf32, #tpu.memory_space<vmem_shared>>)
        tpu.yield
      }) : () -> ()
      %mul3A_63 = arith.constant 8 : i32
      %mul3A_64 = arith.muli %scan3A_26, %mul3A_63 : i32
      %add3A_65 = arith.constant 6 : i32
      %add3A_66 = arith.addi %mul3A_64, %add3A_65 : i32
      %mul3A_67 = arith.constant 125 : i32
      %mul3A_68 = arith.muli %add3A_66, %mul3A_67 : i32
      "tpu.region"() ({
        %run_scoped3A = tpu.sem_alloc : memref<!tpu.dma_semaphore, #tpu.memory_space<semaphore_mem>>
        %dma_start3A = arith.constant 0 : i32
        %dma_start3A_75 = tpu.memref_slice %arg7[%mul3A_68, %dma_start3A] : memref<5000x16xf32, #tpu.memory_space<vmem>> -> memref<125x16xf32, #tpu.memory_space<vmem>>
        %dma_start3A_76 = arith.constant 0 : i32
        %dma_start3A_77 = tpu.memref_slice %arg6[%add3A_66, %dma_start3A_76] : memref<40x125xi32, #tpu.memory_space<vmem>> -> memref<1x125xi32, #tpu.memory_space<vmem>>
        %dma_start3A_78 = tpu.memref_squeeze %dma_start3A_77 : memref<1x125xi32, #tpu.memory_space<vmem>> -> memref<125xi32, #tpu.memory_space<vmem>>
        %dma_start3A_79 = arith.constant 0 : i32
        %dma_start3A_80 = arith.constant 0 : i32
        %dma_start3A_81 = tpu.memref_slice %arg9[%dma_start3A_79, %dma_start3A_80] : memref<10240x16xf32, #tpu.memory_space<vmem_shared>> -> memref<10240x16xf32, #tpu.memory_space<vmem_shared>>
        tpu.enqueue_indirect_dma source(%dma_start3A_75 : memref<125x16xf32, #tpu.memory_space<vmem>>) target(%dma_start3A_81 : memref<10240x16xf32, #tpu.memory_space<vmem_shared>>) offsets(%dma_start3A_78 : memref<125xi32, #tpu.memory_space<vmem>>) semaphore(%run_scoped3A : memref<!tpu.dma_semaphore, #tpu.memory_space<semaphore_mem>>) {add = true}
        %dma_wait3A = arith.constant 0 : i32
        %dma_wait3A_82 = tpu.memref_slice %arg7[%mul3A_68, %dma_wait3A] : memref<5000x16xf32, #tpu.memory_space<vmem>> -> memref<125x16xf32, #tpu.memory_space<vmem>>
        %dma_wait3A_83 = arith.constant 0 : i32
        %dma_wait3A_84 = tpu.memref_slice %arg6[%add3A_66, %dma_wait3A_83] : memref<40x125xi32, #tpu.memory_space<vmem>> -> memref<1x125xi32, #tpu.memory_space<vmem>>
        %dma_wait3A_85 = tpu.memref_squeeze %dma_wait3A_84 : memref<1x125xi32, #tpu.memory_space<vmem>> -> memref<125xi32, #tpu.memory_space<vmem>>
        %dma_wait3A_86 = arith.constant 0 : i32
        %dma_wait3A_87 = arith.constant 0 : i32
        %dma_wait3A_88 = tpu.memref_slice %arg9[%dma_wait3A_86, %dma_wait3A_87] : memref<10240x16xf32, #tpu.memory_space<vmem_shared>> -> memref<10240x16xf32, #tpu.memory_space<vmem_shared>>
        tpu.wait_indirect_dma semaphore(%run_scoped3A : memref<!tpu.dma_semaphore, #tpu.memory_space<semaphore_mem>>) src(%dma_wait3A_82 : memref<125x16xf32, #tpu.memory_space<vmem>>) dst(%dma_wait3A_88 : memref<10240x16xf32, #tpu.memory_space<vmem_shared>>)
        tpu.yield
      }) : () -> ()
      %mul3A_69 = arith.constant 8 : i32
      %mul3A_70 = arith.muli %scan3A_26, %mul3A_69 : i32
      %add3A_71 = arith.constant 7 : i32
      %add3A_72 = arith.addi %mul3A_70, %add3A_71 : i32
      %mul3A_73 = arith.constant 125 : i32
      %mul3A_74 = arith.muli %add3A_72, %mul3A_73 : i32
      "tpu.region"() ({
        %run_scoped3A = tpu.sem_alloc : memref<!tpu.dma_semaphore, #tpu.memory_space<semaphore_mem>>
        %dma_start3A = arith.constant 0 : i32
        %dma_start3A_75 = tpu.memref_slice %arg7[%mul3A_74, %dma_start3A] : memref<5000x16xf32, #tpu.memory_space<vmem>> -> memref<125x16xf32, #tpu.memory_space<vmem>>
        %dma_start3A_76 = arith.constant 0 : i32
        %dma_start3A_77 = tpu.memref_slice %arg6[%add3A_72, %dma_start3A_76] : memref<40x125xi32, #tpu.memory_space<vmem>> -> memref<1x125xi32, #tpu.memory_space<vmem>>
        %dma_start3A_78 = tpu.memref_squeeze %dma_start3A_77 : memref<1x125xi32, #tpu.memory_space<vmem>> -> memref<125xi32, #tpu.memory_space<vmem>>
        %dma_start3A_79 = arith.constant 0 : i32
        %dma_start3A_80 = arith.constant 0 : i32
        %dma_start3A_81 = tpu.memref_slice %arg9[%dma_start3A_79, %dma_start3A_80] : memref<10240x16xf32, #tpu.memory_space<vmem_shared>> -> memref<10240x16xf32, #tpu.memory_space<vmem_shared>>
        tpu.enqueue_indirect_dma source(%dma_start3A_75 : memref<125x16xf32, #tpu.memory_space<vmem>>) target(%dma_start3A_81 : memref<10240x16xf32, #tpu.memory_space<vmem_shared>>) offsets(%dma_start3A_78 : memref<125xi32, #tpu.memory_space<vmem>>) semaphore(%run_scoped3A : memref<!tpu.dma_semaphore, #tpu.memory_space<semaphore_mem>>) {add = true}
        %dma_wait3A = arith.constant 0 : i32
        %dma_wait3A_82 = tpu.memref_slice %arg7[%mul3A_74, %dma_wait3A] : memref<5000x16xf32, #tpu.memory_space<vmem>> -> memref<125x16xf32, #tpu.memory_space<vmem>>
        %dma_wait3A_83 = arith.constant 0 : i32
        %dma_wait3A_84 = tpu.memref_slice %arg6[%add3A_72, %dma_wait3A_83] : memref<40x125xi32, #tpu.memory_space<vmem>> -> memref<1x125xi32, #tpu.memory_space<vmem>>
        %dma_wait3A_85 = tpu.memref_squeeze %dma_wait3A_84 : memref<1x125xi32, #tpu.memory_space<vmem>> -> memref<125xi32, #tpu.memory_space<vmem>>
        %dma_wait3A_86 = arith.constant 0 : i32
        %dma_wait3A_87 = arith.constant 0 : i32
        %dma_wait3A_88 = tpu.memref_slice %arg9[%dma_wait3A_86, %dma_wait3A_87] : memref<10240x16xf32, #tpu.memory_space<vmem_shared>> -> memref<10240x16xf32, #tpu.memory_space<vmem_shared>>
        tpu.wait_indirect_dma semaphore(%run_scoped3A : memref<!tpu.dma_semaphore, #tpu.memory_space<semaphore_mem>>) src(%dma_wait3A_82 : memref<125x16xf32, #tpu.memory_space<vmem>>) dst(%dma_wait3A_88 : memref<10240x16xf32, #tpu.memory_space<vmem_shared>>)
        tpu.yield
      }) : () -> ()
    }
    %scan3A_15 = arith.constant 5 : i32
    %barrier3A_16 = arith.constant 0 : index
    tpu.barrier barrier_id(%barrier3A_16)
    %mul3A_17 = arith.constant 640 : i32
    %mul3A_18 = arith.muli %arg1, %mul3A_17 : i32
    "tpu.region"() ({
      %run_scoped3A = tpu.sem_alloc : memref<!tpu.dma_semaphore, #tpu.memory_space<semaphore_mem>>
      %dma_start3A = arith.constant 0 : i32
      %dma_start3A_26 = tpu.memref_slice %arg9[%mul3A_18, %dma_start3A] : memref<10240x16xf32, #tpu.memory_space<vmem_shared>> -> memref<640x16xf32, #tpu.memory_space<vmem_shared>>
      %dma_start3A_27 = arith.constant 0 : i32
      %dma_start3A_28 = tpu.memref_slice %arg9[%mul3A_18, %dma_start3A_27] : memref<10240x16xf32, #tpu.memory_space<vmem_shared>> -> memref<640x16xf32, #tpu.memory_space<vmem_shared>>
      tpu.enqueue_dma source(%dma_start3A_28 : memref<640x16xf32, #tpu.memory_space<vmem_shared>>) target(%arg8 : memref<640x16xf32, #tpu.memory_space<vmem>>) target_semaphore(%run_scoped3A : memref<!tpu.dma_semaphore, #tpu.memory_space<semaphore_mem>>)
      %dma_wait3A = arith.constant 0 : i32
      %dma_wait3A_29 = tpu.memref_slice %arg9[%mul3A_18, %dma_wait3A] : memref<10240x16xf32, #tpu.memory_space<vmem_shared>> -> memref<640x16xf32, #tpu.memory_space<vmem_shared>>
      %dma_wait3A_30 = arith.constant 0 : i32
      %dma_wait3A_31 = tpu.memref_slice %arg9[%mul3A_18, %dma_wait3A_30] : memref<10240x16xf32, #tpu.memory_space<vmem_shared>> -> memref<640x16xf32, #tpu.memory_space<vmem_shared>>
      tpu.wait_dma2 semaphore(%run_scoped3A : memref<!tpu.dma_semaphore, #tpu.memory_space<semaphore_mem>>) src(%dma_wait3A_31 : memref<640x16xf32, #tpu.memory_space<vmem_shared>>) dst(%arg8 : memref<640x16xf32, #tpu.memory_space<vmem>>)
      tpu.yield
    }) : () -> ()
    %eq3A = arith.constant 0 : i32
    %eq3A_19 = arith.cmpi eq, %arg0, %eq3A : i32
    %convert_element_type3A = arith.extui %eq3A_19 : i1 to i32
    %cond3A = arith.constant 0 : i32
    %cond3A_20 = arith.cmpi ne, %convert_element_type3A, %cond3A : i32
    scf.if %cond3A_20 {
      %mul3A_26 = arith.constant 640 : i32
      %mul3A_27 = arith.muli %arg1, %mul3A_26 : i32
      "tpu.region"() ({
        %run_scoped3A = tpu.sem_alloc : memref<!tpu.dma_semaphore, #tpu.memory_space<semaphore_mem>>
        %dma_start3A = arith.constant 0 : i32
        %dma_start3A_28 = tpu.memref_slice %arg4[%mul3A_27, %dma_start3A] : memref<10240x16xf32, #tpu.memory_space<hbm>> -> memref<640x16xf32, #tpu.memory_space<hbm>>
        %dma_start3A_29 = arith.constant 0 : i32
        %dma_start3A_30 = tpu.memref_slice %arg4[%mul3A_27, %dma_start3A_29] : memref<10240x16xf32, #tpu.memory_space<hbm>> -> memref<640x16xf32, #tpu.memory_space<hbm>>
        tpu.enqueue_dma source(%arg8 : memref<640x16xf32, #tpu.memory_space<vmem>>) target(%dma_start3A_30 : memref<640x16xf32, #tpu.memory_space<hbm>>) target_semaphore(%run_scoped3A : memref<!tpu.dma_semaphore, #tpu.memory_space<semaphore_mem>>)
        %dma_wait3A = arith.constant 0 : i32
        %dma_wait3A_31 = tpu.memref_slice %arg4[%mul3A_27, %dma_wait3A] : memref<10240x16xf32, #tpu.memory_space<hbm>> -> memref<640x16xf32, #tpu.memory_space<hbm>>
        %dma_wait3A_32 = arith.constant 0 : i32
        %dma_wait3A_33 = tpu.memref_slice %arg4[%mul3A_27, %dma_wait3A_32] : memref<10240x16xf32, #tpu.memory_space<hbm>> -> memref<640x16xf32, #tpu.memory_space<hbm>>
        tpu.wait_dma2 semaphore(%run_scoped3A : memref<!tpu.dma_semaphore, #tpu.memory_space<semaphore_mem>>) src(%arg8 : memref<640x16xf32, #tpu.memory_space<vmem>>) dst(%dma_wait3A_33 : memref<640x16xf32, #tpu.memory_space<hbm>>)
        tpu.yield
      }) : () -> ()
    } else {
    }
    %eq3A_21 = arith.constant 1 : i32
    %eq3A_22 = arith.cmpi eq, %arg0, %eq3A_21 : i32
    %convert_element_type3A_23 = arith.extui %eq3A_22 : i1 to i32
    %cond3A_24 = arith.constant 0 : i32
    %cond3A_25 = arith.cmpi ne, %convert_element_type3A_23, %cond3A_24 : i32
    scf.if %cond3A_25 {
      %mul3A_26 = arith.constant 640 : i32
      %mul3A_27 = arith.muli %arg1, %mul3A_26 : i32
      "tpu.region"() ({
        %run_scoped3A = tpu.sem_alloc : memref<!tpu.dma_semaphore, #tpu.memory_space<semaphore_mem>>
        %dma_start3A = arith.constant 0 : i32
        %dma_start3A_28 = tpu.memref_slice %arg5[%mul3A_27, %dma_start3A] : memref<10240x16xf32, #tpu.memory_space<hbm>> -> memref<640x16xf32, #tpu.memory_space<hbm>>
        %dma_start3A_29 = arith.constant 0 : i32
        %dma_start3A_30 = tpu.memref_slice %arg5[%mul3A_27, %dma_start3A_29] : memref<10240x16xf32, #tpu.memory_space<hbm>> -> memref<640x16xf32, #tpu.memory_space<hbm>>
        tpu.enqueue_dma source(%arg8 : memref<640x16xf32, #tpu.memory_space<vmem>>) target(%dma_start3A_30 : memref<640x16xf32, #tpu.memory_space<hbm>>) target_semaphore(%run_scoped3A : memref<!tpu.dma_semaphore, #tpu.memory_space<semaphore_mem>>)
        %dma_wait3A = arith.constant 0 : i32
        %dma_wait3A_31 = tpu.memref_slice %arg5[%mul3A_27, %dma_wait3A] : memref<10240x16xf32, #tpu.memory_space<hbm>> -> memref<640x16xf32, #tpu.memory_space<hbm>>
        %dma_wait3A_32 = arith.constant 0 : i32
        %dma_wait3A_33 = tpu.memref_slice %arg5[%mul3A_27, %dma_wait3A_32] : memref<10240x16xf32, #tpu.memory_space<hbm>> -> memref<640x16xf32, #tpu.memory_space<hbm>>
        tpu.wait_dma2 semaphore(%run_scoped3A : memref<!tpu.dma_semaphore, #tpu.memory_space<semaphore_mem>>) src(%arg8 : memref<640x16xf32, #tpu.memory_space<vmem>>) dst(%dma_wait3A_33 : memref<640x16xf32, #tpu.memory_space<hbm>>)
        tpu.yield
      }) : () -> ()
    } else {
    }
    return
  }
}

#map = affine_map<(d0, d1) -> (0, 0, 0)>
#map1 = affine_map<(d0, d1) -> (0, 0)>
module attributes {stable_mosaic.version = 14 : i64} {
  func.func @_gather2_body(%arg0: i32, %arg1: i32, %arg2: memref<32x40x125xi32, #tpu.memory_space<hbm>>, %arg3: memref<10240x16xf32, #tpu.memory_space<hbm>>, %arg4: memref<10240x16xf32, #tpu.memory_space<hbm>>, %arg5: memref<160000x16xf32, #tpu.memory_space<hbm>>, %arg6: memref<160000x16xf32, #tpu.memory_space<hbm>>, %arg7: memref<40x125xi32, #tpu.memory_space<vmem>>, %arg8: memref<1000x16xf32, #tpu.memory_space<vmem>>, %arg9: memref<1000x16xf32, #tpu.memory_space<vmem>>, %arg10: memref<!tpu.dma_semaphore, #tpu.memory_space<semaphore_mem>>) attributes {dimension_semantics = [#tpu.dimension_semantics<core_parallel>, #tpu.dimension_semantics<subcore_parallel>], iteration_bounds = array<i64: 2, 16>, scalar_prefetch = 0 : i64, scratch_operands = 4 : i64, tpu.core_type = #tpu.core_type<sc_vector_subcore>, window_params = [{transform_indices = #map}, {transform_indices = #map1}, {transform_indices = #map1}, {transform_indices = #map1}, {transform_indices = #map1}]} {
    %mul3A = arith.constant 16 : i32
    %mul3A_0 = arith.muli %arg0, %mul3A : i32
    %add3A = arith.addi %mul3A_0, %arg1 : i32
    "tpu.region"() ({
      %run_scoped3A = tpu.sem_alloc : memref<!tpu.dma_semaphore, #tpu.memory_space<semaphore_mem>>
      %dma_start3A = arith.constant 0 : i32
      %dma_start3A_6 = arith.constant 0 : i32
      %dma_start3A_7 = tpu.memref_slice %arg2[%add3A, %dma_start3A, %dma_start3A_6] : memref<32x40x125xi32, #tpu.memory_space<hbm>> -> memref<1x40x125xi32, #tpu.memory_space<hbm>>
      %dma_start3A_8 = tpu.memref_squeeze %dma_start3A_7 : memref<1x40x125xi32, #tpu.memory_space<hbm>> -> memref<40x125xi32, #tpu.memory_space<hbm>>
      %dma_start3A_9 = arith.constant 0 : i32
      %dma_start3A_10 = arith.constant 0 : i32
      %dma_start3A_11 = tpu.memref_slice %arg2[%add3A, %dma_start3A_9, %dma_start3A_10] : memref<32x40x125xi32, #tpu.memory_space<hbm>> -> memref<1x40x125xi32, #tpu.memory_space<hbm>>
      %dma_start3A_12 = tpu.memref_squeeze %dma_start3A_11 : memref<1x40x125xi32, #tpu.memory_space<hbm>> -> memref<40x125xi32, #tpu.memory_space<hbm>>
      tpu.enqueue_dma source(%dma_start3A_12 : memref<40x125xi32, #tpu.memory_space<hbm>>) target(%arg7 : memref<40x125xi32, #tpu.memory_space<vmem>>) target_semaphore(%run_scoped3A : memref<!tpu.dma_semaphore, #tpu.memory_space<semaphore_mem>>)
      %dma_wait3A = arith.constant 0 : i32
      %dma_wait3A_13 = arith.constant 0 : i32
      %dma_wait3A_14 = tpu.memref_slice %arg2[%add3A, %dma_wait3A, %dma_wait3A_13] : memref<32x40x125xi32, #tpu.memory_space<hbm>> -> memref<1x40x125xi32, #tpu.memory_space<hbm>>
      %dma_wait3A_15 = tpu.memref_squeeze %dma_wait3A_14 : memref<1x40x125xi32, #tpu.memory_space<hbm>> -> memref<40x125xi32, #tpu.memory_space<hbm>>
      %dma_wait3A_16 = arith.constant 0 : i32
      %dma_wait3A_17 = arith.constant 0 : i32
      %dma_wait3A_18 = tpu.memref_slice %arg2[%add3A, %dma_wait3A_16, %dma_wait3A_17] : memref<32x40x125xi32, #tpu.memory_space<hbm>> -> memref<1x40x125xi32, #tpu.memory_space<hbm>>
      %dma_wait3A_19 = tpu.memref_squeeze %dma_wait3A_18 : memref<1x40x125xi32, #tpu.memory_space<hbm>> -> memref<40x125xi32, #tpu.memory_space<hbm>>
      tpu.wait_dma2 semaphore(%run_scoped3A : memref<!tpu.dma_semaphore, #tpu.memory_space<semaphore_mem>>) src(%dma_wait3A_19 : memref<40x125xi32, #tpu.memory_space<hbm>>) dst(%arg7 : memref<40x125xi32, #tpu.memory_space<vmem>>)
      tpu.yield
    }) : () -> ()
    %scan3A = arith.constant 0 : i32
    %scan3A_1 = arith.constant 0 : i32
    %scan3A_2 = arith.constant 5 : i32
    %scan3A_3 = arith.addi %scan3A_1, %scan3A_2 : i32
    %scan3A_4 = arith.constant 1 : i32
    scf.for %scan3A_6 = %scan3A_1 to %scan3A_3 step %scan3A_4  : i32 {
      %mul3A_7 = arith.constant 8 : i32
      %mul3A_8 = arith.muli %scan3A_6, %mul3A_7 : i32
      %add3A_9 = arith.constant 0 : i32
      %add3A_10 = arith.addi %mul3A_8, %add3A_9 : i32
      %dma_start3A = arith.constant 0 : i32
      %dma_start3A_11 = arith.constant 0 : i32
      %dma_start3A_12 = tpu.memref_slice %arg8[%dma_start3A, %dma_start3A_11] : memref<1000x16xf32, #tpu.memory_space<vmem>> -> memref<125x16xf32, #tpu.memory_space<vmem>>
      %dma_start3A_13 = arith.constant 0 : i32
      %dma_start3A_14 = tpu.memref_slice %arg7[%add3A_10, %dma_start3A_13] : memref<40x125xi32, #tpu.memory_space<vmem>> -> memref<1x125xi32, #tpu.memory_space<vmem>>
      %dma_start3A_15 = tpu.memref_squeeze %dma_start3A_14 : memref<1x125xi32, #tpu.memory_space<vmem>> -> memref<125xi32, #tpu.memory_space<vmem>>
      %dma_start3A_16 = arith.constant 0 : i32
      %dma_start3A_17 = arith.constant 0 : i32
      %dma_start3A_18 = tpu.memref_slice %arg3[%dma_start3A_16, %dma_start3A_17] : memref<10240x16xf32, #tpu.memory_space<hbm>> -> memref<10240x16xf32, #tpu.memory_space<hbm>>
      tpu.enqueue_indirect_dma source(%dma_start3A_18 : memref<10240x16xf32, #tpu.memory_space<hbm>>) target(%dma_start3A_12 : memref<125x16xf32, #tpu.memory_space<vmem>>) offsets(%dma_start3A_15 : memref<125xi32, #tpu.memory_space<vmem>>) semaphore(%arg10 : memref<!tpu.dma_semaphore, #tpu.memory_space<semaphore_mem>>)
      %dma_start3A_19 = arith.constant 0 : i32
      %dma_start3A_20 = arith.constant 0 : i32
      %dma_start3A_21 = tpu.memref_slice %arg9[%dma_start3A_19, %dma_start3A_20] : memref<1000x16xf32, #tpu.memory_space<vmem>> -> memref<125x16xf32, #tpu.memory_space<vmem>>
      %dma_start3A_22 = arith.constant 0 : i32
      %dma_start3A_23 = tpu.memref_slice %arg7[%add3A_10, %dma_start3A_22] : memref<40x125xi32, #tpu.memory_space<vmem>> -> memref<1x125xi32, #tpu.memory_space<vmem>>
      %dma_start3A_24 = tpu.memref_squeeze %dma_start3A_23 : memref<1x125xi32, #tpu.memory_space<vmem>> -> memref<125xi32, #tpu.memory_space<vmem>>
      %dma_start3A_25 = arith.constant 0 : i32
      %dma_start3A_26 = arith.constant 0 : i32
      %dma_start3A_27 = tpu.memref_slice %arg4[%dma_start3A_25, %dma_start3A_26] : memref<10240x16xf32, #tpu.memory_space<hbm>> -> memref<10240x16xf32, #tpu.memory_space<hbm>>
      tpu.enqueue_indirect_dma source(%dma_start3A_27 : memref<10240x16xf32, #tpu.memory_space<hbm>>) target(%dma_start3A_21 : memref<125x16xf32, #tpu.memory_space<vmem>>) offsets(%dma_start3A_24 : memref<125xi32, #tpu.memory_space<vmem>>) semaphore(%arg10 : memref<!tpu.dma_semaphore, #tpu.memory_space<semaphore_mem>>)
      %mul3A_28 = arith.constant 8 : i32
      %mul3A_29 = arith.muli %scan3A_6, %mul3A_28 : i32
      %add3A_30 = arith.constant 1 : i32
      %add3A_31 = arith.addi %mul3A_29, %add3A_30 : i32
      %dma_start3A_32 = arith.constant 125 : i32
      %dma_start3A_33 = arith.constant 0 : i32
      %dma_start3A_34 = tpu.memref_slice %arg8[%dma_start3A_32, %dma_start3A_33] : memref<1000x16xf32, #tpu.memory_space<vmem>> -> memref<125x16xf32, #tpu.memory_space<vmem>>
      %dma_start3A_35 = arith.constant 0 : i32
      %dma_start3A_36 = tpu.memref_slice %arg7[%add3A_31, %dma_start3A_35] : memref<40x125xi32, #tpu.memory_space<vmem>> -> memref<1x125xi32, #tpu.memory_space<vmem>>
      %dma_start3A_37 = tpu.memref_squeeze %dma_start3A_36 : memref<1x125xi32, #tpu.memory_space<vmem>> -> memref<125xi32, #tpu.memory_space<vmem>>
      %dma_start3A_38 = arith.constant 0 : i32
      %dma_start3A_39 = arith.constant 0 : i32
      %dma_start3A_40 = tpu.memref_slice %arg3[%dma_start3A_38, %dma_start3A_39] : memref<10240x16xf32, #tpu.memory_space<hbm>> -> memref<10240x16xf32, #tpu.memory_space<hbm>>
      tpu.enqueue_indirect_dma source(%dma_start3A_40 : memref<10240x16xf32, #tpu.memory_space<hbm>>) target(%dma_start3A_34 : memref<125x16xf32, #tpu.memory_space<vmem>>) offsets(%dma_start3A_37 : memref<125xi32, #tpu.memory_space<vmem>>) semaphore(%arg10 : memref<!tpu.dma_semaphore, #tpu.memory_space<semaphore_mem>>)
      %dma_start3A_41 = arith.constant 125 : i32
      %dma_start3A_42 = arith.constant 0 : i32
      %dma_start3A_43 = tpu.memref_slice %arg9[%dma_start3A_41, %dma_start3A_42] : memref<1000x16xf32, #tpu.memory_space<vmem>> -> memref<125x16xf32, #tpu.memory_space<vmem>>
      %dma_start3A_44 = arith.constant 0 : i32
      %dma_start3A_45 = tpu.memref_slice %arg7[%add3A_31, %dma_start3A_44] : memref<40x125xi32, #tpu.memory_space<vmem>> -> memref<1x125xi32, #tpu.memory_space<vmem>>
      %dma_start3A_46 = tpu.memref_squeeze %dma_start3A_45 : memref<1x125xi32, #tpu.memory_space<vmem>> -> memref<125xi32, #tpu.memory_space<vmem>>
      %dma_start3A_47 = arith.constant 0 : i32
      %dma_start3A_48 = arith.constant 0 : i32
      %dma_start3A_49 = tpu.memref_slice %arg4[%dma_start3A_47, %dma_start3A_48] : memref<10240x16xf32, #tpu.memory_space<hbm>> -> memref<10240x16xf32, #tpu.memory_space<hbm>>
      tpu.enqueue_indirect_dma source(%dma_start3A_49 : memref<10240x16xf32, #tpu.memory_space<hbm>>) target(%dma_start3A_43 : memref<125x16xf32, #tpu.memory_space<vmem>>) offsets(%dma_start3A_46 : memref<125xi32, #tpu.memory_space<vmem>>) semaphore(%arg10 : memref<!tpu.dma_semaphore, #tpu.memory_space<semaphore_mem>>)
      %mul3A_50 = arith.constant 8 : i32
      %mul3A_51 = arith.muli %scan3A_6, %mul3A_50 : i32
      %add3A_52 = arith.constant 2 : i32
      %add3A_53 = arith.addi %mul3A_51, %add3A_52 : i32
      %dma_start3A_54 = arith.constant 250 : i32
      %dma_start3A_55 = arith.constant 0 : i32
      %dma_start3A_56 = tpu.memref_slice %arg8[%dma_start3A_54, %dma_start3A_55] : memref<1000x16xf32, #tpu.memory_space<vmem>> -> memref<125x16xf32, #tpu.memory_space<vmem>>
      %dma_start3A_57 = arith.constant 0 : i32
      %dma_start3A_58 = tpu.memref_slice %arg7[%add3A_53, %dma_start3A_57] : memref<40x125xi32, #tpu.memory_space<vmem>> -> memref<1x125xi32, #tpu.memory_space<vmem>>
      %dma_start3A_59 = tpu.memref_squeeze %dma_start3A_58 : memref<1x125xi32, #tpu.memory_space<vmem>> -> memref<125xi32, #tpu.memory_space<vmem>>
      %dma_start3A_60 = arith.constant 0 : i32
      %dma_start3A_61 = arith.constant 0 : i32
      %dma_start3A_62 = tpu.memref_slice %arg3[%dma_start3A_60, %dma_start3A_61] : memref<10240x16xf32, #tpu.memory_space<hbm>> -> memref<10240x16xf32, #tpu.memory_space<hbm>>
      tpu.enqueue_indirect_dma source(%dma_start3A_62 : memref<10240x16xf32, #tpu.memory_space<hbm>>) target(%dma_start3A_56 : memref<125x16xf32, #tpu.memory_space<vmem>>) offsets(%dma_start3A_59 : memref<125xi32, #tpu.memory_space<vmem>>) semaphore(%arg10 : memref<!tpu.dma_semaphore, #tpu.memory_space<semaphore_mem>>)
      %dma_start3A_63 = arith.constant 250 : i32
      %dma_start3A_64 = arith.constant 0 : i32
      %dma_start3A_65 = tpu.memref_slice %arg9[%dma_start3A_63, %dma_start3A_64] : memref<1000x16xf32, #tpu.memory_space<vmem>> -> memref<125x16xf32, #tpu.memory_space<vmem>>
      %dma_start3A_66 = arith.constant 0 : i32
      %dma_start3A_67 = tpu.memref_slice %arg7[%add3A_53, %dma_start3A_66] : memref<40x125xi32, #tpu.memory_space<vmem>> -> memref<1x125xi32, #tpu.memory_space<vmem>>
      %dma_start3A_68 = tpu.memref_squeeze %dma_start3A_67 : memref<1x125xi32, #tpu.memory_space<vmem>> -> memref<125xi32, #tpu.memory_space<vmem>>
      %dma_start3A_69 = arith.constant 0 : i32
      %dma_start3A_70 = arith.constant 0 : i32
      %dma_start3A_71 = tpu.memref_slice %arg4[%dma_start3A_69, %dma_start3A_70] : memref<10240x16xf32, #tpu.memory_space<hbm>> -> memref<10240x16xf32, #tpu.memory_space<hbm>>
      tpu.enqueue_indirect_dma source(%dma_start3A_71 : memref<10240x16xf32, #tpu.memory_space<hbm>>) target(%dma_start3A_65 : memref<125x16xf32, #tpu.memory_space<vmem>>) offsets(%dma_start3A_68 : memref<125xi32, #tpu.memory_space<vmem>>) semaphore(%arg10 : memref<!tpu.dma_semaphore, #tpu.memory_space<semaphore_mem>>)
      %mul3A_72 = arith.constant 8 : i32
      %mul3A_73 = arith.muli %scan3A_6, %mul3A_72 : i32
      %add3A_74 = arith.constant 3 : i32
      %add3A_75 = arith.addi %mul3A_73, %add3A_74 : i32
      %dma_start3A_76 = arith.constant 375 : i32
      %dma_start3A_77 = arith.constant 0 : i32
      %dma_start3A_78 = tpu.memref_slice %arg8[%dma_start3A_76, %dma_start3A_77] : memref<1000x16xf32, #tpu.memory_space<vmem>> -> memref<125x16xf32, #tpu.memory_space<vmem>>
      %dma_start3A_79 = arith.constant 0 : i32
      %dma_start3A_80 = tpu.memref_slice %arg7[%add3A_75, %dma_start3A_79] : memref<40x125xi32, #tpu.memory_space<vmem>> -> memref<1x125xi32, #tpu.memory_space<vmem>>
      %dma_start3A_81 = tpu.memref_squeeze %dma_start3A_80 : memref<1x125xi32, #tpu.memory_space<vmem>> -> memref<125xi32, #tpu.memory_space<vmem>>
      %dma_start3A_82 = arith.constant 0 : i32
      %dma_start3A_83 = arith.constant 0 : i32
      %dma_start3A_84 = tpu.memref_slice %arg3[%dma_start3A_82, %dma_start3A_83] : memref<10240x16xf32, #tpu.memory_space<hbm>> -> memref<10240x16xf32, #tpu.memory_space<hbm>>
      tpu.enqueue_indirect_dma source(%dma_start3A_84 : memref<10240x16xf32, #tpu.memory_space<hbm>>) target(%dma_start3A_78 : memref<125x16xf32, #tpu.memory_space<vmem>>) offsets(%dma_start3A_81 : memref<125xi32, #tpu.memory_space<vmem>>) semaphore(%arg10 : memref<!tpu.dma_semaphore, #tpu.memory_space<semaphore_mem>>)
      %dma_start3A_85 = arith.constant 375 : i32
      %dma_start3A_86 = arith.constant 0 : i32
      %dma_start3A_87 = tpu.memref_slice %arg9[%dma_start3A_85, %dma_start3A_86] : memref<1000x16xf32, #tpu.memory_space<vmem>> -> memref<125x16xf32, #tpu.memory_space<vmem>>
      %dma_start3A_88 = arith.constant 0 : i32
      %dma_start3A_89 = tpu.memref_slice %arg7[%add3A_75, %dma_start3A_88] : memref<40x125xi32, #tpu.memory_space<vmem>> -> memref<1x125xi32, #tpu.memory_space<vmem>>
      %dma_start3A_90 = tpu.memref_squeeze %dma_start3A_89 : memref<1x125xi32, #tpu.memory_space<vmem>> -> memref<125xi32, #tpu.memory_space<vmem>>
      %dma_start3A_91 = arith.constant 0 : i32
      %dma_start3A_92 = arith.constant 0 : i32
      %dma_start3A_93 = tpu.memref_slice %arg4[%dma_start3A_91, %dma_start3A_92] : memref<10240x16xf32, #tpu.memory_space<hbm>> -> memref<10240x16xf32, #tpu.memory_space<hbm>>
      tpu.enqueue_indirect_dma source(%dma_start3A_93 : memref<10240x16xf32, #tpu.memory_space<hbm>>) target(%dma_start3A_87 : memref<125x16xf32, #tpu.memory_space<vmem>>) offsets(%dma_start3A_90 : memref<125xi32, #tpu.memory_space<vmem>>) semaphore(%arg10 : memref<!tpu.dma_semaphore, #tpu.memory_space<semaphore_mem>>)
      %mul3A_94 = arith.constant 8 : i32
      %mul3A_95 = arith.muli %scan3A_6, %mul3A_94 : i32
      %add3A_96 = arith.constant 4 : i32
      %add3A_97 = arith.addi %mul3A_95, %add3A_96 : i32
      %dma_start3A_98 = arith.constant 500 : i32
      %dma_start3A_99 = arith.constant 0 : i32
      %dma_start3A_100 = tpu.memref_slice %arg8[%dma_start3A_98, %dma_start3A_99] : memref<1000x16xf32, #tpu.memory_space<vmem>> -> memref<125x16xf32, #tpu.memory_space<vmem>>
      %dma_start3A_101 = arith.constant 0 : i32
      %dma_start3A_102 = tpu.memref_slice %arg7[%add3A_97, %dma_start3A_101] : memref<40x125xi32, #tpu.memory_space<vmem>> -> memref<1x125xi32, #tpu.memory_space<vmem>>
      %dma_start3A_103 = tpu.memref_squeeze %dma_start3A_102 : memref<1x125xi32, #tpu.memory_space<vmem>> -> memref<125xi32, #tpu.memory_space<vmem>>
      %dma_start3A_104 = arith.constant 0 : i32
      %dma_start3A_105 = arith.constant 0 : i32
      %dma_start3A_106 = tpu.memref_slice %arg3[%dma_start3A_104, %dma_start3A_105] : memref<10240x16xf32, #tpu.memory_space<hbm>> -> memref<10240x16xf32, #tpu.memory_space<hbm>>
      tpu.enqueue_indirect_dma source(%dma_start3A_106 : memref<10240x16xf32, #tpu.memory_space<hbm>>) target(%dma_start3A_100 : memref<125x16xf32, #tpu.memory_space<vmem>>) offsets(%dma_start3A_103 : memref<125xi32, #tpu.memory_space<vmem>>) semaphore(%arg10 : memref<!tpu.dma_semaphore, #tpu.memory_space<semaphore_mem>>)
      %dma_start3A_107 = arith.constant 500 : i32
      %dma_start3A_108 = arith.constant 0 : i32
      %dma_start3A_109 = tpu.memref_slice %arg9[%dma_start3A_107, %dma_start3A_108] : memref<1000x16xf32, #tpu.memory_space<vmem>> -> memref<125x16xf32, #tpu.memory_space<vmem>>
      %dma_start3A_110 = arith.constant 0 : i32
      %dma_start3A_111 = tpu.memref_slice %arg7[%add3A_97, %dma_start3A_110] : memref<40x125xi32, #tpu.memory_space<vmem>> -> memref<1x125xi32, #tpu.memory_space<vmem>>
      %dma_start3A_112 = tpu.memref_squeeze %dma_start3A_111 : memref<1x125xi32, #tpu.memory_space<vmem>> -> memref<125xi32, #tpu.memory_space<vmem>>
      %dma_start3A_113 = arith.constant 0 : i32
      %dma_start3A_114 = arith.constant 0 : i32
      %dma_start3A_115 = tpu.memref_slice %arg4[%dma_start3A_113, %dma_start3A_114] : memref<10240x16xf32, #tpu.memory_space<hbm>> -> memref<10240x16xf32, #tpu.memory_space<hbm>>
      tpu.enqueue_indirect_dma source(%dma_start3A_115 : memref<10240x16xf32, #tpu.memory_space<hbm>>) target(%dma_start3A_109 : memref<125x16xf32, #tpu.memory_space<vmem>>) offsets(%dma_start3A_112 : memref<125xi32, #tpu.memory_space<vmem>>) semaphore(%arg10 : memref<!tpu.dma_semaphore, #tpu.memory_space<semaphore_mem>>)
      %mul3A_116 = arith.constant 8 : i32
      %mul3A_117 = arith.muli %scan3A_6, %mul3A_116 : i32
      %add3A_118 = arith.constant 5 : i32
      %add3A_119 = arith.addi %mul3A_117, %add3A_118 : i32
      %dma_start3A_120 = arith.constant 625 : i32
      %dma_start3A_121 = arith.constant 0 : i32
      %dma_start3A_122 = tpu.memref_slice %arg8[%dma_start3A_120, %dma_start3A_121] : memref<1000x16xf32, #tpu.memory_space<vmem>> -> memref<125x16xf32, #tpu.memory_space<vmem>>
      %dma_start3A_123 = arith.constant 0 : i32
      %dma_start3A_124 = tpu.memref_slice %arg7[%add3A_119, %dma_start3A_123] : memref<40x125xi32, #tpu.memory_space<vmem>> -> memref<1x125xi32, #tpu.memory_space<vmem>>
      %dma_start3A_125 = tpu.memref_squeeze %dma_start3A_124 : memref<1x125xi32, #tpu.memory_space<vmem>> -> memref<125xi32, #tpu.memory_space<vmem>>
      %dma_start3A_126 = arith.constant 0 : i32
      %dma_start3A_127 = arith.constant 0 : i32
      %dma_start3A_128 = tpu.memref_slice %arg3[%dma_start3A_126, %dma_start3A_127] : memref<10240x16xf32, #tpu.memory_space<hbm>> -> memref<10240x16xf32, #tpu.memory_space<hbm>>
      tpu.enqueue_indirect_dma source(%dma_start3A_128 : memref<10240x16xf32, #tpu.memory_space<hbm>>) target(%dma_start3A_122 : memref<125x16xf32, #tpu.memory_space<vmem>>) offsets(%dma_start3A_125 : memref<125xi32, #tpu.memory_space<vmem>>) semaphore(%arg10 : memref<!tpu.dma_semaphore, #tpu.memory_space<semaphore_mem>>)
      %dma_start3A_129 = arith.constant 625 : i32
      %dma_start3A_130 = arith.constant 0 : i32
      %dma_start3A_131 = tpu.memref_slice %arg9[%dma_start3A_129, %dma_start3A_130] : memref<1000x16xf32, #tpu.memory_space<vmem>> -> memref<125x16xf32, #tpu.memory_space<vmem>>
      %dma_start3A_132 = arith.constant 0 : i32
      %dma_start3A_133 = tpu.memref_slice %arg7[%add3A_119, %dma_start3A_132] : memref<40x125xi32, #tpu.memory_space<vmem>> -> memref<1x125xi32, #tpu.memory_space<vmem>>
      %dma_start3A_134 = tpu.memref_squeeze %dma_start3A_133 : memref<1x125xi32, #tpu.memory_space<vmem>> -> memref<125xi32, #tpu.memory_space<vmem>>
      %dma_start3A_135 = arith.constant 0 : i32
      %dma_start3A_136 = arith.constant 0 : i32
      %dma_start3A_137 = tpu.memref_slice %arg4[%dma_start3A_135, %dma_start3A_136] : memref<10240x16xf32, #tpu.memory_space<hbm>> -> memref<10240x16xf32, #tpu.memory_space<hbm>>
      tpu.enqueue_indirect_dma source(%dma_start3A_137 : memref<10240x16xf32, #tpu.memory_space<hbm>>) target(%dma_start3A_131 : memref<125x16xf32, #tpu.memory_space<vmem>>) offsets(%dma_start3A_134 : memref<125xi32, #tpu.memory_space<vmem>>) semaphore(%arg10 : memref<!tpu.dma_semaphore, #tpu.memory_space<semaphore_mem>>)
      %mul3A_138 = arith.constant 8 : i32
      %mul3A_139 = arith.muli %scan3A_6, %mul3A_138 : i32
      %add3A_140 = arith.constant 6 : i32
      %add3A_141 = arith.addi %mul3A_139, %add3A_140 : i32
      %dma_start3A_142 = arith.constant 750 : i32
      %dma_start3A_143 = arith.constant 0 : i32
      %dma_start3A_144 = tpu.memref_slice %arg8[%dma_start3A_142, %dma_start3A_143] : memref<1000x16xf32, #tpu.memory_space<vmem>> -> memref<125x16xf32, #tpu.memory_space<vmem>>
      %dma_start3A_145 = arith.constant 0 : i32
      %dma_start3A_146 = tpu.memref_slice %arg7[%add3A_141, %dma_start3A_145] : memref<40x125xi32, #tpu.memory_space<vmem>> -> memref<1x125xi32, #tpu.memory_space<vmem>>
      %dma_start3A_147 = tpu.memref_squeeze %dma_start3A_146 : memref<1x125xi32, #tpu.memory_space<vmem>> -> memref<125xi32, #tpu.memory_space<vmem>>
      %dma_start3A_148 = arith.constant 0 : i32
      %dma_start3A_149 = arith.constant 0 : i32
      %dma_start3A_150 = tpu.memref_slice %arg3[%dma_start3A_148, %dma_start3A_149] : memref<10240x16xf32, #tpu.memory_space<hbm>> -> memref<10240x16xf32, #tpu.memory_space<hbm>>
      tpu.enqueue_indirect_dma source(%dma_start3A_150 : memref<10240x16xf32, #tpu.memory_space<hbm>>) target(%dma_start3A_144 : memref<125x16xf32, #tpu.memory_space<vmem>>) offsets(%dma_start3A_147 : memref<125xi32, #tpu.memory_space<vmem>>) semaphore(%arg10 : memref<!tpu.dma_semaphore, #tpu.memory_space<semaphore_mem>>)
      %dma_start3A_151 = arith.constant 750 : i32
      %dma_start3A_152 = arith.constant 0 : i32
      %dma_start3A_153 = tpu.memref_slice %arg9[%dma_start3A_151, %dma_start3A_152] : memref<1000x16xf32, #tpu.memory_space<vmem>> -> memref<125x16xf32, #tpu.memory_space<vmem>>
      %dma_start3A_154 = arith.constant 0 : i32
      %dma_start3A_155 = tpu.memref_slice %arg7[%add3A_141, %dma_start3A_154] : memref<40x125xi32, #tpu.memory_space<vmem>> -> memref<1x125xi32, #tpu.memory_space<vmem>>
      %dma_start3A_156 = tpu.memref_squeeze %dma_start3A_155 : memref<1x125xi32, #tpu.memory_space<vmem>> -> memref<125xi32, #tpu.memory_space<vmem>>
      %dma_start3A_157 = arith.constant 0 : i32
      %dma_start3A_158 = arith.constant 0 : i32
      %dma_start3A_159 = tpu.memref_slice %arg4[%dma_start3A_157, %dma_start3A_158] : memref<10240x16xf32, #tpu.memory_space<hbm>> -> memref<10240x16xf32, #tpu.memory_space<hbm>>
      tpu.enqueue_indirect_dma source(%dma_start3A_159 : memref<10240x16xf32, #tpu.memory_space<hbm>>) target(%dma_start3A_153 : memref<125x16xf32, #tpu.memory_space<vmem>>) offsets(%dma_start3A_156 : memref<125xi32, #tpu.memory_space<vmem>>) semaphore(%arg10 : memref<!tpu.dma_semaphore, #tpu.memory_space<semaphore_mem>>)
      %mul3A_160 = arith.constant 8 : i32
      %mul3A_161 = arith.muli %scan3A_6, %mul3A_160 : i32
      %add3A_162 = arith.constant 7 : i32
      %add3A_163 = arith.addi %mul3A_161, %add3A_162 : i32
      %dma_start3A_164 = arith.constant 875 : i32
      %dma_start3A_165 = arith.constant 0 : i32
      %dma_start3A_166 = tpu.memref_slice %arg8[%dma_start3A_164, %dma_start3A_165] : memref<1000x16xf32, #tpu.memory_space<vmem>> -> memref<125x16xf32, #tpu.memory_space<vmem>>
      %dma_start3A_167 = arith.constant 0 : i32
      %dma_start3A_168 = tpu.memref_slice %arg7[%add3A_163, %dma_start3A_167] : memref<40x125xi32, #tpu.memory_space<vmem>> -> memref<1x125xi32, #tpu.memory_space<vmem>>
      %dma_start3A_169 = tpu.memref_squeeze %dma_start3A_168 : memref<1x125xi32, #tpu.memory_space<vmem>> -> memref<125xi32, #tpu.memory_space<vmem>>
      %dma_start3A_170 = arith.constant 0 : i32
      %dma_start3A_171 = arith.constant 0 : i32
      %dma_start3A_172 = tpu.memref_slice %arg3[%dma_start3A_170, %dma_start3A_171] : memref<10240x16xf32, #tpu.memory_space<hbm>> -> memref<10240x16xf32, #tpu.memory_space<hbm>>
      tpu.enqueue_indirect_dma source(%dma_start3A_172 : memref<10240x16xf32, #tpu.memory_space<hbm>>) target(%dma_start3A_166 : memref<125x16xf32, #tpu.memory_space<vmem>>) offsets(%dma_start3A_169 : memref<125xi32, #tpu.memory_space<vmem>>) semaphore(%arg10 : memref<!tpu.dma_semaphore, #tpu.memory_space<semaphore_mem>>)
      %dma_start3A_173 = arith.constant 875 : i32
      %dma_start3A_174 = arith.constant 0 : i32
      %dma_start3A_175 = tpu.memref_slice %arg9[%dma_start3A_173, %dma_start3A_174] : memref<1000x16xf32, #tpu.memory_space<vmem>> -> memref<125x16xf32, #tpu.memory_space<vmem>>
      %dma_start3A_176 = arith.constant 0 : i32
      %dma_start3A_177 = tpu.memref_slice %arg7[%add3A_163, %dma_start3A_176] : memref<40x125xi32, #tpu.memory_space<vmem>> -> memref<1x125xi32, #tpu.memory_space<vmem>>
      %dma_start3A_178 = tpu.memref_squeeze %dma_start3A_177 : memref<1x125xi32, #tpu.memory_space<vmem>> -> memref<125xi32, #tpu.memory_space<vmem>>
      %dma_start3A_179 = arith.constant 0 : i32
      %dma_start3A_180 = arith.constant 0 : i32
      %dma_start3A_181 = tpu.memref_slice %arg4[%dma_start3A_179, %dma_start3A_180] : memref<10240x16xf32, #tpu.memory_space<hbm>> -> memref<10240x16xf32, #tpu.memory_space<hbm>>
      tpu.enqueue_indirect_dma source(%dma_start3A_181 : memref<10240x16xf32, #tpu.memory_space<hbm>>) target(%dma_start3A_175 : memref<125x16xf32, #tpu.memory_space<vmem>>) offsets(%dma_start3A_178 : memref<125xi32, #tpu.memory_space<vmem>>) semaphore(%arg10 : memref<!tpu.dma_semaphore, #tpu.memory_space<semaphore_mem>>)
      %dma_wait3A = arith.constant 0 : i32
      %dma_wait3A_182 = arith.constant 0 : i32
      %dma_wait3A_183 = tpu.memref_slice %arg8[%dma_wait3A, %dma_wait3A_182] : memref<1000x16xf32, #tpu.memory_space<vmem>> -> memref<125x16xf32, #tpu.memory_space<vmem>>
      %dma_wait3A_184 = arith.constant 0 : i32
      %dma_wait3A_185 = tpu.memref_slice %arg7[%add3A_10, %dma_wait3A_184] : memref<40x125xi32, #tpu.memory_space<vmem>> -> memref<1x125xi32, #tpu.memory_space<vmem>>
      %dma_wait3A_186 = tpu.memref_squeeze %dma_wait3A_185 : memref<1x125xi32, #tpu.memory_space<vmem>> -> memref<125xi32, #tpu.memory_space<vmem>>
      %dma_wait3A_187 = arith.constant 0 : i32
      %dma_wait3A_188 = arith.constant 0 : i32
      %dma_wait3A_189 = tpu.memref_slice %arg3[%dma_wait3A_187, %dma_wait3A_188] : memref<10240x16xf32, #tpu.memory_space<hbm>> -> memref<10240x16xf32, #tpu.memory_space<hbm>>
      tpu.wait_indirect_dma semaphore(%arg10 : memref<!tpu.dma_semaphore, #tpu.memory_space<semaphore_mem>>) src(%dma_wait3A_189 : memref<10240x16xf32, #tpu.memory_space<hbm>>) dst(%dma_wait3A_183 : memref<125x16xf32, #tpu.memory_space<vmem>>)
      %dma_wait3A_190 = arith.constant 0 : i32
      %dma_wait3A_191 = arith.constant 0 : i32
      %dma_wait3A_192 = tpu.memref_slice %arg9[%dma_wait3A_190, %dma_wait3A_191] : memref<1000x16xf32, #tpu.memory_space<vmem>> -> memref<125x16xf32, #tpu.memory_space<vmem>>
      %dma_wait3A_193 = arith.constant 0 : i32
      %dma_wait3A_194 = tpu.memref_slice %arg7[%add3A_10, %dma_wait3A_193] : memref<40x125xi32, #tpu.memory_space<vmem>> -> memref<1x125xi32, #tpu.memory_space<vmem>>
      %dma_wait3A_195 = tpu.memref_squeeze %dma_wait3A_194 : memref<1x125xi32, #tpu.memory_space<vmem>> -> memref<125xi32, #tpu.memory_space<vmem>>
      %dma_wait3A_196 = arith.constant 0 : i32
      %dma_wait3A_197 = arith.constant 0 : i32
      %dma_wait3A_198 = tpu.memref_slice %arg4[%dma_wait3A_196, %dma_wait3A_197] : memref<10240x16xf32, #tpu.memory_space<hbm>> -> memref<10240x16xf32, #tpu.memory_space<hbm>>
      tpu.wait_indirect_dma semaphore(%arg10 : memref<!tpu.dma_semaphore, #tpu.memory_space<semaphore_mem>>) src(%dma_wait3A_198 : memref<10240x16xf32, #tpu.memory_space<hbm>>) dst(%dma_wait3A_192 : memref<125x16xf32, #tpu.memory_space<vmem>>)
      %dma_wait3A_199 = arith.constant 125 : i32
      %dma_wait3A_200 = arith.constant 0 : i32
      %dma_wait3A_201 = tpu.memref_slice %arg8[%dma_wait3A_199, %dma_wait3A_200] : memref<1000x16xf32, #tpu.memory_space<vmem>> -> memref<125x16xf32, #tpu.memory_space<vmem>>
      %dma_wait3A_202 = arith.constant 0 : i32
      %dma_wait3A_203 = tpu.memref_slice %arg7[%add3A_31, %dma_wait3A_202] : memref<40x125xi32, #tpu.memory_space<vmem>> -> memref<1x125xi32, #tpu.memory_space<vmem>>
      %dma_wait3A_204 = tpu.memref_squeeze %dma_wait3A_203 : memref<1x125xi32, #tpu.memory_space<vmem>> -> memref<125xi32, #tpu.memory_space<vmem>>
      %dma_wait3A_205 = arith.constant 0 : i32
      %dma_wait3A_206 = arith.constant 0 : i32
      %dma_wait3A_207 = tpu.memref_slice %arg3[%dma_wait3A_205, %dma_wait3A_206] : memref<10240x16xf32, #tpu.memory_space<hbm>> -> memref<10240x16xf32, #tpu.memory_space<hbm>>
      tpu.wait_indirect_dma semaphore(%arg10 : memref<!tpu.dma_semaphore, #tpu.memory_space<semaphore_mem>>) src(%dma_wait3A_207 : memref<10240x16xf32, #tpu.memory_space<hbm>>) dst(%dma_wait3A_201 : memref<125x16xf32, #tpu.memory_space<vmem>>)
      %dma_wait3A_208 = arith.constant 125 : i32
      %dma_wait3A_209 = arith.constant 0 : i32
      %dma_wait3A_210 = tpu.memref_slice %arg9[%dma_wait3A_208, %dma_wait3A_209] : memref<1000x16xf32, #tpu.memory_space<vmem>> -> memref<125x16xf32, #tpu.memory_space<vmem>>
      %dma_wait3A_211 = arith.constant 0 : i32
      %dma_wait3A_212 = tpu.memref_slice %arg7[%add3A_31, %dma_wait3A_211] : memref<40x125xi32, #tpu.memory_space<vmem>> -> memref<1x125xi32, #tpu.memory_space<vmem>>
      %dma_wait3A_213 = tpu.memref_squeeze %dma_wait3A_212 : memref<1x125xi32, #tpu.memory_space<vmem>> -> memref<125xi32, #tpu.memory_space<vmem>>
      %dma_wait3A_214 = arith.constant 0 : i32
      %dma_wait3A_215 = arith.constant 0 : i32
      %dma_wait3A_216 = tpu.memref_slice %arg4[%dma_wait3A_214, %dma_wait3A_215] : memref<10240x16xf32, #tpu.memory_space<hbm>> -> memref<10240x16xf32, #tpu.memory_space<hbm>>
      tpu.wait_indirect_dma semaphore(%arg10 : memref<!tpu.dma_semaphore, #tpu.memory_space<semaphore_mem>>) src(%dma_wait3A_216 : memref<10240x16xf32, #tpu.memory_space<hbm>>) dst(%dma_wait3A_210 : memref<125x16xf32, #tpu.memory_space<vmem>>)
      %dma_wait3A_217 = arith.constant 250 : i32
      %dma_wait3A_218 = arith.constant 0 : i32
      %dma_wait3A_219 = tpu.memref_slice %arg8[%dma_wait3A_217, %dma_wait3A_218] : memref<1000x16xf32, #tpu.memory_space<vmem>> -> memref<125x16xf32, #tpu.memory_space<vmem>>
      %dma_wait3A_220 = arith.constant 0 : i32
      %dma_wait3A_221 = tpu.memref_slice %arg7[%add3A_53, %dma_wait3A_220] : memref<40x125xi32, #tpu.memory_space<vmem>> -> memref<1x125xi32, #tpu.memory_space<vmem>>
      %dma_wait3A_222 = tpu.memref_squeeze %dma_wait3A_221 : memref<1x125xi32, #tpu.memory_space<vmem>> -> memref<125xi32, #tpu.memory_space<vmem>>
      %dma_wait3A_223 = arith.constant 0 : i32
      %dma_wait3A_224 = arith.constant 0 : i32
      %dma_wait3A_225 = tpu.memref_slice %arg3[%dma_wait3A_223, %dma_wait3A_224] : memref<10240x16xf32, #tpu.memory_space<hbm>> -> memref<10240x16xf32, #tpu.memory_space<hbm>>
      tpu.wait_indirect_dma semaphore(%arg10 : memref<!tpu.dma_semaphore, #tpu.memory_space<semaphore_mem>>) src(%dma_wait3A_225 : memref<10240x16xf32, #tpu.memory_space<hbm>>) dst(%dma_wait3A_219 : memref<125x16xf32, #tpu.memory_space<vmem>>)
      %dma_wait3A_226 = arith.constant 250 : i32
      %dma_wait3A_227 = arith.constant 0 : i32
      %dma_wait3A_228 = tpu.memref_slice %arg9[%dma_wait3A_226, %dma_wait3A_227] : memref<1000x16xf32, #tpu.memory_space<vmem>> -> memref<125x16xf32, #tpu.memory_space<vmem>>
      %dma_wait3A_229 = arith.constant 0 : i32
      %dma_wait3A_230 = tpu.memref_slice %arg7[%add3A_53, %dma_wait3A_229] : memref<40x125xi32, #tpu.memory_space<vmem>> -> memref<1x125xi32, #tpu.memory_space<vmem>>
      %dma_wait3A_231 = tpu.memref_squeeze %dma_wait3A_230 : memref<1x125xi32, #tpu.memory_space<vmem>> -> memref<125xi32, #tpu.memory_space<vmem>>
      %dma_wait3A_232 = arith.constant 0 : i32
      %dma_wait3A_233 = arith.constant 0 : i32
      %dma_wait3A_234 = tpu.memref_slice %arg4[%dma_wait3A_232, %dma_wait3A_233] : memref<10240x16xf32, #tpu.memory_space<hbm>> -> memref<10240x16xf32, #tpu.memory_space<hbm>>
      tpu.wait_indirect_dma semaphore(%arg10 : memref<!tpu.dma_semaphore, #tpu.memory_space<semaphore_mem>>) src(%dma_wait3A_234 : memref<10240x16xf32, #tpu.memory_space<hbm>>) dst(%dma_wait3A_228 : memref<125x16xf32, #tpu.memory_space<vmem>>)
      %dma_wait3A_235 = arith.constant 375 : i32
      %dma_wait3A_236 = arith.constant 0 : i32
      %dma_wait3A_237 = tpu.memref_slice %arg8[%dma_wait3A_235, %dma_wait3A_236] : memref<1000x16xf32, #tpu.memory_space<vmem>> -> memref<125x16xf32, #tpu.memory_space<vmem>>
      %dma_wait3A_238 = arith.constant 0 : i32
      %dma_wait3A_239 = tpu.memref_slice %arg7[%add3A_75, %dma_wait3A_238] : memref<40x125xi32, #tpu.memory_space<vmem>> -> memref<1x125xi32, #tpu.memory_space<vmem>>
      %dma_wait3A_240 = tpu.memref_squeeze %dma_wait3A_239 : memref<1x125xi32, #tpu.memory_space<vmem>> -> memref<125xi32, #tpu.memory_space<vmem>>
      %dma_wait3A_241 = arith.constant 0 : i32
      %dma_wait3A_242 = arith.constant 0 : i32
      %dma_wait3A_243 = tpu.memref_slice %arg3[%dma_wait3A_241, %dma_wait3A_242] : memref<10240x16xf32, #tpu.memory_space<hbm>> -> memref<10240x16xf32, #tpu.memory_space<hbm>>
      tpu.wait_indirect_dma semaphore(%arg10 : memref<!tpu.dma_semaphore, #tpu.memory_space<semaphore_mem>>) src(%dma_wait3A_243 : memref<10240x16xf32, #tpu.memory_space<hbm>>) dst(%dma_wait3A_237 : memref<125x16xf32, #tpu.memory_space<vmem>>)
      %dma_wait3A_244 = arith.constant 375 : i32
      %dma_wait3A_245 = arith.constant 0 : i32
      %dma_wait3A_246 = tpu.memref_slice %arg9[%dma_wait3A_244, %dma_wait3A_245] : memref<1000x16xf32, #tpu.memory_space<vmem>> -> memref<125x16xf32, #tpu.memory_space<vmem>>
      %dma_wait3A_247 = arith.constant 0 : i32
      %dma_wait3A_248 = tpu.memref_slice %arg7[%add3A_75, %dma_wait3A_247] : memref<40x125xi32, #tpu.memory_space<vmem>> -> memref<1x125xi32, #tpu.memory_space<vmem>>
      %dma_wait3A_249 = tpu.memref_squeeze %dma_wait3A_248 : memref<1x125xi32, #tpu.memory_space<vmem>> -> memref<125xi32, #tpu.memory_space<vmem>>
      %dma_wait3A_250 = arith.constant 0 : i32
      %dma_wait3A_251 = arith.constant 0 : i32
      %dma_wait3A_252 = tpu.memref_slice %arg4[%dma_wait3A_250, %dma_wait3A_251] : memref<10240x16xf32, #tpu.memory_space<hbm>> -> memref<10240x16xf32, #tpu.memory_space<hbm>>
      tpu.wait_indirect_dma semaphore(%arg10 : memref<!tpu.dma_semaphore, #tpu.memory_space<semaphore_mem>>) src(%dma_wait3A_252 : memref<10240x16xf32, #tpu.memory_space<hbm>>) dst(%dma_wait3A_246 : memref<125x16xf32, #tpu.memory_space<vmem>>)
      %dma_wait3A_253 = arith.constant 500 : i32
      %dma_wait3A_254 = arith.constant 0 : i32
      %dma_wait3A_255 = tpu.memref_slice %arg8[%dma_wait3A_253, %dma_wait3A_254] : memref<1000x16xf32, #tpu.memory_space<vmem>> -> memref<125x16xf32, #tpu.memory_space<vmem>>
      %dma_wait3A_256 = arith.constant 0 : i32
      %dma_wait3A_257 = tpu.memref_slice %arg7[%add3A_97, %dma_wait3A_256] : memref<40x125xi32, #tpu.memory_space<vmem>> -> memref<1x125xi32, #tpu.memory_space<vmem>>
      %dma_wait3A_258 = tpu.memref_squeeze %dma_wait3A_257 : memref<1x125xi32, #tpu.memory_space<vmem>> -> memref<125xi32, #tpu.memory_space<vmem>>
      %dma_wait3A_259 = arith.constant 0 : i32
      %dma_wait3A_260 = arith.constant 0 : i32
      %dma_wait3A_261 = tpu.memref_slice %arg3[%dma_wait3A_259, %dma_wait3A_260] : memref<10240x16xf32, #tpu.memory_space<hbm>> -> memref<10240x16xf32, #tpu.memory_space<hbm>>
      tpu.wait_indirect_dma semaphore(%arg10 : memref<!tpu.dma_semaphore, #tpu.memory_space<semaphore_mem>>) src(%dma_wait3A_261 : memref<10240x16xf32, #tpu.memory_space<hbm>>) dst(%dma_wait3A_255 : memref<125x16xf32, #tpu.memory_space<vmem>>)
      %dma_wait3A_262 = arith.constant 500 : i32
      %dma_wait3A_263 = arith.constant 0 : i32
      %dma_wait3A_264 = tpu.memref_slice %arg9[%dma_wait3A_262, %dma_wait3A_263] : memref<1000x16xf32, #tpu.memory_space<vmem>> -> memref<125x16xf32, #tpu.memory_space<vmem>>
      %dma_wait3A_265 = arith.constant 0 : i32
      %dma_wait3A_266 = tpu.memref_slice %arg7[%add3A_97, %dma_wait3A_265] : memref<40x125xi32, #tpu.memory_space<vmem>> -> memref<1x125xi32, #tpu.memory_space<vmem>>
      %dma_wait3A_267 = tpu.memref_squeeze %dma_wait3A_266 : memref<1x125xi32, #tpu.memory_space<vmem>> -> memref<125xi32, #tpu.memory_space<vmem>>
      %dma_wait3A_268 = arith.constant 0 : i32
      %dma_wait3A_269 = arith.constant 0 : i32
      %dma_wait3A_270 = tpu.memref_slice %arg4[%dma_wait3A_268, %dma_wait3A_269] : memref<10240x16xf32, #tpu.memory_space<hbm>> -> memref<10240x16xf32, #tpu.memory_space<hbm>>
      tpu.wait_indirect_dma semaphore(%arg10 : memref<!tpu.dma_semaphore, #tpu.memory_space<semaphore_mem>>) src(%dma_wait3A_270 : memref<10240x16xf32, #tpu.memory_space<hbm>>) dst(%dma_wait3A_264 : memref<125x16xf32, #tpu.memory_space<vmem>>)
      %dma_wait3A_271 = arith.constant 625 : i32
      %dma_wait3A_272 = arith.constant 0 : i32
      %dma_wait3A_273 = tpu.memref_slice %arg8[%dma_wait3A_271, %dma_wait3A_272] : memref<1000x16xf32, #tpu.memory_space<vmem>> -> memref<125x16xf32, #tpu.memory_space<vmem>>
      %dma_wait3A_274 = arith.constant 0 : i32
      %dma_wait3A_275 = tpu.memref_slice %arg7[%add3A_119, %dma_wait3A_274] : memref<40x125xi32, #tpu.memory_space<vmem>> -> memref<1x125xi32, #tpu.memory_space<vmem>>
      %dma_wait3A_276 = tpu.memref_squeeze %dma_wait3A_275 : memref<1x125xi32, #tpu.memory_space<vmem>> -> memref<125xi32, #tpu.memory_space<vmem>>
      %dma_wait3A_277 = arith.constant 0 : i32
      %dma_wait3A_278 = arith.constant 0 : i32
      %dma_wait3A_279 = tpu.memref_slice %arg3[%dma_wait3A_277, %dma_wait3A_278] : memref<10240x16xf32, #tpu.memory_space<hbm>> -> memref<10240x16xf32, #tpu.memory_space<hbm>>
      tpu.wait_indirect_dma semaphore(%arg10 : memref<!tpu.dma_semaphore, #tpu.memory_space<semaphore_mem>>) src(%dma_wait3A_279 : memref<10240x16xf32, #tpu.memory_space<hbm>>) dst(%dma_wait3A_273 : memref<125x16xf32, #tpu.memory_space<vmem>>)
      %dma_wait3A_280 = arith.constant 625 : i32
      %dma_wait3A_281 = arith.constant 0 : i32
      %dma_wait3A_282 = tpu.memref_slice %arg9[%dma_wait3A_280, %dma_wait3A_281] : memref<1000x16xf32, #tpu.memory_space<vmem>> -> memref<125x16xf32, #tpu.memory_space<vmem>>
      %dma_wait3A_283 = arith.constant 0 : i32
      %dma_wait3A_284 = tpu.memref_slice %arg7[%add3A_119, %dma_wait3A_283] : memref<40x125xi32, #tpu.memory_space<vmem>> -> memref<1x125xi32, #tpu.memory_space<vmem>>
      %dma_wait3A_285 = tpu.memref_squeeze %dma_wait3A_284 : memref<1x125xi32, #tpu.memory_space<vmem>> -> memref<125xi32, #tpu.memory_space<vmem>>
      %dma_wait3A_286 = arith.constant 0 : i32
      %dma_wait3A_287 = arith.constant 0 : i32
      %dma_wait3A_288 = tpu.memref_slice %arg4[%dma_wait3A_286, %dma_wait3A_287] : memref<10240x16xf32, #tpu.memory_space<hbm>> -> memref<10240x16xf32, #tpu.memory_space<hbm>>
      tpu.wait_indirect_dma semaphore(%arg10 : memref<!tpu.dma_semaphore, #tpu.memory_space<semaphore_mem>>) src(%dma_wait3A_288 : memref<10240x16xf32, #tpu.memory_space<hbm>>) dst(%dma_wait3A_282 : memref<125x16xf32, #tpu.memory_space<vmem>>)
      %dma_wait3A_289 = arith.constant 750 : i32
      %dma_wait3A_290 = arith.constant 0 : i32
      %dma_wait3A_291 = tpu.memref_slice %arg8[%dma_wait3A_289, %dma_wait3A_290] : memref<1000x16xf32, #tpu.memory_space<vmem>> -> memref<125x16xf32, #tpu.memory_space<vmem>>
      %dma_wait3A_292 = arith.constant 0 : i32
      %dma_wait3A_293 = tpu.memref_slice %arg7[%add3A_141, %dma_wait3A_292] : memref<40x125xi32, #tpu.memory_space<vmem>> -> memref<1x125xi32, #tpu.memory_space<vmem>>
      %dma_wait3A_294 = tpu.memref_squeeze %dma_wait3A_293 : memref<1x125xi32, #tpu.memory_space<vmem>> -> memref<125xi32, #tpu.memory_space<vmem>>
      %dma_wait3A_295 = arith.constant 0 : i32
      %dma_wait3A_296 = arith.constant 0 : i32
      %dma_wait3A_297 = tpu.memref_slice %arg3[%dma_wait3A_295, %dma_wait3A_296] : memref<10240x16xf32, #tpu.memory_space<hbm>> -> memref<10240x16xf32, #tpu.memory_space<hbm>>
      tpu.wait_indirect_dma semaphore(%arg10 : memref<!tpu.dma_semaphore, #tpu.memory_space<semaphore_mem>>) src(%dma_wait3A_297 : memref<10240x16xf32, #tpu.memory_space<hbm>>) dst(%dma_wait3A_291 : memref<125x16xf32, #tpu.memory_space<vmem>>)
      %dma_wait3A_298 = arith.constant 750 : i32
      %dma_wait3A_299 = arith.constant 0 : i32
      %dma_wait3A_300 = tpu.memref_slice %arg9[%dma_wait3A_298, %dma_wait3A_299] : memref<1000x16xf32, #tpu.memory_space<vmem>> -> memref<125x16xf32, #tpu.memory_space<vmem>>
      %dma_wait3A_301 = arith.constant 0 : i32
      %dma_wait3A_302 = tpu.memref_slice %arg7[%add3A_141, %dma_wait3A_301] : memref<40x125xi32, #tpu.memory_space<vmem>> -> memref<1x125xi32, #tpu.memory_space<vmem>>
      %dma_wait3A_303 = tpu.memref_squeeze %dma_wait3A_302 : memref<1x125xi32, #tpu.memory_space<vmem>> -> memref<125xi32, #tpu.memory_space<vmem>>
      %dma_wait3A_304 = arith.constant 0 : i32
      %dma_wait3A_305 = arith.constant 0 : i32
      %dma_wait3A_306 = tpu.memref_slice %arg4[%dma_wait3A_304, %dma_wait3A_305] : memref<10240x16xf32, #tpu.memory_space<hbm>> -> memref<10240x16xf32, #tpu.memory_space<hbm>>
      tpu.wait_indirect_dma semaphore(%arg10 : memref<!tpu.dma_semaphore, #tpu.memory_space<semaphore_mem>>) src(%dma_wait3A_306 : memref<10240x16xf32, #tpu.memory_space<hbm>>) dst(%dma_wait3A_300 : memref<125x16xf32, #tpu.memory_space<vmem>>)
      %dma_wait3A_307 = arith.constant 875 : i32
      %dma_wait3A_308 = arith.constant 0 : i32
      %dma_wait3A_309 = tpu.memref_slice %arg8[%dma_wait3A_307, %dma_wait3A_308] : memref<1000x16xf32, #tpu.memory_space<vmem>> -> memref<125x16xf32, #tpu.memory_space<vmem>>
      %dma_wait3A_310 = arith.constant 0 : i32
      %dma_wait3A_311 = tpu.memref_slice %arg7[%add3A_163, %dma_wait3A_310] : memref<40x125xi32, #tpu.memory_space<vmem>> -> memref<1x125xi32, #tpu.memory_space<vmem>>
      %dma_wait3A_312 = tpu.memref_squeeze %dma_wait3A_311 : memref<1x125xi32, #tpu.memory_space<vmem>> -> memref<125xi32, #tpu.memory_space<vmem>>
      %dma_wait3A_313 = arith.constant 0 : i32
      %dma_wait3A_314 = arith.constant 0 : i32
      %dma_wait3A_315 = tpu.memref_slice %arg3[%dma_wait3A_313, %dma_wait3A_314] : memref<10240x16xf32, #tpu.memory_space<hbm>> -> memref<10240x16xf32, #tpu.memory_space<hbm>>
      tpu.wait_indirect_dma semaphore(%arg10 : memref<!tpu.dma_semaphore, #tpu.memory_space<semaphore_mem>>) src(%dma_wait3A_315 : memref<10240x16xf32, #tpu.memory_space<hbm>>) dst(%dma_wait3A_309 : memref<125x16xf32, #tpu.memory_space<vmem>>)
      %dma_wait3A_316 = arith.constant 875 : i32
      %dma_wait3A_317 = arith.constant 0 : i32
      %dma_wait3A_318 = tpu.memref_slice %arg9[%dma_wait3A_316, %dma_wait3A_317] : memref<1000x16xf32, #tpu.memory_space<vmem>> -> memref<125x16xf32, #tpu.memory_space<vmem>>
      %dma_wait3A_319 = arith.constant 0 : i32
      %dma_wait3A_320 = tpu.memref_slice %arg7[%add3A_163, %dma_wait3A_319] : memref<40x125xi32, #tpu.memory_space<vmem>> -> memref<1x125xi32, #tpu.memory_space<vmem>>
      %dma_wait3A_321 = tpu.memref_squeeze %dma_wait3A_320 : memref<1x125xi32, #tpu.memory_space<vmem>> -> memref<125xi32, #tpu.memory_space<vmem>>
      %dma_wait3A_322 = arith.constant 0 : i32
      %dma_wait3A_323 = arith.constant 0 : i32
      %dma_wait3A_324 = tpu.memref_slice %arg4[%dma_wait3A_322, %dma_wait3A_323] : memref<10240x16xf32, #tpu.memory_space<hbm>> -> memref<10240x16xf32, #tpu.memory_space<hbm>>
      tpu.wait_indirect_dma semaphore(%arg10 : memref<!tpu.dma_semaphore, #tpu.memory_space<semaphore_mem>>) src(%dma_wait3A_324 : memref<10240x16xf32, #tpu.memory_space<hbm>>) dst(%dma_wait3A_318 : memref<125x16xf32, #tpu.memory_space<vmem>>)
      %mul3A_325 = arith.constant 5000 : i32
      %mul3A_326 = arith.muli %add3A, %mul3A_325 : i32
      %mul3A_327 = arith.constant 1000 : i32
      %mul3A_328 = arith.muli %scan3A_6, %mul3A_327 : i32
      %add3A_329 = arith.addi %mul3A_326, %mul3A_328 : i32
      "tpu.region"() ({
        %run_scoped3A = tpu.sem_alloc : memref<!tpu.dma_semaphore, #tpu.memory_space<semaphore_mem>>
        %dma_start3A_330 = arith.constant 0 : i32
        %dma_start3A_331 = tpu.memref_slice %arg5[%add3A_329, %dma_start3A_330] : memref<160000x16xf32, #tpu.memory_space<hbm>> -> memref<1000x16xf32, #tpu.memory_space<hbm>>
        %dma_start3A_332 = arith.constant 0 : i32
        %dma_start3A_333 = tpu.memref_slice %arg5[%add3A_329, %dma_start3A_332] : memref<160000x16xf32, #tpu.memory_space<hbm>> -> memref<1000x16xf32, #tpu.memory_space<hbm>>
        tpu.enqueue_dma source(%arg8 : memref<1000x16xf32, #tpu.memory_space<vmem>>) target(%dma_start3A_333 : memref<1000x16xf32, #tpu.memory_space<hbm>>) target_semaphore(%run_scoped3A : memref<!tpu.dma_semaphore, #tpu.memory_space<semaphore_mem>>)
        %dma_wait3A_334 = arith.constant 0 : i32
        %dma_wait3A_335 = tpu.memref_slice %arg5[%add3A_329, %dma_wait3A_334] : memref<160000x16xf32, #tpu.memory_space<hbm>> -> memref<1000x16xf32, #tpu.memory_space<hbm>>
        %dma_wait3A_336 = arith.constant 0 : i32
        %dma_wait3A_337 = tpu.memref_slice %arg5[%add3A_329, %dma_wait3A_336] : memref<160000x16xf32, #tpu.memory_space<hbm>> -> memref<1000x16xf32, #tpu.memory_space<hbm>>
        tpu.wait_dma2 semaphore(%run_scoped3A : memref<!tpu.dma_semaphore, #tpu.memory_space<semaphore_mem>>) src(%arg8 : memref<1000x16xf32, #tpu.memory_space<vmem>>) dst(%dma_wait3A_337 : memref<1000x16xf32, #tpu.memory_space<hbm>>)
        tpu.yield
      }) : () -> ()
      "tpu.region"() ({
        %run_scoped3A = tpu.sem_alloc : memref<!tpu.dma_semaphore, #tpu.memory_space<semaphore_mem>>
        %dma_start3A_330 = arith.constant 0 : i32
        %dma_start3A_331 = tpu.memref_slice %arg6[%add3A_329, %dma_start3A_330] : memref<160000x16xf32, #tpu.memory_space<hbm>> -> memref<1000x16xf32, #tpu.memory_space<hbm>>
        %dma_start3A_332 = arith.constant 0 : i32
        %dma_start3A_333 = tpu.memref_slice %arg6[%add3A_329, %dma_start3A_332] : memref<160000x16xf32, #tpu.memory_space<hbm>> -> memref<1000x16xf32, #tpu.memory_space<hbm>>
        tpu.enqueue_dma source(%arg9 : memref<1000x16xf32, #tpu.memory_space<vmem>>) target(%dma_start3A_333 : memref<1000x16xf32, #tpu.memory_space<hbm>>) target_semaphore(%run_scoped3A : memref<!tpu.dma_semaphore, #tpu.memory_space<semaphore_mem>>)
        %dma_wait3A_334 = arith.constant 0 : i32
        %dma_wait3A_335 = tpu.memref_slice %arg6[%add3A_329, %dma_wait3A_334] : memref<160000x16xf32, #tpu.memory_space<hbm>> -> memref<1000x16xf32, #tpu.memory_space<hbm>>
        %dma_wait3A_336 = arith.constant 0 : i32
        %dma_wait3A_337 = tpu.memref_slice %arg6[%add3A_329, %dma_wait3A_336] : memref<160000x16xf32, #tpu.memory_space<hbm>> -> memref<1000x16xf32, #tpu.memory_space<hbm>>
        tpu.wait_dma2 semaphore(%run_scoped3A : memref<!tpu.dma_semaphore, #tpu.memory_space<semaphore_mem>>) src(%arg9 : memref<1000x16xf32, #tpu.memory_space<vmem>>) dst(%dma_wait3A_337 : memref<1000x16xf32, #tpu.memory_space<hbm>>)
        tpu.yield
      }) : () -> ()
    }
    %scan3A_5 = arith.constant 5 : i32
    return
  }
}

#map = affine_map<(d0, d1) -> (0, 0, 0)>
#map1 = affine_map<(d0, d1) -> (0, 0)>
module attributes {stable_mosaic.version = 14 : i64} {
  func.func @_scatter_body(%arg0: i32, %arg1: i32, %arg2: memref<32x40x125xi32, #tpu.memory_space<hbm>>, %arg3: memref<160000x16xf32, #tpu.memory_space<hbm>>, %arg4: memref<10240x16xf32, #tpu.memory_space<hbm>>, %arg5: memref<10240x16xf32, #tpu.memory_space<hbm>>, %arg6: memref<40x125xi32, #tpu.memory_space<vmem>>, %arg7: memref<5000x16xf32, #tpu.memory_space<vmem>>, %arg8: memref<640x16xf32, #tpu.memory_space<vmem>>, %arg9: memref<10240x16xf32, #tpu.memory_space<vmem_shared>>, %arg10: memref<!tpu.dma_semaphore, #tpu.memory_space<semaphore_mem>>) attributes {dimension_semantics = [#tpu.dimension_semantics<core_parallel>, #tpu.dimension_semantics<subcore_parallel>], iteration_bounds = array<i64: 2, 16>, scalar_prefetch = 0 : i64, scratch_operands = 5 : i64, tpu.core_type = #tpu.core_type<sc_vector_subcore>, window_params = [{transform_indices = #map}, {transform_indices = #map1}, {transform_indices = #map1}, {transform_indices = #map1}]} {
    %mul3A = arith.constant 16 : i32
    %mul3A_0 = arith.muli %arg0, %mul3A : i32
    %add3A = arith.addi %mul3A_0, %arg1 : i32
    %scan3A = arith.constant 0 : i32
    %scan3A_1 = arith.constant 0 : i32
    %scan3A_2 = arith.constant 640 : i32
    %scan3A_3 = arith.addi %scan3A_1, %scan3A_2 : i32
    %scan3A_4 = arith.constant 1 : i32
    scf.for %scan3A_26 = %scan3A_1 to %scan3A_3 step %scan3A_4  : i32 {
      %broadcast_in_dim3A = arith.constant 0.000000e+00 : f32
      %broadcast_in_dim3A_27 = vector.broadcast %broadcast_in_dim3A : f32 to vector<16xf32>
      %swap3A = arith.index_cast %scan3A_26 : i32 to index
      %swap3A_28 = arith.constant 0 : index
      %swap3A_29 = tpu.vector_load %arg8[%swap3A, %swap3A_28] {strides = array<i32>} : memref<640x16xf32, #tpu.memory_space<vmem>>, vector<1x16xf32>,
      %swap3A_30 = vector.shape_cast %swap3A_29 : vector<1x16xf32> to vector<16xf32>
      %swap3A_31 = vector.shape_cast %broadcast_in_dim3A_27 : vector<16xf32> to vector<1x16xf32>
      tpu.vector_store %arg8[%swap3A, %swap3A_28], %swap3A_31 {strides = array<i32>} : memref<640x16xf32, #tpu.memory_space<vmem>>, vector<1x16xf32>,
    }
    %scan3A_5 = arith.constant 640 : i32
    %mul3A_6 = arith.constant 640 : i32
    %mul3A_7 = arith.muli %arg1, %mul3A_6 : i32
    "tpu.region"() ({
      %run_scoped3A = tpu.sem_alloc : memref<!tpu.dma_semaphore, #tpu.memory_space<semaphore_mem>>
      %dma_start3A = arith.constant 0 : i32
      %dma_start3A_26 = tpu.memref_slice %arg9[%mul3A_7, %dma_start3A] : memref<10240x16xf32, #tpu.memory_space<vmem_shared>> -> memref<640x16xf32, #tpu.memory_space<vmem_shared>>
      %dma_start3A_27 = arith.constant 0 : i32
      %dma_start3A_28 = tpu.memref_slice %arg9[%mul3A_7, %dma_start3A_27] : memref<10240x16xf32, #tpu.memory_space<vmem_shared>> -> memref<640x16xf32, #tpu.memory_space<vmem_shared>>
      tpu.enqueue_dma source(%arg8 : memref<640x16xf32, #tpu.memory_space<vmem>>) target(%dma_start3A_28 : memref<640x16xf32, #tpu.memory_space<vmem_shared>>) target_semaphore(%run_scoped3A : memref<!tpu.dma_semaphore, #tpu.memory_space<semaphore_mem>>)
      %dma_wait3A = arith.constant 0 : i32
      %dma_wait3A_29 = tpu.memref_slice %arg9[%mul3A_7, %dma_wait3A] : memref<10240x16xf32, #tpu.memory_space<vmem_shared>> -> memref<640x16xf32, #tpu.memory_space<vmem_shared>>
      %dma_wait3A_30 = arith.constant 0 : i32
      %dma_wait3A_31 = tpu.memref_slice %arg9[%mul3A_7, %dma_wait3A_30] : memref<10240x16xf32, #tpu.memory_space<vmem_shared>> -> memref<640x16xf32, #tpu.memory_space<vmem_shared>>
      tpu.wait_dma2 semaphore(%run_scoped3A : memref<!tpu.dma_semaphore, #tpu.memory_space<semaphore_mem>>) src(%arg8 : memref<640x16xf32, #tpu.memory_space<vmem>>) dst(%dma_wait3A_31 : memref<640x16xf32, #tpu.memory_space<vmem_shared>>)
      tpu.yield
    }) : () -> ()
    %barrier3A = arith.constant 0 : index
    tpu.barrier barrier_id(%barrier3A)
    "tpu.region"() ({
      %run_scoped3A = tpu.sem_alloc : memref<!tpu.dma_semaphore, #tpu.memory_space<semaphore_mem>>
      %dma_start3A = arith.constant 0 : i32
      %dma_start3A_26 = arith.constant 0 : i32
      %dma_start3A_27 = tpu.memref_slice %arg2[%add3A, %dma_start3A, %dma_start3A_26] : memref<32x40x125xi32, #tpu.memory_space<hbm>> -> memref<1x40x125xi32, #tpu.memory_space<hbm>>
      %dma_start3A_28 = tpu.memref_squeeze %dma_start3A_27 : memref<1x40x125xi32, #tpu.memory_space<hbm>> -> memref<40x125xi32, #tpu.memory_space<hbm>>
      %dma_start3A_29 = arith.constant 0 : i32
      %dma_start3A_30 = arith.constant 0 : i32
      %dma_start3A_31 = tpu.memref_slice %arg2[%add3A, %dma_start3A_29, %dma_start3A_30] : memref<32x40x125xi32, #tpu.memory_space<hbm>> -> memref<1x40x125xi32, #tpu.memory_space<hbm>>
      %dma_start3A_32 = tpu.memref_squeeze %dma_start3A_31 : memref<1x40x125xi32, #tpu.memory_space<hbm>> -> memref<40x125xi32, #tpu.memory_space<hbm>>
      tpu.enqueue_dma source(%dma_start3A_32 : memref<40x125xi32, #tpu.memory_space<hbm>>) target(%arg6 : memref<40x125xi32, #tpu.memory_space<vmem>>) target_semaphore(%run_scoped3A : memref<!tpu.dma_semaphore, #tpu.memory_space<semaphore_mem>>)
      %dma_wait3A = arith.constant 0 : i32
      %dma_wait3A_33 = arith.constant 0 : i32
      %dma_wait3A_34 = tpu.memref_slice %arg2[%add3A, %dma_wait3A, %dma_wait3A_33] : memref<32x40x125xi32, #tpu.memory_space<hbm>> -> memref<1x40x125xi32, #tpu.memory_space<hbm>>
      %dma_wait3A_35 = tpu.memref_squeeze %dma_wait3A_34 : memref<1x40x125xi32, #tpu.memory_space<hbm>> -> memref<40x125xi32, #tpu.memory_space<hbm>>
      %dma_wait3A_36 = arith.constant 0 : i32
      %dma_wait3A_37 = arith.constant 0 : i32
      %dma_wait3A_38 = tpu.memref_slice %arg2[%add3A, %dma_wait3A_36, %dma_wait3A_37] : memref<32x40x125xi32, #tpu.memory_space<hbm>> -> memref<1x40x125xi32, #tpu.memory_space<hbm>>
      %dma_wait3A_39 = tpu.memref_squeeze %dma_wait3A_38 : memref<1x40x125xi32, #tpu.memory_space<hbm>> -> memref<40x125xi32, #tpu.memory_space<hbm>>
      tpu.wait_dma2 semaphore(%run_scoped3A : memref<!tpu.dma_semaphore, #tpu.memory_space<semaphore_mem>>) src(%dma_wait3A_39 : memref<40x125xi32, #tpu.memory_space<hbm>>) dst(%arg6 : memref<40x125xi32, #tpu.memory_space<vmem>>)
      tpu.yield
    }) : () -> ()
    %mul3A_8 = arith.constant 5000 : i32
    %mul3A_9 = arith.muli %add3A, %mul3A_8 : i32
    "tpu.region"() ({
      %run_scoped3A = tpu.sem_alloc : memref<!tpu.dma_semaphore, #tpu.memory_space<semaphore_mem>>
      %dma_start3A = arith.constant 0 : i32
      %dma_start3A_26 = tpu.memref_slice %arg3[%mul3A_9, %dma_start3A] : memref<160000x16xf32, #tpu.memory_space<hbm>> -> memref<5000x16xf32, #tpu.memory_space<hbm>>
      %dma_start3A_27 = arith.constant 0 : i32
      %dma_start3A_28 = tpu.memref_slice %arg3[%mul3A_9, %dma_start3A_27] : memref<160000x16xf32, #tpu.memory_space<hbm>> -> memref<5000x16xf32, #tpu.memory_space<hbm>>
      tpu.enqueue_dma source(%dma_start3A_28 : memref<5000x16xf32, #tpu.memory_space<hbm>>) target(%arg7 : memref<5000x16xf32, #tpu.memory_space<vmem>>) target_semaphore(%run_scoped3A : memref<!tpu.dma_semaphore, #tpu.memory_space<semaphore_mem>>)
      %dma_wait3A = arith.constant 0 : i32
      %dma_wait3A_29 = tpu.memref_slice %arg3[%mul3A_9, %dma_wait3A] : memref<160000x16xf32, #tpu.memory_space<hbm>> -> memref<5000x16xf32, #tpu.memory_space<hbm>>
      %dma_wait3A_30 = arith.constant 0 : i32
      %dma_wait3A_31 = tpu.memref_slice %arg3[%mul3A_9, %dma_wait3A_30] : memref<160000x16xf32, #tpu.memory_space<hbm>> -> memref<5000x16xf32, #tpu.memory_space<hbm>>
      tpu.wait_dma2 semaphore(%run_scoped3A : memref<!tpu.dma_semaphore, #tpu.memory_space<semaphore_mem>>) src(%dma_wait3A_31 : memref<5000x16xf32, #tpu.memory_space<hbm>>) dst(%arg7 : memref<5000x16xf32, #tpu.memory_space<vmem>>)
      tpu.yield
    }) : () -> ()
    %scan3A_10 = arith.constant 0 : i32
    %scan3A_11 = arith.constant 0 : i32
    %scan3A_12 = arith.constant 5 : i32
    %scan3A_13 = arith.addi %scan3A_11, %scan3A_12 : i32
    %scan3A_14 = arith.constant 1 : i32
    scf.for %scan3A_26 = %scan3A_11 to %scan3A_13 step %scan3A_14  : i32 {
      %mul3A_27 = arith.constant 8 : i32
      %mul3A_28 = arith.muli %scan3A_26, %mul3A_27 : i32
      %add3A_29 = arith.constant 0 : i32
      %add3A_30 = arith.addi %mul3A_28, %add3A_29 : i32
      %mul3A_31 = arith.constant 125 : i32
      %mul3A_32 = arith.muli %add3A_30, %mul3A_31 : i32
      "tpu.region"() ({
        %run_scoped3A = tpu.sem_alloc : memref<!tpu.dma_semaphore, #tpu.memory_space<semaphore_mem>>
        %dma_start3A = arith.constant 0 : i32
        %dma_start3A_75 = tpu.memref_slice %arg7[%mul3A_32, %dma_start3A] : memref<5000x16xf32, #tpu.memory_space<vmem>> -> memref<125x16xf32, #tpu.memory_space<vmem>>
        %dma_start3A_76 = arith.constant 0 : i32
        %dma_start3A_77 = tpu.memref_slice %arg6[%add3A_30, %dma_start3A_76] : memref<40x125xi32, #tpu.memory_space<vmem>> -> memref<1x125xi32, #tpu.memory_space<vmem>>
        %dma_start3A_78 = tpu.memref_squeeze %dma_start3A_77 : memref<1x125xi32, #tpu.memory_space<vmem>> -> memref<125xi32, #tpu.memory_space<vmem>>
        %dma_start3A_79 = arith.constant 0 : i32
        %dma_start3A_80 = arith.constant 0 : i32
        %dma_start3A_81 = tpu.memref_slice %arg9[%dma_start3A_79, %dma_start3A_80] : memref<10240x16xf32, #tpu.memory_space<vmem_shared>> -> memref<10240x16xf32, #tpu.memory_space<vmem_shared>>
        tpu.enqueue_indirect_dma source(%dma_start3A_75 : memref<125x16xf32, #tpu.memory_space<vmem>>) target(%dma_start3A_81 : memref<10240x16xf32, #tpu.memory_space<vmem_shared>>) offsets(%dma_start3A_78 : memref<125xi32, #tpu.memory_space<vmem>>) semaphore(%run_scoped3A : memref<!tpu.dma_semaphore, #tpu.memory_space<semaphore_mem>>) {add = true}
        %dma_wait3A = arith.constant 0 : i32
        %dma_wait3A_82 = tpu.memref_slice %arg7[%mul3A_32, %dma_wait3A] : memref<5000x16xf32, #tpu.memory_space<vmem>> -> memref<125x16xf32, #tpu.memory_space<vmem>>
        %dma_wait3A_83 = arith.constant 0 : i32
        %dma_wait3A_84 = tpu.memref_slice %arg6[%add3A_30, %dma_wait3A_83] : memref<40x125xi32, #tpu.memory_space<vmem>> -> memref<1x125xi32, #tpu.memory_space<vmem>>
        %dma_wait3A_85 = tpu.memref_squeeze %dma_wait3A_84 : memref<1x125xi32, #tpu.memory_space<vmem>> -> memref<125xi32, #tpu.memory_space<vmem>>
        %dma_wait3A_86 = arith.constant 0 : i32
        %dma_wait3A_87 = arith.constant 0 : i32
        %dma_wait3A_88 = tpu.memref_slice %arg9[%dma_wait3A_86, %dma_wait3A_87] : memref<10240x16xf32, #tpu.memory_space<vmem_shared>> -> memref<10240x16xf32, #tpu.memory_space<vmem_shared>>
        tpu.wait_indirect_dma semaphore(%run_scoped3A : memref<!tpu.dma_semaphore, #tpu.memory_space<semaphore_mem>>) src(%dma_wait3A_82 : memref<125x16xf32, #tpu.memory_space<vmem>>) dst(%dma_wait3A_88 : memref<10240x16xf32, #tpu.memory_space<vmem_shared>>)
        tpu.yield
      }) : () -> ()
      %mul3A_33 = arith.constant 8 : i32
      %mul3A_34 = arith.muli %scan3A_26, %mul3A_33 : i32
      %add3A_35 = arith.constant 1 : i32
      %add3A_36 = arith.addi %mul3A_34, %add3A_35 : i32
      %mul3A_37 = arith.constant 125 : i32
      %mul3A_38 = arith.muli %add3A_36, %mul3A_37 : i32
      "tpu.region"() ({
        %run_scoped3A = tpu.sem_alloc : memref<!tpu.dma_semaphore, #tpu.memory_space<semaphore_mem>>
        %dma_start3A = arith.constant 0 : i32
        %dma_start3A_75 = tpu.memref_slice %arg7[%mul3A_38, %dma_start3A] : memref<5000x16xf32, #tpu.memory_space<vmem>> -> memref<125x16xf32, #tpu.memory_space<vmem>>
        %dma_start3A_76 = arith.constant 0 : i32
        %dma_start3A_77 = tpu.memref_slice %arg6[%add3A_36, %dma_start3A_76] : memref<40x125xi32, #tpu.memory_space<vmem>> -> memref<1x125xi32, #tpu.memory_space<vmem>>
        %dma_start3A_78 = tpu.memref_squeeze %dma_start3A_77 : memref<1x125xi32, #tpu.memory_space<vmem>> -> memref<125xi32, #tpu.memory_space<vmem>>
        %dma_start3A_79 = arith.constant 0 : i32
        %dma_start3A_80 = arith.constant 0 : i32
        %dma_start3A_81 = tpu.memref_slice %arg9[%dma_start3A_79, %dma_start3A_80] : memref<10240x16xf32, #tpu.memory_space<vmem_shared>> -> memref<10240x16xf32, #tpu.memory_space<vmem_shared>>
        tpu.enqueue_indirect_dma source(%dma_start3A_75 : memref<125x16xf32, #tpu.memory_space<vmem>>) target(%dma_start3A_81 : memref<10240x16xf32, #tpu.memory_space<vmem_shared>>) offsets(%dma_start3A_78 : memref<125xi32, #tpu.memory_space<vmem>>) semaphore(%run_scoped3A : memref<!tpu.dma_semaphore, #tpu.memory_space<semaphore_mem>>) {add = true}
        %dma_wait3A = arith.constant 0 : i32
        %dma_wait3A_82 = tpu.memref_slice %arg7[%mul3A_38, %dma_wait3A] : memref<5000x16xf32, #tpu.memory_space<vmem>> -> memref<125x16xf32, #tpu.memory_space<vmem>>
        %dma_wait3A_83 = arith.constant 0 : i32
        %dma_wait3A_84 = tpu.memref_slice %arg6[%add3A_36, %dma_wait3A_83] : memref<40x125xi32, #tpu.memory_space<vmem>> -> memref<1x125xi32, #tpu.memory_space<vmem>>
        %dma_wait3A_85 = tpu.memref_squeeze %dma_wait3A_84 : memref<1x125xi32, #tpu.memory_space<vmem>> -> memref<125xi32, #tpu.memory_space<vmem>>
        %dma_wait3A_86 = arith.constant 0 : i32
        %dma_wait3A_87 = arith.constant 0 : i32
        %dma_wait3A_88 = tpu.memref_slice %arg9[%dma_wait3A_86, %dma_wait3A_87] : memref<10240x16xf32, #tpu.memory_space<vmem_shared>> -> memref<10240x16xf32, #tpu.memory_space<vmem_shared>>
        tpu.wait_indirect_dma semaphore(%run_scoped3A : memref<!tpu.dma_semaphore, #tpu.memory_space<semaphore_mem>>) src(%dma_wait3A_82 : memref<125x16xf32, #tpu.memory_space<vmem>>) dst(%dma_wait3A_88 : memref<10240x16xf32, #tpu.memory_space<vmem_shared>>)
        tpu.yield
      }) : () -> ()
      %mul3A_39 = arith.constant 8 : i32
      %mul3A_40 = arith.muli %scan3A_26, %mul3A_39 : i32
      %add3A_41 = arith.constant 2 : i32
      %add3A_42 = arith.addi %mul3A_40, %add3A_41 : i32
      %mul3A_43 = arith.constant 125 : i32
      %mul3A_44 = arith.muli %add3A_42, %mul3A_43 : i32
      "tpu.region"() ({
        %run_scoped3A = tpu.sem_alloc : memref<!tpu.dma_semaphore, #tpu.memory_space<semaphore_mem>>
        %dma_start3A = arith.constant 0 : i32
        %dma_start3A_75 = tpu.memref_slice %arg7[%mul3A_44, %dma_start3A] : memref<5000x16xf32, #tpu.memory_space<vmem>> -> memref<125x16xf32, #tpu.memory_space<vmem>>
        %dma_start3A_76 = arith.constant 0 : i32
        %dma_start3A_77 = tpu.memref_slice %arg6[%add3A_42, %dma_start3A_76] : memref<40x125xi32, #tpu.memory_space<vmem>> -> memref<1x125xi32, #tpu.memory_space<vmem>>
        %dma_start3A_78 = tpu.memref_squeeze %dma_start3A_77 : memref<1x125xi32, #tpu.memory_space<vmem>> -> memref<125xi32, #tpu.memory_space<vmem>>
        %dma_start3A_79 = arith.constant 0 : i32
        %dma_start3A_80 = arith.constant 0 : i32
        %dma_start3A_81 = tpu.memref_slice %arg9[%dma_start3A_79, %dma_start3A_80] : memref<10240x16xf32, #tpu.memory_space<vmem_shared>> -> memref<10240x16xf32, #tpu.memory_space<vmem_shared>>
        tpu.enqueue_indirect_dma source(%dma_start3A_75 : memref<125x16xf32, #tpu.memory_space<vmem>>) target(%dma_start3A_81 : memref<10240x16xf32, #tpu.memory_space<vmem_shared>>) offsets(%dma_start3A_78 : memref<125xi32, #tpu.memory_space<vmem>>) semaphore(%run_scoped3A : memref<!tpu.dma_semaphore, #tpu.memory_space<semaphore_mem>>) {add = true}
        %dma_wait3A = arith.constant 0 : i32
        %dma_wait3A_82 = tpu.memref_slice %arg7[%mul3A_44, %dma_wait3A] : memref<5000x16xf32, #tpu.memory_space<vmem>> -> memref<125x16xf32, #tpu.memory_space<vmem>>
        %dma_wait3A_83 = arith.constant 0 : i32
        %dma_wait3A_84 = tpu.memref_slice %arg6[%add3A_42, %dma_wait3A_83] : memref<40x125xi32, #tpu.memory_space<vmem>> -> memref<1x125xi32, #tpu.memory_space<vmem>>
        %dma_wait3A_85 = tpu.memref_squeeze %dma_wait3A_84 : memref<1x125xi32, #tpu.memory_space<vmem>> -> memref<125xi32, #tpu.memory_space<vmem>>
        %dma_wait3A_86 = arith.constant 0 : i32
        %dma_wait3A_87 = arith.constant 0 : i32
        %dma_wait3A_88 = tpu.memref_slice %arg9[%dma_wait3A_86, %dma_wait3A_87] : memref<10240x16xf32, #tpu.memory_space<vmem_shared>> -> memref<10240x16xf32, #tpu.memory_space<vmem_shared>>
        tpu.wait_indirect_dma semaphore(%run_scoped3A : memref<!tpu.dma_semaphore, #tpu.memory_space<semaphore_mem>>) src(%dma_wait3A_82 : memref<125x16xf32, #tpu.memory_space<vmem>>) dst(%dma_wait3A_88 : memref<10240x16xf32, #tpu.memory_space<vmem_shared>>)
        tpu.yield
      }) : () -> ()
      %mul3A_45 = arith.constant 8 : i32
      %mul3A_46 = arith.muli %scan3A_26, %mul3A_45 : i32
      %add3A_47 = arith.constant 3 : i32
      %add3A_48 = arith.addi %mul3A_46, %add3A_47 : i32
      %mul3A_49 = arith.constant 125 : i32
      %mul3A_50 = arith.muli %add3A_48, %mul3A_49 : i32
      "tpu.region"() ({
        %run_scoped3A = tpu.sem_alloc : memref<!tpu.dma_semaphore, #tpu.memory_space<semaphore_mem>>
        %dma_start3A = arith.constant 0 : i32
        %dma_start3A_75 = tpu.memref_slice %arg7[%mul3A_50, %dma_start3A] : memref<5000x16xf32, #tpu.memory_space<vmem>> -> memref<125x16xf32, #tpu.memory_space<vmem>>
        %dma_start3A_76 = arith.constant 0 : i32
        %dma_start3A_77 = tpu.memref_slice %arg6[%add3A_48, %dma_start3A_76] : memref<40x125xi32, #tpu.memory_space<vmem>> -> memref<1x125xi32, #tpu.memory_space<vmem>>
        %dma_start3A_78 = tpu.memref_squeeze %dma_start3A_77 : memref<1x125xi32, #tpu.memory_space<vmem>> -> memref<125xi32, #tpu.memory_space<vmem>>
        %dma_start3A_79 = arith.constant 0 : i32
        %dma_start3A_80 = arith.constant 0 : i32
        %dma_start3A_81 = tpu.memref_slice %arg9[%dma_start3A_79, %dma_start3A_80] : memref<10240x16xf32, #tpu.memory_space<vmem_shared>> -> memref<10240x16xf32, #tpu.memory_space<vmem_shared>>
        tpu.enqueue_indirect_dma source(%dma_start3A_75 : memref<125x16xf32, #tpu.memory_space<vmem>>) target(%dma_start3A_81 : memref<10240x16xf32, #tpu.memory_space<vmem_shared>>) offsets(%dma_start3A_78 : memref<125xi32, #tpu.memory_space<vmem>>) semaphore(%run_scoped3A : memref<!tpu.dma_semaphore, #tpu.memory_space<semaphore_mem>>) {add = true}
        %dma_wait3A = arith.constant 0 : i32
        %dma_wait3A_82 = tpu.memref_slice %arg7[%mul3A_50, %dma_wait3A] : memref<5000x16xf32, #tpu.memory_space<vmem>> -> memref<125x16xf32, #tpu.memory_space<vmem>>
        %dma_wait3A_83 = arith.constant 0 : i32
        %dma_wait3A_84 = tpu.memref_slice %arg6[%add3A_48, %dma_wait3A_83] : memref<40x125xi32, #tpu.memory_space<vmem>> -> memref<1x125xi32, #tpu.memory_space<vmem>>
        %dma_wait3A_85 = tpu.memref_squeeze %dma_wait3A_84 : memref<1x125xi32, #tpu.memory_space<vmem>> -> memref<125xi32, #tpu.memory_space<vmem>>
        %dma_wait3A_86 = arith.constant 0 : i32
        %dma_wait3A_87 = arith.constant 0 : i32
        %dma_wait3A_88 = tpu.memref_slice %arg9[%dma_wait3A_86, %dma_wait3A_87] : memref<10240x16xf32, #tpu.memory_space<vmem_shared>> -> memref<10240x16xf32, #tpu.memory_space<vmem_shared>>
        tpu.wait_indirect_dma semaphore(%run_scoped3A : memref<!tpu.dma_semaphore, #tpu.memory_space<semaphore_mem>>) src(%dma_wait3A_82 : memref<125x16xf32, #tpu.memory_space<vmem>>) dst(%dma_wait3A_88 : memref<10240x16xf32, #tpu.memory_space<vmem_shared>>)
        tpu.yield
      }) : () -> ()
      %mul3A_51 = arith.constant 8 : i32
      %mul3A_52 = arith.muli %scan3A_26, %mul3A_51 : i32
      %add3A_53 = arith.constant 4 : i32
      %add3A_54 = arith.addi %mul3A_52, %add3A_53 : i32
      %mul3A_55 = arith.constant 125 : i32
      %mul3A_56 = arith.muli %add3A_54, %mul3A_55 : i32
      "tpu.region"() ({
        %run_scoped3A = tpu.sem_alloc : memref<!tpu.dma_semaphore, #tpu.memory_space<semaphore_mem>>
        %dma_start3A = arith.constant 0 : i32
        %dma_start3A_75 = tpu.memref_slice %arg7[%mul3A_56, %dma_start3A] : memref<5000x16xf32, #tpu.memory_space<vmem>> -> memref<125x16xf32, #tpu.memory_space<vmem>>
        %dma_start3A_76 = arith.constant 0 : i32
        %dma_start3A_77 = tpu.memref_slice %arg6[%add3A_54, %dma_start3A_76] : memref<40x125xi32, #tpu.memory_space<vmem>> -> memref<1x125xi32, #tpu.memory_space<vmem>>
        %dma_start3A_78 = tpu.memref_squeeze %dma_start3A_77 : memref<1x125xi32, #tpu.memory_space<vmem>> -> memref<125xi32, #tpu.memory_space<vmem>>
        %dma_start3A_79 = arith.constant 0 : i32
        %dma_start3A_80 = arith.constant 0 : i32
        %dma_start3A_81 = tpu.memref_slice %arg9[%dma_start3A_79, %dma_start3A_80] : memref<10240x16xf32, #tpu.memory_space<vmem_shared>> -> memref<10240x16xf32, #tpu.memory_space<vmem_shared>>
        tpu.enqueue_indirect_dma source(%dma_start3A_75 : memref<125x16xf32, #tpu.memory_space<vmem>>) target(%dma_start3A_81 : memref<10240x16xf32, #tpu.memory_space<vmem_shared>>) offsets(%dma_start3A_78 : memref<125xi32, #tpu.memory_space<vmem>>) semaphore(%run_scoped3A : memref<!tpu.dma_semaphore, #tpu.memory_space<semaphore_mem>>) {add = true}
        %dma_wait3A = arith.constant 0 : i32
        %dma_wait3A_82 = tpu.memref_slice %arg7[%mul3A_56, %dma_wait3A] : memref<5000x16xf32, #tpu.memory_space<vmem>> -> memref<125x16xf32, #tpu.memory_space<vmem>>
        %dma_wait3A_83 = arith.constant 0 : i32
        %dma_wait3A_84 = tpu.memref_slice %arg6[%add3A_54, %dma_wait3A_83] : memref<40x125xi32, #tpu.memory_space<vmem>> -> memref<1x125xi32, #tpu.memory_space<vmem>>
        %dma_wait3A_85 = tpu.memref_squeeze %dma_wait3A_84 : memref<1x125xi32, #tpu.memory_space<vmem>> -> memref<125xi32, #tpu.memory_space<vmem>>
        %dma_wait3A_86 = arith.constant 0 : i32
        %dma_wait3A_87 = arith.constant 0 : i32
        %dma_wait3A_88 = tpu.memref_slice %arg9[%dma_wait3A_86, %dma_wait3A_87] : memref<10240x16xf32, #tpu.memory_space<vmem_shared>> -> memref<10240x16xf32, #tpu.memory_space<vmem_shared>>
        tpu.wait_indirect_dma semaphore(%run_scoped3A : memref<!tpu.dma_semaphore, #tpu.memory_space<semaphore_mem>>) src(%dma_wait3A_82 : memref<125x16xf32, #tpu.memory_space<vmem>>) dst(%dma_wait3A_88 : memref<10240x16xf32, #tpu.memory_space<vmem_shared>>)
        tpu.yield
      }) : () -> ()
      %mul3A_57 = arith.constant 8 : i32
      %mul3A_58 = arith.muli %scan3A_26, %mul3A_57 : i32
      %add3A_59 = arith.constant 5 : i32
      %add3A_60 = arith.addi %mul3A_58, %add3A_59 : i32
      %mul3A_61 = arith.constant 125 : i32
      %mul3A_62 = arith.muli %add3A_60, %mul3A_61 : i32
      "tpu.region"() ({
        %run_scoped3A = tpu.sem_alloc : memref<!tpu.dma_semaphore, #tpu.memory_space<semaphore_mem>>
        %dma_start3A = arith.constant 0 : i32
        %dma_start3A_75 = tpu.memref_slice %arg7[%mul3A_62, %dma_start3A] : memref<5000x16xf32, #tpu.memory_space<vmem>> -> memref<125x16xf32, #tpu.memory_space<vmem>>
        %dma_start3A_76 = arith.constant 0 : i32
        %dma_start3A_77 = tpu.memref_slice %arg6[%add3A_60, %dma_start3A_76] : memref<40x125xi32, #tpu.memory_space<vmem>> -> memref<1x125xi32, #tpu.memory_space<vmem>>
        %dma_start3A_78 = tpu.memref_squeeze %dma_start3A_77 : memref<1x125xi32, #tpu.memory_space<vmem>> -> memref<125xi32, #tpu.memory_space<vmem>>
        %dma_start3A_79 = arith.constant 0 : i32
        %dma_start3A_80 = arith.constant 0 : i32
        %dma_start3A_81 = tpu.memref_slice %arg9[%dma_start3A_79, %dma_start3A_80] : memref<10240x16xf32, #tpu.memory_space<vmem_shared>> -> memref<10240x16xf32, #tpu.memory_space<vmem_shared>>
        tpu.enqueue_indirect_dma source(%dma_start3A_75 : memref<125x16xf32, #tpu.memory_space<vmem>>) target(%dma_start3A_81 : memref<10240x16xf32, #tpu.memory_space<vmem_shared>>) offsets(%dma_start3A_78 : memref<125xi32, #tpu.memory_space<vmem>>) semaphore(%run_scoped3A : memref<!tpu.dma_semaphore, #tpu.memory_space<semaphore_mem>>) {add = true}
        %dma_wait3A = arith.constant 0 : i32
        %dma_wait3A_82 = tpu.memref_slice %arg7[%mul3A_62, %dma_wait3A] : memref<5000x16xf32, #tpu.memory_space<vmem>> -> memref<125x16xf32, #tpu.memory_space<vmem>>
        %dma_wait3A_83 = arith.constant 0 : i32
        %dma_wait3A_84 = tpu.memref_slice %arg6[%add3A_60, %dma_wait3A_83] : memref<40x125xi32, #tpu.memory_space<vmem>> -> memref<1x125xi32, #tpu.memory_space<vmem>>
        %dma_wait3A_85 = tpu.memref_squeeze %dma_wait3A_84 : memref<1x125xi32, #tpu.memory_space<vmem>> -> memref<125xi32, #tpu.memory_space<vmem>>
        %dma_wait3A_86 = arith.constant 0 : i32
        %dma_wait3A_87 = arith.constant 0 : i32
        %dma_wait3A_88 = tpu.memref_slice %arg9[%dma_wait3A_86, %dma_wait3A_87] : memref<10240x16xf32, #tpu.memory_space<vmem_shared>> -> memref<10240x16xf32, #tpu.memory_space<vmem_shared>>
        tpu.wait_indirect_dma semaphore(%run_scoped3A : memref<!tpu.dma_semaphore, #tpu.memory_space<semaphore_mem>>) src(%dma_wait3A_82 : memref<125x16xf32, #tpu.memory_space<vmem>>) dst(%dma_wait3A_88 : memref<10240x16xf32, #tpu.memory_space<vmem_shared>>)
        tpu.yield
      }) : () -> ()
      %mul3A_63 = arith.constant 8 : i32
      %mul3A_64 = arith.muli %scan3A_26, %mul3A_63 : i32
      %add3A_65 = arith.constant 6 : i32
      %add3A_66 = arith.addi %mul3A_64, %add3A_65 : i32
      %mul3A_67 = arith.constant 125 : i32
      %mul3A_68 = arith.muli %add3A_66, %mul3A_67 : i32
      "tpu.region"() ({
        %run_scoped3A = tpu.sem_alloc : memref<!tpu.dma_semaphore, #tpu.memory_space<semaphore_mem>>
        %dma_start3A = arith.constant 0 : i32
        %dma_start3A_75 = tpu.memref_slice %arg7[%mul3A_68, %dma_start3A] : memref<5000x16xf32, #tpu.memory_space<vmem>> -> memref<125x16xf32, #tpu.memory_space<vmem>>
        %dma_start3A_76 = arith.constant 0 : i32
        %dma_start3A_77 = tpu.memref_slice %arg6[%add3A_66, %dma_start3A_76] : memref<40x125xi32, #tpu.memory_space<vmem>> -> memref<1x125xi32, #tpu.memory_space<vmem>>
        %dma_start3A_78 = tpu.memref_squeeze %dma_start3A_77 : memref<1x125xi32, #tpu.memory_space<vmem>> -> memref<125xi32, #tpu.memory_space<vmem>>
        %dma_start3A_79 = arith.constant 0 : i32
        %dma_start3A_80 = arith.constant 0 : i32
        %dma_start3A_81 = tpu.memref_slice %arg9[%dma_start3A_79, %dma_start3A_80] : memref<10240x16xf32, #tpu.memory_space<vmem_shared>> -> memref<10240x16xf32, #tpu.memory_space<vmem_shared>>
        tpu.enqueue_indirect_dma source(%dma_start3A_75 : memref<125x16xf32, #tpu.memory_space<vmem>>) target(%dma_start3A_81 : memref<10240x16xf32, #tpu.memory_space<vmem_shared>>) offsets(%dma_start3A_78 : memref<125xi32, #tpu.memory_space<vmem>>) semaphore(%run_scoped3A : memref<!tpu.dma_semaphore, #tpu.memory_space<semaphore_mem>>) {add = true}
        %dma_wait3A = arith.constant 0 : i32
        %dma_wait3A_82 = tpu.memref_slice %arg7[%mul3A_68, %dma_wait3A] : memref<5000x16xf32, #tpu.memory_space<vmem>> -> memref<125x16xf32, #tpu.memory_space<vmem>>
        %dma_wait3A_83 = arith.constant 0 : i32
        %dma_wait3A_84 = tpu.memref_slice %arg6[%add3A_66, %dma_wait3A_83] : memref<40x125xi32, #tpu.memory_space<vmem>> -> memref<1x125xi32, #tpu.memory_space<vmem>>
        %dma_wait3A_85 = tpu.memref_squeeze %dma_wait3A_84 : memref<1x125xi32, #tpu.memory_space<vmem>> -> memref<125xi32, #tpu.memory_space<vmem>>
        %dma_wait3A_86 = arith.constant 0 : i32
        %dma_wait3A_87 = arith.constant 0 : i32
        %dma_wait3A_88 = tpu.memref_slice %arg9[%dma_wait3A_86, %dma_wait3A_87] : memref<10240x16xf32, #tpu.memory_space<vmem_shared>> -> memref<10240x16xf32, #tpu.memory_space<vmem_shared>>
        tpu.wait_indirect_dma semaphore(%run_scoped3A : memref<!tpu.dma_semaphore, #tpu.memory_space<semaphore_mem>>) src(%dma_wait3A_82 : memref<125x16xf32, #tpu.memory_space<vmem>>) dst(%dma_wait3A_88 : memref<10240x16xf32, #tpu.memory_space<vmem_shared>>)
        tpu.yield
      }) : () -> ()
      %mul3A_69 = arith.constant 8 : i32
      %mul3A_70 = arith.muli %scan3A_26, %mul3A_69 : i32
      %add3A_71 = arith.constant 7 : i32
      %add3A_72 = arith.addi %mul3A_70, %add3A_71 : i32
      %mul3A_73 = arith.constant 125 : i32
      %mul3A_74 = arith.muli %add3A_72, %mul3A_73 : i32
      "tpu.region"() ({
        %run_scoped3A = tpu.sem_alloc : memref<!tpu.dma_semaphore, #tpu.memory_space<semaphore_mem>>
        %dma_start3A = arith.constant 0 : i32
        %dma_start3A_75 = tpu.memref_slice %arg7[%mul3A_74, %dma_start3A] : memref<5000x16xf32, #tpu.memory_space<vmem>> -> memref<125x16xf32, #tpu.memory_space<vmem>>
        %dma_start3A_76 = arith.constant 0 : i32
        %dma_start3A_77 = tpu.memref_slice %arg6[%add3A_72, %dma_start3A_76] : memref<40x125xi32, #tpu.memory_space<vmem>> -> memref<1x125xi32, #tpu.memory_space<vmem>>
        %dma_start3A_78 = tpu.memref_squeeze %dma_start3A_77 : memref<1x125xi32, #tpu.memory_space<vmem>> -> memref<125xi32, #tpu.memory_space<vmem>>
        %dma_start3A_79 = arith.constant 0 : i32
        %dma_start3A_80 = arith.constant 0 : i32
        %dma_start3A_81 = tpu.memref_slice %arg9[%dma_start3A_79, %dma_start3A_80] : memref<10240x16xf32, #tpu.memory_space<vmem_shared>> -> memref<10240x16xf32, #tpu.memory_space<vmem_shared>>
        tpu.enqueue_indirect_dma source(%dma_start3A_75 : memref<125x16xf32, #tpu.memory_space<vmem>>) target(%dma_start3A_81 : memref<10240x16xf32, #tpu.memory_space<vmem_shared>>) offsets(%dma_start3A_78 : memref<125xi32, #tpu.memory_space<vmem>>) semaphore(%run_scoped3A : memref<!tpu.dma_semaphore, #tpu.memory_space<semaphore_mem>>) {add = true}
        %dma_wait3A = arith.constant 0 : i32
        %dma_wait3A_82 = tpu.memref_slice %arg7[%mul3A_74, %dma_wait3A] : memref<5000x16xf32, #tpu.memory_space<vmem>> -> memref<125x16xf32, #tpu.memory_space<vmem>>
        %dma_wait3A_83 = arith.constant 0 : i32
        %dma_wait3A_84 = tpu.memref_slice %arg6[%add3A_72, %dma_wait3A_83] : memref<40x125xi32, #tpu.memory_space<vmem>> -> memref<1x125xi32, #tpu.memory_space<vmem>>
        %dma_wait3A_85 = tpu.memref_squeeze %dma_wait3A_84 : memref<1x125xi32, #tpu.memory_space<vmem>> -> memref<125xi32, #tpu.memory_space<vmem>>
        %dma_wait3A_86 = arith.constant 0 : i32
        %dma_wait3A_87 = arith.constant 0 : i32
        %dma_wait3A_88 = tpu.memref_slice %arg9[%dma_wait3A_86, %dma_wait3A_87] : memref<10240x16xf32, #tpu.memory_space<vmem_shared>> -> memref<10240x16xf32, #tpu.memory_space<vmem_shared>>
        tpu.wait_indirect_dma semaphore(%run_scoped3A : memref<!tpu.dma_semaphore, #tpu.memory_space<semaphore_mem>>) src(%dma_wait3A_82 : memref<125x16xf32, #tpu.memory_space<vmem>>) dst(%dma_wait3A_88 : memref<10240x16xf32, #tpu.memory_space<vmem_shared>>)
        tpu.yield
      }) : () -> ()
    }
    %scan3A_15 = arith.constant 5 : i32
    %barrier3A_16 = arith.constant 0 : index
    tpu.barrier barrier_id(%barrier3A_16)
    %mul3A_17 = arith.constant 640 : i32
    %mul3A_18 = arith.muli %arg1, %mul3A_17 : i32
    "tpu.region"() ({
      %run_scoped3A = tpu.sem_alloc : memref<!tpu.dma_semaphore, #tpu.memory_space<semaphore_mem>>
      %dma_start3A = arith.constant 0 : i32
      %dma_start3A_26 = tpu.memref_slice %arg9[%mul3A_18, %dma_start3A] : memref<10240x16xf32, #tpu.memory_space<vmem_shared>> -> memref<640x16xf32, #tpu.memory_space<vmem_shared>>
      %dma_start3A_27 = arith.constant 0 : i32
      %dma_start3A_28 = tpu.memref_slice %arg9[%mul3A_18, %dma_start3A_27] : memref<10240x16xf32, #tpu.memory_space<vmem_shared>> -> memref<640x16xf32, #tpu.memory_space<vmem_shared>>
      tpu.enqueue_dma source(%dma_start3A_28 : memref<640x16xf32, #tpu.memory_space<vmem_shared>>) target(%arg8 : memref<640x16xf32, #tpu.memory_space<vmem>>) target_semaphore(%run_scoped3A : memref<!tpu.dma_semaphore, #tpu.memory_space<semaphore_mem>>)
      %dma_wait3A = arith.constant 0 : i32
      %dma_wait3A_29 = tpu.memref_slice %arg9[%mul3A_18, %dma_wait3A] : memref<10240x16xf32, #tpu.memory_space<vmem_shared>> -> memref<640x16xf32, #tpu.memory_space<vmem_shared>>
      %dma_wait3A_30 = arith.constant 0 : i32
      %dma_wait3A_31 = tpu.memref_slice %arg9[%mul3A_18, %dma_wait3A_30] : memref<10240x16xf32, #tpu.memory_space<vmem_shared>> -> memref<640x16xf32, #tpu.memory_space<vmem_shared>>
      tpu.wait_dma2 semaphore(%run_scoped3A : memref<!tpu.dma_semaphore, #tpu.memory_space<semaphore_mem>>) src(%dma_wait3A_31 : memref<640x16xf32, #tpu.memory_space<vmem_shared>>) dst(%arg8 : memref<640x16xf32, #tpu.memory_space<vmem>>)
      tpu.yield
    }) : () -> ()
    %eq3A = arith.constant 0 : i32
    %eq3A_19 = arith.cmpi eq, %arg0, %eq3A : i32
    %convert_element_type3A = arith.extui %eq3A_19 : i1 to i32
    %cond3A = arith.constant 0 : i32
    %cond3A_20 = arith.cmpi ne, %convert_element_type3A, %cond3A : i32
    scf.if %cond3A_20 {
      %mul3A_26 = arith.constant 640 : i32
      %mul3A_27 = arith.muli %arg1, %mul3A_26 : i32
      "tpu.region"() ({
        %run_scoped3A = tpu.sem_alloc : memref<!tpu.dma_semaphore, #tpu.memory_space<semaphore_mem>>
        %dma_start3A = arith.constant 0 : i32
        %dma_start3A_28 = tpu.memref_slice %arg4[%mul3A_27, %dma_start3A] : memref<10240x16xf32, #tpu.memory_space<hbm>> -> memref<640x16xf32, #tpu.memory_space<hbm>>
        %dma_start3A_29 = arith.constant 0 : i32
        %dma_start3A_30 = tpu.memref_slice %arg4[%mul3A_27, %dma_start3A_29] : memref<10240x16xf32, #tpu.memory_space<hbm>> -> memref<640x16xf32, #tpu.memory_space<hbm>>
        tpu.enqueue_dma source(%arg8 : memref<640x16xf32, #tpu.memory_space<vmem>>) target(%dma_start3A_30 : memref<640x16xf32, #tpu.memory_space<hbm>>) target_semaphore(%run_scoped3A : memref<!tpu.dma_semaphore, #tpu.memory_space<semaphore_mem>>)
        %dma_wait3A = arith.constant 0 : i32
        %dma_wait3A_31 = tpu.memref_slice %arg4[%mul3A_27, %dma_wait3A] : memref<10240x16xf32, #tpu.memory_space<hbm>> -> memref<640x16xf32, #tpu.memory_space<hbm>>
        %dma_wait3A_32 = arith.constant 0 : i32
        %dma_wait3A_33 = tpu.memref_slice %arg4[%mul3A_27, %dma_wait3A_32] : memref<10240x16xf32, #tpu.memory_space<hbm>> -> memref<640x16xf32, #tpu.memory_space<hbm>>
        tpu.wait_dma2 semaphore(%run_scoped3A : memref<!tpu.dma_semaphore, #tpu.memory_space<semaphore_mem>>) src(%arg8 : memref<640x16xf32, #tpu.memory_space<vmem>>) dst(%dma_wait3A_33 : memref<640x16xf32, #tpu.memory_space<hbm>>)
        tpu.yield
      }) : () -> ()
    } else {
    }
    %eq3A_21 = arith.constant 1 : i32
    %eq3A_22 = arith.cmpi eq, %arg0, %eq3A_21 : i32
    %convert_element_type3A_23 = arith.extui %eq3A_22 : i1 to i32
    %cond3A_24 = arith.constant 0 : i32
    %cond3A_25 = arith.cmpi ne, %convert_element_type3A_23, %cond3A_24 : i32
    scf.if %cond3A_25 {
      %mul3A_26 = arith.constant 640 : i32
      %mul3A_27 = arith.muli %arg1, %mul3A_26 : i32
      "tpu.region"() ({
        %run_scoped3A = tpu.sem_alloc : memref<!tpu.dma_semaphore, #tpu.memory_space<semaphore_mem>>
        %dma_start3A = arith.constant 0 : i32
        %dma_start3A_28 = tpu.memref_slice %arg5[%mul3A_27, %dma_start3A] : memref<10240x16xf32, #tpu.memory_space<hbm>> -> memref<640x16xf32, #tpu.memory_space<hbm>>
        %dma_start3A_29 = arith.constant 0 : i32
        %dma_start3A_30 = tpu.memref_slice %arg5[%mul3A_27, %dma_start3A_29] : memref<10240x16xf32, #tpu.memory_space<hbm>> -> memref<640x16xf32, #tpu.memory_space<hbm>>
        tpu.enqueue_dma source(%arg8 : memref<640x16xf32, #tpu.memory_space<vmem>>) target(%dma_start3A_30 : memref<640x16xf32, #tpu.memory_space<hbm>>) target_semaphore(%run_scoped3A : memref<!tpu.dma_semaphore, #tpu.memory_space<semaphore_mem>>)
        %dma_wait3A = arith.constant 0 : i32
        %dma_wait3A_31 = tpu.memref_slice %arg5[%mul3A_27, %dma_wait3A] : memref<10240x16xf32, #tpu.memory_space<hbm>> -> memref<640x16xf32, #tpu.memory_space<hbm>>
        %dma_wait3A_32 = arith.constant 0 : i32
        %dma_wait3A_33 = tpu.memref_slice %arg5[%mul3A_27, %dma_wait3A_32] : memref<10240x16xf32, #tpu.memory_space<hbm>> -> memref<640x16xf32, #tpu.memory_space<hbm>>
        tpu.wait_dma2 semaphore(%run_scoped3A : memref<!tpu.dma_semaphore, #tpu.memory_space<semaphore_mem>>) src(%arg8 : memref<640x16xf32, #tpu.memory_space<vmem>>) dst(%dma_wait3A_33 : memref<640x16xf32, #tpu.memory_space<hbm>>)
        tpu.yield
      }) : () -> ()
    } else {
    }
    return
  }
}

module attributes {stable_mosaic.version = 14 : i64} {
  func.func @_lin0_body(%arg0: i32, %arg1: memref<2000x128xf32, #tpu.memory_space<vmem>>, %arg2: memref<128x16xf32, #tpu.memory_space<vmem>>, %arg3: memref<1x16xf32, #tpu.memory_space<vmem>>, %arg4: memref<2000x16xf32, #tpu.memory_space<vmem>>) attributes {dimension_semantics = [#tpu.dimension_semantics<arbitrary>], iteration_bounds = array<i64: 5>, scalar_prefetch = 0 : i64, scratch_operands = 0 : i64, tpu.core_type = #tpu.core_type<tc>, window_params = [{transform_indices = @transform_0, window_bounds = array<i64: 2000, 128>}, {pipeline_mode = #tpu.pipeline_mode<synchronous>, transform_indices = @transform_1, window_bounds = array<i64: 128, 16>}, {pipeline_mode = #tpu.pipeline_mode<synchronous>, transform_indices = @transform_2, window_bounds = array<i64: 1, 16>}, {transform_indices = @transform_3, window_bounds = array<i64: 2000, 16>}]} {
    %get3A = arith.constant 0 : index
    %get3A_0 = arith.constant 0 : index
    %get3A_1 = vector.load %arg1[%get3A, %get3A_0] : memref<2000x128xf32, #tpu.memory_space<vmem>>, vector<2000x128xf32>
    %get3A_2 = arith.constant 0 : index
    %get3A_3 = arith.constant 0 : index
    %get3A_4 = vector.load %arg2[%get3A_2, %get3A_3] : memref<128x16xf32, #tpu.memory_space<vmem>>, vector<128x16xf32>
    %dot_general3A = arith.constant dense<0.000000e+00> : vector<2000x16xf32>
    %dot_general3A_5 = tpu.matmul %get3A_1, %get3A_4, %dot_general3A {dimension_numbers = #tpu.dot_dimension_numbers<[1], [0], [0], [1], [0, 0, 1, 1], [], []>, transpose_lhs_hint = false} : vector<2000x128xf32>, vector<128x16xf32>, vector<2000x16xf32> -> vector<2000x16xf32>
    %get3A_6 = arith.constant 0 : index
    %get3A_7 = arith.constant 0 : index
    %get3A_8 = vector.load %arg3[%get3A_6, %get3A_7] : memref<1x16xf32, #tpu.memory_space<vmem>>, vector<1x16xf32>
    %add3A = vector.broadcast %get3A_8 : vector<1x16xf32> to vector<2000x16xf32>
    %add3A_9 = arith.addf %dot_general3A_5, %add3A : vector<2000x16xf32>
    %max3A = arith.constant 0.000000e+00 : f32
    %max3A_10 = vector.broadcast %max3A : f32 to vector<2000x16xf32>
    %max3A_11 = arith.maximumf %add3A_9, %max3A_10 : vector<2000x16xf32>
    %swap3A = arith.constant 0 : index
    %swap3A_12 = arith.constant 0 : index
    %swap3A_13 = vector.load %arg4[%swap3A, %swap3A_12] : memref<2000x16xf32, #tpu.memory_space<vmem>>, vector<2000x16xf32>
    tpu.vector_store %arg4[%swap3A, %swap3A_12], %max3A_11 {strides = array<i32>} : memref<2000x16xf32, #tpu.memory_space<vmem>>, vector<2000x16xf32>,
    return
  }
  func.func @transform_0(%arg0: i32) -> (i32, i32) {
    %c0_i32 = arith.constant 0 : i32
    %c0_i32_0 = arith.constant 0 : i32
    return %arg0, %c0_i32 : i32, i32
  }
  func.func @transform_1(%arg0: i32) -> (i32, i32) {
    %c0_i32 = arith.constant 0 : i32
    %c0_i32_0 = arith.constant 0 : i32
    %c0_i32_1 = arith.constant 0 : i32
    return %c0_i32, %c0_i32_0 : i32, i32
  }
  func.func @transform_2(%arg0: i32) -> (i32, i32) {
    %c0_i32 = arith.constant 0 : i32
    %c0_i32_0 = arith.constant 0 : i32
    %c0_i32_1 = arith.constant 0 : i32
    return %c0_i32, %c0_i32_0 : i32, i32
  }
  func.func @transform_3(%arg0: i32) -> (i32, i32) {
    %c0_i32 = arith.constant 0 : i32
    %c0_i32_0 = arith.constant 0 : i32
    return %arg0, %c0_i32 : i32, i32
  }
}

module attributes {stable_mosaic.version = 14 : i64} {
  func.func @_edge1_body(%arg0: i32, %arg1: memref<2000x128xf32, #tpu.memory_space<vmem>>, %arg2: memref<2000x128xf32, #tpu.memory_space<vmem>>, %arg3: memref<64x256xf32, #tpu.memory_space<vmem>>, %arg4: memref<1x256xf32, #tpu.memory_space<vmem>>, %arg5: memref<64x256xf32, #tpu.memory_space<vmem>>, %arg6: memref<1x256xf32, #tpu.memory_space<vmem>>, %arg7: memref<32x256xf32, #tpu.memory_space<vmem>>, %arg8: memref<256x16xf32, #tpu.memory_space<vmem>>, %arg9: memref<2000x128xf32, #tpu.memory_space<vmem>>) attributes {dimension_semantics = [#tpu.dimension_semantics<arbitrary>], iteration_bounds = array<i64: 10>, scalar_prefetch = 0 : i64, scratch_operands = 0 : i64, tpu.core_type = #tpu.core_type<tc>, window_params = [{transform_indices = @transform_0, window_bounds = array<i64: 2000, 128>}, {transform_indices = @transform_1, window_bounds = array<i64: 2000, 128>}, {pipeline_mode = #tpu.pipeline_mode<synchronous>, transform_indices = @transform_2, window_bounds = array<i64: 64, 256>}, {pipeline_mode = #tpu.pipeline_mode<synchronous>, transform_indices = @transform_3, window_bounds = array<i64: 1, 256>}, {pipeline_mode = #tpu.pipeline_mode<synchronous>, transform_indices = @transform_4, window_bounds = array<i64: 64, 256>}, {pipeline_mode = #tpu.pipeline_mode<synchronous>, transform_indices = @transform_5, window_bounds = array<i64: 1, 256>}, {pipeline_mode = #tpu.pipeline_mode<synchronous>, transform_indices = @transform_6, window_bounds = array<i64: 32, 256>}, {pipeline_mode = #tpu.pipeline_mode<synchronous>, transform_indices = @transform_7, window_bounds = array<i64: 256, 16>}, {transform_indices = @transform_8, window_bounds = array<i64: 2000, 128>}]} {
    %get3A = arith.constant 0 : index
    %get3A_0 = arith.constant 0 : index
    %get3A_1 = vector.load %arg2[%get3A, %get3A_0] : memref<2000x128xf32, #tpu.memory_space<vmem>>, vector<2000x128xf32>
    %get3A_2 = arith.constant 0 : index
    %get3A_3 = arith.constant 0 : index
    %get3A_4 = vector.load %arg1[%get3A_2, %get3A_3] : memref<2000x128xf32, #tpu.memory_space<vmem>>, vector<2000x128xf32>
    %get3A_5 = arith.constant 0 : index
    %get3A_6 = arith.constant 0 : index
    %get3A_7 = vector.load %arg3[%get3A_5, %get3A_6] : memref<64x256xf32, #tpu.memory_space<vmem>>, vector<64x256xf32>
    %get3A_8 = arith.constant 0 : index
    %get3A_9 = arith.constant 0 : index
    %get3A_10 = vector.load %arg4[%get3A_8, %get3A_9] : memref<1x256xf32, #tpu.memory_space<vmem>>, vector<1x256xf32>
    %get3A_11 = arith.constant 0 : index
    %get3A_12 = arith.constant 0 : index
    %get3A_13 = vector.load %arg5[%get3A_11, %get3A_12] : memref<64x256xf32, #tpu.memory_space<vmem>>, vector<64x256xf32>
    %get3A_14 = arith.constant 0 : index
    %get3A_15 = arith.constant 0 : index
    %get3A_16 = vector.load %arg6[%get3A_14, %get3A_15] : memref<1x256xf32, #tpu.memory_space<vmem>>, vector<1x256xf32>
    %get3A_17 = arith.constant 0 : index
    %get3A_18 = arith.constant 0 : index
    %get3A_19 = vector.load %arg7[%get3A_17, %get3A_18] : memref<32x256xf32, #tpu.memory_space<vmem>>, vector<32x256xf32>
    %get3A_20 = arith.constant 0 : index
    %get3A_21 = arith.constant 0 : index
    %get3A_22 = vector.load %arg8[%get3A_20, %get3A_21] : memref<256x16xf32, #tpu.memory_space<vmem>>, vector<256x16xf32>
    %slice3A = vector.extract_strided_slice %get3A_4 {offsets = [0, 0], sizes = [2000, 64], strides = [1, 1]} : vector<2000x128xf32> to vector<2000x64xf32>
    %dot_general3A = arith.constant dense<0.000000e+00> : vector<2000x256xf32>
    %dot_general3A_23 = tpu.matmul %slice3A, %get3A_7, %dot_general3A {dimension_numbers = #tpu.dot_dimension_numbers<[1], [0], [0], [1], [0, 0, 1, 1], [], []>, transpose_lhs_hint = false} : vector<2000x64xf32>, vector<64x256xf32>, vector<2000x256xf32> -> vector<2000x256xf32>
    %add3A = vector.broadcast %get3A_10 : vector<1x256xf32> to vector<2000x256xf32>
    %add3A_24 = arith.addf %dot_general3A_23, %add3A : vector<2000x256xf32>
    %max3A = arith.constant 0.000000e+00 : f32
    %max3A_25 = vector.broadcast %max3A : f32 to vector<2000x256xf32>
    %max3A_26 = arith.maximumf %add3A_24, %max3A_25 : vector<2000x256xf32>
    %slice3A_27 = vector.extract_strided_slice %max3A_26 {offsets = [0, 0], sizes = [2000, 64], strides = [1, 1]} : vector<2000x256xf32> to vector<2000x64xf32>
    %slice3A_28 = vector.extract_strided_slice %get3A_1 {offsets = [0, 0], sizes = [2000, 16], strides = [1, 1]} : vector<2000x128xf32> to vector<2000x16xf32>
    %dot_general3A_29 = arith.constant dense<0.000000e+00> : vector<2000x256xf32>
    %dot_general3A_30 = tpu.matmul %slice3A_27, %get3A_13, %dot_general3A_29 {dimension_numbers = #tpu.dot_dimension_numbers<[1], [0], [0], [1], [0, 0, 1, 1], [], []>, transpose_lhs_hint = false} : vector<2000x64xf32>, vector<64x256xf32>, vector<2000x256xf32> -> vector<2000x256xf32>
    %add3A_31 = vector.broadcast %get3A_16 : vector<1x256xf32> to vector<2000x256xf32>
    %add3A_32 = arith.addf %dot_general3A_30, %add3A_31 : vector<2000x256xf32>
    %convert_element_type3A = arith.truncf %slice3A_28 : vector<2000x16xf32> to vector<2000x16xbf16>
    %convert_element_type3A_33 = arith.extf %convert_element_type3A : vector<2000x16xbf16> to vector<2000x16xf32>
    %sub3A = arith.subf %slice3A_28, %convert_element_type3A_33 : vector<2000x16xf32>
    %concatenate3A = tpu.concatenate %convert_element_type3A_33, %sub3A in 1 : vector<2000x16xf32>, vector<2000x16xf32> -> vector<2000x32xf32>
    %dot_general3A_34 = arith.constant dense<0.000000e+00> : vector<2000x256xf32>
    %dot_general3A_35 = tpu.matmul %concatenate3A, %get3A_19, %dot_general3A_34 {dimension_numbers = #tpu.dot_dimension_numbers<[1], [0], [0], [1], [0, 0, 1, 1], [], []>, transpose_lhs_hint = false} : vector<2000x32xf32>, vector<32x256xf32>, vector<2000x256xf32> -> vector<2000x256xf32>
    %mul3A = arith.mulf %dot_general3A_35, %add3A_32 : vector<2000x256xf32>
    %convert_element_type3A_36 = arith.truncf %mul3A : vector<2000x256xf32> to vector<2000x256xbf16>
    %convert_element_type3A_37 = arith.extf %convert_element_type3A_36 : vector<2000x256xbf16> to vector<2000x256xf32>
    %sub3A_38 = arith.subf %mul3A, %convert_element_type3A_37 : vector<2000x256xf32>
    %dot_general3A_39 = arith.constant dense<0.000000e+00> : vector<2000x16xf32>
    %dot_general3A_40 = tpu.matmul %convert_element_type3A_37, %get3A_22, %dot_general3A_39 {dimension_numbers = #tpu.dot_dimension_numbers<[1], [0], [0], [1], [0, 0, 1, 1], [], []>, transpose_lhs_hint = false} : vector<2000x256xf32>, vector<256x16xf32>, vector<2000x16xf32> -> vector<2000x16xf32>
    %dot_general3A_41 = arith.constant dense<0.000000e+00> : vector<2000x16xf32>
    %dot_general3A_42 = tpu.matmul %sub3A_38, %get3A_22, %dot_general3A_41 {dimension_numbers = #tpu.dot_dimension_numbers<[1], [0], [0], [1], [0, 0, 1, 1], [], []>, transpose_lhs_hint = false} : vector<2000x256xf32>, vector<256x16xf32>, vector<2000x16xf32> -> vector<2000x16xf32>
    %add3A_43 = arith.addf %dot_general3A_40, %dot_general3A_42 : vector<2000x16xf32>
    %slice3A_44 = vector.extract_strided_slice %max3A_26 {offsets = [0, 64], sizes = [2000, 64], strides = [1, 1]} : vector<2000x256xf32> to vector<2000x64xf32>
    %slice3A_45 = vector.extract_strided_slice %get3A_1 {offsets = [0, 16], sizes = [2000, 16], strides = [1, 1]} : vector<2000x128xf32> to vector<2000x16xf32>
    %dot_general3A_46 = arith.constant dense<0.000000e+00> : vector<2000x256xf32>
    %dot_general3A_47 = tpu.matmul %slice3A_44, %get3A_13, %dot_general3A_46 {dimension_numbers = #tpu.dot_dimension_numbers<[1], [0], [0], [1], [0, 0, 1, 1], [], []>, transpose_lhs_hint = false} : vector<2000x64xf32>, vector<64x256xf32>, vector<2000x256xf32> -> vector<2000x256xf32>
    %add3A_48 = vector.broadcast %get3A_16 : vector<1x256xf32> to vector<2000x256xf32>
    %add3A_49 = arith.addf %dot_general3A_47, %add3A_48 : vector<2000x256xf32>
    %convert_element_type3A_50 = arith.truncf %slice3A_45 : vector<2000x16xf32> to vector<2000x16xbf16>
    %convert_element_type3A_51 = arith.extf %convert_element_type3A_50 : vector<2000x16xbf16> to vector<2000x16xf32>
    %sub3A_52 = arith.subf %slice3A_45, %convert_element_type3A_51 : vector<2000x16xf32>
    %concatenate3A_53 = tpu.concatenate %convert_element_type3A_51, %sub3A_52 in 1 : vector<2000x16xf32>, vector<2000x16xf32> -> vector<2000x32xf32>
    %dot_general3A_54 = arith.constant dense<0.000000e+00> : vector<2000x256xf32>
    %dot_general3A_55 = tpu.matmul %concatenate3A_53, %get3A_19, %dot_general3A_54 {dimension_numbers = #tpu.dot_dimension_numbers<[1], [0], [0], [1], [0, 0, 1, 1], [], []>, transpose_lhs_hint = false} : vector<2000x32xf32>, vector<32x256xf32>, vector<2000x256xf32> -> vector<2000x256xf32>
    %mul3A_56 = arith.mulf %dot_general3A_55, %add3A_49 : vector<2000x256xf32>
    %convert_element_type3A_57 = arith.truncf %mul3A_56 : vector<2000x256xf32> to vector<2000x256xbf16>
    %convert_element_type3A_58 = arith.extf %convert_element_type3A_57 : vector<2000x256xbf16> to vector<2000x256xf32>
    %sub3A_59 = arith.subf %mul3A_56, %convert_element_type3A_58 : vector<2000x256xf32>
    %dot_general3A_60 = arith.constant dense<0.000000e+00> : vector<2000x16xf32>
    %dot_general3A_61 = tpu.matmul %convert_element_type3A_58, %get3A_22, %dot_general3A_60 {dimension_numbers = #tpu.dot_dimension_numbers<[1], [0], [0], [1], [0, 0, 1, 1], [], []>, transpose_lhs_hint = false} : vector<2000x256xf32>, vector<256x16xf32>, vector<2000x16xf32> -> vector<2000x16xf32>
    %dot_general3A_62 = arith.constant dense<0.000000e+00> : vector<2000x16xf32>
    %dot_general3A_63 = tpu.matmul %sub3A_59, %get3A_22, %dot_general3A_62 {dimension_numbers = #tpu.dot_dimension_numbers<[1], [0], [0], [1], [0, 0, 1, 1], [], []>, transpose_lhs_hint = false} : vector<2000x256xf32>, vector<256x16xf32>, vector<2000x16xf32> -> vector<2000x16xf32>
    %add3A_64 = arith.addf %dot_general3A_61, %dot_general3A_63 : vector<2000x16xf32>
    %slice3A_65 = vector.extract_strided_slice %max3A_26 {offsets = [0, 128], sizes = [2000, 64], strides = [1, 1]} : vector<2000x256xf32> to vector<2000x64xf32>
    %slice3A_66 = vector.extract_strided_slice %get3A_1 {offsets = [0, 32], sizes = [2000, 16], strides = [1, 1]} : vector<2000x128xf32> to vector<2000x16xf32>
    %dot_general3A_67 = arith.constant dense<0.000000e+00> : vector<2000x256xf32>
    %dot_general3A_68 = tpu.matmul %slice3A_65, %get3A_13, %dot_general3A_67 {dimension_numbers = #tpu.dot_dimension_numbers<[1], [0], [0], [1], [0, 0, 1, 1], [], []>, transpose_lhs_hint = false} : vector<2000x64xf32>, vector<64x256xf32>, vector<2000x256xf32> -> vector<2000x256xf32>
    %add3A_69 = vector.broadcast %get3A_16 : vector<1x256xf32> to vector<2000x256xf32>
    %add3A_70 = arith.addf %dot_general3A_68, %add3A_69 : vector<2000x256xf32>
    %convert_element_type3A_71 = arith.truncf %slice3A_66 : vector<2000x16xf32> to vector<2000x16xbf16>
    %convert_element_type3A_72 = arith.extf %convert_element_type3A_71 : vector<2000x16xbf16> to vector<2000x16xf32>
    %sub3A_73 = arith.subf %slice3A_66, %convert_element_type3A_72 : vector<2000x16xf32>
    %concatenate3A_74 = tpu.concatenate %convert_element_type3A_72, %sub3A_73 in 1 : vector<2000x16xf32>, vector<2000x16xf32> -> vector<2000x32xf32>
    %dot_general3A_75 = arith.constant dense<0.000000e+00> : vector<2000x256xf32>
    %dot_general3A_76 = tpu.matmul %concatenate3A_74, %get3A_19, %dot_general3A_75 {dimension_numbers = #tpu.dot_dimension_numbers<[1], [0], [0], [1], [0, 0, 1, 1], [], []>, transpose_lhs_hint = false} : vector<2000x32xf32>, vector<32x256xf32>, vector<2000x256xf32> -> vector<2000x256xf32>
    %mul3A_77 = arith.mulf %dot_general3A_76, %add3A_70 : vector<2000x256xf32>
    %convert_element_type3A_78 = arith.truncf %mul3A_77 : vector<2000x256xf32> to vector<2000x256xbf16>
    %convert_element_type3A_79 = arith.extf %convert_element_type3A_78 : vector<2000x256xbf16> to vector<2000x256xf32>
    %sub3A_80 = arith.subf %mul3A_77, %convert_element_type3A_79 : vector<2000x256xf32>
    %dot_general3A_81 = arith.constant dense<0.000000e+00> : vector<2000x16xf32>
    %dot_general3A_82 = tpu.matmul %convert_element_type3A_79, %get3A_22, %dot_general3A_81 {dimension_numbers = #tpu.dot_dimension_numbers<[1], [0], [0], [1], [0, 0, 1, 1], [], []>, transpose_lhs_hint = false} : vector<2000x256xf32>, vector<256x16xf32>, vector<2000x16xf32> -> vector<2000x16xf32>
    %dot_general3A_83 = arith.constant dense<0.000000e+00> : vector<2000x16xf32>
    %dot_general3A_84 = tpu.matmul %sub3A_80, %get3A_22, %dot_general3A_83 {dimension_numbers = #tpu.dot_dimension_numbers<[1], [0], [0], [1], [0, 0, 1, 1], [], []>, transpose_lhs_hint = false} : vector<2000x256xf32>, vector<256x16xf32>, vector<2000x16xf32> -> vector<2000x16xf32>
    %add3A_85 = arith.addf %dot_general3A_82, %dot_general3A_84 : vector<2000x16xf32>
    %slice3A_86 = vector.extract_strided_slice %max3A_26 {offsets = [0, 192], sizes = [2000, 64], strides = [1, 1]} : vector<2000x256xf32> to vector<2000x64xf32>
    %slice3A_87 = vector.extract_strided_slice %get3A_1 {offsets = [0, 48], sizes = [2000, 16], strides = [1, 1]} : vector<2000x128xf32> to vector<2000x16xf32>
    %dot_general3A_88 = arith.constant dense<0.000000e+00> : vector<2000x256xf32>
    %dot_general3A_89 = tpu.matmul %slice3A_86, %get3A_13, %dot_general3A_88 {dimension_numbers = #tpu.dot_dimension_numbers<[1], [0], [0], [1], [0, 0, 1, 1], [], []>, transpose_lhs_hint = false} : vector<2000x64xf32>, vector<64x256xf32>, vector<2000x256xf32> -> vector<2000x256xf32>
    %add3A_90 = vector.broadcast %get3A_16 : vector<1x256xf32> to vector<2000x256xf32>
    %add3A_91 = arith.addf %dot_general3A_89, %add3A_90 : vector<2000x256xf32>
    %convert_element_type3A_92 = arith.truncf %slice3A_87 : vector<2000x16xf32> to vector<2000x16xbf16>
    %convert_element_type3A_93 = arith.extf %convert_element_type3A_92 : vector<2000x16xbf16> to vector<2000x16xf32>
    %sub3A_94 = arith.subf %slice3A_87, %convert_element_type3A_93 : vector<2000x16xf32>
    %concatenate3A_95 = tpu.concatenate %convert_element_type3A_93, %sub3A_94 in 1 : vector<2000x16xf32>, vector<2000x16xf32> -> vector<2000x32xf32>
    %dot_general3A_96 = arith.constant dense<0.000000e+00> : vector<2000x256xf32>
    %dot_general3A_97 = tpu.matmul %concatenate3A_95, %get3A_19, %dot_general3A_96 {dimension_numbers = #tpu.dot_dimension_numbers<[1], [0], [0], [1], [0, 0, 1, 1], [], []>, transpose_lhs_hint = false} : vector<2000x32xf32>, vector<32x256xf32>, vector<2000x256xf32> -> vector<2000x256xf32>
    %mul3A_98 = arith.mulf %dot_general3A_97, %add3A_91 : vector<2000x256xf32>
    %convert_element_type3A_99 = arith.truncf %mul3A_98 : vector<2000x256xf32> to vector<2000x256xbf16>
    %convert_element_type3A_100 = arith.extf %convert_element_type3A_99 : vector<2000x256xbf16> to vector<2000x256xf32>
    %sub3A_101 = arith.subf %mul3A_98, %convert_element_type3A_100 : vector<2000x256xf32>
    %dot_general3A_102 = arith.constant dense<0.000000e+00> : vector<2000x16xf32>
    %dot_general3A_103 = tpu.matmul %convert_element_type3A_100, %get3A_22, %dot_general3A_102 {dimension_numbers = #tpu.dot_dimension_numbers<[1], [0], [0], [1], [0, 0, 1, 1], [], []>, transpose_lhs_hint = false} : vector<2000x256xf32>, vector<256x16xf32>, vector<2000x16xf32> -> vector<2000x16xf32>
    %dot_general3A_104 = arith.constant dense<0.000000e+00> : vector<2000x16xf32>
    %dot_general3A_105 = tpu.matmul %sub3A_101, %get3A_22, %dot_general3A_104 {dimension_numbers = #tpu.dot_dimension_numbers<[1], [0], [0], [1], [0, 0, 1, 1], [], []>, transpose_lhs_hint = false} : vector<2000x256xf32>, vector<256x16xf32>, vector<2000x16xf32> -> vector<2000x16xf32>
    %add3A_106 = arith.addf %dot_general3A_103, %dot_general3A_105 : vector<2000x16xf32>
    %slice3A_107 = vector.extract_strided_slice %get3A_4 {offsets = [0, 64], sizes = [2000, 64], strides = [1, 1]} : vector<2000x128xf32> to vector<2000x64xf32>
    %dot_general3A_108 = arith.constant dense<0.000000e+00> : vector<2000x256xf32>
    %dot_general3A_109 = tpu.matmul %slice3A_107, %get3A_7, %dot_general3A_108 {dimension_numbers = #tpu.dot_dimension_numbers<[1], [0], [0], [1], [0, 0, 1, 1], [], []>, transpose_lhs_hint = false} : vector<2000x64xf32>, vector<64x256xf32>, vector<2000x256xf32> -> vector<2000x256xf32>
    %add3A_110 = vector.broadcast %get3A_10 : vector<1x256xf32> to vector<2000x256xf32>
    %add3A_111 = arith.addf %dot_general3A_109, %add3A_110 : vector<2000x256xf32>
    %max3A_112 = arith.constant 0.000000e+00 : f32
    %max3A_113 = vector.broadcast %max3A_112 : f32 to vector<2000x256xf32>
    %max3A_114 = arith.maximumf %add3A_111, %max3A_113 : vector<2000x256xf32>
    %slice3A_115 = vector.extract_strided_slice %max3A_114 {offsets = [0, 0], sizes = [2000, 64], strides = [1, 1]} : vector<2000x256xf32> to vector<2000x64xf32>
    %slice3A_116 = vector.extract_strided_slice %get3A_1 {offsets = [0, 64], sizes = [2000, 16], strides = [1, 1]} : vector<2000x128xf32> to vector<2000x16xf32>
    %dot_general3A_117 = arith.constant dense<0.000000e+00> : vector<2000x256xf32>
    %dot_general3A_118 = tpu.matmul %slice3A_115, %get3A_13, %dot_general3A_117 {dimension_numbers = #tpu.dot_dimension_numbers<[1], [0], [0], [1], [0, 0, 1, 1], [], []>, transpose_lhs_hint = false} : vector<2000x64xf32>, vector<64x256xf32>, vector<2000x256xf32> -> vector<2000x256xf32>
    %add3A_119 = vector.broadcast %get3A_16 : vector<1x256xf32> to vector<2000x256xf32>
    %add3A_120 = arith.addf %dot_general3A_118, %add3A_119 : vector<2000x256xf32>
    %convert_element_type3A_121 = arith.truncf %slice3A_116 : vector<2000x16xf32> to vector<2000x16xbf16>
    %convert_element_type3A_122 = arith.extf %convert_element_type3A_121 : vector<2000x16xbf16> to vector<2000x16xf32>
    %sub3A_123 = arith.subf %slice3A_116, %convert_element_type3A_122 : vector<2000x16xf32>
    %concatenate3A_124 = tpu.concatenate %convert_element_type3A_122, %sub3A_123 in 1 : vector<2000x16xf32>, vector<2000x16xf32> -> vector<2000x32xf32>
    %dot_general3A_125 = arith.constant dense<0.000000e+00> : vector<2000x256xf32>
    %dot_general3A_126 = tpu.matmul %concatenate3A_124, %get3A_19, %dot_general3A_125 {dimension_numbers = #tpu.dot_dimension_numbers<[1], [0], [0], [1], [0, 0, 1, 1], [], []>, transpose_lhs_hint = false} : vector<2000x32xf32>, vector<32x256xf32>, vector<2000x256xf32> -> vector<2000x256xf32>
    %mul3A_127 = arith.mulf %dot_general3A_126, %add3A_120 : vector<2000x256xf32>
    %convert_element_type3A_128 = arith.truncf %mul3A_127 : vector<2000x256xf32> to vector<2000x256xbf16>
    %convert_element_type3A_129 = arith.extf %convert_element_type3A_128 : vector<2000x256xbf16> to vector<2000x256xf32>
    %sub3A_130 = arith.subf %mul3A_127, %convert_element_type3A_129 : vector<2000x256xf32>
    %dot_general3A_131 = arith.constant dense<0.000000e+00> : vector<2000x16xf32>
    %dot_general3A_132 = tpu.matmul %convert_element_type3A_129, %get3A_22, %dot_general3A_131 {dimension_numbers = #tpu.dot_dimension_numbers<[1], [0], [0], [1], [0, 0, 1, 1], [], []>, transpose_lhs_hint = false} : vector<2000x256xf32>, vector<256x16xf32>, vector<2000x16xf32> -> vector<2000x16xf32>
    %dot_general3A_133 = arith.constant dense<0.000000e+00> : vector<2000x16xf32>
    %dot_general3A_134 = tpu.matmul %sub3A_130, %get3A_22, %dot_general3A_133 {dimension_numbers = #tpu.dot_dimension_numbers<[1], [0], [0], [1], [0, 0, 1, 1], [], []>, transpose_lhs_hint = false} : vector<2000x256xf32>, vector<256x16xf32>, vector<2000x16xf32> -> vector<2000x16xf32>
    %add3A_135 = arith.addf %dot_general3A_132, %dot_general3A_134 : vector<2000x16xf32>
    %slice3A_136 = vector.extract_strided_slice %max3A_114 {offsets = [0, 64], sizes = [2000, 64], strides = [1, 1]} : vector<2000x256xf32> to vector<2000x64xf32>
    %slice3A_137 = vector.extract_strided_slice %get3A_1 {offsets = [0, 80], sizes = [2000, 16], strides = [1, 1]} : vector<2000x128xf32> to vector<2000x16xf32>
    %dot_general3A_138 = arith.constant dense<0.000000e+00> : vector<2000x256xf32>
    %dot_general3A_139 = tpu.matmul %slice3A_136, %get3A_13, %dot_general3A_138 {dimension_numbers = #tpu.dot_dimension_numbers<[1], [0], [0], [1], [0, 0, 1, 1], [], []>, transpose_lhs_hint = false} : vector<2000x64xf32>, vector<64x256xf32>, vector<2000x256xf32> -> vector<2000x256xf32>
    %add3A_140 = vector.broadcast %get3A_16 : vector<1x256xf32> to vector<2000x256xf32>
    %add3A_141 = arith.addf %dot_general3A_139, %add3A_140 : vector<2000x256xf32>
    %convert_element_type3A_142 = arith.truncf %slice3A_137 : vector<2000x16xf32> to vector<2000x16xbf16>
    %convert_element_type3A_143 = arith.extf %convert_element_type3A_142 : vector<2000x16xbf16> to vector<2000x16xf32>
    %sub3A_144 = arith.subf %slice3A_137, %convert_element_type3A_143 : vector<2000x16xf32>
    %concatenate3A_145 = tpu.concatenate %convert_element_type3A_143, %sub3A_144 in 1 : vector<2000x16xf32>, vector<2000x16xf32> -> vector<2000x32xf32>
    %dot_general3A_146 = arith.constant dense<0.000000e+00> : vector<2000x256xf32>
    %dot_general3A_147 = tpu.matmul %concatenate3A_145, %get3A_19, %dot_general3A_146 {dimension_numbers = #tpu.dot_dimension_numbers<[1], [0], [0], [1], [0, 0, 1, 1], [], []>, transpose_lhs_hint = false} : vector<2000x32xf32>, vector<32x256xf32>, vector<2000x256xf32> -> vector<2000x256xf32>
    %mul3A_148 = arith.mulf %dot_general3A_147, %add3A_141 : vector<2000x256xf32>
    %convert_element_type3A_149 = arith.truncf %mul3A_148 : vector<2000x256xf32> to vector<2000x256xbf16>
    %convert_element_type3A_150 = arith.extf %convert_element_type3A_149 : vector<2000x256xbf16> to vector<2000x256xf32>
    %sub3A_151 = arith.subf %mul3A_148, %convert_element_type3A_150 : vector<2000x256xf32>
    %dot_general3A_152 = arith.constant dense<0.000000e+00> : vector<2000x16xf32>
    %dot_general3A_153 = tpu.matmul %convert_element_type3A_150, %get3A_22, %dot_general3A_152 {dimension_numbers = #tpu.dot_dimension_numbers<[1], [0], [0], [1], [0, 0, 1, 1], [], []>, transpose_lhs_hint = false} : vector<2000x256xf32>, vector<256x16xf32>, vector<2000x16xf32> -> vector<2000x16xf32>
    %dot_general3A_154 = arith.constant dense<0.000000e+00> : vector<2000x16xf32>
    %dot_general3A_155 = tpu.matmul %sub3A_151, %get3A_22, %dot_general3A_154 {dimension_numbers = #tpu.dot_dimension_numbers<[1], [0], [0], [1], [0, 0, 1, 1], [], []>, transpose_lhs_hint = false} : vector<2000x256xf32>, vector<256x16xf32>, vector<2000x16xf32> -> vector<2000x16xf32>
    %add3A_156 = arith.addf %dot_general3A_153, %dot_general3A_155 : vector<2000x16xf32>
    %slice3A_157 = vector.extract_strided_slice %max3A_114 {offsets = [0, 128], sizes = [2000, 64], strides = [1, 1]} : vector<2000x256xf32> to vector<2000x64xf32>
    %slice3A_158 = vector.extract_strided_slice %get3A_1 {offsets = [0, 96], sizes = [2000, 16], strides = [1, 1]} : vector<2000x128xf32> to vector<2000x16xf32>
    %dot_general3A_159 = arith.constant dense<0.000000e+00> : vector<2000x256xf32>
    %dot_general3A_160 = tpu.matmul %slice3A_157, %get3A_13, %dot_general3A_159 {dimension_numbers = #tpu.dot_dimension_numbers<[1], [0], [0], [1], [0, 0, 1, 1], [], []>, transpose_lhs_hint = false} : vector<2000x64xf32>, vector<64x256xf32>, vector<2000x256xf32> -> vector<2000x256xf32>
    %add3A_161 = vector.broadcast %get3A_16 : vector<1x256xf32> to vector<2000x256xf32>
    %add3A_162 = arith.addf %dot_general3A_160, %add3A_161 : vector<2000x256xf32>
    %convert_element_type3A_163 = arith.truncf %slice3A_158 : vector<2000x16xf32> to vector<2000x16xbf16>
    %convert_element_type3A_164 = arith.extf %convert_element_type3A_163 : vector<2000x16xbf16> to vector<2000x16xf32>
    %sub3A_165 = arith.subf %slice3A_158, %convert_element_type3A_164 : vector<2000x16xf32>
    %concatenate3A_166 = tpu.concatenate %convert_element_type3A_164, %sub3A_165 in 1 : vector<2000x16xf32>, vector<2000x16xf32> -> vector<2000x32xf32>
    %dot_general3A_167 = arith.constant dense<0.000000e+00> : vector<2000x256xf32>
    %dot_general3A_168 = tpu.matmul %concatenate3A_166, %get3A_19, %dot_general3A_167 {dimension_numbers = #tpu.dot_dimension_numbers<[1], [0], [0], [1], [0, 0, 1, 1], [], []>, transpose_lhs_hint = false} : vector<2000x32xf32>, vector<32x256xf32>, vector<2000x256xf32> -> vector<2000x256xf32>
    %mul3A_169 = arith.mulf %dot_general3A_168, %add3A_162 : vector<2000x256xf32>
    %convert_element_type3A_170 = arith.truncf %mul3A_169 : vector<2000x256xf32> to vector<2000x256xbf16>
    %convert_element_type3A_171 = arith.extf %convert_element_type3A_170 : vector<2000x256xbf16> to vector<2000x256xf32>
    %sub3A_172 = arith.subf %mul3A_169, %convert_element_type3A_171 : vector<2000x256xf32>
    %dot_general3A_173 = arith.constant dense<0.000000e+00> : vector<2000x16xf32>
    %dot_general3A_174 = tpu.matmul %convert_element_type3A_171, %get3A_22, %dot_general3A_173 {dimension_numbers = #tpu.dot_dimension_numbers<[1], [0], [0], [1], [0, 0, 1, 1], [], []>, transpose_lhs_hint = false} : vector<2000x256xf32>, vector<256x16xf32>, vector<2000x16xf32> -> vector<2000x16xf32>
    %dot_general3A_175 = arith.constant dense<0.000000e+00> : vector<2000x16xf32>
    %dot_general3A_176 = tpu.matmul %sub3A_172, %get3A_22, %dot_general3A_175 {dimension_numbers = #tpu.dot_dimension_numbers<[1], [0], [0], [1], [0, 0, 1, 1], [], []>, transpose_lhs_hint = false} : vector<2000x256xf32>, vector<256x16xf32>, vector<2000x16xf32> -> vector<2000x16xf32>
    %add3A_177 = arith.addf %dot_general3A_174, %dot_general3A_176 : vector<2000x16xf32>
    %slice3A_178 = vector.extract_strided_slice %max3A_114 {offsets = [0, 192], sizes = [2000, 64], strides = [1, 1]} : vector<2000x256xf32> to vector<2000x64xf32>
    %slice3A_179 = vector.extract_strided_slice %get3A_1 {offsets = [0, 112], sizes = [2000, 16], strides = [1, 1]} : vector<2000x128xf32> to vector<2000x16xf32>
    %dot_general3A_180 = arith.constant dense<0.000000e+00> : vector<2000x256xf32>
    %dot_general3A_181 = tpu.matmul %slice3A_178, %get3A_13, %dot_general3A_180 {dimension_numbers = #tpu.dot_dimension_numbers<[1], [0], [0], [1], [0, 0, 1, 1], [], []>, transpose_lhs_hint = false} : vector<2000x64xf32>, vector<64x256xf32>, vector<2000x256xf32> -> vector<2000x256xf32>
    %add3A_182 = vector.broadcast %get3A_16 : vector<1x256xf32> to vector<2000x256xf32>
    %add3A_183 = arith.addf %dot_general3A_181, %add3A_182 : vector<2000x256xf32>
    %convert_element_type3A_184 = arith.truncf %slice3A_179 : vector<2000x16xf32> to vector<2000x16xbf16>
    %convert_element_type3A_185 = arith.extf %convert_element_type3A_184 : vector<2000x16xbf16> to vector<2000x16xf32>
    %sub3A_186 = arith.subf %slice3A_179, %convert_element_type3A_185 : vector<2000x16xf32>
    %concatenate3A_187 = tpu.concatenate %convert_element_type3A_185, %sub3A_186 in 1 : vector<2000x16xf32>, vector<2000x16xf32> -> vector<2000x32xf32>
    %dot_general3A_188 = arith.constant dense<0.000000e+00> : vector<2000x256xf32>
    %dot_general3A_189 = tpu.matmul %concatenate3A_187, %get3A_19, %dot_general3A_188 {dimension_numbers = #tpu.dot_dimension_numbers<[1], [0], [0], [1], [0, 0, 1, 1], [], []>, transpose_lhs_hint = false} : vector<2000x32xf32>, vector<32x256xf32>, vector<2000x256xf32> -> vector<2000x256xf32>
    %mul3A_190 = arith.mulf %dot_general3A_189, %add3A_183 : vector<2000x256xf32>
    %convert_element_type3A_191 = arith.truncf %mul3A_190 : vector<2000x256xf32> to vector<2000x256xbf16>
    %convert_element_type3A_192 = arith.extf %convert_element_type3A_191 : vector<2000x256xbf16> to vector<2000x256xf32>
    %sub3A_193 = arith.subf %mul3A_190, %convert_element_type3A_192 : vector<2000x256xf32>
    %dot_general3A_194 = arith.constant dense<0.000000e+00> : vector<2000x16xf32>
    %dot_general3A_195 = tpu.matmul %convert_element_type3A_192, %get3A_22, %dot_general3A_194 {dimension_numbers = #tpu.dot_dimension_numbers<[1], [0], [0], [1], [0, 0, 1, 1], [], []>, transpose_lhs_hint = false} : vector<2000x256xf32>, vector<256x16xf32>, vector<2000x16xf32> -> vector<2000x16xf32>
    %dot_general3A_196 = arith.constant dense<0.000000e+00> : vector<2000x16xf32>
    %dot_general3A_197 = tpu.matmul %sub3A_193, %get3A_22, %dot_general3A_196 {dimension_numbers = #tpu.dot_dimension_numbers<[1], [0], [0], [1], [0, 0, 1, 1], [], []>, transpose_lhs_hint = false} : vector<2000x256xf32>, vector<256x16xf32>, vector<2000x16xf32> -> vector<2000x16xf32>
    %add3A_198 = arith.addf %dot_general3A_195, %dot_general3A_197 : vector<2000x16xf32>
    %concatenate3A_199 = tpu.concatenate %add3A_43, %add3A_64, %add3A_85, %add3A_106, %add3A_135, %add3A_156, %add3A_177, %add3A_198 in 1 : vector<2000x16xf32>, vector<2000x16xf32>, vector<2000x16xf32>, vector<2000x16xf32>, vector<2000x16xf32>, vector<2000x16xf32>, vector<2000x16xf32>, vector<2000x16xf32> -> vector<2000x128xf32>
    %swap3A = arith.constant 0 : index
    %swap3A_200 = arith.constant 0 : index
    %swap3A_201 = vector.load %arg9[%swap3A, %swap3A_200] : memref<2000x128xf32, #tpu.memory_space<vmem>>, vector<2000x128xf32>
    tpu.vector_store %arg9[%swap3A, %swap3A_200], %concatenate3A_199 {strides = array<i32>} : memref<2000x128xf32, #tpu.memory_space<vmem>>, vector<2000x128xf32>,
    return
  }
  func.func @transform_0(%arg0: i32) -> (i32, i32) {
    %c0_i32 = arith.constant 0 : i32
    %c0_i32_0 = arith.constant 0 : i32
    return %arg0, %c0_i32 : i32, i32
  }
  func.func @transform_1(%arg0: i32) -> (i32, i32) {
    %c0_i32 = arith.constant 0 : i32
    %c0_i32_0 = arith.constant 0 : i32
    return %arg0, %c0_i32 : i32, i32
  }
  func.func @transform_2(%arg0: i32) -> (i32, i32) {
    %c0_i32 = arith.constant 0 : i32
    %c0_i32_0 = arith.constant 0 : i32
    %c0_i32_1 = arith.constant 0 : i32
    return %c0_i32, %c0_i32_0 : i32, i32
  }
  func.func @transform_3(%arg0: i32) -> (i32, i32) {
    %c0_i32 = arith.constant 0 : i32
    %c0_i32_0 = arith.constant 0 : i32
    %c0_i32_1 = arith.constant 0 : i32
    return %c0_i32, %c0_i32_0 : i32, i32
  }
  func.func @transform_4(%arg0: i32) -> (i32, i32) {
    %c0_i32 = arith.constant 0 : i32
    %c0_i32_0 = arith.constant 0 : i32
    %c0_i32_1 = arith.constant 0 : i32
    return %c0_i32, %c0_i32_0 : i32, i32
  }
  func.func @transform_5(%arg0: i32) -> (i32, i32) {
    %c0_i32 = arith.constant 0 : i32
    %c0_i32_0 = arith.constant 0 : i32
    %c0_i32_1 = arith.constant 0 : i32
    return %c0_i32, %c0_i32_0 : i32, i32
  }
  func.func @transform_6(%arg0: i32) -> (i32, i32) {
    %c0_i32 = arith.constant 0 : i32
    %c0_i32_0 = arith.constant 0 : i32
    %c0_i32_1 = arith.constant 0 : i32
    return %c0_i32, %c0_i32_0 : i32, i32
  }
  func.func @transform_7(%arg0: i32) -> (i32, i32) {
    %c0_i32 = arith.constant 0 : i32
    %c0_i32_0 = arith.constant 0 : i32
    %c0_i32_1 = arith.constant 0 : i32
    return %c0_i32, %c0_i32_0 : i32, i32
  }
  func.func @transform_8(%arg0: i32) -> (i32, i32) {
    %c0_i32 = arith.constant 0 : i32
    %c0_i32_0 = arith.constant 0 : i32
    return %arg0, %c0_i32 : i32, i32
  }
}

module attributes {stable_mosaic.version = 14 : i64} {
  func.func @_edge2_body(%arg0: i32, %arg1: memref<2000x128xf32, #tpu.memory_space<vmem>>, %arg2: memref<2000x128xf32, #tpu.memory_space<vmem>>, %arg3: memref<2000x128xf32, #tpu.memory_space<vmem>>, %arg4: memref<1x128xf32, #tpu.memory_space<vmem>>, %arg5: memref<64x256xf32, #tpu.memory_space<vmem>>, %arg6: memref<1x256xf32, #tpu.memory_space<vmem>>, %arg7: memref<64x256xf32, #tpu.memory_space<vmem>>, %arg8: memref<1x256xf32, #tpu.memory_space<vmem>>, %arg9: memref<32x256xf32, #tpu.memory_space<vmem>>, %arg10: memref<256x16xf32, #tpu.memory_space<vmem>>, %arg11: memref<2000x128xf32, #tpu.memory_space<vmem>>) attributes {dimension_semantics = [#tpu.dimension_semantics<arbitrary>], iteration_bounds = array<i64: 10>, scalar_prefetch = 0 : i64, scratch_operands = 0 : i64, tpu.core_type = #tpu.core_type<tc>, window_params = [{transform_indices = @transform_0, window_bounds = array<i64: 2000, 128>}, {transform_indices = @transform_1, window_bounds = array<i64: 2000, 128>}, {transform_indices = @transform_2, window_bounds = array<i64: 2000, 128>}, {pipeline_mode = #tpu.pipeline_mode<synchronous>, transform_indices = @transform_3, window_bounds = array<i64: 1, 128>}, {pipeline_mode = #tpu.pipeline_mode<synchronous>, transform_indices = @transform_4, window_bounds = array<i64: 64, 256>}, {pipeline_mode = #tpu.pipeline_mode<synchronous>, transform_indices = @transform_5, window_bounds = array<i64: 1, 256>}, {pipeline_mode = #tpu.pipeline_mode<synchronous>, transform_indices = @transform_6, window_bounds = array<i64: 64, 256>}, {pipeline_mode = #tpu.pipeline_mode<synchronous>, transform_indices = @transform_7, window_bounds = array<i64: 1, 256>}, {pipeline_mode = #tpu.pipeline_mode<synchronous>, transform_indices = @transform_8, window_bounds = array<i64: 32, 256>}, {pipeline_mode = #tpu.pipeline_mode<synchronous>, transform_indices = @transform_9, window_bounds = array<i64: 256, 16>}, {transform_indices = @transform_10, window_bounds = array<i64: 2000, 128>}]} {
    %get3A = arith.constant 0 : index
    %get3A_0 = arith.constant 0 : index
    %get3A_1 = vector.load %arg2[%get3A, %get3A_0] : memref<2000x128xf32, #tpu.memory_space<vmem>>, vector<2000x128xf32>
    %get3A_2 = arith.constant 0 : index
    %get3A_3 = arith.constant 0 : index
    %get3A_4 = vector.load %arg3[%get3A_2, %get3A_3] : memref<2000x128xf32, #tpu.memory_space<vmem>>, vector<2000x128xf32>
    %add3A = arith.addf %get3A_1, %get3A_4 : vector<2000x128xf32>
    %get3A_5 = arith.constant 0 : index
    %get3A_6 = arith.constant 0 : index
    %get3A_7 = vector.load %arg4[%get3A_5, %get3A_6] : memref<1x128xf32, #tpu.memory_space<vmem>>, vector<1x128xf32>
    %add3A_8 = vector.broadcast %get3A_7 : vector<1x128xf32> to vector<2000x128xf32>
    %add3A_9 = arith.addf %add3A, %add3A_8 : vector<2000x128xf32>
    %max3A = arith.constant 0.000000e+00 : f32
    %max3A_10 = vector.broadcast %max3A : f32 to vector<2000x128xf32>
    %max3A_11 = arith.maximumf %add3A_9, %max3A_10 : vector<2000x128xf32>
    %get3A_12 = arith.constant 0 : index
    %get3A_13 = arith.constant 0 : index
    %get3A_14 = vector.load %arg1[%get3A_12, %get3A_13] : memref<2000x128xf32, #tpu.memory_space<vmem>>, vector<2000x128xf32>
    %get3A_15 = arith.constant 0 : index
    %get3A_16 = arith.constant 0 : index
    %get3A_17 = vector.load %arg5[%get3A_15, %get3A_16] : memref<64x256xf32, #tpu.memory_space<vmem>>, vector<64x256xf32>
    %get3A_18 = arith.constant 0 : index
    %get3A_19 = arith.constant 0 : index
    %get3A_20 = vector.load %arg6[%get3A_18, %get3A_19] : memref<1x256xf32, #tpu.memory_space<vmem>>, vector<1x256xf32>
    %get3A_21 = arith.constant 0 : index
    %get3A_22 = arith.constant 0 : index
    %get3A_23 = vector.load %arg7[%get3A_21, %get3A_22] : memref<64x256xf32, #tpu.memory_space<vmem>>, vector<64x256xf32>
    %get3A_24 = arith.constant 0 : index
    %get3A_25 = arith.constant 0 : index
    %get3A_26 = vector.load %arg8[%get3A_24, %get3A_25] : memref<1x256xf32, #tpu.memory_space<vmem>>, vector<1x256xf32>
    %get3A_27 = arith.constant 0 : index
    %get3A_28 = arith.constant 0 : index
    %get3A_29 = vector.load %arg9[%get3A_27, %get3A_28] : memref<32x256xf32, #tpu.memory_space<vmem>>, vector<32x256xf32>
    %get3A_30 = arith.constant 0 : index
    %get3A_31 = arith.constant 0 : index
    %get3A_32 = vector.load %arg10[%get3A_30, %get3A_31] : memref<256x16xf32, #tpu.memory_space<vmem>>, vector<256x16xf32>
    %slice3A = vector.extract_strided_slice %get3A_14 {offsets = [0, 0], sizes = [2000, 64], strides = [1, 1]} : vector<2000x128xf32> to vector<2000x64xf32>
    %dot_general3A = arith.constant dense<0.000000e+00> : vector<2000x256xf32>
    %dot_general3A_33 = tpu.matmul %slice3A, %get3A_17, %dot_general3A {dimension_numbers = #tpu.dot_dimension_numbers<[1], [0], [0], [1], [0, 0, 1, 1], [], []>, transpose_lhs_hint = false} : vector<2000x64xf32>, vector<64x256xf32>, vector<2000x256xf32> -> vector<2000x256xf32>
    %add3A_34 = vector.broadcast %get3A_20 : vector<1x256xf32> to vector<2000x256xf32>
    %add3A_35 = arith.addf %dot_general3A_33, %add3A_34 : vector<2000x256xf32>
    %max3A_36 = arith.constant 0.000000e+00 : f32
    %max3A_37 = vector.broadcast %max3A_36 : f32 to vector<2000x256xf32>
    %max3A_38 = arith.maximumf %add3A_35, %max3A_37 : vector<2000x256xf32>
    %slice3A_39 = vector.extract_strided_slice %max3A_38 {offsets = [0, 0], sizes = [2000, 64], strides = [1, 1]} : vector<2000x256xf32> to vector<2000x64xf32>
    %slice3A_40 = vector.extract_strided_slice %max3A_11 {offsets = [0, 0], sizes = [2000, 16], strides = [1, 1]} : vector<2000x128xf32> to vector<2000x16xf32>
    %dot_general3A_41 = arith.constant dense<0.000000e+00> : vector<2000x256xf32>
    %dot_general3A_42 = tpu.matmul %slice3A_39, %get3A_23, %dot_general3A_41 {dimension_numbers = #tpu.dot_dimension_numbers<[1], [0], [0], [1], [0, 0, 1, 1], [], []>, transpose_lhs_hint = false} : vector<2000x64xf32>, vector<64x256xf32>, vector<2000x256xf32> -> vector<2000x256xf32>
    %add3A_43 = vector.broadcast %get3A_26 : vector<1x256xf32> to vector<2000x256xf32>
    %add3A_44 = arith.addf %dot_general3A_42, %add3A_43 : vector<2000x256xf32>
    %convert_element_type3A = arith.truncf %slice3A_40 : vector<2000x16xf32> to vector<2000x16xbf16>
    %convert_element_type3A_45 = arith.extf %convert_element_type3A : vector<2000x16xbf16> to vector<2000x16xf32>
    %sub3A = arith.subf %slice3A_40, %convert_element_type3A_45 : vector<2000x16xf32>
    %concatenate3A = tpu.concatenate %convert_element_type3A_45, %sub3A in 1 : vector<2000x16xf32>, vector<2000x16xf32> -> vector<2000x32xf32>
    %dot_general3A_46 = arith.constant dense<0.000000e+00> : vector<2000x256xf32>
    %dot_general3A_47 = tpu.matmul %concatenate3A, %get3A_29, %dot_general3A_46 {dimension_numbers = #tpu.dot_dimension_numbers<[1], [0], [0], [1], [0, 0, 1, 1], [], []>, transpose_lhs_hint = false} : vector<2000x32xf32>, vector<32x256xf32>, vector<2000x256xf32> -> vector<2000x256xf32>
    %mul3A = arith.mulf %dot_general3A_47, %add3A_44 : vector<2000x256xf32>
    %convert_element_type3A_48 = arith.truncf %mul3A : vector<2000x256xf32> to vector<2000x256xbf16>
    %convert_element_type3A_49 = arith.extf %convert_element_type3A_48 : vector<2000x256xbf16> to vector<2000x256xf32>
    %sub3A_50 = arith.subf %mul3A, %convert_element_type3A_49 : vector<2000x256xf32>
    %dot_general3A_51 = arith.constant dense<0.000000e+00> : vector<2000x16xf32>
    %dot_general3A_52 = tpu.matmul %convert_element_type3A_49, %get3A_32, %dot_general3A_51 {dimension_numbers = #tpu.dot_dimension_numbers<[1], [0], [0], [1], [0, 0, 1, 1], [], []>, transpose_lhs_hint = false} : vector<2000x256xf32>, vector<256x16xf32>, vector<2000x16xf32> -> vector<2000x16xf32>
    %dot_general3A_53 = arith.constant dense<0.000000e+00> : vector<2000x16xf32>
    %dot_general3A_54 = tpu.matmul %sub3A_50, %get3A_32, %dot_general3A_53 {dimension_numbers = #tpu.dot_dimension_numbers<[1], [0], [0], [1], [0, 0, 1, 1], [], []>, transpose_lhs_hint = false} : vector<2000x256xf32>, vector<256x16xf32>, vector<2000x16xf32> -> vector<2000x16xf32>
    %add3A_55 = arith.addf %dot_general3A_52, %dot_general3A_54 : vector<2000x16xf32>
    %slice3A_56 = vector.extract_strided_slice %max3A_38 {offsets = [0, 64], sizes = [2000, 64], strides = [1, 1]} : vector<2000x256xf32> to vector<2000x64xf32>
    %slice3A_57 = vector.extract_strided_slice %max3A_11 {offsets = [0, 16], sizes = [2000, 16], strides = [1, 1]} : vector<2000x128xf32> to vector<2000x16xf32>
    %dot_general3A_58 = arith.constant dense<0.000000e+00> : vector<2000x256xf32>
    %dot_general3A_59 = tpu.matmul %slice3A_56, %get3A_23, %dot_general3A_58 {dimension_numbers = #tpu.dot_dimension_numbers<[1], [0], [0], [1], [0, 0, 1, 1], [], []>, transpose_lhs_hint = false} : vector<2000x64xf32>, vector<64x256xf32>, vector<2000x256xf32> -> vector<2000x256xf32>
    %add3A_60 = vector.broadcast %get3A_26 : vector<1x256xf32> to vector<2000x256xf32>
    %add3A_61 = arith.addf %dot_general3A_59, %add3A_60 : vector<2000x256xf32>
    %convert_element_type3A_62 = arith.truncf %slice3A_57 : vector<2000x16xf32> to vector<2000x16xbf16>
    %convert_element_type3A_63 = arith.extf %convert_element_type3A_62 : vector<2000x16xbf16> to vector<2000x16xf32>
    %sub3A_64 = arith.subf %slice3A_57, %convert_element_type3A_63 : vector<2000x16xf32>
    %concatenate3A_65 = tpu.concatenate %convert_element_type3A_63, %sub3A_64 in 1 : vector<2000x16xf32>, vector<2000x16xf32> -> vector<2000x32xf32>
    %dot_general3A_66 = arith.constant dense<0.000000e+00> : vector<2000x256xf32>
    %dot_general3A_67 = tpu.matmul %concatenate3A_65, %get3A_29, %dot_general3A_66 {dimension_numbers = #tpu.dot_dimension_numbers<[1], [0], [0], [1], [0, 0, 1, 1], [], []>, transpose_lhs_hint = false} : vector<2000x32xf32>, vector<32x256xf32>, vector<2000x256xf32> -> vector<2000x256xf32>
    %mul3A_68 = arith.mulf %dot_general3A_67, %add3A_61 : vector<2000x256xf32>
    %convert_element_type3A_69 = arith.truncf %mul3A_68 : vector<2000x256xf32> to vector<2000x256xbf16>
    %convert_element_type3A_70 = arith.extf %convert_element_type3A_69 : vector<2000x256xbf16> to vector<2000x256xf32>
    %sub3A_71 = arith.subf %mul3A_68, %convert_element_type3A_70 : vector<2000x256xf32>
    %dot_general3A_72 = arith.constant dense<0.000000e+00> : vector<2000x16xf32>
    %dot_general3A_73 = tpu.matmul %convert_element_type3A_70, %get3A_32, %dot_general3A_72 {dimension_numbers = #tpu.dot_dimension_numbers<[1], [0], [0], [1], [0, 0, 1, 1], [], []>, transpose_lhs_hint = false} : vector<2000x256xf32>, vector<256x16xf32>, vector<2000x16xf32> -> vector<2000x16xf32>
    %dot_general3A_74 = arith.constant dense<0.000000e+00> : vector<2000x16xf32>
    %dot_general3A_75 = tpu.matmul %sub3A_71, %get3A_32, %dot_general3A_74 {dimension_numbers = #tpu.dot_dimension_numbers<[1], [0], [0], [1], [0, 0, 1, 1], [], []>, transpose_lhs_hint = false} : vector<2000x256xf32>, vector<256x16xf32>, vector<2000x16xf32> -> vector<2000x16xf32>
    %add3A_76 = arith.addf %dot_general3A_73, %dot_general3A_75 : vector<2000x16xf32>
    %slice3A_77 = vector.extract_strided_slice %max3A_38 {offsets = [0, 128], sizes = [2000, 64], strides = [1, 1]} : vector<2000x256xf32> to vector<2000x64xf32>
    %slice3A_78 = vector.extract_strided_slice %max3A_11 {offsets = [0, 32], sizes = [2000, 16], strides = [1, 1]} : vector<2000x128xf32> to vector<2000x16xf32>
    %dot_general3A_79 = arith.constant dense<0.000000e+00> : vector<2000x256xf32>
    %dot_general3A_80 = tpu.matmul %slice3A_77, %get3A_23, %dot_general3A_79 {dimension_numbers = #tpu.dot_dimension_numbers<[1], [0], [0], [1], [0, 0, 1, 1], [], []>, transpose_lhs_hint = false} : vector<2000x64xf32>, vector<64x256xf32>, vector<2000x256xf32> -> vector<2000x256xf32>
    %add3A_81 = vector.broadcast %get3A_26 : vector<1x256xf32> to vector<2000x256xf32>
    %add3A_82 = arith.addf %dot_general3A_80, %add3A_81 : vector<2000x256xf32>
    %convert_element_type3A_83 = arith.truncf %slice3A_78 : vector<2000x16xf32> to vector<2000x16xbf16>
    %convert_element_type3A_84 = arith.extf %convert_element_type3A_83 : vector<2000x16xbf16> to vector<2000x16xf32>
    %sub3A_85 = arith.subf %slice3A_78, %convert_element_type3A_84 : vector<2000x16xf32>
    %concatenate3A_86 = tpu.concatenate %convert_element_type3A_84, %sub3A_85 in 1 : vector<2000x16xf32>, vector<2000x16xf32> -> vector<2000x32xf32>
    %dot_general3A_87 = arith.constant dense<0.000000e+00> : vector<2000x256xf32>
    %dot_general3A_88 = tpu.matmul %concatenate3A_86, %get3A_29, %dot_general3A_87 {dimension_numbers = #tpu.dot_dimension_numbers<[1], [0], [0], [1], [0, 0, 1, 1], [], []>, transpose_lhs_hint = false} : vector<2000x32xf32>, vector<32x256xf32>, vector<2000x256xf32> -> vector<2000x256xf32>
    %mul3A_89 = arith.mulf %dot_general3A_88, %add3A_82 : vector<2000x256xf32>
    %convert_element_type3A_90 = arith.truncf %mul3A_89 : vector<2000x256xf32> to vector<2000x256xbf16>
    %convert_element_type3A_91 = arith.extf %convert_element_type3A_90 : vector<2000x256xbf16> to vector<2000x256xf32>
    %sub3A_92 = arith.subf %mul3A_89, %convert_element_type3A_91 : vector<2000x256xf32>
    %dot_general3A_93 = arith.constant dense<0.000000e+00> : vector<2000x16xf32>
    %dot_general3A_94 = tpu.matmul %convert_element_type3A_91, %get3A_32, %dot_general3A_93 {dimension_numbers = #tpu.dot_dimension_numbers<[1], [0], [0], [1], [0, 0, 1, 1], [], []>, transpose_lhs_hint = false} : vector<2000x256xf32>, vector<256x16xf32>, vector<2000x16xf32> -> vector<2000x16xf32>
    %dot_general3A_95 = arith.constant dense<0.000000e+00> : vector<2000x16xf32>
    %dot_general3A_96 = tpu.matmul %sub3A_92, %get3A_32, %dot_general3A_95 {dimension_numbers = #tpu.dot_dimension_numbers<[1], [0], [0], [1], [0, 0, 1, 1], [], []>, transpose_lhs_hint = false} : vector<2000x256xf32>, vector<256x16xf32>, vector<2000x16xf32> -> vector<2000x16xf32>
    %add3A_97 = arith.addf %dot_general3A_94, %dot_general3A_96 : vector<2000x16xf32>
    %slice3A_98 = vector.extract_strided_slice %max3A_38 {offsets = [0, 192], sizes = [2000, 64], strides = [1, 1]} : vector<2000x256xf32> to vector<2000x64xf32>
    %slice3A_99 = vector.extract_strided_slice %max3A_11 {offsets = [0, 48], sizes = [2000, 16], strides = [1, 1]} : vector<2000x128xf32> to vector<2000x16xf32>
    %dot_general3A_100 = arith.constant dense<0.000000e+00> : vector<2000x256xf32>
    %dot_general3A_101 = tpu.matmul %slice3A_98, %get3A_23, %dot_general3A_100 {dimension_numbers = #tpu.dot_dimension_numbers<[1], [0], [0], [1], [0, 0, 1, 1], [], []>, transpose_lhs_hint = false} : vector<2000x64xf32>, vector<64x256xf32>, vector<2000x256xf32> -> vector<2000x256xf32>
    %add3A_102 = vector.broadcast %get3A_26 : vector<1x256xf32> to vector<2000x256xf32>
    %add3A_103 = arith.addf %dot_general3A_101, %add3A_102 : vector<2000x256xf32>
    %convert_element_type3A_104 = arith.truncf %slice3A_99 : vector<2000x16xf32> to vector<2000x16xbf16>
    %convert_element_type3A_105 = arith.extf %convert_element_type3A_104 : vector<2000x16xbf16> to vector<2000x16xf32>
    %sub3A_106 = arith.subf %slice3A_99, %convert_element_type3A_105 : vector<2000x16xf32>
    %concatenate3A_107 = tpu.concatenate %convert_element_type3A_105, %sub3A_106 in 1 : vector<2000x16xf32>, vector<2000x16xf32> -> vector<2000x32xf32>
    %dot_general3A_108 = arith.constant dense<0.000000e+00> : vector<2000x256xf32>
    %dot_general3A_109 = tpu.matmul %concatenate3A_107, %get3A_29, %dot_general3A_108 {dimension_numbers = #tpu.dot_dimension_numbers<[1], [0], [0], [1], [0, 0, 1, 1], [], []>, transpose_lhs_hint = false} : vector<2000x32xf32>, vector<32x256xf32>, vector<2000x256xf32> -> vector<2000x256xf32>
    %mul3A_110 = arith.mulf %dot_general3A_109, %add3A_103 : vector<2000x256xf32>
    %convert_element_type3A_111 = arith.truncf %mul3A_110 : vector<2000x256xf32> to vector<2000x256xbf16>
    %convert_element_type3A_112 = arith.extf %convert_element_type3A_111 : vector<2000x256xbf16> to vector<2000x256xf32>
    %sub3A_113 = arith.subf %mul3A_110, %convert_element_type3A_112 : vector<2000x256xf32>
    %dot_general3A_114 = arith.constant dense<0.000000e+00> : vector<2000x16xf32>
    %dot_general3A_115 = tpu.matmul %convert_element_type3A_112, %get3A_32, %dot_general3A_114 {dimension_numbers = #tpu.dot_dimension_numbers<[1], [0], [0], [1], [0, 0, 1, 1], [], []>, transpose_lhs_hint = false} : vector<2000x256xf32>, vector<256x16xf32>, vector<2000x16xf32> -> vector<2000x16xf32>
    %dot_general3A_116 = arith.constant dense<0.000000e+00> : vector<2000x16xf32>
    %dot_general3A_117 = tpu.matmul %sub3A_113, %get3A_32, %dot_general3A_116 {dimension_numbers = #tpu.dot_dimension_numbers<[1], [0], [0], [1], [0, 0, 1, 1], [], []>, transpose_lhs_hint = false} : vector<2000x256xf32>, vector<256x16xf32>, vector<2000x16xf32> -> vector<2000x16xf32>
    %add3A_118 = arith.addf %dot_general3A_115, %dot_general3A_117 : vector<2000x16xf32>
    %slice3A_119 = vector.extract_strided_slice %get3A_14 {offsets = [0, 64], sizes = [2000, 64], strides = [1, 1]} : vector<2000x128xf32> to vector<2000x64xf32>
    %dot_general3A_120 = arith.constant dense<0.000000e+00> : vector<2000x256xf32>
    %dot_general3A_121 = tpu.matmul %slice3A_119, %get3A_17, %dot_general3A_120 {dimension_numbers = #tpu.dot_dimension_numbers<[1], [0], [0], [1], [0, 0, 1, 1], [], []>, transpose_lhs_hint = false} : vector<2000x64xf32>, vector<64x256xf32>, vector<2000x256xf32> -> vector<2000x256xf32>
    %add3A_122 = vector.broadcast %get3A_20 : vector<1x256xf32> to vector<2000x256xf32>
    %add3A_123 = arith.addf %dot_general3A_121, %add3A_122 : vector<2000x256xf32>
    %max3A_124 = arith.constant 0.000000e+00 : f32
    %max3A_125 = vector.broadcast %max3A_124 : f32 to vector<2000x256xf32>
    %max3A_126 = arith.maximumf %add3A_123, %max3A_125 : vector<2000x256xf32>
    %slice3A_127 = vector.extract_strided_slice %max3A_126 {offsets = [0, 0], sizes = [2000, 64], strides = [1, 1]} : vector<2000x256xf32> to vector<2000x64xf32>
    %slice3A_128 = vector.extract_strided_slice %max3A_11 {offsets = [0, 64], sizes = [2000, 16], strides = [1, 1]} : vector<2000x128xf32> to vector<2000x16xf32>
    %dot_general3A_129 = arith.constant dense<0.000000e+00> : vector<2000x256xf32>
    %dot_general3A_130 = tpu.matmul %slice3A_127, %get3A_23, %dot_general3A_129 {dimension_numbers = #tpu.dot_dimension_numbers<[1], [0], [0], [1], [0, 0, 1, 1], [], []>, transpose_lhs_hint = false} : vector<2000x64xf32>, vector<64x256xf32>, vector<2000x256xf32> -> vector<2000x256xf32>
    %add3A_131 = vector.broadcast %get3A_26 : vector<1x256xf32> to vector<2000x256xf32>
    %add3A_132 = arith.addf %dot_general3A_130, %add3A_131 : vector<2000x256xf32>
    %convert_element_type3A_133 = arith.truncf %slice3A_128 : vector<2000x16xf32> to vector<2000x16xbf16>
    %convert_element_type3A_134 = arith.extf %convert_element_type3A_133 : vector<2000x16xbf16> to vector<2000x16xf32>
    %sub3A_135 = arith.subf %slice3A_128, %convert_element_type3A_134 : vector<2000x16xf32>
    %concatenate3A_136 = tpu.concatenate %convert_element_type3A_134, %sub3A_135 in 1 : vector<2000x16xf32>, vector<2000x16xf32> -> vector<2000x32xf32>
    %dot_general3A_137 = arith.constant dense<0.000000e+00> : vector<2000x256xf32>
    %dot_general3A_138 = tpu.matmul %concatenate3A_136, %get3A_29, %dot_general3A_137 {dimension_numbers = #tpu.dot_dimension_numbers<[1], [0], [0], [1], [0, 0, 1, 1], [], []>, transpose_lhs_hint = false} : vector<2000x32xf32>, vector<32x256xf32>, vector<2000x256xf32> -> vector<2000x256xf32>
    %mul3A_139 = arith.mulf %dot_general3A_138, %add3A_132 : vector<2000x256xf32>
    %convert_element_type3A_140 = arith.truncf %mul3A_139 : vector<2000x256xf32> to vector<2000x256xbf16>
    %convert_element_type3A_141 = arith.extf %convert_element_type3A_140 : vector<2000x256xbf16> to vector<2000x256xf32>
    %sub3A_142 = arith.subf %mul3A_139, %convert_element_type3A_141 : vector<2000x256xf32>
    %dot_general3A_143 = arith.constant dense<0.000000e+00> : vector<2000x16xf32>
    %dot_general3A_144 = tpu.matmul %convert_element_type3A_141, %get3A_32, %dot_general3A_143 {dimension_numbers = #tpu.dot_dimension_numbers<[1], [0], [0], [1], [0, 0, 1, 1], [], []>, transpose_lhs_hint = false} : vector<2000x256xf32>, vector<256x16xf32>, vector<2000x16xf32> -> vector<2000x16xf32>
    %dot_general3A_145 = arith.constant dense<0.000000e+00> : vector<2000x16xf32>
    %dot_general3A_146 = tpu.matmul %sub3A_142, %get3A_32, %dot_general3A_145 {dimension_numbers = #tpu.dot_dimension_numbers<[1], [0], [0], [1], [0, 0, 1, 1], [], []>, transpose_lhs_hint = false} : vector<2000x256xf32>, vector<256x16xf32>, vector<2000x16xf32> -> vector<2000x16xf32>
    %add3A_147 = arith.addf %dot_general3A_144, %dot_general3A_146 : vector<2000x16xf32>
    %slice3A_148 = vector.extract_strided_slice %max3A_126 {offsets = [0, 64], sizes = [2000, 64], strides = [1, 1]} : vector<2000x256xf32> to vector<2000x64xf32>
    %slice3A_149 = vector.extract_strided_slice %max3A_11 {offsets = [0, 80], sizes = [2000, 16], strides = [1, 1]} : vector<2000x128xf32> to vector<2000x16xf32>
    %dot_general3A_150 = arith.constant dense<0.000000e+00> : vector<2000x256xf32>
    %dot_general3A_151 = tpu.matmul %slice3A_148, %get3A_23, %dot_general3A_150 {dimension_numbers = #tpu.dot_dimension_numbers<[1], [0], [0], [1], [0, 0, 1, 1], [], []>, transpose_lhs_hint = false} : vector<2000x64xf32>, vector<64x256xf32>, vector<2000x256xf32> -> vector<2000x256xf32>
    %add3A_152 = vector.broadcast %get3A_26 : vector<1x256xf32> to vector<2000x256xf32>
    %add3A_153 = arith.addf %dot_general3A_151, %add3A_152 : vector<2000x256xf32>
    %convert_element_type3A_154 = arith.truncf %slice3A_149 : vector<2000x16xf32> to vector<2000x16xbf16>
    %convert_element_type3A_155 = arith.extf %convert_element_type3A_154 : vector<2000x16xbf16> to vector<2000x16xf32>
    %sub3A_156 = arith.subf %slice3A_149, %convert_element_type3A_155 : vector<2000x16xf32>
    %concatenate3A_157 = tpu.concatenate %convert_element_type3A_155, %sub3A_156 in 1 : vector<2000x16xf32>, vector<2000x16xf32> -> vector<2000x32xf32>
    %dot_general3A_158 = arith.constant dense<0.000000e+00> : vector<2000x256xf32>
    %dot_general3A_159 = tpu.matmul %concatenate3A_157, %get3A_29, %dot_general3A_158 {dimension_numbers = #tpu.dot_dimension_numbers<[1], [0], [0], [1], [0, 0, 1, 1], [], []>, transpose_lhs_hint = false} : vector<2000x32xf32>, vector<32x256xf32>, vector<2000x256xf32> -> vector<2000x256xf32>
    %mul3A_160 = arith.mulf %dot_general3A_159, %add3A_153 : vector<2000x256xf32>
    %convert_element_type3A_161 = arith.truncf %mul3A_160 : vector<2000x256xf32> to vector<2000x256xbf16>
    %convert_element_type3A_162 = arith.extf %convert_element_type3A_161 : vector<2000x256xbf16> to vector<2000x256xf32>
    %sub3A_163 = arith.subf %mul3A_160, %convert_element_type3A_162 : vector<2000x256xf32>
    %dot_general3A_164 = arith.constant dense<0.000000e+00> : vector<2000x16xf32>
    %dot_general3A_165 = tpu.matmul %convert_element_type3A_162, %get3A_32, %dot_general3A_164 {dimension_numbers = #tpu.dot_dimension_numbers<[1], [0], [0], [1], [0, 0, 1, 1], [], []>, transpose_lhs_hint = false} : vector<2000x256xf32>, vector<256x16xf32>, vector<2000x16xf32> -> vector<2000x16xf32>
    %dot_general3A_166 = arith.constant dense<0.000000e+00> : vector<2000x16xf32>
    %dot_general3A_167 = tpu.matmul %sub3A_163, %get3A_32, %dot_general3A_166 {dimension_numbers = #tpu.dot_dimension_numbers<[1], [0], [0], [1], [0, 0, 1, 1], [], []>, transpose_lhs_hint = false} : vector<2000x256xf32>, vector<256x16xf32>, vector<2000x16xf32> -> vector<2000x16xf32>
    %add3A_168 = arith.addf %dot_general3A_165, %dot_general3A_167 : vector<2000x16xf32>
    %slice3A_169 = vector.extract_strided_slice %max3A_126 {offsets = [0, 128], sizes = [2000, 64], strides = [1, 1]} : vector<2000x256xf32> to vector<2000x64xf32>
    %slice3A_170 = vector.extract_strided_slice %max3A_11 {offsets = [0, 96], sizes = [2000, 16], strides = [1, 1]} : vector<2000x128xf32> to vector<2000x16xf32>
    %dot_general3A_171 = arith.constant dense<0.000000e+00> : vector<2000x256xf32>
    %dot_general3A_172 = tpu.matmul %slice3A_169, %get3A_23, %dot_general3A_171 {dimension_numbers = #tpu.dot_dimension_numbers<[1], [0], [0], [1], [0, 0, 1, 1], [], []>, transpose_lhs_hint = false} : vector<2000x64xf32>, vector<64x256xf32>, vector<2000x256xf32> -> vector<2000x256xf32>
    %add3A_173 = vector.broadcast %get3A_26 : vector<1x256xf32> to vector<2000x256xf32>
    %add3A_174 = arith.addf %dot_general3A_172, %add3A_173 : vector<2000x256xf32>
    %convert_element_type3A_175 = arith.truncf %slice3A_170 : vector<2000x16xf32> to vector<2000x16xbf16>
    %convert_element_type3A_176 = arith.extf %convert_element_type3A_175 : vector<2000x16xbf16> to vector<2000x16xf32>
    %sub3A_177 = arith.subf %slice3A_170, %convert_element_type3A_176 : vector<2000x16xf32>
    %concatenate3A_178 = tpu.concatenate %convert_element_type3A_176, %sub3A_177 in 1 : vector<2000x16xf32>, vector<2000x16xf32> -> vector<2000x32xf32>
    %dot_general3A_179 = arith.constant dense<0.000000e+00> : vector<2000x256xf32>
    %dot_general3A_180 = tpu.matmul %concatenate3A_178, %get3A_29, %dot_general3A_179 {dimension_numbers = #tpu.dot_dimension_numbers<[1], [0], [0], [1], [0, 0, 1, 1], [], []>, transpose_lhs_hint = false} : vector<2000x32xf32>, vector<32x256xf32>, vector<2000x256xf32> -> vector<2000x256xf32>
    %mul3A_181 = arith.mulf %dot_general3A_180, %add3A_174 : vector<2000x256xf32>
    %convert_element_type3A_182 = arith.truncf %mul3A_181 : vector<2000x256xf32> to vector<2000x256xbf16>
    %convert_element_type3A_183 = arith.extf %convert_element_type3A_182 : vector<2000x256xbf16> to vector<2000x256xf32>
    %sub3A_184 = arith.subf %mul3A_181, %convert_element_type3A_183 : vector<2000x256xf32>
    %dot_general3A_185 = arith.constant dense<0.000000e+00> : vector<2000x16xf32>
    %dot_general3A_186 = tpu.matmul %convert_element_type3A_183, %get3A_32, %dot_general3A_185 {dimension_numbers = #tpu.dot_dimension_numbers<[1], [0], [0], [1], [0, 0, 1, 1], [], []>, transpose_lhs_hint = false} : vector<2000x256xf32>, vector<256x16xf32>, vector<2000x16xf32> -> vector<2000x16xf32>
    %dot_general3A_187 = arith.constant dense<0.000000e+00> : vector<2000x16xf32>
    %dot_general3A_188 = tpu.matmul %sub3A_184, %get3A_32, %dot_general3A_187 {dimension_numbers = #tpu.dot_dimension_numbers<[1], [0], [0], [1], [0, 0, 1, 1], [], []>, transpose_lhs_hint = false} : vector<2000x256xf32>, vector<256x16xf32>, vector<2000x16xf32> -> vector<2000x16xf32>
    %add3A_189 = arith.addf %dot_general3A_186, %dot_general3A_188 : vector<2000x16xf32>
    %slice3A_190 = vector.extract_strided_slice %max3A_126 {offsets = [0, 192], sizes = [2000, 64], strides = [1, 1]} : vector<2000x256xf32> to vector<2000x64xf32>
    %slice3A_191 = vector.extract_strided_slice %max3A_11 {offsets = [0, 112], sizes = [2000, 16], strides = [1, 1]} : vector<2000x128xf32> to vector<2000x16xf32>
    %dot_general3A_192 = arith.constant dense<0.000000e+00> : vector<2000x256xf32>
    %dot_general3A_193 = tpu.matmul %slice3A_190, %get3A_23, %dot_general3A_192 {dimension_numbers = #tpu.dot_dimension_numbers<[1], [0], [0], [1], [0, 0, 1, 1], [], []>, transpose_lhs_hint = false} : vector<2000x64xf32>, vector<64x256xf32>, vector<2000x256xf32> -> vector<2000x256xf32>
    %add3A_194 = vector.broadcast %get3A_26 : vector<1x256xf32> to vector<2000x256xf32>
    %add3A_195 = arith.addf %dot_general3A_193, %add3A_194 : vector<2000x256xf32>
    %convert_element_type3A_196 = arith.truncf %slice3A_191 : vector<2000x16xf32> to vector<2000x16xbf16>
    %convert_element_type3A_197 = arith.extf %convert_element_type3A_196 : vector<2000x16xbf16> to vector<2000x16xf32>
    %sub3A_198 = arith.subf %slice3A_191, %convert_element_type3A_197 : vector<2000x16xf32>
    %concatenate3A_199 = tpu.concatenate %convert_element_type3A_197, %sub3A_198 in 1 : vector<2000x16xf32>, vector<2000x16xf32> -> vector<2000x32xf32>
    %dot_general3A_200 = arith.constant dense<0.000000e+00> : vector<2000x256xf32>
    %dot_general3A_201 = tpu.matmul %concatenate3A_199, %get3A_29, %dot_general3A_200 {dimension_numbers = #tpu.dot_dimension_numbers<[1], [0], [0], [1], [0, 0, 1, 1], [], []>, transpose_lhs_hint = false} : vector<2000x32xf32>, vector<32x256xf32>, vector<2000x256xf32> -> vector<2000x256xf32>
    %mul3A_202 = arith.mulf %dot_general3A_201, %add3A_195 : vector<2000x256xf32>
    %convert_element_type3A_203 = arith.truncf %mul3A_202 : vector<2000x256xf32> to vector<2000x256xbf16>
    %convert_element_type3A_204 = arith.extf %convert_element_type3A_203 : vector<2000x256xbf16> to vector<2000x256xf32>
    %sub3A_205 = arith.subf %mul3A_202, %convert_element_type3A_204 : vector<2000x256xf32>
    %dot_general3A_206 = arith.constant dense<0.000000e+00> : vector<2000x16xf32>
    %dot_general3A_207 = tpu.matmul %convert_element_type3A_204, %get3A_32, %dot_general3A_206 {dimension_numbers = #tpu.dot_dimension_numbers<[1], [0], [0], [1], [0, 0, 1, 1], [], []>, transpose_lhs_hint = false} : vector<2000x256xf32>, vector<256x16xf32>, vector<2000x16xf32> -> vector<2000x16xf32>
    %dot_general3A_208 = arith.constant dense<0.000000e+00> : vector<2000x16xf32>
    %dot_general3A_209 = tpu.matmul %sub3A_205, %get3A_32, %dot_general3A_208 {dimension_numbers = #tpu.dot_dimension_numbers<[1], [0], [0], [1], [0, 0, 1, 1], [], []>, transpose_lhs_hint = false} : vector<2000x256xf32>, vector<256x16xf32>, vector<2000x16xf32> -> vector<2000x16xf32>
    %add3A_210 = arith.addf %dot_general3A_207, %dot_general3A_209 : vector<2000x16xf32>
    %concatenate3A_211 = tpu.concatenate %add3A_55, %add3A_76, %add3A_97, %add3A_118, %add3A_147, %add3A_168, %add3A_189, %add3A_210 in 1 : vector<2000x16xf32>, vector<2000x16xf32>, vector<2000x16xf32>, vector<2000x16xf32>, vector<2000x16xf32>, vector<2000x16xf32>, vector<2000x16xf32>, vector<2000x16xf32> -> vector<2000x128xf32>
    %swap3A = arith.constant 0 : index
    %swap3A_212 = arith.constant 0 : index
    %swap3A_213 = vector.load %arg11[%swap3A, %swap3A_212] : memref<2000x128xf32, #tpu.memory_space<vmem>>, vector<2000x128xf32>
    tpu.vector_store %arg11[%swap3A, %swap3A_212], %concatenate3A_211 {strides = array<i32>} : memref<2000x128xf32, #tpu.memory_space<vmem>>, vector<2000x128xf32>,
    return
  }
  func.func @transform_0(%arg0: i32) -> (i32, i32) {
    %c0_i32 = arith.constant 0 : i32
    %c0_i32_0 = arith.constant 0 : i32
    return %arg0, %c0_i32 : i32, i32
  }
  func.func @transform_1(%arg0: i32) -> (i32, i32) {
    %c0_i32 = arith.constant 0 : i32
    %c0_i32_0 = arith.constant 0 : i32
    return %arg0, %c0_i32 : i32, i32
  }
  func.func @transform_2(%arg0: i32) -> (i32, i32) {
    %c0_i32 = arith.constant 0 : i32
    %c0_i32_0 = arith.constant 0 : i32
    return %arg0, %c0_i32 : i32, i32
  }
  func.func @transform_3(%arg0: i32) -> (i32, i32) {
    %c0_i32 = arith.constant 0 : i32
    %c0_i32_0 = arith.constant 0 : i32
    %c0_i32_1 = arith.constant 0 : i32
    return %c0_i32, %c0_i32_0 : i32, i32
  }
  func.func @transform_4(%arg0: i32) -> (i32, i32) {
    %c0_i32 = arith.constant 0 : i32
    %c0_i32_0 = arith.constant 0 : i32
    %c0_i32_1 = arith.constant 0 : i32
    return %c0_i32, %c0_i32_0 : i32, i32
  }
  func.func @transform_5(%arg0: i32) -> (i32, i32) {
    %c0_i32 = arith.constant 0 : i32
    %c0_i32_0 = arith.constant 0 : i32
    %c0_i32_1 = arith.constant 0 : i32
    return %c0_i32, %c0_i32_0 : i32, i32
  }
  func.func @transform_6(%arg0: i32) -> (i32, i32) {
    %c0_i32 = arith.constant 0 : i32
    %c0_i32_0 = arith.constant 0 : i32
    %c0_i32_1 = arith.constant 0 : i32
    return %c0_i32, %c0_i32_0 : i32, i32
  }
  func.func @transform_7(%arg0: i32) -> (i32, i32) {
    %c0_i32 = arith.constant 0 : i32
    %c0_i32_0 = arith.constant 0 : i32
    %c0_i32_1 = arith.constant 0 : i32
    return %c0_i32, %c0_i32_0 : i32, i32
  }
  func.func @transform_8(%arg0: i32) -> (i32, i32) {
    %c0_i32 = arith.constant 0 : i32
    %c0_i32_0 = arith.constant 0 : i32
    %c0_i32_1 = arith.constant 0 : i32
    return %c0_i32, %c0_i32_0 : i32, i32
  }
  func.func @transform_9(%arg0: i32) -> (i32, i32) {
    %c0_i32 = arith.constant 0 : i32
    %c0_i32_0 = arith.constant 0 : i32
    %c0_i32_1 = arith.constant 0 : i32
    return %c0_i32, %c0_i32_0 : i32, i32
  }
  func.func @transform_10(%arg0: i32) -> (i32, i32) {
    %c0_i32 = arith.constant 0 : i32
    %c0_i32_0 = arith.constant 0 : i32
    return %arg0, %c0_i32 : i32, i32
  }
}

module attributes {stable_mosaic.version = 14 : i64} {
  func.func @_bn_body(%arg0: memref<10240x16xf32, #tpu.memory_space<vmem>>, %arg1: memref<10240x16xf32, #tpu.memory_space<vmem>>, %arg2: memref<1x16xf32, #tpu.memory_space<vmem>>, %arg3: memref<1x16xf32, #tpu.memory_space<vmem>>, %arg4: memref<1x16xf32, #tpu.memory_space<vmem>>, %arg5: memref<10000x16xf32, #tpu.memory_space<vmem>>) attributes {dimension_semantics = [], scalar_prefetch = 0 : i64, scratch_operands = 0 : i64, tpu.core_type = #tpu.core_type<tc>} {
    %iota3A = tpu.iota {dimensions = array<i32: 0>} : vector<10240x16xi32>
    %lt3A = arith.constant 10000 : i32
    %lt3A_0 = vector.broadcast %lt3A : i32 to vector<10240x16xi32>
    %lt3A_1 = arith.cmpi slt, %iota3A, %lt3A_0 : vector<10240x16xi32>
    %get3A = arith.constant 0 : index
    %get3A_2 = arith.constant 0 : index
    %get3A_3 = vector.load %arg0[%get3A, %get3A_2] : memref<10240x16xf32, #tpu.memory_space<vmem>>, vector<10240x16xf32>
    %get3A_4 = arith.constant 0 : index
    %get3A_5 = arith.constant 0 : index
    %get3A_6 = vector.load %arg1[%get3A_4, %get3A_5] : memref<10240x16xf32, #tpu.memory_space<vmem>>, vector<10240x16xf32>
    %add3A = arith.addf %get3A_3, %get3A_6 : vector<10240x16xf32>
    %get3A_7 = arith.constant 0 : index
    %get3A_8 = arith.constant 0 : index
    %get3A_9 = vector.load %arg2[%get3A_7, %get3A_8] : memref<1x16xf32, #tpu.memory_space<vmem>>, vector<1x16xf32>
    %add3A_10 = vector.broadcast %get3A_9 : vector<1x16xf32> to vector<10240x16xf32>
    %add3A_11 = arith.addf %add3A, %add3A_10 : vector<10240x16xf32>
    %max3A = arith.constant 0.000000e+00 : f32
    %max3A_12 = vector.broadcast %max3A : f32 to vector<10240x16xf32>
    %max3A_13 = arith.maximumf %add3A_11, %max3A_12 : vector<10240x16xf32>
    %jit3A = arith.constant 0.000000e+00 : f32
    %broadcast_in_dim3A = vector.broadcast %jit3A : f32 to vector<10240x16xf32>
    %select_n3A = arith.select %lt3A_1, %max3A_13, %broadcast_in_dim3A : vector<10240x16xi1>, vector<10240x16xf32>
    %reduce_sum3A = arith.constant dense<0.000000e+00> : vector<16xf32>
    %reduce_sum3A_14 = vector.multi_reduction <add>, %select_n3A, %reduce_sum3A [0] : vector<10240x16xf32> to vector<16xf32>
    %broadcast_in_dim3A_15 = vector.shape_cast %reduce_sum3A_14 : vector<16xf32> to vector<1x16xf32>
    %mul3A = arith.constant 9.99999974E-5 : f32
    %mul3A_16 = vector.broadcast %mul3A : f32 to vector<1x16xf32>
    %mul3A_17 = arith.mulf %broadcast_in_dim3A_15, %mul3A_16 : vector<1x16xf32>
    %sub3A = vector.broadcast %mul3A_17 : vector<1x16xf32> to vector<10240x16xf32>
    %sub3A_18 = arith.subf %select_n3A, %sub3A : vector<10240x16xf32>
    %mul3A_19 = arith.mulf %sub3A_18, %sub3A_18 : vector<10240x16xf32>
    %jit3A_20 = arith.constant 0.000000e+00 : f32
    %broadcast_in_dim3A_21 = vector.broadcast %jit3A_20 : f32 to vector<10240x16xf32>
    %select_n3A_22 = arith.select %lt3A_1, %mul3A_19, %broadcast_in_dim3A_21 : vector<10240x16xi1>, vector<10240x16xf32>
    %reduce_sum3A_23 = arith.constant dense<0.000000e+00> : vector<16xf32>
    %reduce_sum3A_24 = vector.multi_reduction <add>, %select_n3A_22, %reduce_sum3A_23 [0] : vector<10240x16xf32> to vector<16xf32>
    %broadcast_in_dim3A_25 = vector.shape_cast %reduce_sum3A_24 : vector<16xf32> to vector<1x16xf32>
    %mul3A_26 = arith.constant 9.99999974E-5 : f32
    %mul3A_27 = vector.broadcast %mul3A_26 : f32 to vector<1x16xf32>
    %mul3A_28 = arith.mulf %broadcast_in_dim3A_25, %mul3A_27 : vector<1x16xf32>
    %add3A_29 = arith.constant 9.99999974E-6 : f32
    %add3A_30 = vector.broadcast %add3A_29 : f32 to vector<1x16xf32>
    %add3A_31 = arith.addf %mul3A_28, %add3A_30 : vector<1x16xf32>
    %rsqrt3A = math.rsqrt %add3A_31 : vector<1x16xf32>
    %mul3A_32 = vector.broadcast %rsqrt3A : vector<1x16xf32> to vector<10240x16xf32>
    %mul3A_33 = arith.mulf %sub3A_18, %mul3A_32 : vector<10240x16xf32>
    %get3A_34 = arith.constant 0 : index
    %get3A_35 = arith.constant 0 : index
    %get3A_36 = vector.load %arg3[%get3A_34, %get3A_35] : memref<1x16xf32, #tpu.memory_space<vmem>>, vector<1x16xf32>
    %mul3A_37 = vector.broadcast %get3A_36 : vector<1x16xf32> to vector<10240x16xf32>
    %mul3A_38 = arith.mulf %mul3A_33, %mul3A_37 : vector<10240x16xf32>
    %get3A_39 = arith.constant 0 : index
    %get3A_40 = arith.constant 0 : index
    %get3A_41 = vector.load %arg4[%get3A_39, %get3A_40] : memref<1x16xf32, #tpu.memory_space<vmem>>, vector<1x16xf32>
    %add3A_42 = vector.broadcast %get3A_41 : vector<1x16xf32> to vector<10240x16xf32>
    %add3A_43 = arith.addf %mul3A_38, %add3A_42 : vector<10240x16xf32>
    %slice3A = vector.extract_strided_slice %add3A_43 {offsets = [0, 0], sizes = [10000, 16], strides = [1, 1]} : vector<10240x16xf32> to vector<10000x16xf32>
    %swap3A = arith.constant 0 : index
    %swap3A_44 = arith.constant 0 : index
    %swap3A_45 = vector.load %arg5[%swap3A, %swap3A_44] : memref<10000x16xf32, #tpu.memory_space<vmem>>, vector<10000x16xf32>
    tpu.vector_store %arg5[%swap3A, %swap3A_44], %slice3A {strides = array<i32>} : memref<10000x16xf32, #tpu.memory_space<vmem>>, vector<10000x16xf32>,
    return
  }
}

</mosaic_0001>

<sc_bundles>
// kernel: kernel.13.cloned.1.call-start
scs
__scs_entry_jumppad:
0x0: {  	(pc) =	sbr.rel $0x88, $3  }
0x1: {  	(tag) =	ssettag $0x0;
	lr =	simm.s32 $0x1  }
0x2: {  	[smem:$0x3F95] =	sst lr;
	_ =	strace $0xD0000000  }
0x3: {  	_ = 	snop  }
0x4: {  	_ = 	snop  }
0x5: {  	_ = 	snop  }
0x6: {  	_ = 	snop  }
0x7: {  	_ = 	snop  }
__scs_overlays_trampoline_lowered:
0x8: {  	[smem:$0x3FA4] =	sst s0  }
0x9: {  	[smem:$0x3FA5] =	sst s1  }
0xa: {  	[smem:$0x3FA6] =	sst s2  }
0xb: {  	[smem:$0x3FA7] =	sst s3  }
0xc: {  	[smem:$0x3FA8] =	sst s4  }
0xd: {  	[smem:$0x3FA9] =	sst s5  }
0xe: {  	[smem:$0x3FAA] =	sst s6  }
0xf: {  	[smem:$0x3FAB] =	sst s7  }
0x10: {  	[smem:$0x3FAC] =	sst s8  }
0x11: {  	[smem:$0x3FAD] =	sst s9;
	s0 =	simm.s32 @!p0 $0x0  }
0x12: {  	s1 =	sld [smem:$0x3F93];
	s0 =	simm.s32 @p0 $0x1  }
0x13: {  	[smem:$0x3FAE] =	sst s0;
	s0 =	simm.s32 @!p1 $0x0  }
0x14: {  	s2 =	sld [smem:$0x3F92];
	s0 =	simm.s32 @p1 $0x1  }
0x15: {  	[smem:$0x3FAF] =	sst s0;
	s0 =	simm.s32 @!p2 $0x0  }
0x16: {  	s3 =	sld [smem:$0x3FDB];
	s0 =	simm.s32 @p2 $0x1  }
0x17: {  	s4 =	simm.s32 $0x1BF5;
	[smem:$0x3FB1] =	sst s0  }
0x18: {  	s0 =	sld [smem:$0x3F94];
	_ =	swait.ge [sflag:s4], $0x0  }
0x19: {  	s7 =	sld [smem:$0x3F95]  }
0x1a: {  	s8 =	sadd.s32 $0xFFFFE003, lr  }
0x1b: {  	s9 =	sadd.s32 $0xFFFFFEF7, lr;
	s5 =	simm.s32 $0xFFFFFFFF;
	p2 =	slt.u32 s8, $0xFFFFF086  }
0x1c: {  	p1 =	slt.u32 s9, $0xF7A;
	s5 =	simm.s32 @!p2 $0x0  }
0x1d: {  	s5 =	simm.s32 @p1 $0x1;
	p0 =	seq.s32 s7, s2  }
0x1e: {  	s7 =	smul.u32 @!p0 $0xF7A, s2;
	p2 =	seq.s32 @!p0 s5, $0x0  }
0x1f: {  	s9 =	smul.u32 $0xF7A, s1;
	s8 =	simm.s32 @!p0 $0x1BF5;
	p2 =	por !p2, p0  }
0x20: {  	[sflag:s8] =	ssyncset.s32 @!p0 $0xFFFFF086;
	s6 =	sadd.s32 @!p0 s3, s7;
	s7 =	simm.s32 @!p0 $0x108  }
0x21: {  	s3 =	sadd.s32 s3, s9;
	s6 =	sadd.s32 @!p0 $0x88, s6;
	s7 =	simm.s32 @p2 $0x1082  }
0x22: {  	[simem:s7], [sflag:s8] =	dma.local @!p0 [hbm:s6], $0xF7A  }
0x23: {  	s9 =	sor.u32 $0xD0000000, s2;
	s6 =	simm.s32 $0x108;
	_ =	swait.ge @!p0 [sflag:s8], $0x0  }
0x24: {  	s3 =	sadd.s32 $0x88, s3;
	s6 =	simm.s32 @!p1 $0x1082;
	[sflag:s4] =	ssyncset.s32 $0xFFFFF086  }
0x25: {  	[simem:s6], [sflag:s4] =	dma.local [hbm:s3], $0xF7A  }
0x26: {  	[smem:$0x3F95] =	sst s1;
	(tag) =	ssettag s2;
	_ =	strace s9  }
0x27: {  	s1 =	sld [smem:$0x3FA5]  }
0x28: {  	s2 =	sld [smem:$0x3FA6]  }
0x29: {  	s4 =	sld [smem:$0x3FA8]  }
0x2a: {  	p0 =	seq.s32 s5, $0x0;
	s5 =	sld [smem:$0x3FA9]  }
0x2b: {  	s6 =	sld [smem:$0x3FAA]  }
0x2c: {  	s7 =	sld [smem:$0x3FAB]  }
0x2d: {  	s3 =	simm.s32 $0x108;
	s8 =	sld [smem:$0x3FAC]  }
0x2e: {  	s3 =	simm.s32 @!p0 $0x1082;
	s9 =	sld [smem:$0x3FAD]  }
0x2f: {  	lr =	sadd.s32 s0, s3;
	s0 =	sld [smem:$0x3FA4]  }
0x30: {  	s3 =	sld [smem:$0x3FA7]  }
0x31: {  	[smem:$0x3FB0] =	sst s10  }
0x32: {  	s10 =	sld [smem:$0x3FAE];
	_ =	sdelay $0x3  }
0x33: {  	p0 =	seq.s32 s10, $0x1;
	s10 =	sld [smem:$0x3FB0];
	_ =	sdelay $0x3  }
0x34: {  	[smem:$0x3FB0] =	sst s10  }
0x35: {  	s10 =	sld [smem:$0x3FAF];
	_ =	sdelay $0x3  }
0x36: {  	p1 =	seq.s32 s10, $0x1;
	s10 =	sld [smem:$0x3FB0];
	_ =	sdelay $0x3  }
0x37: {  	[smem:$0x3FB0] =	sst s10  }
0x38: {  	s10 =	sld [smem:$0x3FB1]  }
0x39: {  	_ = 	snop;
	(pc) =	sbr.ind lr, $3  }
0x3a: {  	_ = 	snop  }
0x3b: {  	_ = 	snop  }
0x3c: {  	p2 =	seq.s32 s10, $0x1;
	s10 =	sld [smem:$0x3FB0]  }
0x3d: {  	_ =	shalt  }
0x3e: {  	_ =	shalt  }
0x3f: {  	_ =	shalt  }
0x40: {  	_ =	shalt  }
0x41: {  	_ =	shalt  }
0x42: {  	_ =	shalt  }
0x43: {  	_ =	shalt  }
0x44: {  	_ =	shalt  }
0x45: {  	_ =	shalt  }
0x46: {  	_ =	shalt  }
0x47: {  	_ =	shalt  }
0x48: {  	_ =	shalt  }
0x49: {  	_ =	shalt  }
0x4a: {  	_ =	shalt  }
0x4b: {  	_ =	shalt  }
0x4c: {  	_ =	shalt  }
0x4d: {  	_ =	shalt  }
0x4e: {  	_ =	shalt  }
0x4f: {  	_ =	shalt  }
0x50: {  	_ =	shalt  }
0x51: {  	_ =	shalt  }
0x52: {  	_ =	shalt  }
0x53: {  	_ =	shalt  }
0x54: {  	_ =	shalt  }
0x55: {  	_ =	shalt  }
0x56: {  	_ =	shalt  }
0x57: {  	_ =	shalt  }
0x58: {  	_ =	shalt  }
0x59: {  	_ =	shalt  }
0x5a: {  	_ =	shalt  }
0x5b: {  	_ =	shalt  }
0x5c: {  	_ =	shalt  }
0x5d: {  	_ =	shalt  }
0x5e: {  	_ =	shalt  }
0x5f: {  	_ =	shalt  }
0x60: {  	_ =	shalt  }
0x61: {  	_ =	shalt  }
0x62: {  	_ =	shalt  }
0x63: {  	_ =	shalt  }
0x64: {  	_ =	shalt  }
0x65: {  	_ =	shalt  }
0x66: {  	_ =	shalt  }
0x67: {  	_ =	shalt  }
0x68: {  	_ =	shalt  }
0x69: {  	_ =	shalt  }
0x6a: {  	_ =	shalt  }
0x6b: {  	_ =	shalt  }
0x6c: {  	_ =	shalt  }
0x6d: {  	_ =	shalt  }
0x6e: {  	_ =	shalt  }
0x6f: {  	_ =	shalt  }
0x70: {  	_ =	shalt  }
0x71: {  	_ =	shalt  }
0x72: {  	_ =	shalt  }
0x73: {  	_ =	shalt  }
0x74: {  	_ =	shalt  }
0x75: {  	_ =	shalt  }
0x76: {  	_ =	shalt  }
0x77: {  	_ =	shalt  }
0x78: {  	_ =	shalt  }
0x79: {  	_ =	shalt  }
0x7a: {  	_ =	shalt  }
0x7b: {  	_ =	shalt  }
0x7c: {  	_ =	shalt  }
0x7d: {  	_ =	shalt  }
0x7e: {  	_ =	shalt  }
0x7f: {  	_ =	shalt  }
0x80: {  	_ =	shalt  }
0x81: {  	_ =	shalt  }
0x82: {  	_ =	shalt  }
0x83: {  	_ =	shalt  }
0x84: {  	_ =	shalt  }
0x85: {  	_ =	shalt  }
0x86: {  	_ =	shalt  }
0x87: {  	_ =	shalt  }
.Lfunc_end0:
.L_simem_size_0:
called_computation_lowered:
.L_overlay_start_0:
0x88: {  	s2 =	sld [smem:$0x3FD9]  }
0x89: {  	s3 =	sld [smem:$0x3FFE];
	_ =	sdelay $0x1  }
0x8a: {  	s1 =	srdreg.scid  }
0x8b: {  	s0 =	sand.u32 $0x1, s1  }
0x8c: {  	s17 =	sshll.u32 s0, $0xA;
	s2 =	sadd.s32 s3, s2  }
0x8d: {  	s2 =	sadd.s32 s2, s17  }
0x8e: {  	[smem:$0x3FBC] =	sst s2  }
0x8f: {  	_ = 	snop  }
0x90: {  	s2 =	sld [smem:$0x3FD0];
	(tm) =	ssettm $0x1  }
0x91: {  	s18 =	sld [smem:$0x3FFB];
	_ =	sdelay $0x3  }
0x92: {  	_ =	strace s18  }
0x93: {  	s3 =	sld [smem:$0x3FFC];
	_ =	sdelay $0x3  }
0x94: {  	_ =	strace s3  }
0x95: {  	s3 =	sld [smem:$0x3FFD];
	_ =	sdelay $0x3  }
0x96: {  	_ =	strace s3  }
0x97: {  	_ =	strace $0x8FFFFFFF  }
0x98: {  	s19 =	sld [smem:$0x3FDB];
	_ =	sdelay $0x1  }
0x99: {  	s4 =	simm.s32 $_scs_section_size  }
0x9a: {  	s5 =	simm.s32 $_size__tile_overlayer_lowered;
	s6 =	simm.s32 $_tile_overlayer_lowered  }
0x9b: {  	s22 =	simm.s32 $0x1BFF;
	s21 =	sshll.u32 s6, $0x1;
	s3 =	sadd.s32 s4, s19  }
0x9c: {  	s7 =	simm.s32 $0x0;
	s20 =	sshll.u32 s5, $0x1;
	s5 =	sadd.s32 s21, s3  }
0x9d: {  	[timem:s7], [sflag:s22] =	dma.local [hbm:s5], s20  }
0x9e: {  	_ =	swait.ge [sflag:s22], s20  }
0x9f: {  	s4 =	ssub.s32 $0x0, s20;
	[sflag:s22] =	ssyncset.done $0x0  }
0xa0: {  	[sflag:s22] =	ssyncadd.s32 s4;
	_ =	sdelay $0x1  }
0xa1: {  	s23 =	simm.s32 $0x1B8B  }
0xa2: {  	_ =	swait.ge [sflag:s23], $0x1  }
0xa3: {  	[sflag:s23] =	ssyncset.done $0x0  }
0xa4: {  	s25 =	simm.s32 $0x1B8E;
	s24 =	sld [smem:$0x3FFE];
	[sflag:s23] =	ssyncadd.s32 $0xFFFFFFFF  }
0xa5: {  	s26 =	simm.s32 $execute0_lowered;
	[smem:$0x3FD2] =	sst s25  }
0xa6: {  	s5 =	sshll.u32 s26, $0x1;
	_ =	strace $0x80000046;
	[dreg:$0x1] =	wrdreg $0xFFFFFFFF  }
0xa7: {  	s28 =	simm.s32 $_size_execute0_lowered;
	s3 =	sadd.s32 s3, s5;
	[dreg:$0x0] =	wrdreg $0x0  }
0xa8: {  	s5 =	sshll.u32 s28, $0x1;
	[dreg:$0x2] =	wrdreg s3  }
0xa9: {  	[dreg:$0x3] =	wrdreg s5  }
0xaa: {  	[dreg:$0x4] =	wrdreg $0xC0  }
0xab: {  	_ =	task [dreg:s7], $0x5FFFF  }
0xac: {  	[dreg:$0x1] =	wrdreg $0xFFFFFFFF  }
0xad: {  	[dreg:$0x0] =	wrdreg $0x60  }
0xae: {  	[dreg:$0x2] =	wrdreg s24  }
0xaf: {  	[dreg:$0x3] =	wrdreg s2  }
0xb0: {  	[dreg:$0x4] =	wrdreg $0x9  }
0xb1: {  	_ =	task.clear_ibuf [dreg:s7], $0x5FFFF;
	_ =	strace $0x90000046  }
0xb2: {  	s29 =	simm.s32 $0x9;
	_ =	strace $0x80000048  }
0xb3: {  	_ =	swait.ge [sflag:s29], $0x1  }
0xb4: {  	[sflag:s29] =	ssyncadd.s32 $0xFFFFFFFF  }
0xb5: {  	_ =	strace $0x90000048  }
0xb6: {  	_ =	sfence  }
0xb7: {  	s30 =	sld [smem:$0x0];
	_ =	sdelay $0x2  }
0xb8: {  	s31 =	sshll.u32 s1, $0xD;
	s1 =	sshrl.u32 s1, $0x2  }
0xb9: {  	s3 =	sand.u32 $0x4000, s31;
	s1 =	sadd.s32 s1, s30  }
0xba: {  	s0 =	sor.u32 s3, s0;
	s1 =	sshll.u32 s1, $0x11  }
0xbb: {  	s0 =	sor.u32 s1, s0  }
0xbc: {  	s0 =	sadd.s32 $0x8F2B, s0  }
0xbd: {  	[sflag:s0] =	ssyncadd.remote.s32 $0x1  }
0xbe: {  	_ =	sfence.sel $0xFFFF  }
0xbf: {  	[dreg:$0x0] =	wrdreg $0xFFFFFFFF;
	(pc) =	sbr.abs _section_cstart, $3  }
0xc0: {  	[dreg:$0x1] =	wrdreg $0xFFFFFFFF  }
0xc1: {  	_ =	task.clear_ibuf [dreg:s7], $0x2FFFF;
	_ =	strace $0x9FFFFFFF  }
0xc2: {  	(tm) =	ssettm $0x7FFFFFFF  }
0xc3: {  	_ =	shalt  }
tec
execute0_lowered:
.L_overlay_start_1:
0x0: {  	(tag) =	ssettag $0x1  }
0x1: {  	s0 =	srdreg.scid;
	s5 =	rddreg [dreg:$0x0]  }
0x2: {  	s2 =	rddreg [dreg:$0x1];
	s3 =	simm.s32 $0x0;
	s10 =	simm.s32 $0x1BD0  }
0x3: {  	s11 =	simm.s32 $0x23A0;
	s12 =	simm.s32 $0x2B70;
	s13 =	simm.s32 $0x3340  }
0x4: {  	s14 =	simm.s32 $0x3B10;
	s15 =	simm.s32 $0x42E0;
	s16 =	simm.s32 $0x4AB0  }
0x5: {  	s17 =	simm.s32 $0x1;
	s18 =	simm.s32 $0x0;
	s4 =	sand.u32 $0x1, s0  }
0x6: {  	s0 =	stileid.u32;
	s1 =	sshll.u32 s4, $0x4;
	s7 =	smul.u32 $0x27100, s4  }
0x7: {  	s4 =	ssub.s32 $0x2, s4;
	s8 =	smul.u32 $0x2710, s0;
	s1 =	sor.u32 s0, s1  }
0x8: {  	[smem:$0x7FF] =	sst s3;
	s9 =	sshrl.u32 s4, $0x1;
	s6 =	smul.u32 $0x280, s1  }
0x9: {  	s1 =	rddreg [dreg:$0x2];
	_ =	strace $0x80000047;
	s7 =	sadd.s32 s7, s5  }
0xa: {  	s31 =	ssub.s32 s4, s9;
	s9 =	simm.s32 $0x1400;
	s7 =	sadd.s32 s8, s7  }
0xb: {  	s8 =	simm.s32 $0x7D;
	s5 =	sadd.s32 s6, s5;
	s6 =	sadd.s32 $0x9800, s7  }
0xc: {  	s7 =	simm.s32 $0x2;
	s4 =	sadd.s32 $0x4800, s5;
	s5 =	smax.u32 s31, $0x1  }
.LBB2_1:
0xd: {  	[tilespmem:s3], [sflag:$0x2] =	stream.linear.gather [hbm4b:s4+s3], $0x1400, $0x38;
	[tilespmem:$0x5280] =	vst v63  }
0xe: {  	_ =	swait.ge [sflag:s7], $0x1400  }
0xf: {  	[sflag:s7] =	ssyncset.done $0x0  }
0x10: {  	s19 =	simm.s32 $0x0;
	[sflag:s7] =	ssyncadd.s32 $0xFFFFEC00  }
0x11: {  	[tilespmem:s9], [sflag:$0x1] =	stream.indirect.gather [hbm4b:s2+s8], $0x10, s19, s8, $0xb8;
	[tilespmem:$0x5280] =	vst v63  }
0x12: {  	s24 =	simm.s32 $0x80  }
0x13: {  	[tilespmem:s10], [sflag:$0x1] =	stream.indirect.gather [hbm4b:s2+s8], $0x10, s24, s8, $0xb8;
	[tilespmem:$0x5280] =	vst v63  }
0x14: {  	s25 =	simm.s32 $0x100  }
0x15: {  	[tilespmem:s11], [sflag:$0x1] =	stream.indirect.gather [hbm4b:s2+s8], $0x10, s25, s8, $0xb8;
	[tilespmem:$0x5280] =	vst v63  }
0x16: {  	s26 =	simm.s32 $0x180  }
0x17: {  	[tilespmem:s12], [sflag:$0x1] =	stream.indirect.gather [hbm4b:s2+s8], $0x10, s26, s8, $0xb8;
	[tilespmem:$0x5280] =	vst v63  }
0x18: {  	s28 =	simm.s32 $0x200  }
0x19: {  	[tilespmem:s13], [sflag:$0x1] =	stream.indirect.gather [hbm4b:s2+s8], $0x10, s28, s8, $0xb8;
	[tilespmem:$0x5280] =	vst v63  }
0x1a: {  	s29 =	simm.s32 $0x280  }
0x1b: {  	[tilespmem:s14], [sflag:$0x1] =	stream.indirect.gather [hbm4b:s2+s8], $0x10, s29, s8, $0xb8;
	[tilespmem:$0x5280] =	vst v63  }
0x1c: {  	s30 =	simm.s32 $0x300  }
0x1d: {  	[tilespmem:s15], [sflag:$0x1] =	stream.indirect.gather [hbm4b:s2+s8], $0x10, s30, s8, $0xb8;
	[tilespmem:$0x5280] =	vst v63  }
0x1e: {  	s31 =	simm.s32 $0x380  }
0x1f: {  	[tilespmem:s16], [sflag:$0x1] =	stream.indirect.gather [hbm4b:s2+s8], $0x10, s31, s8, $0xb8;
	[tilespmem:$0x5280] =	vst v63  }
0x20: {  	_ =	swait.ge [sflag:s17], $0x7D0  }
0x21: {  	[sflag:s17] =	ssyncset.done $0x0  }
0x22: {  	[sflag:s17] =	ssyncadd.s32 $0xFFFFF830  }
0x23: {  	_ =	swait.ge [sflag:s17], $0x7D0  }
0x24: {  	[sflag:s17] =	ssyncset.done $0x0  }
0x25: {  	[sflag:s17] =	ssyncadd.s32 $0xFFFFF830  }
0x26: {  	_ =	swait.ge [sflag:s17], $0x7D0  }
0x27: {  	[sflag:s17] =	ssyncset.done $0x0  }
0x28: {  	[sflag:s17] =	ssyncadd.s32 $0xFFFFF830  }
0x29: {  	_ =	swait.ge [sflag:s17], $0x7D0  }
0x2a: {  	[sflag:s17] =	ssyncset.done $0x0  }
0x2b: {  	[sflag:s17] =	ssyncadd.s32 $0xFFFFF830  }
0x2c: {  	_ =	swait.ge [sflag:s17], $0x7D0  }
0x2d: {  	[sflag:s17] =	ssyncset.done $0x0  }
0x2e: {  	[sflag:s17] =	ssyncadd.s32 $0xFFFFF830  }
0x2f: {  	_ =	swait.ge [sflag:s17], $0x7D0  }
0x30: {  	[sflag:s17] =	ssyncset.done $0x0  }
0x31: {  	[sflag:s17] =	ssyncadd.s32 $0xFFFFF830  }
0x32: {  	_ =	swait.ge [sflag:s17], $0x7D0  }
0x33: {  	[sflag:s17] =	ssyncset.done $0x0  }
0x34: {  	[sflag:s17] =	ssyncadd.s32 $0xFFFFF830  }
0x35: {  	_ =	swait.ge [sflag:s17], $0x7D0  }
0x36: {  	[sflag:s17] =	ssyncset.done $0x0  }
0x37: {  	[sflag:s17] =	ssyncadd.s32 $0xFFFFF830  }
0x38: {  	[hbm4b:s6+s3] =	stream.linear.scatter [tilespmem:s9], [sflag:$0x2], $0x3E80, $0x38;
	[tilespmem:$0x5280] =	vst v63  }
0x39: {  	s20 =	simm.s32 $0x1000;
	_ =	swait.ge [sflag:s7], $0x3E80  }
0x3a: {  	s22 =	simm.s32 $0x2000;
	s19 =	sadd.s32 $0x7D0, s6;
	[sflag:s7] =	ssyncset.done $0x0  }
.LBB2_2:
0x3b: {  	s23 =	sshra.s32 s20, $0x2  }
0x3c: {  	[sflag:s7] =	ssyncadd.s32 $0xFFFFC180;
	s20 =	smov.u32 s22;
	s21 =	sadd.s32 $0x1000, s22  }
0x3d: {  	[tilespmem:s9], [sflag:$0x1] =	stream.indirect.gather [hbm4b:s2+s8], $0x10, s23, s8, $0xb8;
	[tilespmem:$0x5280] =	vst v63  }
0x3e: {  	p0 =	sne.s32 s22, $0x4000;
	s22 =	sadd.s32 $0x80, s23  }
0x3f: {  	[tilespmem:s10], [sflag:$0x1] =	stream.indirect.gather [hbm4b:s2+s8], $0x10, s22, s8, $0xb8;
	[tilespmem:$0x5280] =	vst v63  }
0x40: {  	s22 =	sadd.s32 $0x100, s23  }
0x41: {  	[tilespmem:s11], [sflag:$0x1] =	stream.indirect.gather [hbm4b:s2+s8], $0x10, s22, s8, $0xb8;
	[tilespmem:$0x5280] =	vst v63  }
0x42: {  	s22 =	sadd.s32 $0x180, s23  }
0x43: {  	[tilespmem:s12], [sflag:$0x1] =	stream.indirect.gather [hbm4b:s2+s8], $0x10, s22, s8, $0xb8;
	[tilespmem:$0x5280] =	vst v63  }
0x44: {  	s22 =	sadd.s32 $0x200, s23  }
0x45: {  	[tilespmem:s13], [sflag:$0x1] =	stream.indirect.gather [hbm4b:s2+s8], $0x10, s22, s8, $0xb8;
	[tilespmem:$0x5280] =	vst v63  }
0x46: {  	s22 =	sadd.s32 $0x280, s23  }
0x47: {  	[tilespmem:s14], [sflag:$0x1] =	stream.indirect.gather [hbm4b:s2+s8], $0x10, s22, s8, $0xb8;
	[tilespmem:$0x5280] =	vst v63  }
0x48: {  	s22 =	sadd.s32 $0x300, s23  }
0x49: {  	[tilespmem:s15], [sflag:$0x1] =	stream.indirect.gather [hbm4b:s2+s8], $0x10, s22, s8, $0xb8;
	[tilespmem:$0x5280] =	vst v63  }
0x4a: {  	s22 =	sadd.s32 $0x380, s23  }
0x4b: {  	[tilespmem:s16], [sflag:$0x1] =	stream.indirect.gather [hbm4b:s2+s8], $0x10, s22, s8, $0xb8;
	[tilespmem:$0x5280] =	vst v63  }
0x4c: {  	_ =	swait.ge [sflag:s17], $0x7D0  }
0x4d: {  	[sflag:s17] =	ssyncset.done $0x0  }
0x4e: {  	[sflag:s17] =	ssyncadd.s32 $0xFFFFF830  }
0x4f: {  	_ =	swait.ge [sflag:s17], $0x7D0  }
0x50: {  	[sflag:s17] =	ssyncset.done $0x0  }
0x51: {  	[sflag:s17] =	ssyncadd.s32 $0xFFFFF830  }
0x52: {  	_ =	swait.ge [sflag:s17], $0x7D0  }
0x53: {  	[sflag:s17] =	ssyncset.done $0x0  }
0x54: {  	[sflag:s17] =	ssyncadd.s32 $0xFFFFF830  }
0x55: {  	_ =	swait.ge [sflag:s17], $0x7D0  }
0x56: {  	[sflag:s17] =	ssyncset.done $0x0  }
0x57: {  	[sflag:s17] =	ssyncadd.s32 $0xFFFFF830  }
0x58: {  	_ =	swait.ge [sflag:s17], $0x7D0  }
0x59: {  	[sflag:s17] =	ssyncset.done $0x0  }
0x5a: {  	[sflag:s17] =	ssyncadd.s32 $0xFFFFF830  }
0x5b: {  	_ =	swait.ge [sflag:s17], $0x7D0  }
0x5c: {  	[sflag:s17] =	ssyncset.done $0x0  }
0x5d: {  	[sflag:s17] =	ssyncadd.s32 $0xFFFFF830  }
0x5e: {  	_ =	swait.ge [sflag:s17], $0x7D0  }
0x5f: {  	[sflag:s17] =	ssyncset.done $0x0  }
0x60: {  	[sflag:s17] =	ssyncadd.s32 $0xFFFFF830  }
0x61: {  	_ =	swait.ge [sflag:s17], $0x7D0  }
.Ltmp0:
0x62: {  	[sflag:s17] =	ssyncset.done $0x0;
	(pc) =	sbr.rel @p0 .LBB2_2-.Ltmp0, $4  }
0x63: {  	[sflag:s17] =	ssyncadd.s32 $0xFFFFF830  }
0x64: {  	[hbm4b:s19+s3] =	stream.linear.scatter [tilespmem:s9], [sflag:$0x2], $0x3E80, $0x38;
	[tilespmem:$0x5280] =	vst v63  }
0x65: {  	_ =	swait.ge [sflag:s7], $0x3E80  }
0x66: {  	s22 =	smov.u32 s21;
	s19 =	sadd.s32 $0x7D0, s19;
	[sflag:s7] =	ssyncset.done $0x0  }
0x67: {  	s20 =	sshra.s32 s20, $0x2;
	[sflag:s7] =	ssyncadd.s32 $0xFFFFC180  }
0x68: {  	[tilespmem:s9], [sflag:$0x1] =	stream.indirect.gather [hbm4b:s2+s8], $0x10, s20, s8, $0xb8;
	[tilespmem:$0x5280] =	vst v63  }
0x69: {  	s21 =	sadd.s32 $0x80, s20  }
0x6a: {  	[tilespmem:s10], [sflag:$0x1] =	stream.indirect.gather [hbm4b:s2+s8], $0x10, s21, s8, $0xb8;
	[tilespmem:$0x5280] =	vst v63  }
0x6b: {  	s26 =	sadd.s32 $0x100, s20  }
0x6c: {  	[tilespmem:s11], [sflag:$0x1] =	stream.indirect.gather [hbm4b:s2+s8], $0x10, s26, s8, $0xb8;
	[tilespmem:$0x5280] =	vst v63  }
0x6d: {  	s28 =	sadd.s32 $0x180, s20  }
0x6e: {  	[tilespmem:s12], [sflag:$0x1] =	stream.indirect.gather [hbm4b:s2+s8], $0x10, s28, s8, $0xb8;
	[tilespmem:$0x5280] =	vst v63  }
0x6f: {  	s29 =	sadd.s32 $0x200, s20  }
0x70: {  	[tilespmem:s13], [sflag:$0x1] =	stream.indirect.gather [hbm4b:s2+s8], $0x10, s29, s8, $0xb8;
	[tilespmem:$0x5280] =	vst v63  }
0x71: {  	s30 =	sadd.s32 $0x280, s20  }
0x72: {  	[tilespmem:s14], [sflag:$0x1] =	stream.indirect.gather [hbm4b:s2+s8], $0x10, s30, s8, $0xb8;
	[tilespmem:$0x5280] =	vst v63  }
0x73: {  	s31 =	sadd.s32 $0x300, s20  }
0x74: {  	[tilespmem:s15], [sflag:$0x1] =	stream.indirect.gather [hbm4b:s2+s8], $0x10, s31, s8, $0xb8;
	[tilespmem:$0x5280] =	vst v63  }
0x75: {  	s20 =	sadd.s32 $0x380, s20  }
0x76: {  	[tilespmem:s16], [sflag:$0x1] =	stream.indirect.gather [hbm4b:s2+s8], $0x10, s20, s8, $0xb8;
	[tilespmem:$0x5280] =	vst v63  }
0x77: {  	_ =	swait.ge [sflag:s17], $0x7D0  }
0x78: {  	[sflag:s17] =	ssyncset.done $0x0  }
0x79: {  	[sflag:s17] =	ssyncadd.s32 $0xFFFFF830  }
0x7a: {  	_ =	swait.ge [sflag:s17], $0x7D0  }
0x7b: {  	[sflag:s17] =	ssyncset.done $0x0  }
0x7c: {  	[sflag:s17] =	ssyncadd.s32 $0xFFFFF830  }
0x7d: {  	_ =	swait.ge [sflag:s17], $0x7D0  }
0x7e: {  	[sflag:s17] =	ssyncset.done $0x0  }
0x7f: {  	[sflag:s17] =	ssyncadd.s32 $0xFFFFF830  }
0x80: {  	_ =	swait.ge [sflag:s17], $0x7D0  }
0x81: {  	[sflag:s17] =	ssyncset.done $0x0  }
0x82: {  	[sflag:s17] =	ssyncadd.s32 $0xFFFFF830  }
0x83: {  	_ =	swait.ge [sflag:s17], $0x7D0  }
0x84: {  	[sflag:s17] =	ssyncset.done $0x0  }
0x85: {  	[sflag:s17] =	ssyncadd.s32 $0xFFFFF830  }
0x86: {  	_ =	swait.ge [sflag:s17], $0x7D0  }
0x87: {  	[sflag:s17] =	ssyncset.done $0x0  }
0x88: {  	[sflag:s17] =	ssyncadd.s32 $0xFFFFF830  }
0x89: {  	_ =	swait.ge [sflag:s17], $0x7D0  }
0x8a: {  	[sflag:s17] =	ssyncset.done $0x0  }
0x8b: {  	[sflag:s17] =	ssyncadd.s32 $0xFFFFF830  }
0x8c: {  	s18 =	sadd.s32 $0x1, s18;
	_ =	swait.ge [sflag:s17], $0x7D0  }
0x8d: {  	p0 =	sne.s32 s18, s5;
	[sflag:s17] =	ssyncset.done $0x0  }
.Ltmp1:
0x8e: {  	[sflag:s17] =	ssyncadd.s32 $0xFFFFF830;
	(pc) =	sbr.rel @p0 .LBB2_1-.Ltmp1, $4  }
0x8f: {  	[hbm4b:s19+s3] =	stream.linear.scatter [tilespmem:s9], [sflag:$0x2], $0x3E80, $0x38;
	[tilespmem:$0x5280] =	vst v63  }
0x90: {  	_ =	swait.ge [sflag:s7], $0x3E80  }
0x91: {  	[sflag:s7] =	ssyncset.done $0x0  }
0x92: {  	[sflag:s7] =	ssyncadd.s32 $0xFFFFC180  }
0x93: {  	_ =	sfence.sel $0x180000  }
0x94: {  	[bflag:$0x0] =	sbarrier.arrive $0xFFFF  }
0x95: {  	p0 =	sne.s32 s0, $0x0;
	_ =	strace $0x90000047  }
0x96: {  	s0 =	sadd.s32 @!p0 $0x100000, s1;
	[bflag:$0x2] =	sbarrier.arrive $0xFFFF  }
0x97: {  	[sflag:s0] =	ssyncadd.tile.s32 @!p0 $0x1;
	_ =	shalt  }
.Lfunc_end2:
_tile_overlayer_lowered:
.L_overlay_start_2:
0x98: {  	(tag) =	ssettag $0x2  }
0x99: {  	s0 =	rddreg [dreg:$0x0];
	s2 =	stileid.u32  }
0x9a: {  	s1 =	rddreg [dreg:$0x1];
	p0 =	sne.s32 s2, $0x0  }
0x9b: {  	s3 =	rddreg [dreg:$0x2];
	[bflag:$0x3] =	sbarrier.arrive $0xFFFF;
	s2 =	simm.s32 @!p0 $0x1C02  }
0x9c: {  	[timem:s3], [sflag:s2] =	dma.local @!p0 [hbm:s0], s1  }
0x9d: {  	s0 =	simm.s32 @!p0 $0x2  }
0x9e: {  	_ =	swait.ge @!p0 [sflag:s0], s1  }
0x9f: {  	s1 =	ssub.s32 @!p0 $0x0, s1;
	[sflag:s0] =	ssyncset.done @!p0 $0x0  }
0xa0: {  	[sflag:s0] =	ssyncadd.s32 @!p0 s1  }
0xa1: {  	[bflag:$0x3] =	sbarrier.arrive $0xFFFF  }
0xa2: {  	_ =	shalt  }

// kernel: kernel.16.cloned.1.call-start
scs
__scs_entry_jumppad:
0x0: {  	(pc) =	sbr.rel $0x88, $3  }
0x1: {  	(tag) =	ssettag $0x0;
	lr =	simm.s32 $0x1  }
0x2: {  	[smem:$0x3F95] =	sst lr;
	_ =	strace $0xD0000000  }
0x3: {  	_ = 	snop  }
0x4: {  	_ = 	snop  }
0x5: {  	_ = 	snop  }
0x6: {  	_ = 	snop  }
0x7: {  	_ = 	snop  }
__scs_overlays_trampoline_lowered:
0x8: {  	[smem:$0x3FA4] =	sst s0  }
0x9: {  	[smem:$0x3FA5] =	sst s1  }
0xa: {  	[smem:$0x3FA6] =	sst s2  }
0xb: {  	[smem:$0x3FA7] =	sst s3  }
0xc: {  	[smem:$0x3FA8] =	sst s4  }
0xd: {  	[smem:$0x3FA9] =	sst s5  }
0xe: {  	[smem:$0x3FAA] =	sst s6  }
0xf: {  	[smem:$0x3FAB] =	sst s7  }
0x10: {  	[smem:$0x3FAC] =	sst s8  }
0x11: {  	[smem:$0x3FAD] =	sst s9;
	s0 =	simm.s32 @!p0 $0x0  }
0x12: {  	s1 =	sld [smem:$0x3F93];
	s0 =	simm.s32 @p0 $0x1  }
0x13: {  	[smem:$0x3FAE] =	sst s0;
	s0 =	simm.s32 @!p1 $0x0  }
0x14: {  	s2 =	sld [smem:$0x3F92];
	s0 =	simm.s32 @p1 $0x1  }
0x15: {  	[smem:$0x3FAF] =	sst s0;
	s0 =	simm.s32 @!p2 $0x0  }
0x16: {  	s3 =	sld [smem:$0x3FDB];
	s0 =	simm.s32 @p2 $0x1  }
0x17: {  	s4 =	simm.s32 $0x1BF5;
	[smem:$0x3FB1] =	sst s0  }
0x18: {  	s0 =	sld [smem:$0x3F94];
	_ =	swait.ge [sflag:s4], $0x0  }
0x19: {  	s7 =	sld [smem:$0x3F95]  }
0x1a: {  	s8 =	sadd.s32 $0xFFFFE003, lr  }
0x1b: {  	s9 =	sadd.s32 $0xFFFFFEF7, lr;
	s5 =	simm.s32 $0xFFFFFFFF;
	p2 =	slt.u32 s8, $0xFFFFF086  }
0x1c: {  	p1 =	slt.u32 s9, $0xF7A;
	s5 =	simm.s32 @!p2 $0x0  }
0x1d: {  	s5 =	simm.s32 @p1 $0x1;
	p0 =	seq.s32 s7, s2  }
0x1e: {  	s7 =	smul.u32 @!p0 $0xF7A, s2;
	p2 =	seq.s32 @!p0 s5, $0x0  }
0x1f: {  	s9 =	smul.u32 $0xF7A, s1;
	s8 =	simm.s32 @!p0 $0x1BF5;
	p2 =	por !p2, p0  }
0x20: {  	[sflag:s8] =	ssyncset.s32 @!p0 $0xFFFFF086;
	s6 =	sadd.s32 @!p0 s3, s7;
	s7 =	simm.s32 @!p0 $0x108  }
0x21: {  	s3 =	sadd.s32 s3, s9;
	s6 =	sadd.s32 @!p0 $0x88, s6;
	s7 =	simm.s32 @p2 $0x1082  }
0x22: {  	[simem:s7], [sflag:s8] =	dma.local @!p0 [hbm:s6], $0xF7A  }
0x23: {  	s9 =	sor.u32 $0xD0000000, s2;
	s6 =	simm.s32 $0x108;
	_ =	swait.ge @!p0 [sflag:s8], $0x0  }
0x24: {  	s3 =	sadd.s32 $0x88, s3;
	s6 =	simm.s32 @!p1 $0x1082;
	[sflag:s4] =	ssyncset.s32 $0xFFFFF086  }
0x25: {  	[simem:s6], [sflag:s4] =	dma.local [hbm:s3], $0xF7A  }
0x26: {  	[smem:$0x3F95] =	sst s1;
	(tag) =	ssettag s2;
	_ =	strace s9  }
0x27: {  	s1 =	sld [smem:$0x3FA5]  }
0x28: {  	s2 =	sld [smem:$0x3FA6]  }
0x29: {  	s4 =	sld [smem:$0x3FA8]  }
0x2a: {  	p0 =	seq.s32 s5, $0x0;
	s5 =	sld [smem:$0x3FA9]  }
0x2b: {  	s6 =	sld [smem:$0x3FAA]  }
0x2c: {  	s7 =	sld [smem:$0x3FAB]  }
0x2d: {  	s3 =	simm.s32 $0x108;
	s8 =	sld [smem:$0x3FAC]  }
0x2e: {  	s3 =	simm.s32 @!p0 $0x1082;
	s9 =	sld [smem:$0x3FAD]  }
0x2f: {  	lr =	sadd.s32 s0, s3;
	s0 =	sld [smem:$0x3FA4]  }
0x30: {  	s3 =	sld [smem:$0x3FA7]  }
0x31: {  	[smem:$0x3FB0] =	sst s10  }
0x32: {  	s10 =	sld [smem:$0x3FAE];
	_ =	sdelay $0x3  }
0x33: {  	p0 =	seq.s32 s10, $0x1;
	s10 =	sld [smem:$0x3FB0];
	_ =	sdelay $0x3  }
0x34: {  	[smem:$0x3FB0] =	sst s10  }
0x35: {  	s10 =	sld [smem:$0x3FAF];
	_ =	sdelay $0x3  }
0x36: {  	p1 =	seq.s32 s10, $0x1;
	s10 =	sld [smem:$0x3FB0];
	_ =	sdelay $0x3  }
0x37: {  	[smem:$0x3FB0] =	sst s10  }
0x38: {  	s10 =	sld [smem:$0x3FB1]  }
0x39: {  	_ = 	snop;
	(pc) =	sbr.ind lr, $3  }
0x3a: {  	_ = 	snop  }
0x3b: {  	_ = 	snop  }
0x3c: {  	p2 =	seq.s32 s10, $0x1;
	s10 =	sld [smem:$0x3FB0]  }
0x3d: {  	_ =	shalt  }
0x3e: {  	_ =	shalt  }
0x3f: {  	_ =	shalt  }
0x40: {  	_ =	shalt  }
0x41: {  	_ =	shalt  }
0x42: {  	_ =	shalt  }
0x43: {  	_ =	shalt  }
0x44: {  	_ =	shalt  }
0x45: {  	_ =	shalt  }
0x46: {  	_ =	shalt  }
0x47: {  	_ =	shalt  }
0x48: {  	_ =	shalt  }
0x49: {  	_ =	shalt  }
0x4a: {  	_ =	shalt  }
0x4b: {  	_ =	shalt  }
0x4c: {  	_ =	shalt  }
0x4d: {  	_ =	shalt  }
0x4e: {  	_ =	shalt  }
0x4f: {  	_ =	shalt  }
0x50: {  	_ =	shalt  }
0x51: {  	_ =	shalt  }
0x52: {  	_ =	shalt  }
0x53: {  	_ =	shalt  }
0x54: {  	_ =	shalt  }
0x55: {  	_ =	shalt  }
0x56: {  	_ =	shalt  }
0x57: {  	_ =	shalt  }
0x58: {  	_ =	shalt  }
0x59: {  	_ =	shalt  }
0x5a: {  	_ =	shalt  }
0x5b: {  	_ =	shalt  }
0x5c: {  	_ =	shalt  }
0x5d: {  	_ =	shalt  }
0x5e: {  	_ =	shalt  }
0x5f: {  	_ =	shalt  }
0x60: {  	_ =	shalt  }
0x61: {  	_ =	shalt  }
0x62: {  	_ =	shalt  }
0x63: {  	_ =	shalt  }
0x64: {  	_ =	shalt  }
0x65: {  	_ =	shalt  }
0x66: {  	_ =	shalt  }
0x67: {  	_ =	shalt  }
0x68: {  	_ =	shalt  }
0x69: {  	_ =	shalt  }
0x6a: {  	_ =	shalt  }
0x6b: {  	_ =	shalt  }
0x6c: {  	_ =	shalt  }
0x6d: {  	_ =	shalt  }
0x6e: {  	_ =	shalt  }
0x6f: {  	_ =	shalt  }
0x70: {  	_ =	shalt  }
0x71: {  	_ =	shalt  }
0x72: {  	_ =	shalt  }
0x73: {  	_ =	shalt  }
0x74: {  	_ =	shalt  }
0x75: {  	_ =	shalt  }
0x76: {  	_ =	shalt  }
0x77: {  	_ =	shalt  }
0x78: {  	_ =	shalt  }
0x79: {  	_ =	shalt  }
0x7a: {  	_ =	shalt  }
0x7b: {  	_ =	shalt  }
0x7c: {  	_ =	shalt  }
0x7d: {  	_ =	shalt  }
0x7e: {  	_ =	shalt  }
0x7f: {  	_ =	shalt  }
0x80: {  	_ =	shalt  }
0x81: {  	_ =	shalt  }
0x82: {  	_ =	shalt  }
0x83: {  	_ =	shalt  }
0x84: {  	_ =	shalt  }
0x85: {  	_ =	shalt  }
0x86: {  	_ =	shalt  }
0x87: {  	_ =	shalt  }
.Lfunc_end0:
.L_simem_size_0:
called_computation.1_lowered:
.L_overlay_start_0:
0x88: {  	s2 =	sld [smem:$0x3FD9]  }
0x89: {  	s3 =	sld [smem:$0x3FFE];
	_ =	sdelay $0x1  }
0x8a: {  	s1 =	srdreg.scid  }
0x8b: {  	s0 =	sand.u32 $0x1, s1  }
0x8c: {  	s16 =	sshll.u32 s0, $0xA;
	s2 =	sadd.s32 s3, s2  }
0x8d: {  	s2 =	sadd.s32 s2, s16  }
0x8e: {  	[smem:$0x3FBC] =	sst s2  }
0x8f: {  	_ = 	snop  }
0x90: {  	(tm) =	ssettm $0x1  }
0x91: {  	s17 =	sld [smem:$0x3FFB];
	_ =	sdelay $0x3  }
0x92: {  	_ =	strace s17  }
0x93: {  	s2 =	sld [smem:$0x3FFC];
	_ =	sdelay $0x3  }
0x94: {  	_ =	strace s2  }
0x95: {  	s2 =	sld [smem:$0x3FFD];
	_ =	sdelay $0x3  }
0x96: {  	_ =	strace s2  }
0x97: {  	_ =	strace $0x8FFFFFFF  }
0x98: {  	s18 =	sld [smem:$0x3FDB];
	_ =	sdelay $0x1  }
0x99: {  	s19 =	simm.s32 $_scs_section_size  }
0x9a: {  	s4 =	simm.s32 $_size__tile_overlayer_lowered;
	s5 =	simm.s32 $_tile_overlayer_lowered  }
0x9b: {  	s22 =	simm.s32 $0x1BFF;
	s21 =	sshll.u32 s5, $0x1;
	s2 =	sadd.s32 s19, s18  }
0x9c: {  	s6 =	simm.s32 $0x0;
	s20 =	sshll.u32 s4, $0x1;
	s4 =	sadd.s32 s21, s2  }
0x9d: {  	[timem:s6], [sflag:s22] =	dma.local [hbm:s4], s20  }
0x9e: {  	_ =	swait.ge [sflag:s22], s20  }
0x9f: {  	s3 =	ssub.s32 $0x0, s20;
	[sflag:s22] =	ssyncset.done $0x0  }
0xa0: {  	[sflag:s22] =	ssyncadd.s32 s3;
	_ =	sdelay $0x1  }
0xa1: {  	s23 =	simm.s32 $0x1B8B  }
0xa2: {  	_ =	swait.ge [sflag:s23], $0x1  }
0xa3: {  	[sflag:s23] =	ssyncset.done $0x0  }
0xa4: {  	s25 =	simm.s32 $0x1B8E;
	s24 =	sld [smem:$0x3FFE];
	[sflag:s23] =	ssyncadd.s32 $0xFFFFFFFF  }
0xa5: {  	s26 =	simm.s32 $execute0_lowered;
	[smem:$0x3FD2] =	sst s25  }
0xa6: {  	s4 =	sshll.u32 s26, $0x1;
	_ =	strace $0x80000049;
	[dreg:$0x1] =	wrdreg $0xFFFFFFFF  }
0xa7: {  	s28 =	simm.s32 $_size_execute0_lowered;
	s2 =	sadd.s32 s2, s4;
	[dreg:$0x0] =	wrdreg $0x0  }
0xa8: {  	s4 =	sshll.u32 s28, $0x1;
	[dreg:$0x2] =	wrdreg s2  }
0xa9: {  	[dreg:$0x3] =	wrdreg s4  }
0xaa: {  	[dreg:$0x4] =	wrdreg $0xC0  }
0xab: {  	_ =	task [dreg:s6], $0x5FFFF  }
0xac: {  	[dreg:$0x1] =	wrdreg $0xFFFFFFFF  }
0xad: {  	[dreg:$0x0] =	wrdreg $0x60  }
0xae: {  	[dreg:$0x2] =	wrdreg s24  }
0xaf: {  	[dreg:$0x3] =	wrdreg $0x174800  }
0xb0: {  	[dreg:$0x4] =	wrdreg $0x9  }
0xb1: {  	_ =	task.clear_ibuf [dreg:s6], $0x5FFFF;
	_ =	strace $0x90000049  }
0xb2: {  	s29 =	simm.s32 $0x9;
	_ =	strace $0x8000004B  }
0xb3: {  	_ =	swait.ge [sflag:s29], $0x1  }
0xb4: {  	[sflag:s29] =	ssyncadd.s32 $0xFFFFFFFF  }
0xb5: {  	_ =	strace $0x9000004B  }
0xb6: {  	_ =	sfence  }
0xb7: {  	s30 =	sld [smem:$0x0];
	_ =	sdelay $0x2  }
0xb8: {  	s31 =	sshll.u32 s1, $0xD;
	s1 =	sshrl.u32 s1, $0x2  }
0xb9: {  	s3 =	sand.u32 $0x4000, s31;
	s1 =	sadd.s32 s1, s30  }
0xba: {  	s0 =	sor.u32 s3, s0;
	s1 =	sshll.u32 s1, $0x11  }
0xbb: {  	s0 =	sor.u32 s1, s0  }
0xbc: {  	s0 =	sadd.s32 $0x8F2B, s0  }
0xbd: {  	[sflag:s0] =	ssyncadd.remote.s32 $0x1  }
0xbe: {  	_ =	sfence.sel $0xFFFF  }
0xbf: {  	[dreg:$0x0] =	wrdreg $0xFFFFFFFF;
	(pc) =	sbr.abs _section_cstart, $3  }
0xc0: {  	[dreg:$0x1] =	wrdreg $0xFFFFFFFF  }
0xc1: {  	_ =	task.clear_ibuf [dreg:s6], $0x2FFFF;
	_ =	strace $0x9FFFFFFF  }
0xc2: {  	(tm) =	ssettm $0x7FFFFFFF  }
0xc3: {  	_ =	shalt  }
tec
execute0_lowered:
.L_overlay_start_1:
0x0: {  	(tag) =	ssettag $0x1  }
0x1: {  	s0 =	srdreg.scid;
	s1 =	rddreg [dreg:$0x0]  }
0x2: {  	s8 =	stileid.u32;
	s2 =	rddreg [dreg:$0x1];
	s10 =	simm.s32 $0x1  }
0x3: {  	s11 =	simm.s32 $0x1400;
	s12 =	simm.s32 $0x7D;
	s14 =	simm.s32 $0x10630  }
0x4: {  	s15 =	simm.s32 $0x1000;
	s16 =	simm.s32 $0x10E00;
	s17 =	simm.s32 $0x1080  }
0x5: {  	s18 =	simm.s32 $0x115D0;
	s19 =	simm.s32 $0x1100;
	s20 =	simm.s32 $0x11DA0  }
0x6: {  	s21 =	simm.s32 $0x1180;
	s22 =	simm.s32 $0x12570;
	s23 =	simm.s32 $0x1200  }
0x7: {  	s24 =	simm.s32 $0x12D40;
	s25 =	simm.s32 $0x1280;
	s26 =	simm.s32 $0x13510  }
0x8: {  	s28 =	simm.s32 $0x1300;
	s29 =	simm.s32 $0x13CE0;
	s0 =	sand.u32 $0x1, s0  }
0x9: {  	s30 =	simm.s32 $0x1380;
	s31 =	simm.s32 $0x144B0;
	s3 =	sshll.u32 s0, $0x4  }
0xa: {  	s6 =	ssub.s32 $0x2, s0;
	p0 =	seq.s32 s0, $0x1;
	s0 =	simm.s32 $0x61A00  }
0xb: {  	s4 =	sor.u32 s8, s3;
	s3 =	simm.s32 $0x0;
	s8 =	smul.u32 $0x2800, s8  }
0xc: {  	s7 =	sshrl.u32 s6, $0x1;
	s0 =	simm.s32 @!p0 $0x5CA00;
	s5 =	smul.u32 $0x280, s4  }
0xd: {  	[smem:$0x7FF] =	sst s3;
	s4 =	smul.u32 $0x2710, s4;
	s7 =	ssub.s32 s6, s7  }
0xe: {  	s0 =	sadd.s32 s0, s1;
	_ =	strace $0x8000004A;
	s7 =	smax.u32 s7, $0x1  }
0xf: {  	s5 =	sadd.s32 s5, s1;
	s9 =	sadd.s32 s4, s1;
	s4 =	sadd.s32 s8, s2  }
0x10: {  	s8 =	sshrl.u32 s8, $0x3;
	s1 =	simm.s32 $0x0;
	s5 =	sadd.s32 $0x57A00, s5  }
0x11: {  	v0 =	vimm.f32 $0.0e+00;
	s6 =	sadd.s32 $0x9800, s9;
	s8 =	sadd.s32 s0, s8;
	s9 =	simm.s32 $0x14C80  }
.LBB2_1:
0x12: {  	s0 =	simm.s32 $0x40;
	s13 =	simm.s32 $0x0  }
.LBB2_2:
0x13: {  	p0 =	sne.s32 s0, $0x9FC0;
	[tilespmem:s13+$0x14C80] =	vst v0;
	s13 =	smov.u32 s0;
	s0 =	sadd.s32 $0x40, s0  }
.Ltmp0:
0x14: {  	(pc) =	sbr.rel @p0 .LBB2_2-.Ltmp0, $2  }
0x15: {  	_ =	sdelay $0x2  }
0x16: {  	s13 =	sshra.s32 s13, $0x2  }
0x17: {  	[tilespmem:s13+$0x14C80] =	vst v0  }
0x18: {  	[spmem:s4] =	stream.linear.scatter [tilespmem:s9], [sflag:$0x1], $0x2800, $0x38;
	[tilespmem:$0x19C80] =	vst v63  }
0x19: {  	_ =	swait.ge [sflag:s10], $0x2800  }
0x1a: {  	[sflag:s10] =	ssyncset.done $0x0  }
0x1b: {  	[sflag:s10] =	ssyncadd.s32 $0xFFFFD800  }
0x1c: {  	[bflag:$0x0] =	sbarrier.arrive $0xFFFF  }
0x1d: {  	[tilespmem:s3], [sflag:$0x1] =	stream.linear.gather [hbm4b:s5+s3], $0x1400, $0x38;
	[tilespmem:$0x19C80] =	vst v63  }
0x1e: {  	_ =	swait.ge [sflag:s10], $0x1400  }
0x1f: {  	[sflag:s10] =	ssyncset.done $0x0  }
0x20: {  	[sflag:s10] =	ssyncadd.s32 $0xFFFFEC00  }
0x21: {  	[tilespmem:s11], [sflag:$0x1] =	stream.linear.gather [hbm4b:s6+s3], $0x13880, $0x38;
	[tilespmem:$0x19C80] =	vst v63  }
0x22: {  	_ =	swait.ge [sflag:s10], $0x13880  }
0x23: {  	[sflag:s10] =	ssyncset.done $0x0  }
0x24: {  	[sflag:s10] =	ssyncadd.s32 $0xFFFEC780  }
0x25: {  	[spmem:s2] =	stream.indirect.scatter.add.f32 [tilespmem:s11], [sflag:$0x1], $0x10, s3, s12, $0xb8;
	[tilespmem:$0x19C80] =	vst v63  }
0x26: {  	_ =	swait.ge [sflag:s10], $0x7D0  }
0x27: {  	[sflag:s10] =	ssyncset.done $0x0  }
0x28: {  	s0 =	simm.s32 $0x80;
	s13 =	simm.s32 $0x1BD0;
	[sflag:s10] =	ssyncadd.s32 $0xFFFFF830  }
0x29: {  	[spmem:s2] =	stream.indirect.scatter.add.f32 [tilespmem:s13], [sflag:$0x1], $0x10, s0, s12, $0xb8;
	[tilespmem:$0x19C80] =	vst v63  }
0x2a: {  	_ =	swait.ge [sflag:s10], $0x7D0  }
0x2b: {  	[sflag:s10] =	ssyncset.done $0x0  }
0x2c: {  	s0 =	simm.s32 $0x100;
	s13 =	simm.s32 $0x23A0;
	[sflag:s10] =	ssyncadd.s32 $0xFFFFF830  }
0x2d: {  	[spmem:s2] =	stream.indirect.scatter.add.f32 [tilespmem:s13], [sflag:$0x1], $0x10, s0, s12, $0xb8;
	[tilespmem:$0x19C80] =	vst v63  }
0x2e: {  	_ =	swait.ge [sflag:s10], $0x7D0  }
0x2f: {  	[sflag:s10] =	ssyncset.done $0x0  }
0x30: {  	s0 =	simm.s32 $0x180;
	s13 =	simm.s32 $0x2B70;
	[sflag:s10] =	ssyncadd.s32 $0xFFFFF830  }
0x31: {  	[spmem:s2] =	stream.indirect.scatter.add.f32 [tilespmem:s13], [sflag:$0x1], $0x10, s0, s12, $0xb8;
	[tilespmem:$0x19C80] =	vst v63  }
0x32: {  	_ =	swait.ge [sflag:s10], $0x7D0  }
0x33: {  	[sflag:s10] =	ssyncset.done $0x0  }
0x34: {  	s0 =	simm.s32 $0x200;
	s13 =	simm.s32 $0x3340;
	[sflag:s10] =	ssyncadd.s32 $0xFFFFF830  }
0x35: {  	[spmem:s2] =	stream.indirect.scatter.add.f32 [tilespmem:s13], [sflag:$0x1], $0x10, s0, s12, $0xb8;
	[tilespmem:$0x19C80] =	vst v63  }
0x36: {  	_ =	swait.ge [sflag:s10], $0x7D0  }
0x37: {  	[sflag:s10] =	ssyncset.done $0x0  }
0x38: {  	s0 =	simm.s32 $0x280;
	s13 =	simm.s32 $0x3B10;
	[sflag:s10] =	ssyncadd.s32 $0xFFFFF830  }
0x39: {  	[spmem:s2] =	stream.indirect.scatter.add.f32 [tilespmem:s13], [sflag:$0x1], $0x10, s0, s12, $0xb8;
	[tilespmem:$0x19C80] =	vst v63  }
0x3a: {  	_ =	swait.ge [sflag:s10], $0x7D0  }
0x3b: {  	[sflag:s10] =	ssyncset.done $0x0  }
0x3c: {  	s0 =	simm.s32 $0x300;
	s13 =	simm.s32 $0x42E0;
	[sflag:s10] =	ssyncadd.s32 $0xFFFFF830  }
0x3d: {  	[spmem:s2] =	stream.indirect.scatter.add.f32 [tilespmem:s13], [sflag:$0x1], $0x10, s0, s12, $0xb8;
	[tilespmem:$0x19C80] =	vst v63  }
0x3e: {  	_ =	swait.ge [sflag:s10], $0x7D0  }
0x3f: {  	[sflag:s10] =	ssyncset.done $0x0  }
0x40: {  	s0 =	simm.s32 $0x380;
	s13 =	simm.s32 $0x4AB0;
	[sflag:s10] =	ssyncadd.s32 $0xFFFFF830  }
0x41: {  	[spmem:s2] =	stream.indirect.scatter.add.f32 [tilespmem:s13], [sflag:$0x1], $0x10, s0, s12, $0xb8;
	[tilespmem:$0x19C80] =	vst v63  }
0x42: {  	_ =	swait.ge [sflag:s10], $0x7D0  }
0x43: {  	[sflag:s10] =	ssyncset.done $0x0  }
0x44: {  	s0 =	simm.s32 $0x400;
	s13 =	simm.s32 $0x5280;
	[sflag:s10] =	ssyncadd.s32 $0xFFFFF830  }
0x45: {  	[spmem:s2] =	stream.indirect.scatter.add.f32 [tilespmem:s13], [sflag:$0x1], $0x10, s0, s12, $0xb8;
	[tilespmem:$0x19C80] =	vst v63  }
0x46: {  	_ =	swait.ge [sflag:s10], $0x7D0  }
0x47: {  	[sflag:s10] =	ssyncset.done $0x0  }
0x48: {  	s0 =	simm.s32 $0x480;
	s13 =	simm.s32 $0x5A50;
	[sflag:s10] =	ssyncadd.s32 $0xFFFFF830  }
0x49: {  	[spmem:s2] =	stream.indirect.scatter.add.f32 [tilespmem:s13], [sflag:$0x1], $0x10, s0, s12, $0xb8;
	[tilespmem:$0x19C80] =	vst v63  }
0x4a: {  	_ =	swait.ge [sflag:s10], $0x7D0  }
0x4b: {  	[sflag:s10] =	ssyncset.done $0x0  }
0x4c: {  	s0 =	simm.s32 $0x500;
	s13 =	simm.s32 $0x6220;
	[sflag:s10] =	ssyncadd.s32 $0xFFFFF830  }
0x4d: {  	[spmem:s2] =	stream.indirect.scatter.add.f32 [tilespmem:s13], [sflag:$0x1], $0x10, s0, s12, $0xb8;
	[tilespmem:$0x19C80] =	vst v63  }
0x4e: {  	_ =	swait.ge [sflag:s10], $0x7D0  }
0x4f: {  	[sflag:s10] =	ssyncset.done $0x0  }
0x50: {  	s0 =	simm.s32 $0x580;
	s13 =	simm.s32 $0x69F0;
	[sflag:s10] =	ssyncadd.s32 $0xFFFFF830  }
0x51: {  	[spmem:s2] =	stream.indirect.scatter.add.f32 [tilespmem:s13], [sflag:$0x1], $0x10, s0, s12, $0xb8;
	[tilespmem:$0x19C80] =	vst v63  }
0x52: {  	_ =	swait.ge [sflag:s10], $0x7D0  }
0x53: {  	[sflag:s10] =	ssyncset.done $0x0  }
0x54: {  	s0 =	simm.s32 $0x600;
	s13 =	simm.s32 $0x71C0;
	[sflag:s10] =	ssyncadd.s32 $0xFFFFF830  }
0x55: {  	[spmem:s2] =	stream.indirect.scatter.add.f32 [tilespmem:s13], [sflag:$0x1], $0x10, s0, s12, $0xb8;
	[tilespmem:$0x19C80] =	vst v63  }
0x56: {  	_ =	swait.ge [sflag:s10], $0x7D0  }
0x57: {  	[sflag:s10] =	ssyncset.done $0x0  }
0x58: {  	s0 =	simm.s32 $0x680;
	s13 =	simm.s32 $0x7990;
	[sflag:s10] =	ssyncadd.s32 $0xFFFFF830  }
0x59: {  	[spmem:s2] =	stream.indirect.scatter.add.f32 [tilespmem:s13], [sflag:$0x1], $0x10, s0, s12, $0xb8;
	[tilespmem:$0x19C80] =	vst v63  }
0x5a: {  	_ =	swait.ge [sflag:s10], $0x7D0  }
0x5b: {  	[sflag:s10] =	ssyncset.done $0x0  }
0x5c: {  	s0 =	simm.s32 $0x700;
	s13 =	simm.s32 $0x8160;
	[sflag:s10] =	ssyncadd.s32 $0xFFFFF830  }
0x5d: {  	[spmem:s2] =	stream.indirect.scatter.add.f32 [tilespmem:s13], [sflag:$0x1], $0x10, s0, s12, $0xb8;
	[tilespmem:$0x19C80] =	vst v63  }
0x5e: {  	_ =	swait.ge [sflag:s10], $0x7D0  }
0x5f: {  	[sflag:s10] =	ssyncset.done $0x0  }
0x60: {  	s0 =	simm.s32 $0x780;
	s13 =	simm.s32 $0x8930;
	[sflag:s10] =	ssyncadd.s32 $0xFFFFF830  }
0x61: {  	[spmem:s2] =	stream.indirect.scatter.add.f32 [tilespmem:s13], [sflag:$0x1], $0x10, s0, s12, $0xb8;
	[tilespmem:$0x19C80] =	vst v63  }
0x62: {  	_ =	swait.ge [sflag:s10], $0x7D0  }
0x63: {  	[sflag:s10] =	ssyncset.done $0x0  }
0x64: {  	s0 =	simm.s32 $0x800;
	s13 =	simm.s32 $0x9100;
	[sflag:s10] =	ssyncadd.s32 $0xFFFFF830  }
0x65: {  	[spmem:s2] =	stream.indirect.scatter.add.f32 [tilespmem:s13], [sflag:$0x1], $0x10, s0, s12, $0xb8;
	[tilespmem:$0x19C80] =	vst v63  }
0x66: {  	_ =	swait.ge [sflag:s10], $0x7D0  }
0x67: {  	[sflag:s10] =	ssyncset.done $0x0  }
0x68: {  	s0 =	simm.s32 $0x880;
	s13 =	simm.s32 $0x98D0;
	[sflag:s10] =	ssyncadd.s32 $0xFFFFF830  }
0x69: {  	[spmem:s2] =	stream.indirect.scatter.add.f32 [tilespmem:s13], [sflag:$0x1], $0x10, s0, s12, $0xb8;
	[tilespmem:$0x19C80] =	vst v63  }
0x6a: {  	_ =	swait.ge [sflag:s10], $0x7D0  }
0x6b: {  	[sflag:s10] =	ssyncset.done $0x0  }
0x6c: {  	s0 =	simm.s32 $0x900;
	s13 =	simm.s32 $0xA0A0;
	[sflag:s10] =	ssyncadd.s32 $0xFFFFF830  }
0x6d: {  	[spmem:s2] =	stream.indirect.scatter.add.f32 [tilespmem:s13], [sflag:$0x1], $0x10, s0, s12, $0xb8;
	[tilespmem:$0x19C80] =	vst v63  }
0x6e: {  	_ =	swait.ge [sflag:s10], $0x7D0  }
0x6f: {  	[sflag:s10] =	ssyncset.done $0x0  }
0x70: {  	s0 =	simm.s32 $0x980;
	s13 =	simm.s32 $0xA870;
	[sflag:s10] =	ssyncadd.s32 $0xFFFFF830  }
0x71: {  	[spmem:s2] =	stream.indirect.scatter.add.f32 [tilespmem:s13], [sflag:$0x1], $0x10, s0, s12, $0xb8;
	[tilespmem:$0x19C80] =	vst v63  }
0x72: {  	_ =	swait.ge [sflag:s10], $0x7D0  }
0x73: {  	[sflag:s10] =	ssyncset.done $0x0  }
0x74: {  	s0 =	simm.s32 $0xA00;
	s13 =	simm.s32 $0xB040;
	[sflag:s10] =	ssyncadd.s32 $0xFFFFF830  }
0x75: {  	[spmem:s2] =	stream.indirect.scatter.add.f32 [tilespmem:s13], [sflag:$0x1], $0x10, s0, s12, $0xb8;
	[tilespmem:$0x19C80] =	vst v63  }
0x76: {  	_ =	swait.ge [sflag:s10], $0x7D0  }
0x77: {  	[sflag:s10] =	ssyncset.done $0x0  }
0x78: {  	s0 =	simm.s32 $0xA80;
	s13 =	simm.s32 $0xB810;
	[sflag:s10] =	ssyncadd.s32 $0xFFFFF830  }
0x79: {  	[spmem:s2] =	stream.indirect.scatter.add.f32 [tilespmem:s13], [sflag:$0x1], $0x10, s0, s12, $0xb8;
	[tilespmem:$0x19C80] =	vst v63  }
0x7a: {  	_ =	swait.ge [sflag:s10], $0x7D0  }
0x7b: {  	[sflag:s10] =	ssyncset.done $0x0  }
0x7c: {  	s0 =	simm.s32 $0xB00;
	s13 =	simm.s32 $0xBFE0;
	[sflag:s10] =	ssyncadd.s32 $0xFFFFF830  }
0x7d: {  	[spmem:s2] =	stream.indirect.scatter.add.f32 [tilespmem:s13], [sflag:$0x1], $0x10, s0, s12, $0xb8;
	[tilespmem:$0x19C80] =	vst v63  }
0x7e: {  	_ =	swait.ge [sflag:s10], $0x7D0  }
0x7f: {  	[sflag:s10] =	ssyncset.done $0x0  }
0x80: {  	s0 =	simm.s32 $0xB80;
	s13 =	simm.s32 $0xC7B0;
	[sflag:s10] =	ssyncadd.s32 $0xFFFFF830  }
0x81: {  	[spmem:s2] =	stream.indirect.scatter.add.f32 [tilespmem:s13], [sflag:$0x1], $0x10, s0, s12, $0xb8;
	[tilespmem:$0x19C80] =	vst v63  }
0x82: {  	_ =	swait.ge [sflag:s10], $0x7D0  }
0x83: {  	[sflag:s10] =	ssyncset.done $0x0  }
0x84: {  	s0 =	simm.s32 $0xC00;
	s13 =	simm.s32 $0xCF80;
	[sflag:s10] =	ssyncadd.s32 $0xFFFFF830  }
0x85: {  	[spmem:s2] =	stream.indirect.scatter.add.f32 [tilespmem:s13], [sflag:$0x1], $0x10, s0, s12, $0xb8;
	[tilespmem:$0x19C80] =	vst v63  }
0x86: {  	_ =	swait.ge [sflag:s10], $0x7D0  }
0x87: {  	[sflag:s10] =	ssyncset.done $0x0  }
0x88: {  	s0 =	simm.s32 $0xC80;
	s13 =	simm.s32 $0xD750;
	[sflag:s10] =	ssyncadd.s32 $0xFFFFF830  }
0x89: {  	[spmem:s2] =	stream.indirect.scatter.add.f32 [tilespmem:s13], [sflag:$0x1], $0x10, s0, s12, $0xb8;
	[tilespmem:$0x19C80] =	vst v63  }
0x8a: {  	_ =	swait.ge [sflag:s10], $0x7D0  }
0x8b: {  	[sflag:s10] =	ssyncset.done $0x0  }
0x8c: {  	s0 =	simm.s32 $0xD00;
	s13 =	simm.s32 $0xDF20;
	[sflag:s10] =	ssyncadd.s32 $0xFFFFF830  }
0x8d: {  	[spmem:s2] =	stream.indirect.scatter.add.f32 [tilespmem:s13], [sflag:$0x1], $0x10, s0, s12, $0xb8;
	[tilespmem:$0x19C80] =	vst v63  }
0x8e: {  	_ =	swait.ge [sflag:s10], $0x7D0  }
0x8f: {  	[sflag:s10] =	ssyncset.done $0x0  }
0x90: {  	s0 =	simm.s32 $0xD80;
	s13 =	simm.s32 $0xE6F0;
	[sflag:s10] =	ssyncadd.s32 $0xFFFFF830  }
0x91: {  	[spmem:s2] =	stream.indirect.scatter.add.f32 [tilespmem:s13], [sflag:$0x1], $0x10, s0, s12, $0xb8;
	[tilespmem:$0x19C80] =	vst v63  }
0x92: {  	_ =	swait.ge [sflag:s10], $0x7D0  }
0x93: {  	[sflag:s10] =	ssyncset.done $0x0  }
0x94: {  	s0 =	simm.s32 $0xE00;
	s13 =	simm.s32 $0xEEC0;
	[sflag:s10] =	ssyncadd.s32 $0xFFFFF830  }
0x95: {  	[spmem:s2] =	stream.indirect.scatter.add.f32 [tilespmem:s13], [sflag:$0x1], $0x10, s0, s12, $0xb8;
	[tilespmem:$0x19C80] =	vst v63  }
0x96: {  	_ =	swait.ge [sflag:s10], $0x7D0  }
0x97: {  	[sflag:s10] =	ssyncset.done $0x0  }
0x98: {  	s0 =	simm.s32 $0xE80;
	s13 =	simm.s32 $0xF690;
	[sflag:s10] =	ssyncadd.s32 $0xFFFFF830  }
0x99: {  	[spmem:s2] =	stream.indirect.scatter.add.f32 [tilespmem:s13], [sflag:$0x1], $0x10, s0, s12, $0xb8;
	[tilespmem:$0x19C80] =	vst v63  }
0x9a: {  	_ =	swait.ge [sflag:s10], $0x7D0  }
0x9b: {  	[sflag:s10] =	ssyncset.done $0x0  }
0x9c: {  	s0 =	simm.s32 $0xF00;
	s13 =	simm.s32 $0xFE60;
	[sflag:s10] =	ssyncadd.s32 $0xFFFFF830  }
0x9d: {  	[spmem:s2] =	stream.indirect.scatter.add.f32 [tilespmem:s13], [sflag:$0x1], $0x10, s0, s12, $0xb8;
	[tilespmem:$0x19C80] =	vst v63  }
0x9e: {  	_ =	swait.ge [sflag:s10], $0x7D0  }
0x9f: {  	[sflag:s10] =	ssyncset.done $0x0  }
0xa0: {  	s13 =	simm.s32 $0xF80;
	[sflag:s10] =	ssyncadd.s32 $0xFFFFF830  }
0xa1: {  	[spmem:s2] =	stream.indirect.scatter.add.f32 [tilespmem:s14], [sflag:$0x1], $0x10, s13, s12, $0xb8;
	[tilespmem:$0x19C80] =	vst v63  }
0xa2: {  	_ =	swait.ge [sflag:s10], $0x7D0  }
0xa3: {  	[sflag:s10] =	ssyncset.done $0x0  }
0xa4: {  	[sflag:s10] =	ssyncadd.s32 $0xFFFFF830  }
0xa5: {  	[spmem:s2] =	stream.indirect.scatter.add.f32 [tilespmem:s16], [sflag:$0x1], $0x10, s15, s12, $0xb8;
	[tilespmem:$0x19C80] =	vst v63  }
0xa6: {  	_ =	swait.ge [sflag:s10], $0x7D0  }
0xa7: {  	[sflag:s10] =	ssyncset.done $0x0  }
0xa8: {  	[sflag:s10] =	ssyncadd.s32 $0xFFFFF830  }
0xa9: {  	[spmem:s2] =	stream.indirect.scatter.add.f32 [tilespmem:s18], [sflag:$0x1], $0x10, s17, s12, $0xb8;
	[tilespmem:$0x19C80] =	vst v63  }
0xaa: {  	_ =	swait.ge [sflag:s10], $0x7D0  }
0xab: {  	[sflag:s10] =	ssyncset.done $0x0  }
0xac: {  	[sflag:s10] =	ssyncadd.s32 $0xFFFFF830  }
0xad: {  	[spmem:s2] =	stream.indirect.scatter.add.f32 [tilespmem:s20], [sflag:$0x1], $0x10, s19, s12, $0xb8;
	[tilespmem:$0x19C80] =	vst v63  }
0xae: {  	_ =	swait.ge [sflag:s10], $0x7D0  }
0xaf: {  	[sflag:s10] =	ssyncset.done $0x0  }
0xb0: {  	[sflag:s10] =	ssyncadd.s32 $0xFFFFF830  }
0xb1: {  	[spmem:s2] =	stream.indirect.scatter.add.f32 [tilespmem:s22], [sflag:$0x1], $0x10, s21, s12, $0xb8;
	[tilespmem:$0x19C80] =	vst v63  }
0xb2: {  	_ =	swait.ge [sflag:s10], $0x7D0  }
0xb3: {  	[sflag:s10] =	ssyncset.done $0x0  }
0xb4: {  	[sflag:s10] =	ssyncadd.s32 $0xFFFFF830  }
0xb5: {  	[spmem:s2] =	stream.indirect.scatter.add.f32 [tilespmem:s24], [sflag:$0x1], $0x10, s23, s12, $0xb8;
	[tilespmem:$0x19C80] =	vst v63  }
0xb6: {  	_ =	swait.ge [sflag:s10], $0x7D0  }
0xb7: {  	[sflag:s10] =	ssyncset.done $0x0  }
0xb8: {  	[sflag:s10] =	ssyncadd.s32 $0xFFFFF830  }
0xb9: {  	[spmem:s2] =	stream.indirect.scatter.add.f32 [tilespmem:s26], [sflag:$0x1], $0x10, s25, s12, $0xb8;
	[tilespmem:$0x19C80] =	vst v63  }
0xba: {  	_ =	swait.ge [sflag:s10], $0x7D0  }
0xbb: {  	[sflag:s10] =	ssyncset.done $0x0  }
0xbc: {  	[sflag:s10] =	ssyncadd.s32 $0xFFFFF830  }
0xbd: {  	[spmem:s2] =	stream.indirect.scatter.add.f32 [tilespmem:s29], [sflag:$0x1], $0x10, s28, s12, $0xb8;
	[tilespmem:$0x19C80] =	vst v63  }
0xbe: {  	_ =	swait.ge [sflag:s10], $0x7D0  }
0xbf: {  	[sflag:s10] =	ssyncset.done $0x0  }
0xc0: {  	[sflag:s10] =	ssyncadd.s32 $0xFFFFF830  }
0xc1: {  	[spmem:s2] =	stream.indirect.scatter.add.f32 [tilespmem:s31], [sflag:$0x1], $0x10, s30, s12, $0xb8;
	[tilespmem:$0x19C80] =	vst v63  }
0xc2: {  	_ =	swait.ge [sflag:s10], $0x7D0  }
0xc3: {  	[sflag:s10] =	ssyncset.done $0x0  }
0xc4: {  	[sflag:s10] =	ssyncadd.s32 $0xFFFFF830  }
0xc5: {  	[bflag:$0x0] =	sbarrier.arrive $0xFFFF  }
0xc6: {  	[tilespmem:s9], [sflag:$0x1] =	stream.linear.gather [spmem:s4], $0x2800, $0x38;
	[tilespmem:$0x19C80] =	vst v63  }
0xc7: {  	s1 =	sadd.s32 $0x1, s1;
	_ =	swait.ge [sflag:s10], $0x2800  }
0xc8: {  	p0 =	sne.s32 s1, s7;
	[sflag:s10] =	ssyncset.done $0x0  }
.Ltmp1:
0xc9: {  	[sflag:s10] =	ssyncadd.s32 $0xFFFFD800;
	(pc) =	sbr.rel @p0 .LBB2_1-.Ltmp1, $4  }
0xca: {  	[hbm4b:s8+s3] =	stream.linear.scatter [tilespmem:s9], [sflag:$0x1], $0x2800, $0x38;
	[tilespmem:$0x19C80] =	vst v63  }
0xcb: {  	_ =	swait.ge [sflag:s10], $0x2800  }
0xcc: {  	[sflag:s10] =	ssyncset.done $0x0  }
0xcd: {  	[sflag:s10] =	ssyncadd.s32 $0xFFFFD800  }
0xce: {  	_ =	sfence.sel $0x180000  }
0xcf: {  	[bflag:$0x0] =	sbarrier.arrive $0xFFFF  }
0xd0: {  	_ =	strace $0x9000004A  }
0xd1: {  	s0 =	stileid.u32;
	[bflag:$0x2] =	sbarrier.arrive $0xFFFF  }
0xd2: {  	p0 =	sne.s32 s0, $0x0;
	s0 =	rddreg [dreg:$0x2]  }
0xd3: {  	s0 =	sadd.s32 @!p0 $0x100000, s0  }
0xd4: {  	[sflag:s0] =	ssyncadd.tile.s32 @!p0 $0x1;
	_ =	shalt  }
.Lfunc_end2:
_tile_overlayer_lowered:
.L_overlay_start_2:
0xd5: {  	(tag) =	ssettag $0x2  }
0xd6: {  	s0 =	rddreg [dreg:$0x0];
	s2 =	stileid.u32  }
0xd7: {  	s1 =	rddreg [dreg:$0x1];
	p0 =	sne.s32 s2, $0x0  }
0xd8: {  	s3 =	rddreg [dreg:$0x2];
	[bflag:$0x3] =	sbarrier.arrive $0xFFFF;
	s2 =	simm.s32 @!p0 $0x1C01  }
0xd9: {  	[timem:s3], [sflag:s2] =	dma.local @!p0 [hbm:s0], s1  }
0xda: {  	s0 =	simm.s32 @!p0 $0x1  }
0xdb: {  	_ =	swait.ge @!p0 [sflag:s0], s1  }
0xdc: {  	s1 =	ssub.s32 @!p0 $0x0, s1;
	[sflag:s0] =	ssyncset.done @!p0 $0x0  }
0xdd: {  	[sflag:s0] =	ssyncadd.s32 @!p0 s1  }
0xde: {  	[bflag:$0x3] =	sbarrier.arrive $0xFFFF  }
0xdf: {  	_ =	shalt  }

// kernel: kernel.19.cloned.1.call-start
scs
__scs_entry_jumppad:
0x0: {  	(pc) =	sbr.rel $0x88, $3  }
0x1: {  	(tag) =	ssettag $0x0;
	lr =	simm.s32 $0x1  }
0x2: {  	[smem:$0x3F95] =	sst lr;
	_ =	strace $0xD0000000  }
0x3: {  	_ = 	snop  }
0x4: {  	_ = 	snop  }
0x5: {  	_ = 	snop  }
0x6: {  	_ = 	snop  }
0x7: {  	_ = 	snop  }
__scs_overlays_trampoline_lowered:
0x8: {  	[smem:$0x3FA4] =	sst s0  }
0x9: {  	[smem:$0x3FA5] =	sst s1  }
0xa: {  	[smem:$0x3FA6] =	sst s2  }
0xb: {  	[smem:$0x3FA7] =	sst s3  }
0xc: {  	[smem:$0x3FA8] =	sst s4  }
0xd: {  	[smem:$0x3FA9] =	sst s5  }
0xe: {  	[smem:$0x3FAA] =	sst s6  }
0xf: {  	[smem:$0x3FAB] =	sst s7  }
0x10: {  	[smem:$0x3FAC] =	sst s8  }
0x11: {  	[smem:$0x3FAD] =	sst s9;
	s0 =	simm.s32 @!p0 $0x0  }
0x12: {  	s1 =	sld [smem:$0x3F93];
	s0 =	simm.s32 @p0 $0x1  }
0x13: {  	[smem:$0x3FAE] =	sst s0;
	s0 =	simm.s32 @!p1 $0x0  }
0x14: {  	s2 =	sld [smem:$0x3F92];
	s0 =	simm.s32 @p1 $0x1  }
0x15: {  	[smem:$0x3FAF] =	sst s0;
	s0 =	simm.s32 @!p2 $0x0  }
0x16: {  	s3 =	sld [smem:$0x3FDB];
	s0 =	simm.s32 @p2 $0x1  }
0x17: {  	s4 =	simm.s32 $0x1BF5;
	[smem:$0x3FB1] =	sst s0  }
0x18: {  	s0 =	sld [smem:$0x3F94];
	_ =	swait.ge [sflag:s4], $0x0  }
0x19: {  	s7 =	sld [smem:$0x3F95]  }
0x1a: {  	s8 =	sadd.s32 $0xFFFFE003, lr  }
0x1b: {  	s9 =	sadd.s32 $0xFFFFFEF7, lr;
	s5 =	simm.s32 $0xFFFFFFFF;
	p2 =	slt.u32 s8, $0xFFFFF086  }
0x1c: {  	p1 =	slt.u32 s9, $0xF7A;
	s5 =	simm.s32 @!p2 $0x0  }
0x1d: {  	s5 =	simm.s32 @p1 $0x1;
	p0 =	seq.s32 s7, s2  }
0x1e: {  	s7 =	smul.u32 @!p0 $0xF7A, s2;
	p2 =	seq.s32 @!p0 s5, $0x0  }
0x1f: {  	s9 =	smul.u32 $0xF7A, s1;
	s8 =	simm.s32 @!p0 $0x1BF5;
	p2 =	por !p2, p0  }
0x20: {  	[sflag:s8] =	ssyncset.s32 @!p0 $0xFFFFF086;
	s6 =	sadd.s32 @!p0 s3, s7;
	s7 =	simm.s32 @!p0 $0x108  }
0x21: {  	s3 =	sadd.s32 s3, s9;
	s6 =	sadd.s32 @!p0 $0x88, s6;
	s7 =	simm.s32 @p2 $0x1082  }
0x22: {  	[simem:s7], [sflag:s8] =	dma.local @!p0 [hbm:s6], $0xF7A  }
0x23: {  	s9 =	sor.u32 $0xD0000000, s2;
	s6 =	simm.s32 $0x108;
	_ =	swait.ge @!p0 [sflag:s8], $0x0  }
0x24: {  	s3 =	sadd.s32 $0x88, s3;
	s6 =	simm.s32 @!p1 $0x1082;
	[sflag:s4] =	ssyncset.s32 $0xFFFFF086  }
0x25: {  	[simem:s6], [sflag:s4] =	dma.local [hbm:s3], $0xF7A  }
0x26: {  	[smem:$0x3F95] =	sst s1;
	(tag) =	ssettag s2;
	_ =	strace s9  }
0x27: {  	s1 =	sld [smem:$0x3FA5]  }
0x28: {  	s2 =	sld [smem:$0x3FA6]  }
0x29: {  	s4 =	sld [smem:$0x3FA8]  }
0x2a: {  	p0 =	seq.s32 s5, $0x0;
	s5 =	sld [smem:$0x3FA9]  }
0x2b: {  	s6 =	sld [smem:$0x3FAA]  }
0x2c: {  	s7 =	sld [smem:$0x3FAB]  }
0x2d: {  	s3 =	simm.s32 $0x108;
	s8 =	sld [smem:$0x3FAC]  }
0x2e: {  	s3 =	simm.s32 @!p0 $0x1082;
	s9 =	sld [smem:$0x3FAD]  }
0x2f: {  	lr =	sadd.s32 s0, s3;
	s0 =	sld [smem:$0x3FA4]  }
0x30: {  	s3 =	sld [smem:$0x3FA7]  }
0x31: {  	[smem:$0x3FB0] =	sst s10  }
0x32: {  	s10 =	sld [smem:$0x3FAE];
	_ =	sdelay $0x3  }
0x33: {  	p0 =	seq.s32 s10, $0x1;
	s10 =	sld [smem:$0x3FB0];
	_ =	sdelay $0x3  }
0x34: {  	[smem:$0x3FB0] =	sst s10  }
0x35: {  	s10 =	sld [smem:$0x3FAF];
	_ =	sdelay $0x3  }
0x36: {  	p1 =	seq.s32 s10, $0x1;
	s10 =	sld [smem:$0x3FB0];
	_ =	sdelay $0x3  }
0x37: {  	[smem:$0x3FB0] =	sst s10  }
0x38: {  	s10 =	sld [smem:$0x3FB1]  }
0x39: {  	_ = 	snop;
	(pc) =	sbr.ind lr, $3  }
0x3a: {  	_ = 	snop  }
0x3b: {  	_ = 	snop  }
0x3c: {  	p2 =	seq.s32 s10, $0x1;
	s10 =	sld [smem:$0x3FB0]  }
0x3d: {  	_ =	shalt  }
0x3e: {  	_ =	shalt  }
0x3f: {  	_ =	shalt  }
0x40: {  	_ =	shalt  }
0x41: {  	_ =	shalt  }
0x42: {  	_ =	shalt  }
0x43: {  	_ =	shalt  }
0x44: {  	_ =	shalt  }
0x45: {  	_ =	shalt  }
0x46: {  	_ =	shalt  }
0x47: {  	_ =	shalt  }
0x48: {  	_ =	shalt  }
0x49: {  	_ =	shalt  }
0x4a: {  	_ =	shalt  }
0x4b: {  	_ =	shalt  }
0x4c: {  	_ =	shalt  }
0x4d: {  	_ =	shalt  }
0x4e: {  	_ =	shalt  }
0x4f: {  	_ =	shalt  }
0x50: {  	_ =	shalt  }
0x51: {  	_ =	shalt  }
0x52: {  	_ =	shalt  }
0x53: {  	_ =	shalt  }
0x54: {  	_ =	shalt  }
0x55: {  	_ =	shalt  }
0x56: {  	_ =	shalt  }
0x57: {  	_ =	shalt  }
0x58: {  	_ =	shalt  }
0x59: {  	_ =	shalt  }
0x5a: {  	_ =	shalt  }
0x5b: {  	_ =	shalt  }
0x5c: {  	_ =	shalt  }
0x5d: {  	_ =	shalt  }
0x5e: {  	_ =	shalt  }
0x5f: {  	_ =	shalt  }
0x60: {  	_ =	shalt  }
0x61: {  	_ =	shalt  }
0x62: {  	_ =	shalt  }
0x63: {  	_ =	shalt  }
0x64: {  	_ =	shalt  }
0x65: {  	_ =	shalt  }
0x66: {  	_ =	shalt  }
0x67: {  	_ =	shalt  }
0x68: {  	_ =	shalt  }
0x69: {  	_ =	shalt  }
0x6a: {  	_ =	shalt  }
0x6b: {  	_ =	shalt  }
0x6c: {  	_ =	shalt  }
0x6d: {  	_ =	shalt  }
0x6e: {  	_ =	shalt  }
0x6f: {  	_ =	shalt  }
0x70: {  	_ =	shalt  }
0x71: {  	_ =	shalt  }
0x72: {  	_ =	shalt  }
0x73: {  	_ =	shalt  }
0x74: {  	_ =	shalt  }
0x75: {  	_ =	shalt  }
0x76: {  	_ =	shalt  }
0x77: {  	_ =	shalt  }
0x78: {  	_ =	shalt  }
0x79: {  	_ =	shalt  }
0x7a: {  	_ =	shalt  }
0x7b: {  	_ =	shalt  }
0x7c: {  	_ =	shalt  }
0x7d: {  	_ =	shalt  }
0x7e: {  	_ =	shalt  }
0x7f: {  	_ =	shalt  }
0x80: {  	_ =	shalt  }
0x81: {  	_ =	shalt  }
0x82: {  	_ =	shalt  }
0x83: {  	_ =	shalt  }
0x84: {  	_ =	shalt  }
0x85: {  	_ =	shalt  }
0x86: {  	_ =	shalt  }
0x87: {  	_ =	shalt  }
.Lfunc_end0:
.L_simem_size_0:
called_computation.2_lowered:
.L_overlay_start_0:
0x88: {  	s2 =	sld [smem:$0x3FD9]  }
0x89: {  	s3 =	sld [smem:$0x3FFE];
	_ =	sdelay $0x1  }
0x8a: {  	s1 =	srdreg.scid  }
0x8b: {  	s0 =	sand.u32 $0x1, s1  }
0x8c: {  	s16 =	sshll.u32 s0, $0xA;
	s2 =	sadd.s32 s3, s2  }
0x8d: {  	s2 =	sadd.s32 s2, s16  }
0x8e: {  	[smem:$0x3FBC] =	sst s2  }
0x8f: {  	_ = 	snop  }
0x90: {  	(tm) =	ssettm $0x1  }
0x91: {  	s17 =	sld [smem:$0x3FFB];
	_ =	sdelay $0x3  }
0x92: {  	_ =	strace s17  }
0x93: {  	s2 =	sld [smem:$0x3FFC];
	_ =	sdelay $0x3  }
0x94: {  	_ =	strace s2  }
0x95: {  	s2 =	sld [smem:$0x3FFD];
	_ =	sdelay $0x3  }
0x96: {  	_ =	strace s2  }
0x97: {  	_ =	strace $0x8FFFFFFF  }
0x98: {  	s18 =	sld [smem:$0x3FDB];
	_ =	sdelay $0x1  }
0x99: {  	s19 =	simm.s32 $_scs_section_size  }
0x9a: {  	s4 =	simm.s32 $_size__tile_overlayer_lowered;
	s5 =	simm.s32 $_tile_overlayer_lowered  }
0x9b: {  	s22 =	simm.s32 $0x1BFF;
	s21 =	sshll.u32 s5, $0x1;
	s2 =	sadd.s32 s19, s18  }
0x9c: {  	s6 =	simm.s32 $0x0;
	s20 =	sshll.u32 s4, $0x1;
	s4 =	sadd.s32 s21, s2  }
0x9d: {  	[timem:s6], [sflag:s22] =	dma.local [hbm:s4], s20  }
0x9e: {  	_ =	swait.ge [sflag:s22], s20  }
0x9f: {  	s3 =	ssub.s32 $0x0, s20;
	[sflag:s22] =	ssyncset.done $0x0  }
0xa0: {  	[sflag:s22] =	ssyncadd.s32 s3;
	_ =	sdelay $0x1  }
0xa1: {  	s23 =	simm.s32 $0x1B8B  }
0xa2: {  	_ =	swait.ge [sflag:s23], $0x1  }
0xa3: {  	[sflag:s23] =	ssyncset.done $0x0  }
0xa4: {  	s25 =	simm.s32 $0x1B8E;
	s24 =	sld [smem:$0x3FFE];
	[sflag:s23] =	ssyncadd.s32 $0xFFFFFFFF  }
0xa5: {  	s26 =	simm.s32 $execute0_lowered;
	[smem:$0x3FD2] =	sst s25  }
0xa6: {  	s4 =	sshll.u32 s26, $0x1;
	_ =	strace $0x8000004C;
	[dreg:$0x1] =	wrdreg $0xFFFFFFFF  }
0xa7: {  	s28 =	simm.s32 $_size_execute0_lowered;
	s2 =	sadd.s32 s2, s4;
	[dreg:$0x0] =	wrdreg $0x0  }
0xa8: {  	s4 =	sshll.u32 s28, $0x1;
	[dreg:$0x2] =	wrdreg s2  }
0xa9: {  	[dreg:$0x3] =	wrdreg s4  }
0xaa: {  	[dreg:$0x4] =	wrdreg $0xC0  }
0xab: {  	_ =	task [dreg:s6], $0x5FFFF  }
0xac: {  	[dreg:$0x1] =	wrdreg $0xFFFFFFFF  }
0xad: {  	[dreg:$0x0] =	wrdreg $0x60  }
0xae: {  	[dreg:$0x2] =	wrdreg s24  }
0xaf: {  	[dreg:$0x3] =	wrdreg $0x9  }
0xb0: {  	_ =	task.clear_ibuf [dreg:s6], $0x4FFFF;
	_ =	strace $0x9000004C  }
0xb1: {  	s29 =	simm.s32 $0x9;
	_ =	strace $0x8000004E  }
0xb2: {  	_ =	swait.ge [sflag:s29], $0x1  }
0xb3: {  	[sflag:s29] =	ssyncadd.s32 $0xFFFFFFFF  }
0xb4: {  	_ =	strace $0x9000004E  }
0xb5: {  	_ =	sfence  }
0xb6: {  	s30 =	sld [smem:$0x0];
	_ =	sdelay $0x2  }
0xb7: {  	s31 =	sshll.u32 s1, $0xD;
	s1 =	sshrl.u32 s1, $0x2  }
0xb8: {  	s3 =	sand.u32 $0x4000, s31;
	s1 =	sadd.s32 s1, s30  }
0xb9: {  	s0 =	sor.u32 s3, s0;
	s1 =	sshll.u32 s1, $0x11  }
0xba: {  	s0 =	sor.u32 s1, s0  }
0xbb: {  	s0 =	sadd.s32 $0x8F2B, s0  }
0xbc: {  	[sflag:s0] =	ssyncadd.remote.s32 $0x1  }
0xbd: {  	_ =	sfence.sel $0xFFFF  }
0xbe: {  	[dreg:$0x0] =	wrdreg $0xFFFFFFFF;
	(pc) =	sbr.abs _section_cstart, $3  }
0xbf: {  	[dreg:$0x1] =	wrdreg $0xFFFFFFFF  }
0xc0: {  	_ =	task.clear_ibuf [dreg:s6], $0x2FFFF;
	_ =	strace $0x9FFFFFFF  }
0xc1: {  	(tm) =	ssettm $0x7FFFFFFF  }
tec
execute0_lowered:
.L_overlay_start_1:
0x0: {  	(tag) =	ssettag $0x1  }
0x1: {  	s0 =	srdreg.scid  }
0x2: {  	s4 =	rddreg [dreg:$0x0];
	s30 =	stileid.u32  }
0x3: {  	s2 =	simm.s32 $0x0;
	s11 =	simm.s32 $0x1BD0;
	s10 =	simm.s32 $0x7D  }
0x4: {  	s12 =	simm.s32 $0x5A50;
	s13 =	simm.s32 $0x23A0;
	s14 =	simm.s32 $0x2B70  }
0x5: {  	s15 =	simm.s32 $0x69F0;
	s16 =	simm.s32 $0x3340;
	s17 =	simm.s32 $0x71C0  }
0x6: {  	s18 =	simm.s32 $0x3B10;
	s19 =	simm.s32 $0x7990;
	s20 =	simm.s32 $0x42E0  }
0x7: {  	s21 =	simm.s32 $0x8160;
	s22 =	simm.s32 $0x4AB0;
	s23 =	simm.s32 $0x8930  }
0x8: {  	s24 =	simm.s32 $0x1;
	s25 =	simm.s32 $0x0;
	s3 =	sand.u32 $0x1, s0  }
0x9: {  	[smem:$0x7FF] =	sst s2;
	s8 =	smul.u32 $0x2710, s30;
	s5 =	sshll.u32 s3, $0x4  }
0xa: {  	_ =	strace $0x8000004D;
	s6 =	smul.u32 $0x27100, s3;
	s7 =	ssub.s32 $0x2, s3  }
0xb: {  	s3 =	sadd.s32 $0x5CA00, s4;
	[dreg:$0x2] =	wrdreg s11;
	s11 =	simm.s32 $0x1400  }
0xc: {  	[dreg:$0x3] =	wrdreg s12;
	s12 =	simm.s32 $0x5280;
	s5 =	sor.u32 s30, s5  }
0xd: {  	[dreg:$0x4] =	wrdreg s13;
	s9 =	sshrl.u32 s7, $0x1;
	s5 =	smul.u32 $0x280, s5  }
0xe: {  	s13 =	simm.s32 $0x6220;
	s6 =	sadd.s32 s6, s4;
	s7 =	ssub.s32 s7, s9  }
0xf: {  	s9 =	simm.s32 $0x2;
	s8 =	sadd.s32 s8, s6;
	s5 =	sadd.s32 s5, s4  }
0x10: {  	s6 =	smax.u32 s7, $0x1;
	s4 =	sadd.s32 $0x61A00, s4;
	s31 =	sadd.s32 $0x4800, s5  }
0x11: {  	s7 =	sadd.s32 $0x66A00, s8;
	s8 =	sadd.s32 $0x9800, s8;
	[dreg:$0x5] =	wrdreg s31  }
.LBB2_1:
0x12: {  	s0 =	rddreg [dreg:$0x5]  }
0x13: {  	[tilespmem:s2], [sflag:$0x2] =	stream.linear.gather [hbm4b:s0+s2], $0x1400, $0x38;
	[tilespmem:$0x9100] =	vst v63  }
0x14: {  	_ =	swait.ge [sflag:s9], $0x1400  }
0x15: {  	[sflag:s9] =	ssyncset.done $0x0  }
0x16: {  	s26 =	simm.s32 $0x0;
	[sflag:s9] =	ssyncadd.s32 $0xFFFFEC00  }
0x17: {  	[tilespmem:s11], [sflag:$0x1] =	stream.indirect.gather [hbm4b:s3+s10], $0x10, s26, s10, $0xb8;
	[tilespmem:$0x9100] =	vst v63  }
0x18: {  	_ = 	snop  }
0x19: {  	[tilespmem:s12], [sflag:$0x1] =	stream.indirect.gather [hbm4b:s4+s10], $0x10, s26, s10, $0xb8;
	[tilespmem:$0x9100] =	vst v63  }
0x1a: {  	s1 =	simm.s32 $0x80;
	s28 =	rddreg [dreg:$0x2]  }
0x1b: {  	[tilespmem:s28], [sflag:$0x1] =	stream.indirect.gather [hbm4b:s3+s10], $0x10, s1, s10, $0xb8;
	[tilespmem:$0x9100] =	vst v63  }
0x1c: {  	s29 =	rddreg [dreg:$0x3]  }
0x1d: {  	[tilespmem:s29], [sflag:$0x1] =	stream.indirect.gather [hbm4b:s4+s10], $0x10, s1, s10, $0xb8;
	[tilespmem:$0x9100] =	vst v63  }
0x1e: {  	s5 =	simm.s32 $0x100;
	s28 =	rddreg [dreg:$0x4]  }
0x1f: {  	[tilespmem:s28], [sflag:$0x1] =	stream.indirect.gather [hbm4b:s3+s10], $0x10, s5, s10, $0xb8;
	[tilespmem:$0x9100] =	vst v63  }
0x20: {  	_ = 	snop  }
0x21: {  	[tilespmem:s13], [sflag:$0x1] =	stream.indirect.gather [hbm4b:s4+s10], $0x10, s5, s10, $0xb8;
	[tilespmem:$0x9100] =	vst v63  }
0x22: {  	s30 =	simm.s32 $0x180  }
0x23: {  	[tilespmem:s14], [sflag:$0x1] =	stream.indirect.gather [hbm4b:s3+s10], $0x10, s30, s10, $0xb8;
	[tilespmem:$0x9100] =	vst v63  }
0x24: {  	_ = 	snop  }
0x25: {  	[tilespmem:s15], [sflag:$0x1] =	stream.indirect.gather [hbm4b:s4+s10], $0x10, s30, s10, $0xb8;
	[tilespmem:$0x9100] =	vst v63  }
0x26: {  	s0 =	simm.s32 $0x200  }
0x27: {  	[tilespmem:s16], [sflag:$0x1] =	stream.indirect.gather [hbm4b:s3+s10], $0x10, s0, s10, $0xb8;
	[tilespmem:$0x9100] =	vst v63  }
0x28: {  	_ = 	snop  }
0x29: {  	[tilespmem:s17], [sflag:$0x1] =	stream.indirect.gather [hbm4b:s4+s10], $0x10, s0, s10, $0xb8;
	[tilespmem:$0x9100] =	vst v63  }
0x2a: {  	s1 =	simm.s32 $0x280  }
0x2b: {  	[tilespmem:s18], [sflag:$0x1] =	stream.indirect.gather [hbm4b:s3+s10], $0x10, s1, s10, $0xb8;
	[tilespmem:$0x9100] =	vst v63  }
0x2c: {  	_ = 	snop  }
0x2d: {  	[tilespmem:s19], [sflag:$0x1] =	stream.indirect.gather [hbm4b:s4+s10], $0x10, s1, s10, $0xb8;
	[tilespmem:$0x9100] =	vst v63  }
0x2e: {  	s5 =	simm.s32 $0x300  }
0x2f: {  	[tilespmem:s20], [sflag:$0x1] =	stream.indirect.gather [hbm4b:s3+s10], $0x10, s5, s10, $0xb8;
	[tilespmem:$0x9100] =	vst v63  }
0x30: {  	_ = 	snop  }
0x31: {  	[tilespmem:s21], [sflag:$0x1] =	stream.indirect.gather [hbm4b:s4+s10], $0x10, s5, s10, $0xb8;
	[tilespmem:$0x9100] =	vst v63  }
0x32: {  	s30 =	simm.s32 $0x380  }
0x33: {  	[tilespmem:s22], [sflag:$0x1] =	stream.indirect.gather [hbm4b:s3+s10], $0x10, s30, s10, $0xb8;
	[tilespmem:$0x9100] =	vst v63  }
0x34: {  	_ = 	snop  }
0x35: {  	[tilespmem:s23], [sflag:$0x1] =	stream.indirect.gather [hbm4b:s4+s10], $0x10, s30, s10, $0xb8;
	[tilespmem:$0x9100] =	vst v63  }
0x36: {  	_ =	swait.ge [sflag:s24], $0x7D0  }
0x37: {  	[sflag:s24] =	ssyncset.done $0x0  }
0x38: {  	[sflag:s24] =	ssyncadd.s32 $0xFFFFF830  }
0x39: {  	_ =	swait.ge [sflag:s24], $0x7D0  }
0x3a: {  	[sflag:s24] =	ssyncset.done $0x0  }
0x3b: {  	[sflag:s24] =	ssyncadd.s32 $0xFFFFF830  }
0x3c: {  	_ =	swait.ge [sflag:s24], $0x7D0  }
0x3d: {  	[sflag:s24] =	ssyncset.done $0x0  }
0x3e: {  	[sflag:s24] =	ssyncadd.s32 $0xFFFFF830  }
0x3f: {  	_ =	swait.ge [sflag:s24], $0x7D0  }
0x40: {  	[sflag:s24] =	ssyncset.done $0x0  }
0x41: {  	[sflag:s24] =	ssyncadd.s32 $0xFFFFF830  }
0x42: {  	_ =	swait.ge [sflag:s24], $0x7D0  }
0x43: {  	[sflag:s24] =	ssyncset.done $0x0  }
0x44: {  	[sflag:s24] =	ssyncadd.s32 $0xFFFFF830  }
0x45: {  	_ =	swait.ge [sflag:s24], $0x7D0  }
0x46: {  	[sflag:s24] =	ssyncset.done $0x0  }
0x47: {  	[sflag:s24] =	ssyncadd.s32 $0xFFFFF830  }
0x48: {  	_ =	swait.ge [sflag:s24], $0x7D0  }
0x49: {  	[sflag:s24] =	ssyncset.done $0x0  }
0x4a: {  	[sflag:s24] =	ssyncadd.s32 $0xFFFFF830  }
0x4b: {  	_ =	swait.ge [sflag:s24], $0x7D0  }
0x4c: {  	[sflag:s24] =	ssyncset.done $0x0  }
0x4d: {  	[sflag:s24] =	ssyncadd.s32 $0xFFFFF830  }
0x4e: {  	_ =	swait.ge [sflag:s24], $0x7D0  }
0x4f: {  	[sflag:s24] =	ssyncset.done $0x0  }
0x50: {  	[sflag:s24] =	ssyncadd.s32 $0xFFFFF830  }
0x51: {  	_ =	swait.ge [sflag:s24], $0x7D0  }
0x52: {  	[sflag:s24] =	ssyncset.done $0x0  }
0x53: {  	[sflag:s24] =	ssyncadd.s32 $0xFFFFF830  }
0x54: {  	_ =	swait.ge [sflag:s24], $0x7D0  }
0x55: {  	[sflag:s24] =	ssyncset.done $0x0  }
0x56: {  	[sflag:s24] =	ssyncadd.s32 $0xFFFFF830  }
0x57: {  	_ =	swait.ge [sflag:s24], $0x7D0  }
0x58: {  	[sflag:s24] =	ssyncset.done $0x0  }
0x59: {  	[sflag:s24] =	ssyncadd.s32 $0xFFFFF830  }
0x5a: {  	_ =	swait.ge [sflag:s24], $0x7D0  }
0x5b: {  	[sflag:s24] =	ssyncset.done $0x0  }
0x5c: {  	[sflag:s24] =	ssyncadd.s32 $0xFFFFF830  }
0x5d: {  	_ =	swait.ge [sflag:s24], $0x7D0  }
0x5e: {  	[sflag:s24] =	ssyncset.done $0x0  }
0x5f: {  	[sflag:s24] =	ssyncadd.s32 $0xFFFFF830  }
0x60: {  	_ =	swait.ge [sflag:s24], $0x7D0  }
0x61: {  	[sflag:s24] =	ssyncset.done $0x0  }
0x62: {  	[sflag:s24] =	ssyncadd.s32 $0xFFFFF830  }
0x63: {  	_ =	swait.ge [sflag:s24], $0x7D0  }
0x64: {  	[sflag:s24] =	ssyncset.done $0x0  }
0x65: {  	[sflag:s24] =	ssyncadd.s32 $0xFFFFF830  }
0x66: {  	[hbm4b:s8+s2] =	stream.linear.scatter [tilespmem:s11], [sflag:$0x2], $0x3E80, $0x38;
	[tilespmem:$0x9100] =	vst v63  }
0x67: {  	_ =	swait.ge [sflag:s9], $0x3E80  }
0x68: {  	[sflag:s9] =	ssyncset.done $0x0  }
0x69: {  	[sflag:s9] =	ssyncadd.s32 $0xFFFFC180  }
0x6a: {  	[hbm4b:s7+s2] =	stream.linear.scatter [tilespmem:s12], [sflag:$0x2], $0x3E80, $0x38;
	[tilespmem:$0x9100] =	vst v63  }
0x6b: {  	s31 =	simm.s32 $0x2000;
	s26 =	sadd.s32 $0x7D0, s7;
	_ =	swait.ge [sflag:s9], $0x3E80  }
0x6c: {  	s29 =	simm.s32 $0x1000;
	s28 =	sadd.s32 $0x7D0, s8;
	[sflag:s9] =	ssyncset.done $0x0  }
.LBB2_2:
0x6d: {  	s0 =	sshra.s32 s29, $0x2;
	[sflag:s9] =	ssyncadd.s32 $0xFFFFC180  }
0x6e: {  	[tilespmem:s11], [sflag:$0x1] =	stream.indirect.gather [hbm4b:s3+s10], $0x10, s0, s10, $0xb8;
	[tilespmem:$0x9100] =	vst v63  }
0x6f: {  	s29 =	smov.u32 s31;
	s30 =	sadd.s32 $0x1000, s31  }
0x70: {  	[tilespmem:s12], [sflag:$0x1] =	stream.indirect.gather [hbm4b:s4+s10], $0x10, s0, s10, $0xb8;
	[tilespmem:$0x9100] =	vst v63  }
0x71: {  	p0 =	sne.s32 s31, $0x4000;
	s31 =	rddreg [dreg:$0x2];
	s1 =	sadd.s32 $0x80, s0  }
0x72: {  	[tilespmem:s31], [sflag:$0x1] =	stream.indirect.gather [hbm4b:s3+s10], $0x10, s1, s10, $0xb8;
	[tilespmem:$0x9100] =	vst v63  }
0x73: {  	s5 =	rddreg [dreg:$0x3]  }
0x74: {  	[tilespmem:s5], [sflag:$0x1] =	stream.indirect.gather [hbm4b:s4+s10], $0x10, s1, s10, $0xb8;
	[tilespmem:$0x9100] =	vst v63  }
0x75: {  	s31 =	rddreg [dreg:$0x4];
	s5 =	sadd.s32 $0x100, s0  }
0x76: {  	[tilespmem:s31], [sflag:$0x1] =	stream.indirect.gather [hbm4b:s3+s10], $0x10, s5, s10, $0xb8;
	[tilespmem:$0x9100] =	vst v63  }
0x77: {  	_ = 	snop  }
0x78: {  	[tilespmem:s13], [sflag:$0x1] =	stream.indirect.gather [hbm4b:s4+s10], $0x10, s5, s10, $0xb8;
	[tilespmem:$0x9100] =	vst v63  }
0x79: {  	s5 =	sadd.s32 $0x180, s0  }
0x7a: {  	[tilespmem:s14], [sflag:$0x1] =	stream.indirect.gather [hbm4b:s3+s10], $0x10, s5, s10, $0xb8;
	[tilespmem:$0x9100] =	vst v63  }
0x7b: {  	_ = 	snop  }
0x7c: {  	[tilespmem:s15], [sflag:$0x1] =	stream.indirect.gather [hbm4b:s4+s10], $0x10, s5, s10, $0xb8;
	[tilespmem:$0x9100] =	vst v63  }
0x7d: {  	s5 =	sadd.s32 $0x200, s0  }
0x7e: {  	[tilespmem:s16], [sflag:$0x1] =	stream.indirect.gather [hbm4b:s3+s10], $0x10, s5, s10, $0xb8;
	[tilespmem:$0x9100] =	vst v63  }
0x7f: {  	_ = 	snop  }
0x80: {  	[tilespmem:s17], [sflag:$0x1] =	stream.indirect.gather [hbm4b:s4+s10], $0x10, s5, s10, $0xb8;
	[tilespmem:$0x9100] =	vst v63  }
0x81: {  	s5 =	sadd.s32 $0x280, s0  }
0x82: {  	[tilespmem:s18], [sflag:$0x1] =	stream.indirect.gather [hbm4b:s3+s10], $0x10, s5, s10, $0xb8;
	[tilespmem:$0x9100] =	vst v63  }
0x83: {  	_ = 	snop  }
0x84: {  	[tilespmem:s19], [sflag:$0x1] =	stream.indirect.gather [hbm4b:s4+s10], $0x10, s5, s10, $0xb8;
	[tilespmem:$0x9100] =	vst v63  }
0x85: {  	s5 =	sadd.s32 $0x300, s0  }
0x86: {  	[tilespmem:s20], [sflag:$0x1] =	stream.indirect.gather [hbm4b:s3+s10], $0x10, s5, s10, $0xb8;
	[tilespmem:$0x9100] =	vst v63  }
0x87: {  	_ = 	snop  }
0x88: {  	[tilespmem:s21], [sflag:$0x1] =	stream.indirect.gather [hbm4b:s4+s10], $0x10, s5, s10, $0xb8;
	[tilespmem:$0x9100] =	vst v63  }
0x89: {  	s0 =	sadd.s32 $0x380, s0  }
0x8a: {  	[tilespmem:s22], [sflag:$0x1] =	stream.indirect.gather [hbm4b:s3+s10], $0x10, s0, s10, $0xb8;
	[tilespmem:$0x9100] =	vst v63  }
0x8b: {  	_ = 	snop  }
0x8c: {  	[tilespmem:s23], [sflag:$0x1] =	stream.indirect.gather [hbm4b:s4+s10], $0x10, s0, s10, $0xb8;
	[tilespmem:$0x9100] =	vst v63  }
0x8d: {  	_ =	swait.ge [sflag:s24], $0x7D0  }
0x8e: {  	[sflag:s24] =	ssyncset.done $0x0  }
0x8f: {  	[sflag:s24] =	ssyncadd.s32 $0xFFFFF830  }
0x90: {  	_ =	swait.ge [sflag:s24], $0x7D0  }
0x91: {  	[sflag:s24] =	ssyncset.done $0x0  }
0x92: {  	[sflag:s24] =	ssyncadd.s32 $0xFFFFF830  }
0x93: {  	_ =	swait.ge [sflag:s24], $0x7D0  }
0x94: {  	[sflag:s24] =	ssyncset.done $0x0  }
0x95: {  	[sflag:s24] =	ssyncadd.s32 $0xFFFFF830  }
0x96: {  	_ =	swait.ge [sflag:s24], $0x7D0  }
0x97: {  	[sflag:s24] =	ssyncset.done $0x0  }
0x98: {  	[sflag:s24] =	ssyncadd.s32 $0xFFFFF830  }
0x99: {  	_ =	swait.ge [sflag:s24], $0x7D0  }
0x9a: {  	[sflag:s24] =	ssyncset.done $0x0  }
0x9b: {  	[sflag:s24] =	ssyncadd.s32 $0xFFFFF830  }
0x9c: {  	_ =	swait.ge [sflag:s24], $0x7D0  }
0x9d: {  	[sflag:s24] =	ssyncset.done $0x0  }
0x9e: {  	[sflag:s24] =	ssyncadd.s32 $0xFFFFF830  }
0x9f: {  	_ =	swait.ge [sflag:s24], $0x7D0  }
0xa0: {  	[sflag:s24] =	ssyncset.done $0x0  }
0xa1: {  	[sflag:s24] =	ssyncadd.s32 $0xFFFFF830  }
0xa2: {  	_ =	swait.ge [sflag:s24], $0x7D0  }
0xa3: {  	[sflag:s24] =	ssyncset.done $0x0  }
0xa4: {  	[sflag:s24] =	ssyncadd.s32 $0xFFFFF830  }
0xa5: {  	_ =	swait.ge [sflag:s24], $0x7D0  }
0xa6: {  	[sflag:s24] =	ssyncset.done $0x0  }
0xa7: {  	[sflag:s24] =	ssyncadd.s32 $0xFFFFF830  }
0xa8: {  	_ =	swait.ge [sflag:s24], $0x7D0  }
0xa9: {  	[sflag:s24] =	ssyncset.done $0x0  }
0xaa: {  	[sflag:s24] =	ssyncadd.s32 $0xFFFFF830  }
0xab: {  	_ =	swait.ge [sflag:s24], $0x7D0  }
0xac: {  	[sflag:s24] =	ssyncset.done $0x0  }
0xad: {  	[sflag:s24] =	ssyncadd.s32 $0xFFFFF830  }
0xae: {  	_ =	swait.ge [sflag:s24], $0x7D0  }
0xaf: {  	[sflag:s24] =	ssyncset.done $0x0  }
0xb0: {  	[sflag:s24] =	ssyncadd.s32 $0xFFFFF830  }
0xb1: {  	_ =	swait.ge [sflag:s24], $0x7D0  }
0xb2: {  	[sflag:s24] =	ssyncset.done $0x0  }
0xb3: {  	[sflag:s24] =	ssyncadd.s32 $0xFFFFF830  }
0xb4: {  	_ =	swait.ge [sflag:s24], $0x7D0  }
0xb5: {  	[sflag:s24] =	ssyncset.done $0x0  }
0xb6: {  	[sflag:s24] =	ssyncadd.s32 $0xFFFFF830  }
0xb7: {  	_ =	swait.ge [sflag:s24], $0x7D0  }
0xb8: {  	[sflag:s24] =	ssyncset.done $0x0  }
0xb9: {  	[sflag:s24] =	ssyncadd.s32 $0xFFFFF830  }
0xba: {  	_ =	swait.ge [sflag:s24], $0x7D0  }
0xbb: {  	[sflag:s24] =	ssyncset.done $0x0  }
0xbc: {  	[sflag:s24] =	ssyncadd.s32 $0xFFFFF830  }
0xbd: {  	[hbm4b:s28+s2] =	stream.linear.scatter [tilespmem:s11], [sflag:$0x2], $0x3E80, $0x38;
	[tilespmem:$0x9100] =	vst v63  }
0xbe: {  	_ =	swait.ge [sflag:s9], $0x3E80  }
.Ltmp0:
0xbf: {  	[sflag:s9] =	ssyncset.done $0x0;
	(pc) =	sbr.rel @p0 .LBB2_2-.Ltmp0, $4  }
0xc0: {  	[sflag:s9] =	ssyncadd.s32 $0xFFFFC180  }
0xc1: {  	[hbm4b:s26+s2] =	stream.linear.scatter [tilespmem:s12], [sflag:$0x2], $0x3E80, $0x38;
	[tilespmem:$0x9100] =	vst v63  }
0xc2: {  	s31 =	smov.u32 s30;
	_ =	swait.ge [sflag:s9], $0x3E80  }
0xc3: {  	s28 =	sadd.s32 $0x7D0, s28;
	s26 =	sadd.s32 $0x7D0, s26;
	[sflag:s9] =	ssyncset.done $0x0  }
0xc4: {  	s0 =	sshra.s32 s29, $0x2;
	[sflag:s9] =	ssyncadd.s32 $0xFFFFC180  }
0xc5: {  	[tilespmem:s11], [sflag:$0x1] =	stream.indirect.gather [hbm4b:s3+s10], $0x10, s0, s10, $0xb8;
	[tilespmem:$0x9100] =	vst v63  }
0xc6: {  	_ = 	snop  }
0xc7: {  	[tilespmem:s12], [sflag:$0x1] =	stream.indirect.gather [hbm4b:s4+s10], $0x10, s0, s10, $0xb8;
	[tilespmem:$0x9100] =	vst v63  }
0xc8: {  	s1 =	rddreg [dreg:$0x2];
	s5 =	sadd.s32 $0x80, s0  }
0xc9: {  	[tilespmem:s1], [sflag:$0x1] =	stream.indirect.gather [hbm4b:s3+s10], $0x10, s5, s10, $0xb8;
	[tilespmem:$0x9100] =	vst v63  }
0xca: {  	s31 =	rddreg [dreg:$0x3]  }
0xcb: {  	[tilespmem:s31], [sflag:$0x1] =	stream.indirect.gather [hbm4b:s4+s10], $0x10, s5, s10, $0xb8;
	[tilespmem:$0x9100] =	vst v63  }
0xcc: {  	s30 =	rddreg [dreg:$0x4];
	s31 =	sadd.s32 $0x100, s0  }
0xcd: {  	[tilespmem:s30], [sflag:$0x1] =	stream.indirect.gather [hbm4b:s3+s10], $0x10, s31, s10, $0xb8;
	[tilespmem:$0x9100] =	vst v63  }
0xce: {  	_ = 	snop  }
0xcf: {  	[tilespmem:s13], [sflag:$0x1] =	stream.indirect.gather [hbm4b:s4+s10], $0x10, s31, s10, $0xb8;
	[tilespmem:$0x9100] =	vst v63  }
0xd0: {  	s5 =	sadd.s32 $0x180, s0  }
0xd1: {  	[tilespmem:s14], [sflag:$0x1] =	stream.indirect.gather [hbm4b:s3+s10], $0x10, s5, s10, $0xb8;
	[tilespmem:$0x9100] =	vst v63  }
0xd2: {  	_ = 	snop  }
0xd3: {  	[tilespmem:s15], [sflag:$0x1] =	stream.indirect.gather [hbm4b:s4+s10], $0x10, s5, s10, $0xb8;
	[tilespmem:$0x9100] =	vst v63  }
0xd4: {  	s29 =	sadd.s32 $0x200, s0  }
0xd5: {  	[tilespmem:s16], [sflag:$0x1] =	stream.indirect.gather [hbm4b:s3+s10], $0x10, s29, s10, $0xb8;
	[tilespmem:$0x9100] =	vst v63  }
0xd6: {  	_ = 	snop  }
0xd7: {  	[tilespmem:s17], [sflag:$0x1] =	stream.indirect.gather [hbm4b:s4+s10], $0x10, s29, s10, $0xb8;
	[tilespmem:$0x9100] =	vst v63  }
0xd8: {  	s30 =	sadd.s32 $0x280, s0  }
0xd9: {  	[tilespmem:s18], [sflag:$0x1] =	stream.indirect.gather [hbm4b:s3+s10], $0x10, s30, s10, $0xb8;
	[tilespmem:$0x9100] =	vst v63  }
0xda: {  	_ = 	snop  }
0xdb: {  	[tilespmem:s19], [sflag:$0x1] =	stream.indirect.gather [hbm4b:s4+s10], $0x10, s30, s10, $0xb8;
	[tilespmem:$0x9100] =	vst v63  }
0xdc: {  	s31 =	sadd.s32 $0x300, s0  }
0xdd: {  	[tilespmem:s20], [sflag:$0x1] =	stream.indirect.gather [hbm4b:s3+s10], $0x10, s31, s10, $0xb8;
	[tilespmem:$0x9100] =	vst v63  }
0xde: {  	_ = 	snop  }
0xdf: {  	[tilespmem:s21], [sflag:$0x1] =	stream.indirect.gather [hbm4b:s4+s10], $0x10, s31, s10, $0xb8;
	[tilespmem:$0x9100] =	vst v63  }
0xe0: {  	s0 =	sadd.s32 $0x380, s0  }
0xe1: {  	[tilespmem:s22], [sflag:$0x1] =	stream.indirect.gather [hbm4b:s3+s10], $0x10, s0, s10, $0xb8;
	[tilespmem:$0x9100] =	vst v63  }
0xe2: {  	_ = 	snop  }
0xe3: {  	[tilespmem:s23], [sflag:$0x1] =	stream.indirect.gather [hbm4b:s4+s10], $0x10, s0, s10, $0xb8;
	[tilespmem:$0x9100] =	vst v63  }
0xe4: {  	_ =	swait.ge [sflag:s24], $0x7D0  }
0xe5: {  	[sflag:s24] =	ssyncset.done $0x0  }
0xe6: {  	[sflag:s24] =	ssyncadd.s32 $0xFFFFF830  }
0xe7: {  	_ =	swait.ge [sflag:s24], $0x7D0  }
0xe8: {  	[sflag:s24] =	ssyncset.done $0x0  }
0xe9: {  	[sflag:s24] =	ssyncadd.s32 $0xFFFFF830  }
0xea: {  	_ =	swait.ge [sflag:s24], $0x7D0  }
0xeb: {  	[sflag:s24] =	ssyncset.done $0x0  }
0xec: {  	[sflag:s24] =	ssyncadd.s32 $0xFFFFF830  }
0xed: {  	_ =	swait.ge [sflag:s24], $0x7D0  }
0xee: {  	[sflag:s24] =	ssyncset.done $0x0  }
0xef: {  	[sflag:s24] =	ssyncadd.s32 $0xFFFFF830  }
0xf0: {  	_ =	swait.ge [sflag:s24], $0x7D0  }
0xf1: {  	[sflag:s24] =	ssyncset.done $0x0  }
0xf2: {  	[sflag:s24] =	ssyncadd.s32 $0xFFFFF830  }
0xf3: {  	_ =	swait.ge [sflag:s24], $0x7D0  }
0xf4: {  	[sflag:s24] =	ssyncset.done $0x0  }
0xf5: {  	[sflag:s24] =	ssyncadd.s32 $0xFFFFF830  }
0xf6: {  	_ =	swait.ge [sflag:s24], $0x7D0  }
0xf7: {  	[sflag:s24] =	ssyncset.done $0x0  }
0xf8: {  	[sflag:s24] =	ssyncadd.s32 $0xFFFFF830  }
0xf9: {  	_ =	swait.ge [sflag:s24], $0x7D0  }
0xfa: {  	[sflag:s24] =	ssyncset.done $0x0  }
0xfb: {  	[sflag:s24] =	ssyncadd.s32 $0xFFFFF830  }
0xfc: {  	_ =	swait.ge [sflag:s24], $0x7D0  }
0xfd: {  	[sflag:s24] =	ssyncset.done $0x0  }
0xfe: {  	[sflag:s24] =	ssyncadd.s32 $0xFFFFF830  }
0xff: {  	_ =	swait.ge [sflag:s24], $0x7D0  }
0x100: {  	[sflag:s24] =	ssyncset.done $0x0  }
0x101: {  	[sflag:s24] =	ssyncadd.s32 $0xFFFFF830  }
0x102: {  	_ =	swait.ge [sflag:s24], $0x7D0  }
0x103: {  	[sflag:s24] =	ssyncset.done $0x0  }
0x104: {  	[sflag:s24] =	ssyncadd.s32 $0xFFFFF830  }
0x105: {  	_ =	swait.ge [sflag:s24], $0x7D0  }
0x106: {  	[sflag:s24] =	ssyncset.done $0x0  }
0x107: {  	[sflag:s24] =	ssyncadd.s32 $0xFFFFF830  }
0x108: {  	_ =	swait.ge [sflag:s24], $0x7D0  }
0x109: {  	[sflag:s24] =	ssyncset.done $0x0  }
0x10a: {  	[sflag:s24] =	ssyncadd.s32 $0xFFFFF830  }
0x10b: {  	_ =	swait.ge [sflag:s24], $0x7D0  }
0x10c: {  	[sflag:s24] =	ssyncset.done $0x0  }
0x10d: {  	[sflag:s24] =	ssyncadd.s32 $0xFFFFF830  }
0x10e: {  	_ =	swait.ge [sflag:s24], $0x7D0  }
0x10f: {  	[sflag:s24] =	ssyncset.done $0x0  }
0x110: {  	[sflag:s24] =	ssyncadd.s32 $0xFFFFF830  }
0x111: {  	_ =	swait.ge [sflag:s24], $0x7D0  }
0x112: {  	[sflag:s24] =	ssyncset.done $0x0  }
0x113: {  	[sflag:s24] =	ssyncadd.s32 $0xFFFFF830  }
0x114: {  	[hbm4b:s28+s2] =	stream.linear.scatter [tilespmem:s11], [sflag:$0x2], $0x3E80, $0x38;
	[tilespmem:$0x9100] =	vst v63  }
0x115: {  	s25 =	sadd.s32 $0x1, s25;
	_ =	swait.ge [sflag:s9], $0x3E80  }
0x116: {  	p0 =	sne.s32 s25, s6;
	[sflag:s9] =	ssyncset.done $0x0  }
.Ltmp1:
0x117: {  	[sflag:s9] =	ssyncadd.s32 $0xFFFFC180;
	(pc) =	sbr.rel @p0 .LBB2_1-.Ltmp1, $4  }
0x118: {  	[hbm4b:s26+s2] =	stream.linear.scatter [tilespmem:s12], [sflag:$0x2], $0x3E80, $0x38;
	[tilespmem:$0x9100] =	vst v63  }
0x119: {  	_ =	swait.ge [sflag:s9], $0x3E80  }
0x11a: {  	[sflag:s9] =	ssyncset.done $0x0  }
0x11b: {  	[sflag:s9] =	ssyncadd.s32 $0xFFFFC180  }
0x11c: {  	_ =	sfence.sel $0x180000  }
0x11d: {  	[bflag:$0x0] =	sbarrier.arrive $0xFFFF  }
0x11e: {  	_ =	strace $0x9000004D  }
0x11f: {  	s0 =	stileid.u32;
	[bflag:$0x2] =	sbarrier.arrive $0xFFFF  }
0x120: {  	p0 =	sne.s32 s0, $0x0;
	s0 =	rddreg [dreg:$0x1]  }
0x121: {  	s0 =	sadd.s32 @!p0 $0x100000, s0  }
0x122: {  	[sflag:s0] =	ssyncadd.tile.s32 @!p0 $0x1;
	_ =	shalt  }
.Lfunc_end2:
_tile_overlayer_lowered:
.L_overlay_start_2:
0x123: {  	(tag) =	ssettag $0x2  }
0x124: {  	s0 =	rddreg [dreg:$0x0];
	s2 =	stileid.u32  }
0x125: {  	s1 =	rddreg [dreg:$0x1];
	p0 =	sne.s32 s2, $0x0  }
0x126: {  	s3 =	rddreg [dreg:$0x2];
	[bflag:$0x3] =	sbarrier.arrive $0xFFFF;
	s2 =	simm.s32 @!p0 $0x1C02  }
0x127: {  	[timem:s3], [sflag:s2] =	dma.local @!p0 [hbm:s0], s1  }
0x128: {  	s0 =	simm.s32 @!p0 $0x2  }
0x129: {  	_ =	swait.ge @!p0 [sflag:s0], s1  }
0x12a: {  	s1 =	ssub.s32 @!p0 $0x0, s1;
	[sflag:s0] =	ssyncset.done @!p0 $0x0  }
0x12b: {  	[sflag:s0] =	ssyncadd.s32 @!p0 s1  }
0x12c: {  	[bflag:$0x3] =	sbarrier.arrive $0xFFFF  }
0x12d: {  	_ =	shalt  }

// kernel: kernel.22.cloned.1.call-start
scs
__scs_entry_jumppad:
0x0: {  	(pc) =	sbr.rel $0x88, $3  }
0x1: {  	(tag) =	ssettag $0x0;
	lr =	simm.s32 $0x1  }
0x2: {  	[smem:$0x3F95] =	sst lr;
	_ =	strace $0xD0000000  }
0x3: {  	_ = 	snop  }
0x4: {  	_ = 	snop  }
0x5: {  	_ = 	snop  }
0x6: {  	_ = 	snop  }
0x7: {  	_ = 	snop  }
__scs_overlays_trampoline_lowered:
0x8: {  	[smem:$0x3FA4] =	sst s0  }
0x9: {  	[smem:$0x3FA5] =	sst s1  }
0xa: {  	[smem:$0x3FA6] =	sst s2  }
0xb: {  	[smem:$0x3FA7] =	sst s3  }
0xc: {  	[smem:$0x3FA8] =	sst s4  }
0xd: {  	[smem:$0x3FA9] =	sst s5  }
0xe: {  	[smem:$0x3FAA] =	sst s6  }
0xf: {  	[smem:$0x3FAB] =	sst s7  }
0x10: {  	[smem:$0x3FAC] =	sst s8  }
0x11: {  	[smem:$0x3FAD] =	sst s9;
	s0 =	simm.s32 @!p0 $0x0  }
0x12: {  	s1 =	sld [smem:$0x3F93];
	s0 =	simm.s32 @p0 $0x1  }
0x13: {  	[smem:$0x3FAE] =	sst s0;
	s0 =	simm.s32 @!p1 $0x0  }
0x14: {  	s2 =	sld [smem:$0x3F92];
	s0 =	simm.s32 @p1 $0x1  }
0x15: {  	[smem:$0x3FAF] =	sst s0;
	s0 =	simm.s32 @!p2 $0x0  }
0x16: {  	s3 =	sld [smem:$0x3FDB];
	s0 =	simm.s32 @p2 $0x1  }
0x17: {  	s4 =	simm.s32 $0x1BF5;
	[smem:$0x3FB1] =	sst s0  }
0x18: {  	s0 =	sld [smem:$0x3F94];
	_ =	swait.ge [sflag:s4], $0x0  }
0x19: {  	s7 =	sld [smem:$0x3F95]  }
0x1a: {  	s8 =	sadd.s32 $0xFFFFE003, lr  }
0x1b: {  	s9 =	sadd.s32 $0xFFFFFEF7, lr;
	s5 =	simm.s32 $0xFFFFFFFF;
	p2 =	slt.u32 s8, $0xFFFFF086  }
0x1c: {  	p1 =	slt.u32 s9, $0xF7A;
	s5 =	simm.s32 @!p2 $0x0  }
0x1d: {  	s5 =	simm.s32 @p1 $0x1;
	p0 =	seq.s32 s7, s2  }
0x1e: {  	s7 =	smul.u32 @!p0 $0xF7A, s2;
	p2 =	seq.s32 @!p0 s5, $0x0  }
0x1f: {  	s9 =	smul.u32 $0xF7A, s1;
	s8 =	simm.s32 @!p0 $0x1BF5;
	p2 =	por !p2, p0  }
0x20: {  	[sflag:s8] =	ssyncset.s32 @!p0 $0xFFFFF086;
	s6 =	sadd.s32 @!p0 s3, s7;
	s7 =	simm.s32 @!p0 $0x108  }
0x21: {  	s3 =	sadd.s32 s3, s9;
	s6 =	sadd.s32 @!p0 $0x88, s6;
	s7 =	simm.s32 @p2 $0x1082  }
0x22: {  	[simem:s7], [sflag:s8] =	dma.local @!p0 [hbm:s6], $0xF7A  }
0x23: {  	s9 =	sor.u32 $0xD0000000, s2;
	s6 =	simm.s32 $0x108;
	_ =	swait.ge @!p0 [sflag:s8], $0x0  }
0x24: {  	s3 =	sadd.s32 $0x88, s3;
	s6 =	simm.s32 @!p1 $0x1082;
	[sflag:s4] =	ssyncset.s32 $0xFFFFF086  }
0x25: {  	[simem:s6], [sflag:s4] =	dma.local [hbm:s3], $0xF7A  }
0x26: {  	[smem:$0x3F95] =	sst s1;
	(tag) =	ssettag s2;
	_ =	strace s9  }
0x27: {  	s1 =	sld [smem:$0x3FA5]  }
0x28: {  	s2 =	sld [smem:$0x3FA6]  }
0x29: {  	s4 =	sld [smem:$0x3FA8]  }
0x2a: {  	p0 =	seq.s32 s5, $0x0;
	s5 =	sld [smem:$0x3FA9]  }
0x2b: {  	s6 =	sld [smem:$0x3FAA]  }
0x2c: {  	s7 =	sld [smem:$0x3FAB]  }
0x2d: {  	s3 =	simm.s32 $0x108;
	s8 =	sld [smem:$0x3FAC]  }
0x2e: {  	s3 =	simm.s32 @!p0 $0x1082;
	s9 =	sld [smem:$0x3FAD]  }
0x2f: {  	lr =	sadd.s32 s0, s3;
	s0 =	sld [smem:$0x3FA4]  }
0x30: {  	s3 =	sld [smem:$0x3FA7]  }
0x31: {  	[smem:$0x3FB0] =	sst s10  }
0x32: {  	s10 =	sld [smem:$0x3FAE];
	_ =	sdelay $0x3  }
0x33: {  	p0 =	seq.s32 s10, $0x1;
	s10 =	sld [smem:$0x3FB0];
	_ =	sdelay $0x3  }
0x34: {  	[smem:$0x3FB0] =	sst s10  }
0x35: {  	s10 =	sld [smem:$0x3FAF];
	_ =	sdelay $0x3  }
0x36: {  	p1 =	seq.s32 s10, $0x1;
	s10 =	sld [smem:$0x3FB0];
	_ =	sdelay $0x3  }
0x37: {  	[smem:$0x3FB0] =	sst s10  }
0x38: {  	s10 =	sld [smem:$0x3FB1]  }
0x39: {  	_ = 	snop;
	(pc) =	sbr.ind lr, $3  }
0x3a: {  	_ = 	snop  }
0x3b: {  	_ = 	snop  }
0x3c: {  	p2 =	seq.s32 s10, $0x1;
	s10 =	sld [smem:$0x3FB0]  }
0x3d: {  	_ =	shalt  }
0x3e: {  	_ =	shalt  }
0x3f: {  	_ =	shalt  }
0x40: {  	_ =	shalt  }
0x41: {  	_ =	shalt  }
0x42: {  	_ =	shalt  }
0x43: {  	_ =	shalt  }
0x44: {  	_ =	shalt  }
0x45: {  	_ =	shalt  }
0x46: {  	_ =	shalt  }
0x47: {  	_ =	shalt  }
0x48: {  	_ =	shalt  }
0x49: {  	_ =	shalt  }
0x4a: {  	_ =	shalt  }
0x4b: {  	_ =	shalt  }
0x4c: {  	_ =	shalt  }
0x4d: {  	_ =	shalt  }
0x4e: {  	_ =	shalt  }
0x4f: {  	_ =	shalt  }
0x50: {  	_ =	shalt  }
0x51: {  	_ =	shalt  }
0x52: {  	_ =	shalt  }
0x53: {  	_ =	shalt  }
0x54: {  	_ =	shalt  }
0x55: {  	_ =	shalt  }
0x56: {  	_ =	shalt  }
0x57: {  	_ =	shalt  }
0x58: {  	_ =	shalt  }
0x59: {  	_ =	shalt  }
0x5a: {  	_ =	shalt  }
0x5b: {  	_ =	shalt  }
0x5c: {  	_ =	shalt  }
0x5d: {  	_ =	shalt  }
0x5e: {  	_ =	shalt  }
0x5f: {  	_ =	shalt  }
0x60: {  	_ =	shalt  }
0x61: {  	_ =	shalt  }
0x62: {  	_ =	shalt  }
0x63: {  	_ =	shalt  }
0x64: {  	_ =	shalt  }
0x65: {  	_ =	shalt  }
0x66: {  	_ =	shalt  }
0x67: {  	_ =	shalt  }
0x68: {  	_ =	shalt  }
0x69: {  	_ =	shalt  }
0x6a: {  	_ =	shalt  }
0x6b: {  	_ =	shalt  }
0x6c: {  	_ =	shalt  }
0x6d: {  	_ =	shalt  }
0x6e: {  	_ =	shalt  }
0x6f: {  	_ =	shalt  }
0x70: {  	_ =	shalt  }
0x71: {  	_ =	shalt  }
0x72: {  	_ =	shalt  }
0x73: {  	_ =	shalt  }
0x74: {  	_ =	shalt  }
0x75: {  	_ =	shalt  }
0x76: {  	_ =	shalt  }
0x77: {  	_ =	shalt  }
0x78: {  	_ =	shalt  }
0x79: {  	_ =	shalt  }
0x7a: {  	_ =	shalt  }
0x7b: {  	_ =	shalt  }
0x7c: {  	_ =	shalt  }
0x7d: {  	_ =	shalt  }
0x7e: {  	_ =	shalt  }
0x7f: {  	_ =	shalt  }
0x80: {  	_ =	shalt  }
0x81: {  	_ =	shalt  }
0x82: {  	_ =	shalt  }
0x83: {  	_ =	shalt  }
0x84: {  	_ =	shalt  }
0x85: {  	_ =	shalt  }
0x86: {  	_ =	shalt  }
0x87: {  	_ =	shalt  }
.Lfunc_end0:
.L_simem_size_0:
called_computation.3_lowered:
.L_overlay_start_0:
0x88: {  	s2 =	sld [smem:$0x3FD9]  }
0x89: {  	s3 =	sld [smem:$0x3FFE];
	_ =	sdelay $0x1  }
0x8a: {  	s1 =	srdreg.scid  }
0x8b: {  	s0 =	sand.u32 $0x1, s1  }
0x8c: {  	s16 =	sshll.u32 s0, $0xA;
	s2 =	sadd.s32 s3, s2  }
0x8d: {  	s2 =	sadd.s32 s2, s16  }
0x8e: {  	[smem:$0x3FBC] =	sst s2  }
0x8f: {  	_ = 	snop  }
0x90: {  	(tm) =	ssettm $0x1  }
0x91: {  	s17 =	sld [smem:$0x3FFB];
	_ =	sdelay $0x3  }
0x92: {  	_ =	strace s17  }
0x93: {  	s2 =	sld [smem:$0x3FFC];
	_ =	sdelay $0x3  }
0x94: {  	_ =	strace s2  }
0x95: {  	s2 =	sld [smem:$0x3FFD];
	_ =	sdelay $0x3  }
0x96: {  	_ =	strace s2  }
0x97: {  	_ =	strace $0x8FFFFFFF  }
0x98: {  	s18 =	sld [smem:$0x3FDB];
	_ =	sdelay $0x1  }
0x99: {  	s19 =	simm.s32 $_scs_section_size  }
0x9a: {  	s4 =	simm.s32 $_size__tile_overlayer_lowered;
	s5 =	simm.s32 $_tile_overlayer_lowered  }
0x9b: {  	s22 =	simm.s32 $0x1BFF;
	s21 =	sshll.u32 s5, $0x1;
	s2 =	sadd.s32 s19, s18  }
0x9c: {  	s6 =	simm.s32 $0x0;
	s20 =	sshll.u32 s4, $0x1;
	s4 =	sadd.s32 s21, s2  }
0x9d: {  	[timem:s6], [sflag:s22] =	dma.local [hbm:s4], s20  }
0x9e: {  	_ =	swait.ge [sflag:s22], s20  }
0x9f: {  	s3 =	ssub.s32 $0x0, s20;
	[sflag:s22] =	ssyncset.done $0x0  }
0xa0: {  	[sflag:s22] =	ssyncadd.s32 s3;
	_ =	sdelay $0x1  }
0xa1: {  	s23 =	simm.s32 $0x1B8B  }
0xa2: {  	_ =	swait.ge [sflag:s23], $0x1  }
0xa3: {  	[sflag:s23] =	ssyncset.done $0x0  }
0xa4: {  	s25 =	simm.s32 $0x1B8E;
	s24 =	sld [smem:$0x3FFE];
	[sflag:s23] =	ssyncadd.s32 $0xFFFFFFFF  }
0xa5: {  	s26 =	simm.s32 $execute0_lowered;
	[smem:$0x3FD2] =	sst s25  }
0xa6: {  	s4 =	sshll.u32 s26, $0x1;
	_ =	strace $0x8000004F;
	[dreg:$0x1] =	wrdreg $0xFFFFFFFF  }
0xa7: {  	s28 =	simm.s32 $_size_execute0_lowered;
	s2 =	sadd.s32 s2, s4;
	[dreg:$0x0] =	wrdreg $0x0  }
0xa8: {  	s4 =	sshll.u32 s28, $0x1;
	[dreg:$0x2] =	wrdreg s2  }
0xa9: {  	[dreg:$0x3] =	wrdreg s4  }
0xaa: {  	[dreg:$0x4] =	wrdreg $0xC0  }
0xab: {  	_ =	task [dreg:s6], $0x5FFFF  }
0xac: {  	[dreg:$0x1] =	wrdreg $0xFFFFFFFF  }
0xad: {  	[dreg:$0x0] =	wrdreg $0x60  }
0xae: {  	[dreg:$0x2] =	wrdreg s24  }
0xaf: {  	[dreg:$0x3] =	wrdreg $0x174800  }
0xb0: {  	[dreg:$0x4] =	wrdreg $0x9  }
0xb1: {  	_ =	task.clear_ibuf [dreg:s6], $0x5FFFF;
	_ =	strace $0x9000004F  }
0xb2: {  	s29 =	simm.s32 $0x9;
	_ =	strace $0x80000051  }
0xb3: {  	_ =	swait.ge [sflag:s29], $0x1  }
0xb4: {  	[sflag:s29] =	ssyncadd.s32 $0xFFFFFFFF  }
0xb5: {  	_ =	strace $0x90000051  }
0xb6: {  	_ =	sfence  }
0xb7: {  	s30 =	sld [smem:$0x0];
	_ =	sdelay $0x2  }
0xb8: {  	s31 =	sshll.u32 s1, $0xD;
	s1 =	sshrl.u32 s1, $0x2  }
0xb9: {  	s3 =	sand.u32 $0x4000, s31;
	s1 =	sadd.s32 s1, s30  }
0xba: {  	s0 =	sor.u32 s3, s0;
	s1 =	sshll.u32 s1, $0x11  }
0xbb: {  	s0 =	sor.u32 s1, s0  }
0xbc: {  	s0 =	sadd.s32 $0x8F2B, s0  }
0xbd: {  	[sflag:s0] =	ssyncadd.remote.s32 $0x1  }
0xbe: {  	_ =	sfence.sel $0xFFFF  }
0xbf: {  	[dreg:$0x0] =	wrdreg $0xFFFFFFFF;
	(pc) =	sbr.abs _section_cstart, $3  }
0xc0: {  	[dreg:$0x1] =	wrdreg $0xFFFFFFFF  }
0xc1: {  	_ =	task.clear_ibuf [dreg:s6], $0x2FFFF;
	_ =	strace $0x9FFFFFFF  }
0xc2: {  	(tm) =	ssettm $0x7FFFFFFF  }
0xc3: {  	_ =	shalt  }
tec
execute0_lowered:
.L_overlay_start_1:
0x0: {  	(tag) =	ssettag $0x1  }
0x1: {  	s0 =	srdreg.scid;
	s1 =	rddreg [dreg:$0x0]  }
0x2: {  	s8 =	stileid.u32;
	s2 =	rddreg [dreg:$0x1];
	s10 =	simm.s32 $0x1  }
0x3: {  	s11 =	simm.s32 $0x1400;
	s12 =	simm.s32 $0x7D;
	s14 =	simm.s32 $0x10630  }
0x4: {  	s15 =	simm.s32 $0x1000;
	s16 =	simm.s32 $0x10E00;
	s17 =	simm.s32 $0x1080  }
0x5: {  	s18 =	simm.s32 $0x115D0;
	s19 =	simm.s32 $0x1100;
	s20 =	simm.s32 $0x11DA0  }
0x6: {  	s21 =	simm.s32 $0x1180;
	s22 =	simm.s32 $0x12570;
	s23 =	simm.s32 $0x1200  }
0x7: {  	s24 =	simm.s32 $0x12D40;
	s25 =	simm.s32 $0x1280;
	s26 =	simm.s32 $0x13510  }
0x8: {  	s28 =	simm.s32 $0x1300;
	s29 =	simm.s32 $0x13CE0;
	s0 =	sand.u32 $0x1, s0  }
0x9: {  	s30 =	simm.s32 $0x1380;
	s31 =	simm.s32 $0x144B0;
	s3 =	sshll.u32 s0, $0x4  }
0xa: {  	s6 =	ssub.s32 $0x2, s0;
	p0 =	seq.s32 s0, $0x1;
	s0 =	simm.s32 $0x61A00  }
0xb: {  	s4 =	sor.u32 s8, s3;
	s3 =	simm.s32 $0x0;
	s8 =	smul.u32 $0x2800, s8  }
0xc: {  	s7 =	sshrl.u32 s6, $0x1;
	s0 =	simm.s32 @!p0 $0x5CA00;
	s5 =	smul.u32 $0x280, s4  }
0xd: {  	[smem:$0x7FF] =	sst s3;
	s4 =	smul.u32 $0x2710, s4;
	s7 =	ssub.s32 s6, s7  }
0xe: {  	s0 =	sadd.s32 s0, s1;
	_ =	strace $0x80000050;
	s7 =	smax.u32 s7, $0x1  }
0xf: {  	s5 =	sadd.s32 s5, s1;
	s9 =	sadd.s32 s4, s1;
	s4 =	sadd.s32 s8, s2  }
0x10: {  	s8 =	sshrl.u32 s8, $0x3;
	s1 =	simm.s32 $0x0;
	s5 =	sadd.s32 $0x57A00, s5  }
0x11: {  	v0 =	vimm.f32 $0.0e+00;
	s6 =	sadd.s32 $0x9800, s9;
	s8 =	sadd.s32 s0, s8;
	s9 =	simm.s32 $0x14C80  }
.LBB2_1:
0x12: {  	s0 =	simm.s32 $0x40;
	s13 =	simm.s32 $0x0  }
.LBB2_2:
0x13: {  	p0 =	sne.s32 s0, $0x9FC0;
	[tilespmem:s13+$0x14C80] =	vst v0;
	s13 =	smov.u32 s0;
	s0 =	sadd.s32 $0x40, s0  }
.Ltmp0:
0x14: {  	(pc) =	sbr.rel @p0 .LBB2_2-.Ltmp0, $2  }
0x15: {  	_ =	sdelay $0x2  }
0x16: {  	s13 =	sshra.s32 s13, $0x2  }
0x17: {  	[tilespmem:s13+$0x14C80] =	vst v0  }
0x18: {  	[spmem:s4] =	stream.linear.scatter [tilespmem:s9], [sflag:$0x1], $0x2800, $0x38;
	[tilespmem:$0x19C80] =	vst v63  }
0x19: {  	_ =	swait.ge [sflag:s10], $0x2800  }
0x1a: {  	[sflag:s10] =	ssyncset.done $0x0  }
0x1b: {  	[sflag:s10] =	ssyncadd.s32 $0xFFFFD800  }
0x1c: {  	[bflag:$0x0] =	sbarrier.arrive $0xFFFF  }
0x1d: {  	[tilespmem:s3], [sflag:$0x1] =	stream.linear.gather [hbm4b:s5+s3], $0x1400, $0x38;
	[tilespmem:$0x19C80] =	vst v63  }
0x1e: {  	_ =	swait.ge [sflag:s10], $0x1400  }
0x1f: {  	[sflag:s10] =	ssyncset.done $0x0  }
0x20: {  	[sflag:s10] =	ssyncadd.s32 $0xFFFFEC00  }
0x21: {  	[tilespmem:s11], [sflag:$0x1] =	stream.linear.gather [hbm4b:s6+s3], $0x13880, $0x38;
	[tilespmem:$0x19C80] =	vst v63  }
0x22: {  	_ =	swait.ge [sflag:s10], $0x13880  }
0x23: {  	[sflag:s10] =	ssyncset.done $0x0  }
0x24: {  	[sflag:s10] =	ssyncadd.s32 $0xFFFEC780  }
0x25: {  	[spmem:s2] =	stream.indirect.scatter.add.f32 [tilespmem:s11], [sflag:$0x1], $0x10, s3, s12, $0xb8;
	[tilespmem:$0x19C80] =	vst v63  }
0x26: {  	_ =	swait.ge [sflag:s10], $0x7D0  }
0x27: {  	[sflag:s10] =	ssyncset.done $0x0  }
0x28: {  	s0 =	simm.s32 $0x80;
	s13 =	simm.s32 $0x1BD0;
	[sflag:s10] =	ssyncadd.s32 $0xFFFFF830  }
0x29: {  	[spmem:s2] =	stream.indirect.scatter.add.f32 [tilespmem:s13], [sflag:$0x1], $0x10, s0, s12, $0xb8;
	[tilespmem:$0x19C80] =	vst v63  }
0x2a: {  	_ =	swait.ge [sflag:s10], $0x7D0  }
0x2b: {  	[sflag:s10] =	ssyncset.done $0x0  }
0x2c: {  	s0 =	simm.s32 $0x100;
	s13 =	simm.s32 $0x23A0;
	[sflag:s10] =	ssyncadd.s32 $0xFFFFF830  }
0x2d: {  	[spmem:s2] =	stream.indirect.scatter.add.f32 [tilespmem:s13], [sflag:$0x1], $0x10, s0, s12, $0xb8;
	[tilespmem:$0x19C80] =	vst v63  }
0x2e: {  	_ =	swait.ge [sflag:s10], $0x7D0  }
0x2f: {  	[sflag:s10] =	ssyncset.done $0x0  }
0x30: {  	s0 =	simm.s32 $0x180;
	s13 =	simm.s32 $0x2B70;
	[sflag:s10] =	ssyncadd.s32 $0xFFFFF830  }
0x31: {  	[spmem:s2] =	stream.indirect.scatter.add.f32 [tilespmem:s13], [sflag:$0x1], $0x10, s0, s12, $0xb8;
	[tilespmem:$0x19C80] =	vst v63  }
0x32: {  	_ =	swait.ge [sflag:s10], $0x7D0  }
0x33: {  	[sflag:s10] =	ssyncset.done $0x0  }
0x34: {  	s0 =	simm.s32 $0x200;
	s13 =	simm.s32 $0x3340;
	[sflag:s10] =	ssyncadd.s32 $0xFFFFF830  }
0x35: {  	[spmem:s2] =	stream.indirect.scatter.add.f32 [tilespmem:s13], [sflag:$0x1], $0x10, s0, s12, $0xb8;
	[tilespmem:$0x19C80] =	vst v63  }
0x36: {  	_ =	swait.ge [sflag:s10], $0x7D0  }
0x37: {  	[sflag:s10] =	ssyncset.done $0x0  }
0x38: {  	s0 =	simm.s32 $0x280;
	s13 =	simm.s32 $0x3B10;
	[sflag:s10] =	ssyncadd.s32 $0xFFFFF830  }
0x39: {  	[spmem:s2] =	stream.indirect.scatter.add.f32 [tilespmem:s13], [sflag:$0x1], $0x10, s0, s12, $0xb8;
	[tilespmem:$0x19C80] =	vst v63  }
0x3a: {  	_ =	swait.ge [sflag:s10], $0x7D0  }
0x3b: {  	[sflag:s10] =	ssyncset.done $0x0  }
0x3c: {  	s0 =	simm.s32 $0x300;
	s13 =	simm.s32 $0x42E0;
	[sflag:s10] =	ssyncadd.s32 $0xFFFFF830  }
0x3d: {  	[spmem:s2] =	stream.indirect.scatter.add.f32 [tilespmem:s13], [sflag:$0x1], $0x10, s0, s12, $0xb8;
	[tilespmem:$0x19C80] =	vst v63  }
0x3e: {  	_ =	swait.ge [sflag:s10], $0x7D0  }
0x3f: {  	[sflag:s10] =	ssyncset.done $0x0  }
0x40: {  	s0 =	simm.s32 $0x380;
	s13 =	simm.s32 $0x4AB0;
	[sflag:s10] =	ssyncadd.s32 $0xFFFFF830  }
0x41: {  	[spmem:s2] =	stream.indirect.scatter.add.f32 [tilespmem:s13], [sflag:$0x1], $0x10, s0, s12, $0xb8;
	[tilespmem:$0x19C80] =	vst v63  }
0x42: {  	_ =	swait.ge [sflag:s10], $0x7D0  }
0x43: {  	[sflag:s10] =	ssyncset.done $0x0  }
0x44: {  	s0 =	simm.s32 $0x400;
	s13 =	simm.s32 $0x5280;
	[sflag:s10] =	ssyncadd.s32 $0xFFFFF830  }
0x45: {  	[spmem:s2] =	stream.indirect.scatter.add.f32 [tilespmem:s13], [sflag:$0x1], $0x10, s0, s12, $0xb8;
	[tilespmem:$0x19C80] =	vst v63  }
0x46: {  	_ =	swait.ge [sflag:s10], $0x7D0  }
0x47: {  	[sflag:s10] =	ssyncset.done $0x0  }
0x48: {  	s0 =	simm.s32 $0x480;
	s13 =	simm.s32 $0x5A50;
	[sflag:s10] =	ssyncadd.s32 $0xFFFFF830  }
0x49: {  	[spmem:s2] =	stream.indirect.scatter.add.f32 [tilespmem:s13], [sflag:$0x1], $0x10, s0, s12, $0xb8;
	[tilespmem:$0x19C80] =	vst v63  }
0x4a: {  	_ =	swait.ge [sflag:s10], $0x7D0  }
0x4b: {  	[sflag:s10] =	ssyncset.done $0x0  }
0x4c: {  	s0 =	simm.s32 $0x500;
	s13 =	simm.s32 $0x6220;
	[sflag:s10] =	ssyncadd.s32 $0xFFFFF830  }
0x4d: {  	[spmem:s2] =	stream.indirect.scatter.add.f32 [tilespmem:s13], [sflag:$0x1], $0x10, s0, s12, $0xb8;
	[tilespmem:$0x19C80] =	vst v63  }
0x4e: {  	_ =	swait.ge [sflag:s10], $0x7D0  }
0x4f: {  	[sflag:s10] =	ssyncset.done $0x0  }
0x50: {  	s0 =	simm.s32 $0x580;
	s13 =	simm.s32 $0x69F0;
	[sflag:s10] =	ssyncadd.s32 $0xFFFFF830  }
0x51: {  	[spmem:s2] =	stream.indirect.scatter.add.f32 [tilespmem:s13], [sflag:$0x1], $0x10, s0, s12, $0xb8;
	[tilespmem:$0x19C80] =	vst v63  }
0x52: {  	_ =	swait.ge [sflag:s10], $0x7D0  }
0x53: {  	[sflag:s10] =	ssyncset.done $0x0  }
0x54: {  	s0 =	simm.s32 $0x600;
	s13 =	simm.s32 $0x71C0;
	[sflag:s10] =	ssyncadd.s32 $0xFFFFF830  }
0x55: {  	[spmem:s2] =	stream.indirect.scatter.add.f32 [tilespmem:s13], [sflag:$0x1], $0x10, s0, s12, $0xb8;
	[tilespmem:$0x19C80] =	vst v63  }
0x56: {  	_ =	swait.ge [sflag:s10], $0x7D0  }
0x57: {  	[sflag:s10] =	ssyncset.done $0x0  }
0x58: {  	s0 =	simm.s32 $0x680;
	s13 =	simm.s32 $0x7990;
	[sflag:s10] =	ssyncadd.s32 $0xFFFFF830  }
0x59: {  	[spmem:s2] =	stream.indirect.scatter.add.f32 [tilespmem:s13], [sflag:$0x1], $0x10, s0, s12, $0xb8;
	[tilespmem:$0x19C80] =	vst v63  }
0x5a: {  	_ =	swait.ge [sflag:s10], $0x7D0  }
0x5b: {  	[sflag:s10] =	ssyncset.done $0x0  }
0x5c: {  	s0 =	simm.s32 $0x700;
	s13 =	simm.s32 $0x8160;
	[sflag:s10] =	ssyncadd.s32 $0xFFFFF830  }
0x5d: {  	[spmem:s2] =	stream.indirect.scatter.add.f32 [tilespmem:s13], [sflag:$0x1], $0x10, s0, s12, $0xb8;
	[tilespmem:$0x19C80] =	vst v63  }
0x5e: {  	_ =	swait.ge [sflag:s10], $0x7D0  }
0x5f: {  	[sflag:s10] =	ssyncset.done $0x0  }
0x60: {  	s0 =	simm.s32 $0x780;
	s13 =	simm.s32 $0x8930;
	[sflag:s10] =	ssyncadd.s32 $0xFFFFF830  }
0x61: {  	[spmem:s2] =	stream.indirect.scatter.add.f32 [tilespmem:s13], [sflag:$0x1], $0x10, s0, s12, $0xb8;
	[tilespmem:$0x19C80] =	vst v63  }
0x62: {  	_ =	swait.ge [sflag:s10], $0x7D0  }
0x63: {  	[sflag:s10] =	ssyncset.done $0x0  }
0x64: {  	s0 =	simm.s32 $0x800;
	s13 =	simm.s32 $0x9100;
	[sflag:s10] =	ssyncadd.s32 $0xFFFFF830  }
0x65: {  	[spmem:s2] =	stream.indirect.scatter.add.f32 [tilespmem:s13], [sflag:$0x1], $0x10, s0, s12, $0xb8;
	[tilespmem:$0x19C80] =	vst v63  }
0x66: {  	_ =	swait.ge [sflag:s10], $0x7D0  }
0x67: {  	[sflag:s10] =	ssyncset.done $0x0  }
0x68: {  	s0 =	simm.s32 $0x880;
	s13 =	simm.s32 $0x98D0;
	[sflag:s10] =	ssyncadd.s32 $0xFFFFF830  }
0x69: {  	[spmem:s2] =	stream.indirect.scatter.add.f32 [tilespmem:s13], [sflag:$0x1], $0x10, s0, s12, $0xb8;
	[tilespmem:$0x19C80] =	vst v63  }
0x6a: {  	_ =	swait.ge [sflag:s10], $0x7D0  }
0x6b: {  	[sflag:s10] =	ssyncset.done $0x0  }
0x6c: {  	s0 =	simm.s32 $0x900;
	s13 =	simm.s32 $0xA0A0;
	[sflag:s10] =	ssyncadd.s32 $0xFFFFF830  }
0x6d: {  	[spmem:s2] =	stream.indirect.scatter.add.f32 [tilespmem:s13], [sflag:$0x1], $0x10, s0, s12, $0xb8;
	[tilespmem:$0x19C80] =	vst v63  }
0x6e: {  	_ =	swait.ge [sflag:s10], $0x7D0  }
0x6f: {  	[sflag:s10] =	ssyncset.done $0x0  }
0x70: {  	s0 =	simm.s32 $0x980;
	s13 =	simm.s32 $0xA870;
	[sflag:s10] =	ssyncadd.s32 $0xFFFFF830  }
0x71: {  	[spmem:s2] =	stream.indirect.scatter.add.f32 [tilespmem:s13], [sflag:$0x1], $0x10, s0, s12, $0xb8;
	[tilespmem:$0x19C80] =	vst v63  }
0x72: {  	_ =	swait.ge [sflag:s10], $0x7D0  }
0x73: {  	[sflag:s10] =	ssyncset.done $0x0  }
0x74: {  	s0 =	simm.s32 $0xA00;
	s13 =	simm.s32 $0xB040;
	[sflag:s10] =	ssyncadd.s32 $0xFFFFF830  }
0x75: {  	[spmem:s2] =	stream.indirect.scatter.add.f32 [tilespmem:s13], [sflag:$0x1], $0x10, s0, s12, $0xb8;
	[tilespmem:$0x19C80] =	vst v63  }
0x76: {  	_ =	swait.ge [sflag:s10], $0x7D0  }
0x77: {  	[sflag:s10] =	ssyncset.done $0x0  }
0x78: {  	s0 =	simm.s32 $0xA80;
	s13 =	simm.s32 $0xB810;
	[sflag:s10] =	ssyncadd.s32 $0xFFFFF830  }
0x79: {  	[spmem:s2] =	stream.indirect.scatter.add.f32 [tilespmem:s13], [sflag:$0x1], $0x10, s0, s12, $0xb8;
	[tilespmem:$0x19C80] =	vst v63  }
0x7a: {  	_ =	swait.ge [sflag:s10], $0x7D0  }
0x7b: {  	[sflag:s10] =	ssyncset.done $0x0  }
0x7c: {  	s0 =	simm.s32 $0xB00;
	s13 =	simm.s32 $0xBFE0;
	[sflag:s10] =	ssyncadd.s32 $0xFFFFF830  }
0x7d: {  	[spmem:s2] =	stream.indirect.scatter.add.f32 [tilespmem:s13], [sflag:$0x1], $0x10, s0, s12, $0xb8;
	[tilespmem:$0x19C80] =	vst v63  }
0x7e: {  	_ =	swait.ge [sflag:s10], $0x7D0  }
0x7f: {  	[sflag:s10] =	ssyncset.done $0x0  }
0x80: {  	s0 =	simm.s32 $0xB80;
	s13 =	simm.s32 $0xC7B0;
	[sflag:s10] =	ssyncadd.s32 $0xFFFFF830  }
0x81: {  	[spmem:s2] =	stream.indirect.scatter.add.f32 [tilespmem:s13], [sflag:$0x1], $0x10, s0, s12, $0xb8;
	[tilespmem:$0x19C80] =	vst v63  }
0x82: {  	_ =	swait.ge [sflag:s10], $0x7D0  }
0x83: {  	[sflag:s10] =	ssyncset.done $0x0  }
0x84: {  	s0 =	simm.s32 $0xC00;
	s13 =	simm.s32 $0xCF80;
	[sflag:s10] =	ssyncadd.s32 $0xFFFFF830  }
0x85: {  	[spmem:s2] =	stream.indirect.scatter.add.f32 [tilespmem:s13], [sflag:$0x1], $0x10, s0, s12, $0xb8;
	[tilespmem:$0x19C80] =	vst v63  }
0x86: {  	_ =	swait.ge [sflag:s10], $0x7D0  }
0x87: {  	[sflag:s10] =	ssyncset.done $0x0  }
0x88: {  	s0 =	simm.s32 $0xC80;
	s13 =	simm.s32 $0xD750;
	[sflag:s10] =	ssyncadd.s32 $0xFFFFF830  }
0x89: {  	[spmem:s2] =	stream.indirect.scatter.add.f32 [tilespmem:s13], [sflag:$0x1], $0x10, s0, s12, $0xb8;
	[tilespmem:$0x19C80] =	vst v63  }
0x8a: {  	_ =	swait.ge [sflag:s10], $0x7D0  }
0x8b: {  	[sflag:s10] =	ssyncset.done $0x0  }
0x8c: {  	s0 =	simm.s32 $0xD00;
	s13 =	simm.s32 $0xDF20;
	[sflag:s10] =	ssyncadd.s32 $0xFFFFF830  }
0x8d: {  	[spmem:s2] =	stream.indirect.scatter.add.f32 [tilespmem:s13], [sflag:$0x1], $0x10, s0, s12, $0xb8;
	[tilespmem:$0x19C80] =	vst v63  }
0x8e: {  	_ =	swait.ge [sflag:s10], $0x7D0  }
0x8f: {  	[sflag:s10] =	ssyncset.done $0x0  }
0x90: {  	s0 =	simm.s32 $0xD80;
	s13 =	simm.s32 $0xE6F0;
	[sflag:s10] =	ssyncadd.s32 $0xFFFFF830  }
0x91: {  	[spmem:s2] =	stream.indirect.scatter.add.f32 [tilespmem:s13], [sflag:$0x1], $0x10, s0, s12, $0xb8;
	[tilespmem:$0x19C80] =	vst v63  }
0x92: {  	_ =	swait.ge [sflag:s10], $0x7D0  }
0x93: {  	[sflag:s10] =	ssyncset.done $0x0  }
0x94: {  	s0 =	simm.s32 $0xE00;
	s13 =	simm.s32 $0xEEC0;
	[sflag:s10] =	ssyncadd.s32 $0xFFFFF830  }
0x95: {  	[spmem:s2] =	stream.indirect.scatter.add.f32 [tilespmem:s13], [sflag:$0x1], $0x10, s0, s12, $0xb8;
	[tilespmem:$0x19C80] =	vst v63  }
0x96: {  	_ =	swait.ge [sflag:s10], $0x7D0  }
0x97: {  	[sflag:s10] =	ssyncset.done $0x0  }
0x98: {  	s0 =	simm.s32 $0xE80;
	s13 =	simm.s32 $0xF690;
	[sflag:s10] =	ssyncadd.s32 $0xFFFFF830  }
0x99: {  	[spmem:s2] =	stream.indirect.scatter.add.f32 [tilespmem:s13], [sflag:$0x1], $0x10, s0, s12, $0xb8;
	[tilespmem:$0x19C80] =	vst v63  }
0x9a: {  	_ =	swait.ge [sflag:s10], $0x7D0  }
0x9b: {  	[sflag:s10] =	ssyncset.done $0x0  }
0x9c: {  	s0 =	simm.s32 $0xF00;
	s13 =	simm.s32 $0xFE60;
	[sflag:s10] =	ssyncadd.s32 $0xFFFFF830  }
0x9d: {  	[spmem:s2] =	stream.indirect.scatter.add.f32 [tilespmem:s13], [sflag:$0x1], $0x10, s0, s12, $0xb8;
	[tilespmem:$0x19C80] =	vst v63  }
0x9e: {  	_ =	swait.ge [sflag:s10], $0x7D0  }
0x9f: {  	[sflag:s10] =	ssyncset.done $0x0  }
0xa0: {  	s13 =	simm.s32 $0xF80;
	[sflag:s10] =	ssyncadd.s32 $0xFFFFF830  }
0xa1: {  	[spmem:s2] =	stream.indirect.scatter.add.f32 [tilespmem:s14], [sflag:$0x1], $0x10, s13, s12, $0xb8;
	[tilespmem:$0x19C80] =	vst v63  }
0xa2: {  	_ =	swait.ge [sflag:s10], $0x7D0  }
0xa3: {  	[sflag:s10] =	ssyncset.done $0x0  }
0xa4: {  	[sflag:s10] =	ssyncadd.s32 $0xFFFFF830  }
0xa5: {  	[spmem:s2] =	stream.indirect.scatter.add.f32 [tilespmem:s16], [sflag:$0x1], $0x10, s15, s12, $0xb8;
	[tilespmem:$0x19C80] =	vst v63  }
0xa6: {  	_ =	swait.ge [sflag:s10], $0x7D0  }
0xa7: {  	[sflag:s10] =	ssyncset.done $0x0  }
0xa8: {  	[sflag:s10] =	ssyncadd.s32 $0xFFFFF830  }
0xa9: {  	[spmem:s2] =	stream.indirect.scatter.add.f32 [tilespmem:s18], [sflag:$0x1], $0x10, s17, s12, $0xb8;
	[tilespmem:$0x19C80] =	vst v63  }
0xaa: {  	_ =	swait.ge [sflag:s10], $0x7D0  }
0xab: {  	[sflag:s10] =	ssyncset.done $0x0  }
0xac: {  	[sflag:s10] =	ssyncadd.s32 $0xFFFFF830  }
0xad: {  	[spmem:s2] =	stream.indirect.scatter.add.f32 [tilespmem:s20], [sflag:$0x1], $0x10, s19, s12, $0xb8;
	[tilespmem:$0x19C80] =	vst v63  }
0xae: {  	_ =	swait.ge [sflag:s10], $0x7D0  }
0xaf: {  	[sflag:s10] =	ssyncset.done $0x0  }
0xb0: {  	[sflag:s10] =	ssyncadd.s32 $0xFFFFF830  }
0xb1: {  	[spmem:s2] =	stream.indirect.scatter.add.f32 [tilespmem:s22], [sflag:$0x1], $0x10, s21, s12, $0xb8;
	[tilespmem:$0x19C80] =	vst v63  }
0xb2: {  	_ =	swait.ge [sflag:s10], $0x7D0  }
0xb3: {  	[sflag:s10] =	ssyncset.done $0x0  }
0xb4: {  	[sflag:s10] =	ssyncadd.s32 $0xFFFFF830  }
0xb5: {  	[spmem:s2] =	stream.indirect.scatter.add.f32 [tilespmem:s24], [sflag:$0x1], $0x10, s23, s12, $0xb8;
	[tilespmem:$0x19C80] =	vst v63  }
0xb6: {  	_ =	swait.ge [sflag:s10], $0x7D0  }
0xb7: {  	[sflag:s10] =	ssyncset.done $0x0  }
0xb8: {  	[sflag:s10] =	ssyncadd.s32 $0xFFFFF830  }
0xb9: {  	[spmem:s2] =	stream.indirect.scatter.add.f32 [tilespmem:s26], [sflag:$0x1], $0x10, s25, s12, $0xb8;
	[tilespmem:$0x19C80] =	vst v63  }
0xba: {  	_ =	swait.ge [sflag:s10], $0x7D0  }
0xbb: {  	[sflag:s10] =	ssyncset.done $0x0  }
0xbc: {  	[sflag:s10] =	ssyncadd.s32 $0xFFFFF830  }
0xbd: {  	[spmem:s2] =	stream.indirect.scatter.add.f32 [tilespmem:s29], [sflag:$0x1], $0x10, s28, s12, $0xb8;
	[tilespmem:$0x19C80] =	vst v63  }
0xbe: {  	_ =	swait.ge [sflag:s10], $0x7D0  }
0xbf: {  	[sflag:s10] =	ssyncset.done $0x0  }
0xc0: {  	[sflag:s10] =	ssyncadd.s32 $0xFFFFF830  }
0xc1: {  	[spmem:s2] =	stream.indirect.scatter.add.f32 [tilespmem:s31], [sflag:$0x1], $0x10, s30, s12, $0xb8;
	[tilespmem:$0x19C80] =	vst v63  }
0xc2: {  	_ =	swait.ge [sflag:s10], $0x7D0  }
0xc3: {  	[sflag:s10] =	ssyncset.done $0x0  }
0xc4: {  	[sflag:s10] =	ssyncadd.s32 $0xFFFFF830  }
0xc5: {  	[bflag:$0x0] =	sbarrier.arrive $0xFFFF  }
0xc6: {  	[tilespmem:s9], [sflag:$0x1] =	stream.linear.gather [spmem:s4], $0x2800, $0x38;
	[tilespmem:$0x19C80] =	vst v63  }
0xc7: {  	s1 =	sadd.s32 $0x1, s1;
	_ =	swait.ge [sflag:s10], $0x2800  }
0xc8: {  	p0 =	sne.s32 s1, s7;
	[sflag:s10] =	ssyncset.done $0x0  }
.Ltmp1:
0xc9: {  	[sflag:s10] =	ssyncadd.s32 $0xFFFFD800;
	(pc) =	sbr.rel @p0 .LBB2_1-.Ltmp1, $4  }
0xca: {  	[hbm4b:s8+s3] =	stream.linear.scatter [tilespmem:s9], [sflag:$0x1], $0x2800, $0x38;
	[tilespmem:$0x19C80] =	vst v63  }
0xcb: {  	_ =	swait.ge [sflag:s10], $0x2800  }
0xcc: {  	[sflag:s10] =	ssyncset.done $0x0  }
0xcd: {  	[sflag:s10] =	ssyncadd.s32 $0xFFFFD800  }
0xce: {  	_ =	sfence.sel $0x180000  }
0xcf: {  	[bflag:$0x0] =	sbarrier.arrive $0xFFFF  }
0xd0: {  	_ =	strace $0x90000050  }
0xd1: {  	s0 =	stileid.u32;
	[bflag:$0x2] =	sbarrier.arrive $0xFFFF  }
0xd2: {  	p0 =	sne.s32 s0, $0x0;
	s0 =	rddreg [dreg:$0x2]  }
0xd3: {  	s0 =	sadd.s32 @!p0 $0x100000, s0  }
0xd4: {  	[sflag:s0] =	ssyncadd.tile.s32 @!p0 $0x1;
	_ =	shalt  }
.Lfunc_end2:
_tile_overlayer_lowered:
.L_overlay_start_2:
0xd5: {  	(tag) =	ssettag $0x2  }
0xd6: {  	s0 =	rddreg [dreg:$0x0];
	s2 =	stileid.u32  }
0xd7: {  	s1 =	rddreg [dreg:$0x1];
	p0 =	sne.s32 s2, $0x0  }
0xd8: {  	s3 =	rddreg [dreg:$0x2];
	[bflag:$0x3] =	sbarrier.arrive $0xFFFF;
	s2 =	simm.s32 @!p0 $0x1C01  }
0xd9: {  	[timem:s3], [sflag:s2] =	dma.local @!p0 [hbm:s0], s1  }
0xda: {  	s0 =	simm.s32 @!p0 $0x1  }
0xdb: {  	_ =	swait.ge @!p0 [sflag:s0], s1  }
0xdc: {  	s1 =	ssub.s32 @!p0 $0x0, s1;
	[sflag:s0] =	ssyncset.done @!p0 $0x0  }
0xdd: {  	[sflag:s0] =	ssyncadd.s32 @!p0 s1  }
0xde: {  	[bflag:$0x3] =	sbarrier.arrive $0xFFFF  }
0xdf: {  	_ =	shalt  }

// kernel: kernel.25.cloned.1.call-start
scs
__scs_entry_jumppad:
0x0: {  	(pc) =	sbr.rel $0x88, $3  }
0x1: {  	(tag) =	ssettag $0x0;
	lr =	simm.s32 $0x1  }
0x2: {  	[smem:$0x3F95] =	sst lr;
	_ =	strace $0xD0000000  }
0x3: {  	_ = 	snop  }
0x4: {  	_ = 	snop  }
0x5: {  	_ = 	snop  }
0x6: {  	_ = 	snop  }
0x7: {  	_ = 	snop  }
__scs_overlays_trampoline_lowered:
0x8: {  	[smem:$0x3FA4] =	sst s0  }
0x9: {  	[smem:$0x3FA5] =	sst s1  }
0xa: {  	[smem:$0x3FA6] =	sst s2  }
0xb: {  	[smem:$0x3FA7] =	sst s3  }
0xc: {  	[smem:$0x3FA8] =	sst s4  }
0xd: {  	[smem:$0x3FA9] =	sst s5  }
0xe: {  	[smem:$0x3FAA] =	sst s6  }
0xf: {  	[smem:$0x3FAB] =	sst s7  }
0x10: {  	[smem:$0x3FAC] =	sst s8  }
0x11: {  	[smem:$0x3FAD] =	sst s9;
	s0 =	simm.s32 @!p0 $0x0  }
0x12: {  	s1 =	sld [smem:$0x3F93];
	s0 =	simm.s32 @p0 $0x1  }
0x13: {  	[smem:$0x3FAE] =	sst s0;
	s0 =	simm.s32 @!p1 $0x0  }
0x14: {  	s2 =	sld [smem:$0x3F92];
	s0 =	simm.s32 @p1 $0x1  }
0x15: {  	[smem:$0x3FAF] =	sst s0;
	s0 =	simm.s32 @!p2 $0x0  }
0x16: {  	s3 =	sld [smem:$0x3FDB];
	s0 =	simm.s32 @p2 $0x1  }
0x17: {  	s4 =	simm.s32 $0x1BF5;
	[smem:$0x3FB1] =	sst s0  }
0x18: {  	s0 =	sld [smem:$0x3F94];
	_ =	swait.ge [sflag:s4], $0x0  }
0x19: {  	s7 =	sld [smem:$0x3F95]  }
0x1a: {  	s8 =	sadd.s32 $0xFFFFE003, lr  }
0x1b: {  	s9 =	sadd.s32 $0xFFFFFEF7, lr;
	s5 =	simm.s32 $0xFFFFFFFF;
	p2 =	slt.u32 s8, $0xFFFFF086  }
0x1c: {  	p1 =	slt.u32 s9, $0xF7A;
	s5 =	simm.s32 @!p2 $0x0  }
0x1d: {  	s5 =	simm.s32 @p1 $0x1;
	p0 =	seq.s32 s7, s2  }
0x1e: {  	s7 =	smul.u32 @!p0 $0xF7A, s2;
	p2 =	seq.s32 @!p0 s5, $0x0  }
0x1f: {  	s9 =	smul.u32 $0xF7A, s1;
	s8 =	simm.s32 @!p0 $0x1BF5;
	p2 =	por !p2, p0  }
0x20: {  	[sflag:s8] =	ssyncset.s32 @!p0 $0xFFFFF086;
	s6 =	sadd.s32 @!p0 s3, s7;
	s7 =	simm.s32 @!p0 $0x108  }
0x21: {  	s3 =	sadd.s32 s3, s9;
	s6 =	sadd.s32 @!p0 $0x88, s6;
	s7 =	simm.s32 @p2 $0x1082  }
0x22: {  	[simem:s7], [sflag:s8] =	dma.local @!p0 [hbm:s6], $0xF7A  }
0x23: {  	s9 =	sor.u32 $0xD0000000, s2;
	s6 =	simm.s32 $0x108;
	_ =	swait.ge @!p0 [sflag:s8], $0x0  }
0x24: {  	s3 =	sadd.s32 $0x88, s3;
	s6 =	simm.s32 @!p1 $0x1082;
	[sflag:s4] =	ssyncset.s32 $0xFFFFF086  }
0x25: {  	[simem:s6], [sflag:s4] =	dma.local [hbm:s3], $0xF7A  }
0x26: {  	[smem:$0x3F95] =	sst s1;
	(tag) =	ssettag s2;
	_ =	strace s9  }
0x27: {  	s1 =	sld [smem:$0x3FA5]  }
0x28: {  	s2 =	sld [smem:$0x3FA6]  }
0x29: {  	s4 =	sld [smem:$0x3FA8]  }
0x2a: {  	p0 =	seq.s32 s5, $0x0;
	s5 =	sld [smem:$0x3FA9]  }
0x2b: {  	s6 =	sld [smem:$0x3FAA]  }
0x2c: {  	s7 =	sld [smem:$0x3FAB]  }
0x2d: {  	s3 =	simm.s32 $0x108;
	s8 =	sld [smem:$0x3FAC]  }
0x2e: {  	s3 =	simm.s32 @!p0 $0x1082;
	s9 =	sld [smem:$0x3FAD]  }
0x2f: {  	lr =	sadd.s32 s0, s3;
	s0 =	sld [smem:$0x3FA4]  }
0x30: {  	s3 =	sld [smem:$0x3FA7]  }
0x31: {  	[smem:$0x3FB0] =	sst s10  }
0x32: {  	s10 =	sld [smem:$0x3FAE];
	_ =	sdelay $0x3  }
0x33: {  	p0 =	seq.s32 s10, $0x1;
	s10 =	sld [smem:$0x3FB0];
	_ =	sdelay $0x3  }
0x34: {  	[smem:$0x3FB0] =	sst s10  }
0x35: {  	s10 =	sld [smem:$0x3FAF];
	_ =	sdelay $0x3  }
0x36: {  	p1 =	seq.s32 s10, $0x1;
	s10 =	sld [smem:$0x3FB0];
	_ =	sdelay $0x3  }
0x37: {  	[smem:$0x3FB0] =	sst s10  }
0x38: {  	s10 =	sld [smem:$0x3FB1]  }
0x39: {  	_ = 	snop;
	(pc) =	sbr.ind lr, $3  }
0x3a: {  	_ = 	snop  }
0x3b: {  	_ = 	snop  }
0x3c: {  	p2 =	seq.s32 s10, $0x1;
	s10 =	sld [smem:$0x3FB0]  }
0x3d: {  	_ =	shalt  }
0x3e: {  	_ =	shalt  }
0x3f: {  	_ =	shalt  }
0x40: {  	_ =	shalt  }
0x41: {  	_ =	shalt  }
0x42: {  	_ =	shalt  }
0x43: {  	_ =	shalt  }
0x44: {  	_ =	shalt  }
0x45: {  	_ =	shalt  }
0x46: {  	_ =	shalt  }
0x47: {  	_ =	shalt  }
0x48: {  	_ =	shalt  }
0x49: {  	_ =	shalt  }
0x4a: {  	_ =	shalt  }
0x4b: {  	_ =	shalt  }
0x4c: {  	_ =	shalt  }
0x4d: {  	_ =	shalt  }
0x4e: {  	_ =	shalt  }
0x4f: {  	_ =	shalt  }
0x50: {  	_ =	shalt  }
0x51: {  	_ =	shalt  }
0x52: {  	_ =	shalt  }
0x53: {  	_ =	shalt  }
0x54: {  	_ =	shalt  }
0x55: {  	_ =	shalt  }
0x56: {  	_ =	shalt  }
0x57: {  	_ =	shalt  }
0x58: {  	_ =	shalt  }
0x59: {  	_ =	shalt  }
0x5a: {  	_ =	shalt  }
0x5b: {  	_ =	shalt  }
0x5c: {  	_ =	shalt  }
0x5d: {  	_ =	shalt  }
0x5e: {  	_ =	shalt  }
0x5f: {  	_ =	shalt  }
0x60: {  	_ =	shalt  }
0x61: {  	_ =	shalt  }
0x62: {  	_ =	shalt  }
0x63: {  	_ =	shalt  }
0x64: {  	_ =	shalt  }
0x65: {  	_ =	shalt  }
0x66: {  	_ =	shalt  }
0x67: {  	_ =	shalt  }
0x68: {  	_ =	shalt  }
0x69: {  	_ =	shalt  }
0x6a: {  	_ =	shalt  }
0x6b: {  	_ =	shalt  }
0x6c: {  	_ =	shalt  }
0x6d: {  	_ =	shalt  }
0x6e: {  	_ =	shalt  }
0x6f: {  	_ =	shalt  }
0x70: {  	_ =	shalt  }
0x71: {  	_ =	shalt  }
0x72: {  	_ =	shalt  }
0x73: {  	_ =	shalt  }
0x74: {  	_ =	shalt  }
0x75: {  	_ =	shalt  }
0x76: {  	_ =	shalt  }
0x77: {  	_ =	shalt  }
0x78: {  	_ =	shalt  }
0x79: {  	_ =	shalt  }
0x7a: {  	_ =	shalt  }
0x7b: {  	_ =	shalt  }
0x7c: {  	_ =	shalt  }
0x7d: {  	_ =	shalt  }
0x7e: {  	_ =	shalt  }
0x7f: {  	_ =	shalt  }
0x80: {  	_ =	shalt  }
0x81: {  	_ =	shalt  }
0x82: {  	_ =	shalt  }
0x83: {  	_ =	shalt  }
0x84: {  	_ =	shalt  }
0x85: {  	_ =	shalt  }
0x86: {  	_ =	shalt  }
0x87: {  	_ =	shalt  }
.Lfunc_end0:
.L_simem_size_0:
called_computation.4_lowered:
.L_overlay_start_0:
0x88: {  	s2 =	sld [smem:$0x3FD9]  }
0x89: {  	s3 =	sld [smem:$0x3FFE];
	_ =	sdelay $0x1  }
0x8a: {  	s1 =	srdreg.scid  }
0x8b: {  	s0 =	sand.u32 $0x1, s1  }
0x8c: {  	s16 =	sshll.u32 s0, $0xA;
	s2 =	sadd.s32 s3, s2  }
0x8d: {  	s2 =	sadd.s32 s2, s16  }
0x8e: {  	[smem:$0x3FBC] =	sst s2  }
0x8f: {  	_ = 	snop  }
0x90: {  	(tm) =	ssettm $0x1  }
0x91: {  	s17 =	sld [smem:$0x3FFB];
	_ =	sdelay $0x3  }
0x92: {  	_ =	strace s17  }
0x93: {  	s2 =	sld [smem:$0x3FFC];
	_ =	sdelay $0x3  }
0x94: {  	_ =	strace s2  }
0x95: {  	s2 =	sld [smem:$0x3FFD];
	_ =	sdelay $0x3  }
0x96: {  	_ =	strace s2  }
0x97: {  	_ =	strace $0x8FFFFFFF  }
0x98: {  	s18 =	sld [smem:$0x3FDB];
	_ =	sdelay $0x1  }
0x99: {  	s19 =	simm.s32 $_scs_section_size  }
0x9a: {  	s4 =	simm.s32 $_size__tile_overlayer_lowered;
	s5 =	simm.s32 $_tile_overlayer_lowered  }
0x9b: {  	s22 =	simm.s32 $0x1BFF;
	s21 =	sshll.u32 s5, $0x1;
	s2 =	sadd.s32 s19, s18  }
0x9c: {  	s6 =	simm.s32 $0x0;
	s20 =	sshll.u32 s4, $0x1;
	s4 =	sadd.s32 s21, s2  }
0x9d: {  	[timem:s6], [sflag:s22] =	dma.local [hbm:s4], s20  }
0x9e: {  	_ =	swait.ge [sflag:s22], s20  }
0x9f: {  	s3 =	ssub.s32 $0x0, s20;
	[sflag:s22] =	ssyncset.done $0x0  }
0xa0: {  	[sflag:s22] =	ssyncadd.s32 s3;
	_ =	sdelay $0x1  }
0xa1: {  	s23 =	simm.s32 $0x1B8B  }
0xa2: {  	_ =	swait.ge [sflag:s23], $0x1  }
0xa3: {  	[sflag:s23] =	ssyncset.done $0x0  }
0xa4: {  	s25 =	simm.s32 $0x1B8E;
	s24 =	sld [smem:$0x3FFE];
	[sflag:s23] =	ssyncadd.s32 $0xFFFFFFFF  }
0xa5: {  	s26 =	simm.s32 $execute0_lowered;
	[smem:$0x3FD2] =	sst s25  }
0xa6: {  	s4 =	sshll.u32 s26, $0x1;
	_ =	strace $0x80000052;
	[dreg:$0x1] =	wrdreg $0xFFFFFFFF  }
0xa7: {  	s28 =	simm.s32 $_size_execute0_lowered;
	s2 =	sadd.s32 s2, s4;
	[dreg:$0x0] =	wrdreg $0x0  }
0xa8: {  	s4 =	sshll.u32 s28, $0x1;
	[dreg:$0x2] =	wrdreg s2  }
0xa9: {  	[dreg:$0x3] =	wrdreg s4  }
0xaa: {  	[dreg:$0x4] =	wrdreg $0xC0  }
0xab: {  	_ =	task [dreg:s6], $0x5FFFF  }
0xac: {  	[dreg:$0x1] =	wrdreg $0xFFFFFFFF  }
0xad: {  	[dreg:$0x0] =	wrdreg $0x60  }
0xae: {  	[dreg:$0x2] =	wrdreg s24  }
0xaf: {  	[dreg:$0x3] =	wrdreg $0x9  }
0xb0: {  	_ =	task.clear_ibuf [dreg:s6], $0x4FFFF;
	_ =	strace $0x90000052  }
0xb1: {  	s29 =	simm.s32 $0x9;
	_ =	strace $0x80000054  }
0xb2: {  	_ =	swait.ge [sflag:s29], $0x1  }
0xb3: {  	[sflag:s29] =	ssyncadd.s32 $0xFFFFFFFF  }
0xb4: {  	_ =	strace $0x90000054  }
0xb5: {  	_ =	sfence  }
0xb6: {  	s30 =	sld [smem:$0x0];
	_ =	sdelay $0x2  }
0xb7: {  	s31 =	sshll.u32 s1, $0xD;
	s1 =	sshrl.u32 s1, $0x2  }
0xb8: {  	s3 =	sand.u32 $0x4000, s31;
	s1 =	sadd.s32 s1, s30  }
0xb9: {  	s0 =	sor.u32 s3, s0;
	s1 =	sshll.u32 s1, $0x11  }
0xba: {  	s0 =	sor.u32 s1, s0  }
0xbb: {  	s0 =	sadd.s32 $0x8F2B, s0  }
0xbc: {  	[sflag:s0] =	ssyncadd.remote.s32 $0x1  }
0xbd: {  	_ =	sfence.sel $0xFFFF  }
0xbe: {  	[dreg:$0x0] =	wrdreg $0xFFFFFFFF;
	(pc) =	sbr.abs _section_cstart, $3  }
0xbf: {  	[dreg:$0x1] =	wrdreg $0xFFFFFFFF  }
0xc0: {  	_ =	task.clear_ibuf [dreg:s6], $0x2FFFF;
	_ =	strace $0x9FFFFFFF  }
0xc1: {  	(tm) =	ssettm $0x7FFFFFFF  }
tec
execute0_lowered:
.L_overlay_start_1:
0x0: {  	(tag) =	ssettag $0x1  }
0x1: {  	s0 =	srdreg.scid  }
0x2: {  	s4 =	rddreg [dreg:$0x0];
	s30 =	stileid.u32  }
0x3: {  	s2 =	simm.s32 $0x0;
	s11 =	simm.s32 $0x1BD0;
	s10 =	simm.s32 $0x7D  }
0x4: {  	s12 =	simm.s32 $0x5A50;
	s13 =	simm.s32 $0x23A0;
	s14 =	simm.s32 $0x2B70  }
0x5: {  	s15 =	simm.s32 $0x69F0;
	s16 =	simm.s32 $0x3340;
	s17 =	simm.s32 $0x71C0  }
0x6: {  	s18 =	simm.s32 $0x3B10;
	s19 =	simm.s32 $0x7990;
	s20 =	simm.s32 $0x42E0  }
0x7: {  	s21 =	simm.s32 $0x8160;
	s22 =	simm.s32 $0x4AB0;
	s23 =	simm.s32 $0x8930  }
0x8: {  	s24 =	simm.s32 $0x1;
	s25 =	simm.s32 $0x0;
	s3 =	sand.u32 $0x1, s0  }
0x9: {  	[smem:$0x7FF] =	sst s2;
	s8 =	smul.u32 $0x2710, s30;
	s5 =	sshll.u32 s3, $0x4  }
0xa: {  	_ =	strace $0x80000053;
	s6 =	smul.u32 $0x27100, s3;
	s7 =	ssub.s32 $0x2, s3  }
0xb: {  	s3 =	sadd.s32 $0x5CA00, s4;
	[dreg:$0x2] =	wrdreg s11;
	s11 =	simm.s32 $0x1400  }
0xc: {  	[dreg:$0x3] =	wrdreg s12;
	s12 =	simm.s32 $0x5280;
	s5 =	sor.u32 s30, s5  }
0xd: {  	[dreg:$0x4] =	wrdreg s13;
	s9 =	sshrl.u32 s7, $0x1;
	s5 =	smul.u32 $0x280, s5  }
0xe: {  	s13 =	simm.s32 $0x6220;
	s6 =	sadd.s32 s6, s4;
	s7 =	ssub.s32 s7, s9  }
0xf: {  	s9 =	simm.s32 $0x2;
	s8 =	sadd.s32 s8, s6;
	s5 =	sadd.s32 s5, s4  }
0x10: {  	s6 =	smax.u32 s7, $0x1;
	s4 =	sadd.s32 $0x61A00, s4;
	s31 =	sadd.s32 $0x4800, s5  }
0x11: {  	s7 =	sadd.s32 $0x66A00, s8;
	s8 =	sadd.s32 $0x9800, s8;
	[dreg:$0x5] =	wrdreg s31  }
.LBB2_1:
0x12: {  	s0 =	rddreg [dreg:$0x5]  }
0x13: {  	[tilespmem:s2], [sflag:$0x2] =	stream.linear.gather [hbm4b:s0+s2], $0x1400, $0x38;
	[tilespmem:$0x9100] =	vst v63  }
0x14: {  	_ =	swait.ge [sflag:s9], $0x1400  }
0x15: {  	[sflag:s9] =	ssyncset.done $0x0  }
0x16: {  	s26 =	simm.s32 $0x0;
	[sflag:s9] =	ssyncadd.s32 $0xFFFFEC00  }
0x17: {  	[tilespmem:s11], [sflag:$0x1] =	stream.indirect.gather [hbm4b:s3+s10], $0x10, s26, s10, $0xb8;
	[tilespmem:$0x9100] =	vst v63  }
0x18: {  	_ = 	snop  }
0x19: {  	[tilespmem:s12], [sflag:$0x1] =	stream.indirect.gather [hbm4b:s4+s10], $0x10, s26, s10, $0xb8;
	[tilespmem:$0x9100] =	vst v63  }
0x1a: {  	s1 =	simm.s32 $0x80;
	s28 =	rddreg [dreg:$0x2]  }
0x1b: {  	[tilespmem:s28], [sflag:$0x1] =	stream.indirect.gather [hbm4b:s3+s10], $0x10, s1, s10, $0xb8;
	[tilespmem:$0x9100] =	vst v63  }
0x1c: {  	s29 =	rddreg [dreg:$0x3]  }
0x1d: {  	[tilespmem:s29], [sflag:$0x1] =	stream.indirect.gather [hbm4b:s4+s10], $0x10, s1, s10, $0xb8;
	[tilespmem:$0x9100] =	vst v63  }
0x1e: {  	s5 =	simm.s32 $0x100;
	s28 =	rddreg [dreg:$0x4]  }
0x1f: {  	[tilespmem:s28], [sflag:$0x1] =	stream.indirect.gather [hbm4b:s3+s10], $0x10, s5, s10, $0xb8;
	[tilespmem:$0x9100] =	vst v63  }
0x20: {  	_ = 	snop  }
0x21: {  	[tilespmem:s13], [sflag:$0x1] =	stream.indirect.gather [hbm4b:s4+s10], $0x10, s5, s10, $0xb8;
	[tilespmem:$0x9100] =	vst v63  }
0x22: {  	s30 =	simm.s32 $0x180  }
0x23: {  	[tilespmem:s14], [sflag:$0x1] =	stream.indirect.gather [hbm4b:s3+s10], $0x10, s30, s10, $0xb8;
	[tilespmem:$0x9100] =	vst v63  }
0x24: {  	_ = 	snop  }
0x25: {  	[tilespmem:s15], [sflag:$0x1] =	stream.indirect.gather [hbm4b:s4+s10], $0x10, s30, s10, $0xb8;
	[tilespmem:$0x9100] =	vst v63  }
0x26: {  	s0 =	simm.s32 $0x200  }
0x27: {  	[tilespmem:s16], [sflag:$0x1] =	stream.indirect.gather [hbm4b:s3+s10], $0x10, s0, s10, $0xb8;
	[tilespmem:$0x9100] =	vst v63  }
0x28: {  	_ = 	snop  }
0x29: {  	[tilespmem:s17], [sflag:$0x1] =	stream.indirect.gather [hbm4b:s4+s10], $0x10, s0, s10, $0xb8;
	[tilespmem:$0x9100] =	vst v63  }
0x2a: {  	s1 =	simm.s32 $0x280  }
0x2b: {  	[tilespmem:s18], [sflag:$0x1] =	stream.indirect.gather [hbm4b:s3+s10], $0x10, s1, s10, $0xb8;
	[tilespmem:$0x9100] =	vst v63  }
0x2c: {  	_ = 	snop  }
0x2d: {  	[tilespmem:s19], [sflag:$0x1] =	stream.indirect.gather [hbm4b:s4+s10], $0x10, s1, s10, $0xb8;
	[tilespmem:$0x9100] =	vst v63  }
0x2e: {  	s5 =	simm.s32 $0x300  }
0x2f: {  	[tilespmem:s20], [sflag:$0x1] =	stream.indirect.gather [hbm4b:s3+s10], $0x10, s5, s10, $0xb8;
	[tilespmem:$0x9100] =	vst v63  }
0x30: {  	_ = 	snop  }
0x31: {  	[tilespmem:s21], [sflag:$0x1] =	stream.indirect.gather [hbm4b:s4+s10], $0x10, s5, s10, $0xb8;
	[tilespmem:$0x9100] =	vst v63  }
0x32: {  	s30 =	simm.s32 $0x380  }
0x33: {  	[tilespmem:s22], [sflag:$0x1] =	stream.indirect.gather [hbm4b:s3+s10], $0x10, s30, s10, $0xb8;
	[tilespmem:$0x9100] =	vst v63  }
0x34: {  	_ = 	snop  }
0x35: {  	[tilespmem:s23], [sflag:$0x1] =	stream.indirect.gather [hbm4b:s4+s10], $0x10, s30, s10, $0xb8;
	[tilespmem:$0x9100] =	vst v63  }
0x36: {  	_ =	swait.ge [sflag:s24], $0x7D0  }
0x37: {  	[sflag:s24] =	ssyncset.done $0x0  }
0x38: {  	[sflag:s24] =	ssyncadd.s32 $0xFFFFF830  }
0x39: {  	_ =	swait.ge [sflag:s24], $0x7D0  }
0x3a: {  	[sflag:s24] =	ssyncset.done $0x0  }
0x3b: {  	[sflag:s24] =	ssyncadd.s32 $0xFFFFF830  }
0x3c: {  	_ =	swait.ge [sflag:s24], $0x7D0  }
0x3d: {  	[sflag:s24] =	ssyncset.done $0x0  }
0x3e: {  	[sflag:s24] =	ssyncadd.s32 $0xFFFFF830  }
0x3f: {  	_ =	swait.ge [sflag:s24], $0x7D0  }
0x40: {  	[sflag:s24] =	ssyncset.done $0x0  }
0x41: {  	[sflag:s24] =	ssyncadd.s32 $0xFFFFF830  }
0x42: {  	_ =	swait.ge [sflag:s24], $0x7D0  }
0x43: {  	[sflag:s24] =	ssyncset.done $0x0  }
0x44: {  	[sflag:s24] =	ssyncadd.s32 $0xFFFFF830  }
0x45: {  	_ =	swait.ge [sflag:s24], $0x7D0  }
0x46: {  	[sflag:s24] =	ssyncset.done $0x0  }
0x47: {  	[sflag:s24] =	ssyncadd.s32 $0xFFFFF830  }
0x48: {  	_ =	swait.ge [sflag:s24], $0x7D0  }
0x49: {  	[sflag:s24] =	ssyncset.done $0x0  }
0x4a: {  	[sflag:s24] =	ssyncadd.s32 $0xFFFFF830  }
0x4b: {  	_ =	swait.ge [sflag:s24], $0x7D0  }
0x4c: {  	[sflag:s24] =	ssyncset.done $0x0  }
0x4d: {  	[sflag:s24] =	ssyncadd.s32 $0xFFFFF830  }
0x4e: {  	_ =	swait.ge [sflag:s24], $0x7D0  }
0x4f: {  	[sflag:s24] =	ssyncset.done $0x0  }
0x50: {  	[sflag:s24] =	ssyncadd.s32 $0xFFFFF830  }
0x51: {  	_ =	swait.ge [sflag:s24], $0x7D0  }
0x52: {  	[sflag:s24] =	ssyncset.done $0x0  }
0x53: {  	[sflag:s24] =	ssyncadd.s32 $0xFFFFF830  }
0x54: {  	_ =	swait.ge [sflag:s24], $0x7D0  }
0x55: {  	[sflag:s24] =	ssyncset.done $0x0  }
0x56: {  	[sflag:s24] =	ssyncadd.s32 $0xFFFFF830  }
0x57: {  	_ =	swait.ge [sflag:s24], $0x7D0  }
0x58: {  	[sflag:s24] =	ssyncset.done $0x0  }
0x59: {  	[sflag:s24] =	ssyncadd.s32 $0xFFFFF830  }
0x5a: {  	_ =	swait.ge [sflag:s24], $0x7D0  }
0x5b: {  	[sflag:s24] =	ssyncset.done $0x0  }
0x5c: {  	[sflag:s24] =	ssyncadd.s32 $0xFFFFF830  }
0x5d: {  	_ =	swait.ge [sflag:s24], $0x7D0  }
0x5e: {  	[sflag:s24] =	ssyncset.done $0x0  }
0x5f: {  	[sflag:s24] =	ssyncadd.s32 $0xFFFFF830  }
0x60: {  	_ =	swait.ge [sflag:s24], $0x7D0  }
0x61: {  	[sflag:s24] =	ssyncset.done $0x0  }
0x62: {  	[sflag:s24] =	ssyncadd.s32 $0xFFFFF830  }
0x63: {  	_ =	swait.ge [sflag:s24], $0x7D0  }
0x64: {  	[sflag:s24] =	ssyncset.done $0x0  }
0x65: {  	[sflag:s24] =	ssyncadd.s32 $0xFFFFF830  }
0x66: {  	[hbm4b:s8+s2] =	stream.linear.scatter [tilespmem:s11], [sflag:$0x2], $0x3E80, $0x38;
	[tilespmem:$0x9100] =	vst v63  }
0x67: {  	_ =	swait.ge [sflag:s9], $0x3E80  }
0x68: {  	[sflag:s9] =	ssyncset.done $0x0  }
0x69: {  	[sflag:s9] =	ssyncadd.s32 $0xFFFFC180  }
0x6a: {  	[hbm4b:s7+s2] =	stream.linear.scatter [tilespmem:s12], [sflag:$0x2], $0x3E80, $0x38;
	[tilespmem:$0x9100] =	vst v63  }
0x6b: {  	s31 =	simm.s32 $0x2000;
	s26 =	sadd.s32 $0x7D0, s7;
	_ =	swait.ge [sflag:s9], $0x3E80  }
0x6c: {  	s29 =	simm.s32 $0x1000;
	s28 =	sadd.s32 $0x7D0, s8;
	[sflag:s9] =	ssyncset.done $0x0  }
.LBB2_2:
0x6d: {  	s0 =	sshra.s32 s29, $0x2;
	[sflag:s9] =	ssyncadd.s32 $0xFFFFC180  }
0x6e: {  	[tilespmem:s11], [sflag:$0x1] =	stream.indirect.gather [hbm4b:s3+s10], $0x10, s0, s10, $0xb8;
	[tilespmem:$0x9100] =	vst v63  }
0x6f: {  	s29 =	smov.u32 s31;
	s30 =	sadd.s32 $0x1000, s31  }
0x70: {  	[tilespmem:s12], [sflag:$0x1] =	stream.indirect.gather [hbm4b:s4+s10], $0x10, s0, s10, $0xb8;
	[tilespmem:$0x9100] =	vst v63  }
0x71: {  	p0 =	sne.s32 s31, $0x4000;
	s31 =	rddreg [dreg:$0x2];
	s1 =	sadd.s32 $0x80, s0  }
0x72: {  	[tilespmem:s31], [sflag:$0x1] =	stream.indirect.gather [hbm4b:s3+s10], $0x10, s1, s10, $0xb8;
	[tilespmem:$0x9100] =	vst v63  }
0x73: {  	s5 =	rddreg [dreg:$0x3]  }
0x74: {  	[tilespmem:s5], [sflag:$0x1] =	stream.indirect.gather [hbm4b:s4+s10], $0x10, s1, s10, $0xb8;
	[tilespmem:$0x9100] =	vst v63  }
0x75: {  	s31 =	rddreg [dreg:$0x4];
	s5 =	sadd.s32 $0x100, s0  }
0x76: {  	[tilespmem:s31], [sflag:$0x1] =	stream.indirect.gather [hbm4b:s3+s10], $0x10, s5, s10, $0xb8;
	[tilespmem:$0x9100] =	vst v63  }
0x77: {  	_ = 	snop  }
0x78: {  	[tilespmem:s13], [sflag:$0x1] =	stream.indirect.gather [hbm4b:s4+s10], $0x10, s5, s10, $0xb8;
	[tilespmem:$0x9100] =	vst v63  }
0x79: {  	s5 =	sadd.s32 $0x180, s0  }
0x7a: {  	[tilespmem:s14], [sflag:$0x1] =	stream.indirect.gather [hbm4b:s3+s10], $0x10, s5, s10, $0xb8;
	[tilespmem:$0x9100] =	vst v63  }
0x7b: {  	_ = 	snop  }
0x7c: {  	[tilespmem:s15], [sflag:$0x1] =	stream.indirect.gather [hbm4b:s4+s10], $0x10, s5, s10, $0xb8;
	[tilespmem:$0x9100] =	vst v63  }
0x7d: {  	s5 =	sadd.s32 $0x200, s0  }
0x7e: {  	[tilespmem:s16], [sflag:$0x1] =	stream.indirect.gather [hbm4b:s3+s10], $0x10, s5, s10, $0xb8;
	[tilespmem:$0x9100] =	vst v63  }
0x7f: {  	_ = 	snop  }
0x80: {  	[tilespmem:s17], [sflag:$0x1] =	stream.indirect.gather [hbm4b:s4+s10], $0x10, s5, s10, $0xb8;
	[tilespmem:$0x9100] =	vst v63  }
0x81: {  	s5 =	sadd.s32 $0x280, s0  }
0x82: {  	[tilespmem:s18], [sflag:$0x1] =	stream.indirect.gather [hbm4b:s3+s10], $0x10, s5, s10, $0xb8;
	[tilespmem:$0x9100] =	vst v63  }
0x83: {  	_ = 	snop  }
0x84: {  	[tilespmem:s19], [sflag:$0x1] =	stream.indirect.gather [hbm4b:s4+s10], $0x10, s5, s10, $0xb8;
	[tilespmem:$0x9100] =	vst v63  }
0x85: {  	s5 =	sadd.s32 $0x300, s0  }
0x86: {  	[tilespmem:s20], [sflag:$0x1] =	stream.indirect.gather [hbm4b:s3+s10], $0x10, s5, s10, $0xb8;
	[tilespmem:$0x9100] =	vst v63  }
0x87: {  	_ = 	snop  }
0x88: {  	[tilespmem:s21], [sflag:$0x1] =	stream.indirect.gather [hbm4b:s4+s10], $0x10, s5, s10, $0xb8;
	[tilespmem:$0x9100] =	vst v63  }
0x89: {  	s0 =	sadd.s32 $0x380, s0  }
0x8a: {  	[tilespmem:s22], [sflag:$0x1] =	stream.indirect.gather [hbm4b:s3+s10], $0x10, s0, s10, $0xb8;
	[tilespmem:$0x9100] =	vst v63  }
0x8b: {  	_ = 	snop  }
0x8c: {  	[tilespmem:s23], [sflag:$0x1] =	stream.indirect.gather [hbm4b:s4+s10], $0x10, s0, s10, $0xb8;
	[tilespmem:$0x9100] =	vst v63  }
0x8d: {  	_ =	swait.ge [sflag:s24], $0x7D0  }
0x8e: {  	[sflag:s24] =	ssyncset.done $0x0  }
0x8f: {  	[sflag:s24] =	ssyncadd.s32 $0xFFFFF830  }
0x90: {  	_ =	swait.ge [sflag:s24], $0x7D0  }
0x91: {  	[sflag:s24] =	ssyncset.done $0x0  }
0x92: {  	[sflag:s24] =	ssyncadd.s32 $0xFFFFF830  }
0x93: {  	_ =	swait.ge [sflag:s24], $0x7D0  }
0x94: {  	[sflag:s24] =	ssyncset.done $0x0  }
0x95: {  	[sflag:s24] =	ssyncadd.s32 $0xFFFFF830  }
0x96: {  	_ =	swait.ge [sflag:s24], $0x7D0  }
0x97: {  	[sflag:s24] =	ssyncset.done $0x0  }
0x98: {  	[sflag:s24] =	ssyncadd.s32 $0xFFFFF830  }
0x99: {  	_ =	swait.ge [sflag:s24], $0x7D0  }
0x9a: {  	[sflag:s24] =	ssyncset.done $0x0  }
0x9b: {  	[sflag:s24] =	ssyncadd.s32 $0xFFFFF830  }
0x9c: {  	_ =	swait.ge [sflag:s24], $0x7D0  }
0x9d: {  	[sflag:s24] =	ssyncset.done $0x0  }
0x9e: {  	[sflag:s24] =	ssyncadd.s32 $0xFFFFF830  }
0x9f: {  	_ =	swait.ge [sflag:s24], $0x7D0  }
0xa0: {  	[sflag:s24] =	ssyncset.done $0x0  }
0xa1: {  	[sflag:s24] =	ssyncadd.s32 $0xFFFFF830  }
0xa2: {  	_ =	swait.ge [sflag:s24], $0x7D0  }
0xa3: {  	[sflag:s24] =	ssyncset.done $0x0  }
0xa4: {  	[sflag:s24] =	ssyncadd.s32 $0xFFFFF830  }
0xa5: {  	_ =	swait.ge [sflag:s24], $0x7D0  }
0xa6: {  	[sflag:s24] =	ssyncset.done $0x0  }
0xa7: {  	[sflag:s24] =	ssyncadd.s32 $0xFFFFF830  }
0xa8: {  	_ =	swait.ge [sflag:s24], $0x7D0  }
0xa9: {  	[sflag:s24] =	ssyncset.done $0x0  }
0xaa: {  	[sflag:s24] =	ssyncadd.s32 $0xFFFFF830  }
0xab: {  	_ =	swait.ge [sflag:s24], $0x7D0  }
0xac: {  	[sflag:s24] =	ssyncset.done $0x0  }
0xad: {  	[sflag:s24] =	ssyncadd.s32 $0xFFFFF830  }
0xae: {  	_ =	swait.ge [sflag:s24], $0x7D0  }
0xaf: {  	[sflag:s24] =	ssyncset.done $0x0  }
0xb0: {  	[sflag:s24] =	ssyncadd.s32 $0xFFFFF830  }
0xb1: {  	_ =	swait.ge [sflag:s24], $0x7D0  }
0xb2: {  	[sflag:s24] =	ssyncset.done $0x0  }
0xb3: {  	[sflag:s24] =	ssyncadd.s32 $0xFFFFF830  }
0xb4: {  	_ =	swait.ge [sflag:s24], $0x7D0  }
0xb5: {  	[sflag:s24] =	ssyncset.done $0x0  }
0xb6: {  	[sflag:s24] =	ssyncadd.s32 $0xFFFFF830  }
0xb7: {  	_ =	swait.ge [sflag:s24], $0x7D0  }
0xb8: {  	[sflag:s24] =	ssyncset.done $0x0  }
0xb9: {  	[sflag:s24] =	ssyncadd.s32 $0xFFFFF830  }
0xba: {  	_ =	swait.ge [sflag:s24], $0x7D0  }
0xbb: {  	[sflag:s24] =	ssyncset.done $0x0  }
0xbc: {  	[sflag:s24] =	ssyncadd.s32 $0xFFFFF830  }
0xbd: {  	[hbm4b:s28+s2] =	stream.linear.scatter [tilespmem:s11], [sflag:$0x2], $0x3E80, $0x38;
	[tilespmem:$0x9100] =	vst v63  }
0xbe: {  	_ =	swait.ge [sflag:s9], $0x3E80  }
.Ltmp0:
0xbf: {  	[sflag:s9] =	ssyncset.done $0x0;
	(pc) =	sbr.rel @p0 .LBB2_2-.Ltmp0, $4  }
0xc0: {  	[sflag:s9] =	ssyncadd.s32 $0xFFFFC180  }
0xc1: {  	[hbm4b:s26+s2] =	stream.linear.scatter [tilespmem:s12], [sflag:$0x2], $0x3E80, $0x38;
	[tilespmem:$0x9100] =	vst v63  }
0xc2: {  	s31 =	smov.u32 s30;
	_ =	swait.ge [sflag:s9], $0x3E80  }
0xc3: {  	s28 =	sadd.s32 $0x7D0, s28;
	s26 =	sadd.s32 $0x7D0, s26;
	[sflag:s9] =	ssyncset.done $0x0  }
0xc4: {  	s0 =	sshra.s32 s29, $0x2;
	[sflag:s9] =	ssyncadd.s32 $0xFFFFC180  }
0xc5: {  	[tilespmem:s11], [sflag:$0x1] =	stream.indirect.gather [hbm4b:s3+s10], $0x10, s0, s10, $0xb8;
	[tilespmem:$0x9100] =	vst v63  }
0xc6: {  	_ = 	snop  }
0xc7: {  	[tilespmem:s12], [sflag:$0x1] =	stream.indirect.gather [hbm4b:s4+s10], $0x10, s0, s10, $0xb8;
	[tilespmem:$0x9100] =	vst v63  }
0xc8: {  	s1 =	rddreg [dreg:$0x2];
	s5 =	sadd.s32 $0x80, s0  }
0xc9: {  	[tilespmem:s1], [sflag:$0x1] =	stream.indirect.gather [hbm4b:s3+s10], $0x10, s5, s10, $0xb8;
	[tilespmem:$0x9100] =	vst v63  }
0xca: {  	s31 =	rddreg [dreg:$0x3]  }
0xcb: {  	[tilespmem:s31], [sflag:$0x1] =	stream.indirect.gather [hbm4b:s4+s10], $0x10, s5, s10, $0xb8;
	[tilespmem:$0x9100] =	vst v63  }
0xcc: {  	s30 =	rddreg [dreg:$0x4];
	s31 =	sadd.s32 $0x100, s0  }
0xcd: {  	[tilespmem:s30], [sflag:$0x1] =	stream.indirect.gather [hbm4b:s3+s10], $0x10, s31, s10, $0xb8;
	[tilespmem:$0x9100] =	vst v63  }
0xce: {  	_ = 	snop  }
0xcf: {  	[tilespmem:s13], [sflag:$0x1] =	stream.indirect.gather [hbm4b:s4+s10], $0x10, s31, s10, $0xb8;
	[tilespmem:$0x9100] =	vst v63  }
0xd0: {  	s5 =	sadd.s32 $0x180, s0  }
0xd1: {  	[tilespmem:s14], [sflag:$0x1] =	stream.indirect.gather [hbm4b:s3+s10], $0x10, s5, s10, $0xb8;
	[tilespmem:$0x9100] =	vst v63  }
0xd2: {  	_ = 	snop  }
0xd3: {  	[tilespmem:s15], [sflag:$0x1] =	stream.indirect.gather [hbm4b:s4+s10], $0x10, s5, s10, $0xb8;
	[tilespmem:$0x9100] =	vst v63  }
0xd4: {  	s29 =	sadd.s32 $0x200, s0  }
0xd5: {  	[tilespmem:s16], [sflag:$0x1] =	stream.indirect.gather [hbm4b:s3+s10], $0x10, s29, s10, $0xb8;
	[tilespmem:$0x9100] =	vst v63  }
0xd6: {  	_ = 	snop  }
0xd7: {  	[tilespmem:s17], [sflag:$0x1] =	stream.indirect.gather [hbm4b:s4+s10], $0x10, s29, s10, $0xb8;
	[tilespmem:$0x9100] =	vst v63  }
0xd8: {  	s30 =	sadd.s32 $0x280, s0  }
0xd9: {  	[tilespmem:s18], [sflag:$0x1] =	stream.indirect.gather [hbm4b:s3+s10], $0x10, s30, s10, $0xb8;
	[tilespmem:$0x9100] =	vst v63  }
0xda: {  	_ = 	snop  }
0xdb: {  	[tilespmem:s19], [sflag:$0x1] =	stream.indirect.gather [hbm4b:s4+s10], $0x10, s30, s10, $0xb8;
	[tilespmem:$0x9100] =	vst v63  }
0xdc: {  	s31 =	sadd.s32 $0x300, s0  }
0xdd: {  	[tilespmem:s20], [sflag:$0x1] =	stream.indirect.gather [hbm4b:s3+s10], $0x10, s31, s10, $0xb8;
	[tilespmem:$0x9100] =	vst v63  }
0xde: {  	_ = 	snop  }
0xdf: {  	[tilespmem:s21], [sflag:$0x1] =	stream.indirect.gather [hbm4b:s4+s10], $0x10, s31, s10, $0xb8;
	[tilespmem:$0x9100] =	vst v63  }
0xe0: {  	s0 =	sadd.s32 $0x380, s0  }
0xe1: {  	[tilespmem:s22], [sflag:$0x1] =	stream.indirect.gather [hbm4b:s3+s10], $0x10, s0, s10, $0xb8;
	[tilespmem:$0x9100] =	vst v63  }
0xe2: {  	_ = 	snop  }
0xe3: {  	[tilespmem:s23], [sflag:$0x1] =	stream.indirect.gather [hbm4b:s4+s10], $0x10, s0, s10, $0xb8;
	[tilespmem:$0x9100] =	vst v63  }
0xe4: {  	_ =	swait.ge [sflag:s24], $0x7D0  }
0xe5: {  	[sflag:s24] =	ssyncset.done $0x0  }
0xe6: {  	[sflag:s24] =	ssyncadd.s32 $0xFFFFF830  }
0xe7: {  	_ =	swait.ge [sflag:s24], $0x7D0  }
0xe8: {  	[sflag:s24] =	ssyncset.done $0x0  }
0xe9: {  	[sflag:s24] =	ssyncadd.s32 $0xFFFFF830  }
0xea: {  	_ =	swait.ge [sflag:s24], $0x7D0  }
0xeb: {  	[sflag:s24] =	ssyncset.done $0x0  }
0xec: {  	[sflag:s24] =	ssyncadd.s32 $0xFFFFF830  }
0xed: {  	_ =	swait.ge [sflag:s24], $0x7D0  }
0xee: {  	[sflag:s24] =	ssyncset.done $0x0  }
0xef: {  	[sflag:s24] =	ssyncadd.s32 $0xFFFFF830  }
0xf0: {  	_ =	swait.ge [sflag:s24], $0x7D0  }
0xf1: {  	[sflag:s24] =	ssyncset.done $0x0  }
0xf2: {  	[sflag:s24] =	ssyncadd.s32 $0xFFFFF830  }
0xf3: {  	_ =	swait.ge [sflag:s24], $0x7D0  }
0xf4: {  	[sflag:s24] =	ssyncset.done $0x0  }
0xf5: {  	[sflag:s24] =	ssyncadd.s32 $0xFFFFF830  }
0xf6: {  	_ =	swait.ge [sflag:s24], $0x7D0  }
0xf7: {  	[sflag:s24] =	ssyncset.done $0x0  }
0xf8: {  	[sflag:s24] =	ssyncadd.s32 $0xFFFFF830  }
0xf9: {  	_ =	swait.ge [sflag:s24], $0x7D0  }
0xfa: {  	[sflag:s24] =	ssyncset.done $0x0  }
0xfb: {  	[sflag:s24] =	ssyncadd.s32 $0xFFFFF830  }
0xfc: {  	_ =	swait.ge [sflag:s24], $0x7D0  }
0xfd: {  	[sflag:s24] =	ssyncset.done $0x0  }
0xfe: {  	[sflag:s24] =	ssyncadd.s32 $0xFFFFF830  }
0xff: {  	_ =	swait.ge [sflag:s24], $0x7D0  }
0x100: {  	[sflag:s24] =	ssyncset.done $0x0  }
0x101: {  	[sflag:s24] =	ssyncadd.s32 $0xFFFFF830  }
0x102: {  	_ =	swait.ge [sflag:s24], $0x7D0  }
0x103: {  	[sflag:s24] =	ssyncset.done $0x0  }
0x104: {  	[sflag:s24] =	ssyncadd.s32 $0xFFFFF830  }
0x105: {  	_ =	swait.ge [sflag:s24], $0x7D0  }
0x106: {  	[sflag:s24] =	ssyncset.done $0x0  }
0x107: {  	[sflag:s24] =	ssyncadd.s32 $0xFFFFF830  }
0x108: {  	_ =	swait.ge [sflag:s24], $0x7D0  }
0x109: {  	[sflag:s24] =	ssyncset.done $0x0  }
0x10a: {  	[sflag:s24] =	ssyncadd.s32 $0xFFFFF830  }
0x10b: {  	_ =	swait.ge [sflag:s24], $0x7D0  }
0x10c: {  	[sflag:s24] =	ssyncset.done $0x0  }
0x10d: {  	[sflag:s24] =	ssyncadd.s32 $0xFFFFF830  }
0x10e: {  	_ =	swait.ge [sflag:s24], $0x7D0  }
0x10f: {  	[sflag:s24] =	ssyncset.done $0x0  }
0x110: {  	[sflag:s24] =	ssyncadd.s32 $0xFFFFF830  }
0x111: {  	_ =	swait.ge [sflag:s24], $0x7D0  }
0x112: {  	[sflag:s24] =	ssyncset.done $0x0  }
0x113: {  	[sflag:s24] =	ssyncadd.s32 $0xFFFFF830  }
0x114: {  	[hbm4b:s28+s2] =	stream.linear.scatter [tilespmem:s11], [sflag:$0x2], $0x3E80, $0x38;
	[tilespmem:$0x9100] =	vst v63  }
0x115: {  	s25 =	sadd.s32 $0x1, s25;
	_ =	swait.ge [sflag:s9], $0x3E80  }
0x116: {  	p0 =	sne.s32 s25, s6;
	[sflag:s9] =	ssyncset.done $0x0  }
.Ltmp1:
0x117: {  	[sflag:s9] =	ssyncadd.s32 $0xFFFFC180;
	(pc) =	sbr.rel @p0 .LBB2_1-.Ltmp1, $4  }
0x118: {  	[hbm4b:s26+s2] =	stream.linear.scatter [tilespmem:s12], [sflag:$0x2], $0x3E80, $0x38;
	[tilespmem:$0x9100] =	vst v63  }
0x119: {  	_ =	swait.ge [sflag:s9], $0x3E80  }
0x11a: {  	[sflag:s9] =	ssyncset.done $0x0  }
0x11b: {  	[sflag:s9] =	ssyncadd.s32 $0xFFFFC180  }
0x11c: {  	_ =	sfence.sel $0x180000  }
0x11d: {  	[bflag:$0x0] =	sbarrier.arrive $0xFFFF  }
0x11e: {  	_ =	strace $0x90000053  }
0x11f: {  	s0 =	stileid.u32;
	[bflag:$0x2] =	sbarrier.arrive $0xFFFF  }
0x120: {  	p0 =	sne.s32 s0, $0x0;
	s0 =	rddreg [dreg:$0x1]  }
0x121: {  	s0 =	sadd.s32 @!p0 $0x100000, s0  }
0x122: {  	[sflag:s0] =	ssyncadd.tile.s32 @!p0 $0x1;
	_ =	shalt  }
.Lfunc_end2:
_tile_overlayer_lowered:
.L_overlay_start_2:
0x123: {  	(tag) =	ssettag $0x2  }
0x124: {  	s0 =	rddreg [dreg:$0x0];
	s2 =	stileid.u32  }
0x125: {  	s1 =	rddreg [dreg:$0x1];
	p0 =	sne.s32 s2, $0x0  }
0x126: {  	s3 =	rddreg [dreg:$0x2];
	[bflag:$0x3] =	sbarrier.arrive $0xFFFF;
	s2 =	simm.s32 @!p0 $0x1C02  }
0x127: {  	[timem:s3], [sflag:s2] =	dma.local @!p0 [hbm:s0], s1  }
0x128: {  	s0 =	simm.s32 @!p0 $0x2  }
0x129: {  	_ =	swait.ge @!p0 [sflag:s0], s1  }
0x12a: {  	s1 =	ssub.s32 @!p0 $0x0, s1;
	[sflag:s0] =	ssyncset.done @!p0 $0x0  }
0x12b: {  	[sflag:s0] =	ssyncadd.s32 @!p0 s1  }
0x12c: {  	[bflag:$0x3] =	sbarrier.arrive $0xFFFF  }
0x12d: {  	_ =	shalt  }

// kernel: kernel.28.cloned.1.call-start
scs
__scs_entry_jumppad:
0x0: {  	(pc) =	sbr.rel $0x88, $3  }
0x1: {  	(tag) =	ssettag $0x0;
	lr =	simm.s32 $0x1  }
0x2: {  	[smem:$0x3F95] =	sst lr;
	_ =	strace $0xD0000000  }
0x3: {  	_ = 	snop  }
0x4: {  	_ = 	snop  }
0x5: {  	_ = 	snop  }
0x6: {  	_ = 	snop  }
0x7: {  	_ = 	snop  }
__scs_overlays_trampoline_lowered:
0x8: {  	[smem:$0x3FA4] =	sst s0  }
0x9: {  	[smem:$0x3FA5] =	sst s1  }
0xa: {  	[smem:$0x3FA6] =	sst s2  }
0xb: {  	[smem:$0x3FA7] =	sst s3  }
0xc: {  	[smem:$0x3FA8] =	sst s4  }
0xd: {  	[smem:$0x3FA9] =	sst s5  }
0xe: {  	[smem:$0x3FAA] =	sst s6  }
0xf: {  	[smem:$0x3FAB] =	sst s7  }
0x10: {  	[smem:$0x3FAC] =	sst s8  }
0x11: {  	[smem:$0x3FAD] =	sst s9;
	s0 =	simm.s32 @!p0 $0x0  }
0x12: {  	s1 =	sld [smem:$0x3F93];
	s0 =	simm.s32 @p0 $0x1  }
0x13: {  	[smem:$0x3FAE] =	sst s0;
	s0 =	simm.s32 @!p1 $0x0  }
0x14: {  	s2 =	sld [smem:$0x3F92];
	s0 =	simm.s32 @p1 $0x1  }
0x15: {  	[smem:$0x3FAF] =	sst s0;
	s0 =	simm.s32 @!p2 $0x0  }
0x16: {  	s3 =	sld [smem:$0x3FDB];
	s0 =	simm.s32 @p2 $0x1  }
0x17: {  	s4 =	simm.s32 $0x1BF5;
	[smem:$0x3FB1] =	sst s0  }
0x18: {  	s0 =	sld [smem:$0x3F94];
	_ =	swait.ge [sflag:s4], $0x0  }
0x19: {  	s7 =	sld [smem:$0x3F95]  }
0x1a: {  	s8 =	sadd.s32 $0xFFFFE003, lr  }
0x1b: {  	s9 =	sadd.s32 $0xFFFFFEF7, lr;
	s5 =	simm.s32 $0xFFFFFFFF;
	p2 =	slt.u32 s8, $0xFFFFF086  }
0x1c: {  	p1 =	slt.u32 s9, $0xF7A;
	s5 =	simm.s32 @!p2 $0x0  }
0x1d: {  	s5 =	simm.s32 @p1 $0x1;
	p0 =	seq.s32 s7, s2  }
0x1e: {  	s7 =	smul.u32 @!p0 $0xF7A, s2;
	p2 =	seq.s32 @!p0 s5, $0x0  }
0x1f: {  	s9 =	smul.u32 $0xF7A, s1;
	s8 =	simm.s32 @!p0 $0x1BF5;
	p2 =	por !p2, p0  }
0x20: {  	[sflag:s8] =	ssyncset.s32 @!p0 $0xFFFFF086;
	s6 =	sadd.s32 @!p0 s3, s7;
	s7 =	simm.s32 @!p0 $0x108  }
0x21: {  	s3 =	sadd.s32 s3, s9;
	s6 =	sadd.s32 @!p0 $0x88, s6;
	s7 =	simm.s32 @p2 $0x1082  }
0x22: {  	[simem:s7], [sflag:s8] =	dma.local @!p0 [hbm:s6], $0xF7A  }
0x23: {  	s9 =	sor.u32 $0xD0000000, s2;
	s6 =	simm.s32 $0x108;
	_ =	swait.ge @!p0 [sflag:s8], $0x0  }
0x24: {  	s3 =	sadd.s32 $0x88, s3;
	s6 =	simm.s32 @!p1 $0x1082;
	[sflag:s4] =	ssyncset.s32 $0xFFFFF086  }
0x25: {  	[simem:s6], [sflag:s4] =	dma.local [hbm:s3], $0xF7A  }
0x26: {  	[smem:$0x3F95] =	sst s1;
	(tag) =	ssettag s2;
	_ =	strace s9  }
0x27: {  	s1 =	sld [smem:$0x3FA5]  }
0x28: {  	s2 =	sld [smem:$0x3FA6]  }
0x29: {  	s4 =	sld [smem:$0x3FA8]  }
0x2a: {  	p0 =	seq.s32 s5, $0x0;
	s5 =	sld [smem:$0x3FA9]  }
0x2b: {  	s6 =	sld [smem:$0x3FAA]  }
0x2c: {  	s7 =	sld [smem:$0x3FAB]  }
0x2d: {  	s3 =	simm.s32 $0x108;
	s8 =	sld [smem:$0x3FAC]  }
0x2e: {  	s3 =	simm.s32 @!p0 $0x1082;
	s9 =	sld [smem:$0x3FAD]  }
0x2f: {  	lr =	sadd.s32 s0, s3;
	s0 =	sld [smem:$0x3FA4]  }
0x30: {  	s3 =	sld [smem:$0x3FA7]  }
0x31: {  	[smem:$0x3FB0] =	sst s10  }
0x32: {  	s10 =	sld [smem:$0x3FAE];
	_ =	sdelay $0x3  }
0x33: {  	p0 =	seq.s32 s10, $0x1;
	s10 =	sld [smem:$0x3FB0];
	_ =	sdelay $0x3  }
0x34: {  	[smem:$0x3FB0] =	sst s10  }
0x35: {  	s10 =	sld [smem:$0x3FAF];
	_ =	sdelay $0x3  }
0x36: {  	p1 =	seq.s32 s10, $0x1;
	s10 =	sld [smem:$0x3FB0];
	_ =	sdelay $0x3  }
0x37: {  	[smem:$0x3FB0] =	sst s10  }
0x38: {  	s10 =	sld [smem:$0x3FB1]  }
0x39: {  	_ = 	snop;
	(pc) =	sbr.ind lr, $3  }
0x3a: {  	_ = 	snop  }
0x3b: {  	_ = 	snop  }
0x3c: {  	p2 =	seq.s32 s10, $0x1;
	s10 =	sld [smem:$0x3FB0]  }
0x3d: {  	_ =	shalt  }
0x3e: {  	_ =	shalt  }
0x3f: {  	_ =	shalt  }
0x40: {  	_ =	shalt  }
0x41: {  	_ =	shalt  }
0x42: {  	_ =	shalt  }
0x43: {  	_ =	shalt  }
0x44: {  	_ =	shalt  }
0x45: {  	_ =	shalt  }
0x46: {  	_ =	shalt  }
0x47: {  	_ =	shalt  }
0x48: {  	_ =	shalt  }
0x49: {  	_ =	shalt  }
0x4a: {  	_ =	shalt  }
0x4b: {  	_ =	shalt  }
0x4c: {  	_ =	shalt  }
0x4d: {  	_ =	shalt  }
0x4e: {  	_ =	shalt  }
0x4f: {  	_ =	shalt  }
0x50: {  	_ =	shalt  }
0x51: {  	_ =	shalt  }
0x52: {  	_ =	shalt  }
0x53: {  	_ =	shalt  }
0x54: {  	_ =	shalt  }
0x55: {  	_ =	shalt  }
0x56: {  	_ =	shalt  }
0x57: {  	_ =	shalt  }
0x58: {  	_ =	shalt  }
0x59: {  	_ =	shalt  }
0x5a: {  	_ =	shalt  }
0x5b: {  	_ =	shalt  }
0x5c: {  	_ =	shalt  }
0x5d: {  	_ =	shalt  }
0x5e: {  	_ =	shalt  }
0x5f: {  	_ =	shalt  }
0x60: {  	_ =	shalt  }
0x61: {  	_ =	shalt  }
0x62: {  	_ =	shalt  }
0x63: {  	_ =	shalt  }
0x64: {  	_ =	shalt  }
0x65: {  	_ =	shalt  }
0x66: {  	_ =	shalt  }
0x67: {  	_ =	shalt  }
0x68: {  	_ =	shalt  }
0x69: {  	_ =	shalt  }
0x6a: {  	_ =	shalt  }
0x6b: {  	_ =	shalt  }
0x6c: {  	_ =	shalt  }
0x6d: {  	_ =	shalt  }
0x6e: {  	_ =	shalt  }
0x6f: {  	_ =	shalt  }
0x70: {  	_ =	shalt  }
0x71: {  	_ =	shalt  }
0x72: {  	_ =	shalt  }
0x73: {  	_ =	shalt  }
0x74: {  	_ =	shalt  }
0x75: {  	_ =	shalt  }
0x76: {  	_ =	shalt  }
0x77: {  	_ =	shalt  }
0x78: {  	_ =	shalt  }
0x79: {  	_ =	shalt  }
0x7a: {  	_ =	shalt  }
0x7b: {  	_ =	shalt  }
0x7c: {  	_ =	shalt  }
0x7d: {  	_ =	shalt  }
0x7e: {  	_ =	shalt  }
0x7f: {  	_ =	shalt  }
0x80: {  	_ =	shalt  }
0x81: {  	_ =	shalt  }
0x82: {  	_ =	shalt  }
0x83: {  	_ =	shalt  }
0x84: {  	_ =	shalt  }
0x85: {  	_ =	shalt  }
0x86: {  	_ =	shalt  }
0x87: {  	_ =	shalt  }
.Lfunc_end0:
.L_simem_size_0:
called_computation.5_lowered:
.L_overlay_start_0:
0x88: {  	s2 =	sld [smem:$0x3FD9]  }
0x89: {  	s3 =	sld [smem:$0x3FFE];
	_ =	sdelay $0x1  }
0x8a: {  	s1 =	srdreg.scid  }
0x8b: {  	s0 =	sand.u32 $0x1, s1  }
0x8c: {  	s16 =	sshll.u32 s0, $0xA;
	s2 =	sadd.s32 s3, s2  }
0x8d: {  	s2 =	sadd.s32 s2, s16  }
0x8e: {  	[smem:$0x3FBC] =	sst s2  }
0x8f: {  	_ = 	snop  }
0x90: {  	(tm) =	ssettm $0x1  }
0x91: {  	s17 =	sld [smem:$0x3FFB];
	_ =	sdelay $0x3  }
0x92: {  	_ =	strace s17  }
0x93: {  	s2 =	sld [smem:$0x3FFC];
	_ =	sdelay $0x3  }
0x94: {  	_ =	strace s2  }
0x95: {  	s2 =	sld [smem:$0x3FFD];
	_ =	sdelay $0x3  }
0x96: {  	_ =	strace s2  }
0x97: {  	_ =	strace $0x8FFFFFFF  }
0x98: {  	s18 =	sld [smem:$0x3FDB];
	_ =	sdelay $0x1  }
0x99: {  	s19 =	simm.s32 $_scs_section_size  }
0x9a: {  	s4 =	simm.s32 $_size__tile_overlayer_lowered;
	s5 =	simm.s32 $_tile_overlayer_lowered  }
0x9b: {  	s22 =	simm.s32 $0x1BFF;
	s21 =	sshll.u32 s5, $0x1;
	s2 =	sadd.s32 s19, s18  }
0x9c: {  	s6 =	simm.s32 $0x0;
	s20 =	sshll.u32 s4, $0x1;
	s4 =	sadd.s32 s21, s2  }
0x9d: {  	[timem:s6], [sflag:s22] =	dma.local [hbm:s4], s20  }
0x9e: {  	_ =	swait.ge [sflag:s22], s20  }
0x9f: {  	s3 =	ssub.s32 $0x0, s20;
	[sflag:s22] =	ssyncset.done $0x0  }
0xa0: {  	[sflag:s22] =	ssyncadd.s32 s3;
	_ =	sdelay $0x1  }
0xa1: {  	s23 =	simm.s32 $0x1B8B  }
0xa2: {  	_ =	swait.ge [sflag:s23], $0x1  }
0xa3: {  	[sflag:s23] =	ssyncset.done $0x0  }
0xa4: {  	s25 =	simm.s32 $0x1B8E;
	s24 =	sld [smem:$0x3FFE];
	[sflag:s23] =	ssyncadd.s32 $0xFFFFFFFF  }
0xa5: {  	s26 =	simm.s32 $execute0_lowered;
	[smem:$0x3FD2] =	sst s25  }
0xa6: {  	s4 =	sshll.u32 s26, $0x1;
	_ =	strace $0x80000055;
	[dreg:$0x1] =	wrdreg $0xFFFFFFFF  }
0xa7: {  	s28 =	simm.s32 $_size_execute0_lowered;
	s2 =	sadd.s32 s2, s4;
	[dreg:$0x0] =	wrdreg $0x0  }
0xa8: {  	s4 =	sshll.u32 s28, $0x1;
	[dreg:$0x2] =	wrdreg s2  }
0xa9: {  	[dreg:$0x3] =	wrdreg s4  }
0xaa: {  	[dreg:$0x4] =	wrdreg $0xC0  }
0xab: {  	_ =	task [dreg:s6], $0x5FFFF  }
0xac: {  	[dreg:$0x1] =	wrdreg $0xFFFFFFFF  }
0xad: {  	[dreg:$0x0] =	wrdreg $0x60  }
0xae: {  	[dreg:$0x2] =	wrdreg s24  }
0xaf: {  	[dreg:$0x3] =	wrdreg $0x174800  }
0xb0: {  	[dreg:$0x4] =	wrdreg $0x9  }
0xb1: {  	_ =	task.clear_ibuf [dreg:s6], $0x5FFFF;
	_ =	strace $0x90000055  }
0xb2: {  	s29 =	simm.s32 $0x9;
	_ =	strace $0x80000057  }
0xb3: {  	_ =	swait.ge [sflag:s29], $0x1  }
0xb4: {  	[sflag:s29] =	ssyncadd.s32 $0xFFFFFFFF  }
0xb5: {  	_ =	strace $0x90000057  }
0xb6: {  	_ =	sfence  }
0xb7: {  	s30 =	sld [smem:$0x0];
	_ =	sdelay $0x2  }
0xb8: {  	s31 =	sshll.u32 s1, $0xD;
	s1 =	sshrl.u32 s1, $0x2  }
0xb9: {  	s3 =	sand.u32 $0x4000, s31;
	s1 =	sadd.s32 s1, s30  }
0xba: {  	s0 =	sor.u32 s3, s0;
	s1 =	sshll.u32 s1, $0x11  }
0xbb: {  	s0 =	sor.u32 s1, s0  }
0xbc: {  	s0 =	sadd.s32 $0x8F2B, s0  }
0xbd: {  	[sflag:s0] =	ssyncadd.remote.s32 $0x1  }
0xbe: {  	_ =	sfence.sel $0xFFFF  }
0xbf: {  	[dreg:$0x0] =	wrdreg $0xFFFFFFFF;
	(pc) =	sbr.abs _section_cstart, $3  }
0xc0: {  	[dreg:$0x1] =	wrdreg $0xFFFFFFFF  }
0xc1: {  	_ =	task.clear_ibuf [dreg:s6], $0x2FFFF;
	_ =	strace $0x9FFFFFFF  }
0xc2: {  	(tm) =	ssettm $0x7FFFFFFF  }
0xc3: {  	_ =	shalt  }
tec
execute0_lowered:
.L_overlay_start_1:
0x0: {  	(tag) =	ssettag $0x1  }
0x1: {  	s0 =	srdreg.scid;
	s1 =	rddreg [dreg:$0x0]  }
0x2: {  	s8 =	stileid.u32;
	s2 =	rddreg [dreg:$0x1];
	s10 =	simm.s32 $0x1  }
0x3: {  	s11 =	simm.s32 $0x1400;
	s12 =	simm.s32 $0x7D;
	s14 =	simm.s32 $0x10630  }
0x4: {  	s15 =	simm.s32 $0x1000;
	s16 =	simm.s32 $0x10E00;
	s17 =	simm.s32 $0x1080  }
0x5: {  	s18 =	simm.s32 $0x115D0;
	s19 =	simm.s32 $0x1100;
	s20 =	simm.s32 $0x11DA0  }
0x6: {  	s21 =	simm.s32 $0x1180;
	s22 =	simm.s32 $0x12570;
	s23 =	simm.s32 $0x1200  }
0x7: {  	s24 =	simm.s32 $0x12D40;
	s25 =	simm.s32 $0x1280;
	s26 =	simm.s32 $0x13510  }
0x8: {  	s28 =	simm.s32 $0x1300;
	s29 =	simm.s32 $0x13CE0;
	s0 =	sand.u32 $0x1, s0  }
0x9: {  	s30 =	simm.s32 $0x1380;
	s31 =	simm.s32 $0x144B0;
	s3 =	sshll.u32 s0, $0x4  }
0xa: {  	s6 =	ssub.s32 $0x2, s0;
	p0 =	seq.s32 s0, $0x1;
	s0 =	simm.s32 $0x5CA00  }
0xb: {  	s4 =	sor.u32 s8, s3;
	s3 =	simm.s32 $0x0;
	s8 =	smul.u32 $0x2800, s8  }
0xc: {  	s7 =	sshrl.u32 s6, $0x1;
	s0 =	simm.s32 @!p0 $0x52A00;
	s5 =	smul.u32 $0x280, s4  }
0xd: {  	[smem:$0x7FF] =	sst s3;
	s4 =	smul.u32 $0x2710, s4;
	s7 =	ssub.s32 s6, s7  }
0xe: {  	s0 =	sadd.s32 s0, s1;
	_ =	strace $0x80000056;
	s7 =	smax.u32 s7, $0x1  }
0xf: {  	s5 =	sadd.s32 s5, s1;
	s9 =	sadd.s32 s4, s1;
	s4 =	sadd.s32 s8, s2  }
0x10: {  	s8 =	sshrl.u32 s8, $0x3;
	s1 =	simm.s32 $0x0;
	s5 =	sadd.s32 $0x57A00, s5  }
0x11: {  	v0 =	vimm.f32 $0.0e+00;
	s6 =	sadd.s32 $0x4800, s9;
	s8 =	sadd.s32 s0, s8;
	s9 =	simm.s32 $0x14C80  }
.LBB2_1:
0x12: {  	s0 =	simm.s32 $0x40;
	s13 =	simm.s32 $0x0  }
.LBB2_2:
0x13: {  	p0 =	sne.s32 s0, $0x9FC0;
	[tilespmem:s13+$0x14C80] =	vst v0;
	s13 =	smov.u32 s0;
	s0 =	sadd.s32 $0x40, s0  }
.Ltmp0:
0x14: {  	(pc) =	sbr.rel @p0 .LBB2_2-.Ltmp0, $2  }
0x15: {  	_ =	sdelay $0x2  }
0x16: {  	s13 =	sshra.s32 s13, $0x2  }
0x17: {  	[tilespmem:s13+$0x14C80] =	vst v0  }
0x18: {  	[spmem:s4] =	stream.linear.scatter [tilespmem:s9], [sflag:$0x1], $0x2800, $0x38;
	[tilespmem:$0x19C80] =	vst v63  }
0x19: {  	_ =	swait.ge [sflag:s10], $0x2800  }
0x1a: {  	[sflag:s10] =	ssyncset.done $0x0  }
0x1b: {  	[sflag:s10] =	ssyncadd.s32 $0xFFFFD800  }
0x1c: {  	[bflag:$0x0] =	sbarrier.arrive $0xFFFF  }
0x1d: {  	[tilespmem:s3], [sflag:$0x1] =	stream.linear.gather [hbm4b:s5+s3], $0x1400, $0x38;
	[tilespmem:$0x19C80] =	vst v63  }
0x1e: {  	_ =	swait.ge [sflag:s10], $0x1400  }
0x1f: {  	[sflag:s10] =	ssyncset.done $0x0  }
0x20: {  	[sflag:s10] =	ssyncadd.s32 $0xFFFFEC00  }
0x21: {  	[tilespmem:s11], [sflag:$0x1] =	stream.linear.gather [hbm4b:s6+s3], $0x13880, $0x38;
	[tilespmem:$0x19C80] =	vst v63  }
0x22: {  	_ =	swait.ge [sflag:s10], $0x13880  }
0x23: {  	[sflag:s10] =	ssyncset.done $0x0  }
0x24: {  	[sflag:s10] =	ssyncadd.s32 $0xFFFEC780  }
0x25: {  	[spmem:s2] =	stream.indirect.scatter.add.f32 [tilespmem:s11], [sflag:$0x1], $0x10, s3, s12, $0xb8;
	[tilespmem:$0x19C80] =	vst v63  }
0x26: {  	_ =	swait.ge [sflag:s10], $0x7D0  }
0x27: {  	[sflag:s10] =	ssyncset.done $0x0  }
0x28: {  	s0 =	simm.s32 $0x80;
	s13 =	simm.s32 $0x1BD0;
	[sflag:s10] =	ssyncadd.s32 $0xFFFFF830  }
0x29: {  	[spmem:s2] =	stream.indirect.scatter.add.f32 [tilespmem:s13], [sflag:$0x1], $0x10, s0, s12, $0xb8;
	[tilespmem:$0x19C80] =	vst v63  }
0x2a: {  	_ =	swait.ge [sflag:s10], $0x7D0  }
0x2b: {  	[sflag:s10] =	ssyncset.done $0x0  }
0x2c: {  	s0 =	simm.s32 $0x100;
	s13 =	simm.s32 $0x23A0;
	[sflag:s10] =	ssyncadd.s32 $0xFFFFF830  }
0x2d: {  	[spmem:s2] =	stream.indirect.scatter.add.f32 [tilespmem:s13], [sflag:$0x1], $0x10, s0, s12, $0xb8;
	[tilespmem:$0x19C80] =	vst v63  }
0x2e: {  	_ =	swait.ge [sflag:s10], $0x7D0  }
0x2f: {  	[sflag:s10] =	ssyncset.done $0x0  }
0x30: {  	s0 =	simm.s32 $0x180;
	s13 =	simm.s32 $0x2B70;
	[sflag:s10] =	ssyncadd.s32 $0xFFFFF830  }
0x31: {  	[spmem:s2] =	stream.indirect.scatter.add.f32 [tilespmem:s13], [sflag:$0x1], $0x10, s0, s12, $0xb8;
	[tilespmem:$0x19C80] =	vst v63  }
0x32: {  	_ =	swait.ge [sflag:s10], $0x7D0  }
0x33: {  	[sflag:s10] =	ssyncset.done $0x0  }
0x34: {  	s0 =	simm.s32 $0x200;
	s13 =	simm.s32 $0x3340;
	[sflag:s10] =	ssyncadd.s32 $0xFFFFF830  }
0x35: {  	[spmem:s2] =	stream.indirect.scatter.add.f32 [tilespmem:s13], [sflag:$0x1], $0x10, s0, s12, $0xb8;
	[tilespmem:$0x19C80] =	vst v63  }
0x36: {  	_ =	swait.ge [sflag:s10], $0x7D0  }
0x37: {  	[sflag:s10] =	ssyncset.done $0x0  }
0x38: {  	s0 =	simm.s32 $0x280;
	s13 =	simm.s32 $0x3B10;
	[sflag:s10] =	ssyncadd.s32 $0xFFFFF830  }
0x39: {  	[spmem:s2] =	stream.indirect.scatter.add.f32 [tilespmem:s13], [sflag:$0x1], $0x10, s0, s12, $0xb8;
	[tilespmem:$0x19C80] =	vst v63  }
0x3a: {  	_ =	swait.ge [sflag:s10], $0x7D0  }
0x3b: {  	[sflag:s10] =	ssyncset.done $0x0  }
0x3c: {  	s0 =	simm.s32 $0x300;
	s13 =	simm.s32 $0x42E0;
	[sflag:s10] =	ssyncadd.s32 $0xFFFFF830  }
0x3d: {  	[spmem:s2] =	stream.indirect.scatter.add.f32 [tilespmem:s13], [sflag:$0x1], $0x10, s0, s12, $0xb8;
	[tilespmem:$0x19C80] =	vst v63  }
0x3e: {  	_ =	swait.ge [sflag:s10], $0x7D0  }
0x3f: {  	[sflag:s10] =	ssyncset.done $0x0  }
0x40: {  	s0 =	simm.s32 $0x380;
	s13 =	simm.s32 $0x4AB0;
	[sflag:s10] =	ssyncadd.s32 $0xFFFFF830  }
0x41: {  	[spmem:s2] =	stream.indirect.scatter.add.f32 [tilespmem:s13], [sflag:$0x1], $0x10, s0, s12, $0xb8;
	[tilespmem:$0x19C80] =	vst v63  }
0x42: {  	_ =	swait.ge [sflag:s10], $0x7D0  }
0x43: {  	[sflag:s10] =	ssyncset.done $0x0  }
0x44: {  	s0 =	simm.s32 $0x400;
	s13 =	simm.s32 $0x5280;
	[sflag:s10] =	ssyncadd.s32 $0xFFFFF830  }
0x45: {  	[spmem:s2] =	stream.indirect.scatter.add.f32 [tilespmem:s13], [sflag:$0x1], $0x10, s0, s12, $0xb8;
	[tilespmem:$0x19C80] =	vst v63  }
0x46: {  	_ =	swait.ge [sflag:s10], $0x7D0  }
0x47: {  	[sflag:s10] =	ssyncset.done $0x0  }
0x48: {  	s0 =	simm.s32 $0x480;
	s13 =	simm.s32 $0x5A50;
	[sflag:s10] =	ssyncadd.s32 $0xFFFFF830  }
0x49: {  	[spmem:s2] =	stream.indirect.scatter.add.f32 [tilespmem:s13], [sflag:$0x1], $0x10, s0, s12, $0xb8;
	[tilespmem:$0x19C80] =	vst v63  }
0x4a: {  	_ =	swait.ge [sflag:s10], $0x7D0  }
0x4b: {  	[sflag:s10] =	ssyncset.done $0x0  }
0x4c: {  	s0 =	simm.s32 $0x500;
	s13 =	simm.s32 $0x6220;
	[sflag:s10] =	ssyncadd.s32 $0xFFFFF830  }
0x4d: {  	[spmem:s2] =	stream.indirect.scatter.add.f32 [tilespmem:s13], [sflag:$0x1], $0x10, s0, s12, $0xb8;
	[tilespmem:$0x19C80] =	vst v63  }
0x4e: {  	_ =	swait.ge [sflag:s10], $0x7D0  }
0x4f: {  	[sflag:s10] =	ssyncset.done $0x0  }
0x50: {  	s0 =	simm.s32 $0x580;
	s13 =	simm.s32 $0x69F0;
	[sflag:s10] =	ssyncadd.s32 $0xFFFFF830  }
0x51: {  	[spmem:s2] =	stream.indirect.scatter.add.f32 [tilespmem:s13], [sflag:$0x1], $0x10, s0, s12, $0xb8;
	[tilespmem:$0x19C80] =	vst v63  }
0x52: {  	_ =	swait.ge [sflag:s10], $0x7D0  }
0x53: {  	[sflag:s10] =	ssyncset.done $0x0  }
0x54: {  	s0 =	simm.s32 $0x600;
	s13 =	simm.s32 $0x71C0;
	[sflag:s10] =	ssyncadd.s32 $0xFFFFF830  }
0x55: {  	[spmem:s2] =	stream.indirect.scatter.add.f32 [tilespmem:s13], [sflag:$0x1], $0x10, s0, s12, $0xb8;
	[tilespmem:$0x19C80] =	vst v63  }
0x56: {  	_ =	swait.ge [sflag:s10], $0x7D0  }
0x57: {  	[sflag:s10] =	ssyncset.done $0x0  }
0x58: {  	s0 =	simm.s32 $0x680;
	s13 =	simm.s32 $0x7990;
	[sflag:s10] =	ssyncadd.s32 $0xFFFFF830  }
0x59: {  	[spmem:s2] =	stream.indirect.scatter.add.f32 [tilespmem:s13], [sflag:$0x1], $0x10, s0, s12, $0xb8;
	[tilespmem:$0x19C80] =	vst v63  }
0x5a: {  	_ =	swait.ge [sflag:s10], $0x7D0  }
0x5b: {  	[sflag:s10] =	ssyncset.done $0x0  }
0x5c: {  	s0 =	simm.s32 $0x700;
	s13 =	simm.s32 $0x8160;
	[sflag:s10] =	ssyncadd.s32 $0xFFFFF830  }
0x5d: {  	[spmem:s2] =	stream.indirect.scatter.add.f32 [tilespmem:s13], [sflag:$0x1], $0x10, s0, s12, $0xb8;
	[tilespmem:$0x19C80] =	vst v63  }
0x5e: {  	_ =	swait.ge [sflag:s10], $0x7D0  }
0x5f: {  	[sflag:s10] =	ssyncset.done $0x0  }
0x60: {  	s0 =	simm.s32 $0x780;
	s13 =	simm.s32 $0x8930;
	[sflag:s10] =	ssyncadd.s32 $0xFFFFF830  }
0x61: {  	[spmem:s2] =	stream.indirect.scatter.add.f32 [tilespmem:s13], [sflag:$0x1], $0x10, s0, s12, $0xb8;
	[tilespmem:$0x19C80] =	vst v63  }
0x62: {  	_ =	swait.ge [sflag:s10], $0x7D0  }
0x63: {  	[sflag:s10] =	ssyncset.done $0x0  }
0x64: {  	s0 =	simm.s32 $0x800;
	s13 =	simm.s32 $0x9100;
	[sflag:s10] =	ssyncadd.s32 $0xFFFFF830  }
0x65: {  	[spmem:s2] =	stream.indirect.scatter.add.f32 [tilespmem:s13], [sflag:$0x1], $0x10, s0, s12, $0xb8;
	[tilespmem:$0x19C80] =	vst v63  }
0x66: {  	_ =	swait.ge [sflag:s10], $0x7D0  }
0x67: {  	[sflag:s10] =	ssyncset.done $0x0  }
0x68: {  	s0 =	simm.s32 $0x880;
	s13 =	simm.s32 $0x98D0;
	[sflag:s10] =	ssyncadd.s32 $0xFFFFF830  }
0x69: {  	[spmem:s2] =	stream.indirect.scatter.add.f32 [tilespmem:s13], [sflag:$0x1], $0x10, s0, s12, $0xb8;
	[tilespmem:$0x19C80] =	vst v63  }
0x6a: {  	_ =	swait.ge [sflag:s10], $0x7D0  }
0x6b: {  	[sflag:s10] =	ssyncset.done $0x0  }
0x6c: {  	s0 =	simm.s32 $0x900;
	s13 =	simm.s32 $0xA0A0;
	[sflag:s10] =	ssyncadd.s32 $0xFFFFF830  }
0x6d: {  	[spmem:s2] =	stream.indirect.scatter.add.f32 [tilespmem:s13], [sflag:$0x1], $0x10, s0, s12, $0xb8;
	[tilespmem:$0x19C80] =	vst v63  }
0x6e: {  	_ =	swait.ge [sflag:s10], $0x7D0  }
0x6f: {  	[sflag:s10] =	ssyncset.done $0x0  }
0x70: {  	s0 =	simm.s32 $0x980;
	s13 =	simm.s32 $0xA870;
	[sflag:s10] =	ssyncadd.s32 $0xFFFFF830  }
0x71: {  	[spmem:s2] =	stream.indirect.scatter.add.f32 [tilespmem:s13], [sflag:$0x1], $0x10, s0, s12, $0xb8;
	[tilespmem:$0x19C80] =	vst v63  }
0x72: {  	_ =	swait.ge [sflag:s10], $0x7D0  }
0x73: {  	[sflag:s10] =	ssyncset.done $0x0  }
0x74: {  	s0 =	simm.s32 $0xA00;
	s13 =	simm.s32 $0xB040;
	[sflag:s10] =	ssyncadd.s32 $0xFFFFF830  }
0x75: {  	[spmem:s2] =	stream.indirect.scatter.add.f32 [tilespmem:s13], [sflag:$0x1], $0x10, s0, s12, $0xb8;
	[tilespmem:$0x19C80] =	vst v63  }
0x76: {  	_ =	swait.ge [sflag:s10], $0x7D0  }
0x77: {  	[sflag:s10] =	ssyncset.done $0x0  }
0x78: {  	s0 =	simm.s32 $0xA80;
	s13 =	simm.s32 $0xB810;
	[sflag:s10] =	ssyncadd.s32 $0xFFFFF830  }
0x79: {  	[spmem:s2] =	stream.indirect.scatter.add.f32 [tilespmem:s13], [sflag:$0x1], $0x10, s0, s12, $0xb8;
	[tilespmem:$0x19C80] =	vst v63  }
0x7a: {  	_ =	swait.ge [sflag:s10], $0x7D0  }
0x7b: {  	[sflag:s10] =	ssyncset.done $0x0  }
0x7c: {  	s0 =	simm.s32 $0xB00;
	s13 =	simm.s32 $0xBFE0;
	[sflag:s10] =	ssyncadd.s32 $0xFFFFF830  }
0x7d: {  	[spmem:s2] =	stream.indirect.scatter.add.f32 [tilespmem:s13], [sflag:$0x1], $0x10, s0, s12, $0xb8;
	[tilespmem:$0x19C80] =	vst v63  }
0x7e: {  	_ =	swait.ge [sflag:s10], $0x7D0  }
0x7f: {  	[sflag:s10] =	ssyncset.done $0x0  }
0x80: {  	s0 =	simm.s32 $0xB80;
	s13 =	simm.s32 $0xC7B0;
	[sflag:s10] =	ssyncadd.s32 $0xFFFFF830  }
0x81: {  	[spmem:s2] =	stream.indirect.scatter.add.f32 [tilespmem:s13], [sflag:$0x1], $0x10, s0, s12, $0xb8;
	[tilespmem:$0x19C80] =	vst v63  }
0x82: {  	_ =	swait.ge [sflag:s10], $0x7D0  }
0x83: {  	[sflag:s10] =	ssyncset.done $0x0  }
0x84: {  	s0 =	simm.s32 $0xC00;
	s13 =	simm.s32 $0xCF80;
	[sflag:s10] =	ssyncadd.s32 $0xFFFFF830  }
0x85: {  	[spmem:s2] =	stream.indirect.scatter.add.f32 [tilespmem:s13], [sflag:$0x1], $0x10, s0, s12, $0xb8;
	[tilespmem:$0x19C80] =	vst v63  }
0x86: {  	_ =	swait.ge [sflag:s10], $0x7D0  }
0x87: {  	[sflag:s10] =	ssyncset.done $0x0  }
0x88: {  	s0 =	simm.s32 $0xC80;
	s13 =	simm.s32 $0xD750;
	[sflag:s10] =	ssyncadd.s32 $0xFFFFF830  }
0x89: {  	[spmem:s2] =	stream.indirect.scatter.add.f32 [tilespmem:s13], [sflag:$0x1], $0x10, s0, s12, $0xb8;
	[tilespmem:$0x19C80] =	vst v63  }
0x8a: {  	_ =	swait.ge [sflag:s10], $0x7D0  }
0x8b: {  	[sflag:s10] =	ssyncset.done $0x0  }
0x8c: {  	s0 =	simm.s32 $0xD00;
	s13 =	simm.s32 $0xDF20;
	[sflag:s10] =	ssyncadd.s32 $0xFFFFF830  }
0x8d: {  	[spmem:s2] =	stream.indirect.scatter.add.f32 [tilespmem:s13], [sflag:$0x1], $0x10, s0, s12, $0xb8;
	[tilespmem:$0x19C80] =	vst v63  }
0x8e: {  	_ =	swait.ge [sflag:s10], $0x7D0  }
0x8f: {  	[sflag:s10] =	ssyncset.done $0x0  }
0x90: {  	s0 =	simm.s32 $0xD80;
	s13 =	simm.s32 $0xE6F0;
	[sflag:s10] =	ssyncadd.s32 $0xFFFFF830  }
0x91: {  	[spmem:s2] =	stream.indirect.scatter.add.f32 [tilespmem:s13], [sflag:$0x1], $0x10, s0, s12, $0xb8;
	[tilespmem:$0x19C80] =	vst v63  }
0x92: {  	_ =	swait.ge [sflag:s10], $0x7D0  }
0x93: {  	[sflag:s10] =	ssyncset.done $0x0  }
0x94: {  	s0 =	simm.s32 $0xE00;
	s13 =	simm.s32 $0xEEC0;
	[sflag:s10] =	ssyncadd.s32 $0xFFFFF830  }
0x95: {  	[spmem:s2] =	stream.indirect.scatter.add.f32 [tilespmem:s13], [sflag:$0x1], $0x10, s0, s12, $0xb8;
	[tilespmem:$0x19C80] =	vst v63  }
0x96: {  	_ =	swait.ge [sflag:s10], $0x7D0  }
0x97: {  	[sflag:s10] =	ssyncset.done $0x0  }
0x98: {  	s0 =	simm.s32 $0xE80;
	s13 =	simm.s32 $0xF690;
	[sflag:s10] =	ssyncadd.s32 $0xFFFFF830  }
0x99: {  	[spmem:s2] =	stream.indirect.scatter.add.f32 [tilespmem:s13], [sflag:$0x1], $0x10, s0, s12, $0xb8;
	[tilespmem:$0x19C80] =	vst v63  }
0x9a: {  	_ =	swait.ge [sflag:s10], $0x7D0  }
0x9b: {  	[sflag:s10] =	ssyncset.done $0x0  }
0x9c: {  	s0 =	simm.s32 $0xF00;
	s13 =	simm.s32 $0xFE60;
	[sflag:s10] =	ssyncadd.s32 $0xFFFFF830  }
0x9d: {  	[spmem:s2] =	stream.indirect.scatter.add.f32 [tilespmem:s13], [sflag:$0x1], $0x10, s0, s12, $0xb8;
	[tilespmem:$0x19C80] =	vst v63  }
0x9e: {  	_ =	swait.ge [sflag:s10], $0x7D0  }
0x9f: {  	[sflag:s10] =	ssyncset.done $0x0  }
0xa0: {  	s13 =	simm.s32 $0xF80;
	[sflag:s10] =	ssyncadd.s32 $0xFFFFF830  }
0xa1: {  	[spmem:s2] =	stream.indirect.scatter.add.f32 [tilespmem:s14], [sflag:$0x1], $0x10, s13, s12, $0xb8;
	[tilespmem:$0x19C80] =	vst v63  }
0xa2: {  	_ =	swait.ge [sflag:s10], $0x7D0  }
0xa3: {  	[sflag:s10] =	ssyncset.done $0x0  }
0xa4: {  	[sflag:s10] =	ssyncadd.s32 $0xFFFFF830  }
0xa5: {  	[spmem:s2] =	stream.indirect.scatter.add.f32 [tilespmem:s16], [sflag:$0x1], $0x10, s15, s12, $0xb8;
	[tilespmem:$0x19C80] =	vst v63  }
0xa6: {  	_ =	swait.ge [sflag:s10], $0x7D0  }
0xa7: {  	[sflag:s10] =	ssyncset.done $0x0  }
0xa8: {  	[sflag:s10] =	ssyncadd.s32 $0xFFFFF830  }
0xa9: {  	[spmem:s2] =	stream.indirect.scatter.add.f32 [tilespmem:s18], [sflag:$0x1], $0x10, s17, s12, $0xb8;
	[tilespmem:$0x19C80] =	vst v63  }
0xaa: {  	_ =	swait.ge [sflag:s10], $0x7D0  }
0xab: {  	[sflag:s10] =	ssyncset.done $0x0  }
0xac: {  	[sflag:s10] =	ssyncadd.s32 $0xFFFFF830  }
0xad: {  	[spmem:s2] =	stream.indirect.scatter.add.f32 [tilespmem:s20], [sflag:$0x1], $0x10, s19, s12, $0xb8;
	[tilespmem:$0x19C80] =	vst v63  }
0xae: {  	_ =	swait.ge [sflag:s10], $0x7D0  }
0xaf: {  	[sflag:s10] =	ssyncset.done $0x0  }
0xb0: {  	[sflag:s10] =	ssyncadd.s32 $0xFFFFF830  }
0xb1: {  	[spmem:s2] =	stream.indirect.scatter.add.f32 [tilespmem:s22], [sflag:$0x1], $0x10, s21, s12, $0xb8;
	[tilespmem:$0x19C80] =	vst v63  }
0xb2: {  	_ =	swait.ge [sflag:s10], $0x7D0  }
0xb3: {  	[sflag:s10] =	ssyncset.done $0x0  }
0xb4: {  	[sflag:s10] =	ssyncadd.s32 $0xFFFFF830  }
0xb5: {  	[spmem:s2] =	stream.indirect.scatter.add.f32 [tilespmem:s24], [sflag:$0x1], $0x10, s23, s12, $0xb8;
	[tilespmem:$0x19C80] =	vst v63  }
0xb6: {  	_ =	swait.ge [sflag:s10], $0x7D0  }
0xb7: {  	[sflag:s10] =	ssyncset.done $0x0  }
0xb8: {  	[sflag:s10] =	ssyncadd.s32 $0xFFFFF830  }
0xb9: {  	[spmem:s2] =	stream.indirect.scatter.add.f32 [tilespmem:s26], [sflag:$0x1], $0x10, s25, s12, $0xb8;
	[tilespmem:$0x19C80] =	vst v63  }
0xba: {  	_ =	swait.ge [sflag:s10], $0x7D0  }
0xbb: {  	[sflag:s10] =	ssyncset.done $0x0  }
0xbc: {  	[sflag:s10] =	ssyncadd.s32 $0xFFFFF830  }
0xbd: {  	[spmem:s2] =	stream.indirect.scatter.add.f32 [tilespmem:s29], [sflag:$0x1], $0x10, s28, s12, $0xb8;
	[tilespmem:$0x19C80] =	vst v63  }
0xbe: {  	_ =	swait.ge [sflag:s10], $0x7D0  }
0xbf: {  	[sflag:s10] =	ssyncset.done $0x0  }
0xc0: {  	[sflag:s10] =	ssyncadd.s32 $0xFFFFF830  }
0xc1: {  	[spmem:s2] =	stream.indirect.scatter.add.f32 [tilespmem:s31], [sflag:$0x1], $0x10, s30, s12, $0xb8;
	[tilespmem:$0x19C80] =	vst v63  }
0xc2: {  	_ =	swait.ge [sflag:s10], $0x7D0  }
0xc3: {  	[sflag:s10] =	ssyncset.done $0x0  }
0xc4: {  	[sflag:s10] =	ssyncadd.s32 $0xFFFFF830  }
0xc5: {  	[bflag:$0x0] =	sbarrier.arrive $0xFFFF  }
0xc6: {  	[tilespmem:s9], [sflag:$0x1] =	stream.linear.gather [spmem:s4], $0x2800, $0x38;
	[tilespmem:$0x19C80] =	vst v63  }
0xc7: {  	s1 =	sadd.s32 $0x1, s1;
	_ =	swait.ge [sflag:s10], $0x2800  }
0xc8: {  	p0 =	sne.s32 s1, s7;
	[sflag:s10] =	ssyncset.done $0x0  }
.Ltmp1:
0xc9: {  	[sflag:s10] =	ssyncadd.s32 $0xFFFFD800;
	(pc) =	sbr.rel @p0 .LBB2_1-.Ltmp1, $4  }
0xca: {  	[hbm4b:s8+s3] =	stream.linear.scatter [tilespmem:s9], [sflag:$0x1], $0x2800, $0x38;
	[tilespmem:$0x19C80] =	vst v63  }
0xcb: {  	_ =	swait.ge [sflag:s10], $0x2800  }
0xcc: {  	[sflag:s10] =	ssyncset.done $0x0  }
0xcd: {  	[sflag:s10] =	ssyncadd.s32 $0xFFFFD800  }
0xce: {  	_ =	sfence.sel $0x180000  }
0xcf: {  	[bflag:$0x0] =	sbarrier.arrive $0xFFFF  }
0xd0: {  	_ =	strace $0x90000056  }
0xd1: {  	s0 =	stileid.u32;
	[bflag:$0x2] =	sbarrier.arrive $0xFFFF  }
0xd2: {  	p0 =	sne.s32 s0, $0x0;
	s0 =	rddreg [dreg:$0x2]  }
0xd3: {  	s0 =	sadd.s32 @!p0 $0x100000, s0  }
0xd4: {  	[sflag:s0] =	ssyncadd.tile.s32 @!p0 $0x1;
	_ =	shalt  }
.Lfunc_end2:
_tile_overlayer_lowered:
.L_overlay_start_2:
0xd5: {  	(tag) =	ssettag $0x2  }
0xd6: {  	s0 =	rddreg [dreg:$0x0];
	s2 =	stileid.u32  }
0xd7: {  	s1 =	rddreg [dreg:$0x1];
	p0 =	sne.s32 s2, $0x0  }
0xd8: {  	s3 =	rddreg [dreg:$0x2];
	[bflag:$0x3] =	sbarrier.arrive $0xFFFF;
	s2 =	simm.s32 @!p0 $0x1C01  }
0xd9: {  	[timem:s3], [sflag:s2] =	dma.local @!p0 [hbm:s0], s1  }
0xda: {  	s0 =	simm.s32 @!p0 $0x1  }
0xdb: {  	_ =	swait.ge @!p0 [sflag:s0], s1  }
0xdc: {  	s1 =	ssub.s32 @!p0 $0x0, s1;
	[sflag:s0] =	ssyncset.done @!p0 $0x0  }
0xdd: {  	[sflag:s0] =	ssyncadd.s32 @!p0 s1  }
0xde: {  	[bflag:$0x3] =	sbarrier.arrive $0xFFFF  }
0xdf: {  	_ =	shalt  }

</sc_bundles>
